<compile_context>
chip_gen: v7x
topology: tpu7x:2x2x1
jax: 0.10.2.dev20260603
libtpu: 0.0.44.dev20260713+nightly
codegen_flags: <defaults>
</compile_context>

<pallas_src>
import jax
import jax.numpy as jnp
from jax import lax
from jax.experimental import pallas as pl
from jax.experimental.pallas import tpu as pltpu
from jax.experimental.pallas import tpu_sc as plsc

NC, NS = 2, 16
NW = NC * NS
CH = 128
NB = 2
NB_S = 8


def _sc_mesh():
    return plsc.VectorSubcoreMesh(core_axis_name="c", subcore_axis_name="s")


def _rpt(n_nodes):
    return ((n_nodes + NS - 1) // NS + 127) // 128 * 128


def _deg_call(idxb, n_nodes):
    nblk = idxb.shape[0]
    ch_w = nblk // NW
    rpt = _rpt(n_nodes)
    n_pad = NS * rpt
    zeros = jnp.zeros((rpt,), jnp.float32)
    ones = jnp.ones((CH,), jnp.float32)

    def body(dst_hbm, zeros_hbm, ones_hbm, out_hbm, acc, stage, ones_v, *sl):
        idxs, sis, sss = sl[0:NB_S], sl[NB_S:2 * NB_S], sl[2 * NB_S:3 * NB_S]
        cid = lax.axis_index("c")
        sid = lax.axis_index("s")
        my = pl.ds(sid * rpt, rpt)
        pltpu.sync_copy(zeros_hbm, stage)
        pltpu.sync_copy(stage, acc.at[my])
        pltpu.sync_copy(ones_hbm, ones_v)
        plsc.subcore_barrier()
        base = (cid * NS + sid) * ch_w

        def quad(i, c):
            c0 = base + i * NB_S
            h_i = [pltpu.async_copy(dst_hbm.at[c0 + b], idxs[b], sis[b])
                   for b in range(NB_S)]
            h_s = []
            for b in range(NB_S):
                h_i[b].wait()
                h_s.append(pltpu.async_copy(
                    ones_v, acc.at[idxs[b].at[1]], sss[b], add=True))
            for h in h_s:
                h.wait()
            return c

        lax.fori_loop(0, ch_w // NB_S, quad, 0)
        plsc.subcore_barrier()
        pltpu.sync_copy(acc.at[my], stage)
        pltpu.sync_copy(stage, out_hbm.at[pl.ds((cid * NS + sid) * rpt, rpt)])

    f = pl.kernel(
        body,
        out_type=jax.ShapeDtypeStruct((NC * n_pad,), jnp.float32),
        mesh=_sc_mesh(),
        scratch_types=[
            pltpu.VMEM_SHARED((n_pad,), jnp.float32),
            pltpu.VMEM((rpt,), jnp.float32),
            pltpu.VMEM((CH,), jnp.float32),
        ] + [pltpu.VMEM((2, CH), jnp.int32) for _ in range(NB_S)]
          + [pltpu.SemaphoreType.DMA for _ in range(2 * NB_S)],
        compiler_params=pltpu.CompilerParams(use_tc_tiling_on_sc=False),
    )
    return f(idxb, zeros, ones), n_pad


def _scatter_add_call(g, idxb, n_nodes, nb):
    d = g.shape[1]
    nblk = idxb.shape[0]
    ch_w = nblk // NW
    nstage = 8
    rpt = _rpt(n_nodes)
    spt = rpt // nstage
    n_pad = NS * rpt
    zeros = jnp.zeros((spt, d), jnp.float32)

    def body(g_hbm, idx_hbm, zeros_hbm, out_hbm, acc, stage, *sl):
        idxs, bufs = sl[0:nb], sl[nb:2 * nb]
        sis = sl[2 * nb:3 * nb]
        sgs = sl[3 * nb:4 * nb]
        sss = sl[4 * nb:5 * nb]
        cid = lax.axis_index("c")
        sid = lax.axis_index("s")
        pltpu.sync_copy(zeros_hbm, stage)
        for k in range(nstage):
            pltpu.sync_copy(stage, acc.at[pl.ds(sid * rpt + k * spt, spt)])
        plsc.subcore_barrier()
        base = (cid * NS + sid) * ch_w

        def quad(i, c):
            c0 = base + i * nb
            h_i = [pltpu.async_copy(idx_hbm.at[c0 + b], idxs[b], sis[b])
                   for b in range(nb)]
            h_g = []
            for b in range(nb):
                h_i[b].wait()
                h_g.append(pltpu.async_copy(
                    g_hbm.at[idxs[b].at[0]], bufs[b], sgs[b]))
            h_s = []
            for b in range(nb):
                h_g[b].wait()
                h_s.append(pltpu.async_copy(
                    bufs[b], acc.at[idxs[b].at[1]], sss[b], add=True))
            for h in h_s:
                h.wait()
            return c

        lax.fori_loop(0, ch_w // nb, quad, 0)
        plsc.subcore_barrier()
        for k in range(nstage):
            pltpu.sync_copy(acc.at[pl.ds(sid * rpt + k * spt, spt)], stage)
            pltpu.sync_copy(
                stage,
                out_hbm.at[pl.ds((cid * NS + sid) * rpt + k * spt, spt)])

    f = pl.kernel(
        body,
        out_type=jax.ShapeDtypeStruct((NC * n_pad, d), jnp.float32),
        mesh=_sc_mesh(),
        scratch_types=[
            pltpu.VMEM_SHARED((n_pad, d), jnp.float32),
            pltpu.VMEM((spt, d), jnp.float32),
        ] + [pltpu.VMEM((2, CH), jnp.int32) for _ in range(nb)]
          + [pltpu.VMEM((CH, d), jnp.float32) for _ in range(nb)]
          + [pltpu.SemaphoreType.DMA for _ in range(3 * nb)],
        compiler_params=pltpu.CompilerParams(use_tc_tiling_on_sc=False),
    )
    return f(g, idxb, zeros), n_pad


def _mm(x_ref, w1_ref, h_ref):
    h_ref[...] = jnp.dot(x_ref[...], w1_ref[...],
                         preferred_element_type=jnp.float32)


def _scale(d2_ref, h_ref, g_ref, dis_ref):
    dsum = d2_ref[:, 0:1] + d2_ref[:, 1:2]
    pos = dsum > 0
    dis = jnp.where(pos, lax.rsqrt(jnp.where(pos, dsum, 1.0)), 0.0)
    g_ref[...] = h_ref[...] * dis
    dis_ref[...] = dis


def _mid(n, n_pad):
    def f(acc_ref, dis_ref, b1_ref, w2_ref, g2_ref):
        dis = dis_ref[...]
        s = acc_ref[pl.ds(0, n), :] + acc_ref[pl.ds(n_pad, n), :]
        z = jnp.maximum(s * dis + b1_ref[...], 0.0)
        h2 = jnp.dot(z, w2_ref[...], preferred_element_type=jnp.float32)
        g2_ref[...] = h2 * dis
    return f


def _fin(n, n_pad, out_dim):
    def f(acc_ref, dis_ref, b2_ref, out_ref):
        s = acc_ref[pl.ds(0, n), :] + acc_ref[pl.ds(n_pad, n), :]
        y = s * dis_ref[...] + b2_ref[...]
        m = jnp.max(y, axis=1, keepdims=True)
        e = jnp.exp(y - m)
        t = jnp.sum(e, axis=1, keepdims=True)
        out_ref[...] = (y - m - jnp.log(t))[:, :out_dim]
    return f


def kernel(x, edge_index, W1, b1, W2, b2):
    n, f_in = x.shape
    hid = W1.shape[1]
    out_dim = W2.shape[1]
    dpad = 8
    E = edge_index.shape[1]

    blk = NW * CH * NB_S
    e_pad = (E + blk - 1) // blk * blk
    pad_rows = NS * _rpt(n) - n
    pad_iota = jnp.arange(e_pad - E, dtype=jnp.int32)
    srcp = jnp.concatenate([edge_index[0], pad_iota % n])
    dstp = jnp.concatenate([edge_index[1], n + pad_iota % pad_rows])
    idxb = jnp.stack(
        [srcp.reshape(-1, CH), dstp.reshape(-1, CH)], axis=1)

    degs, n_pad1 = _deg_call(idxb, n)
    h = pl.pallas_call(
        _mm, out_shape=jax.ShapeDtypeStruct((n, hid), jnp.float32))(x, W1)

    d2 = degs.reshape(NC, n_pad1)[:, :n].T
    g1, dis = pl.pallas_call(
        _scale,
        out_shape=(jax.ShapeDtypeStruct((n, hid), jnp.float32),
                   jax.ShapeDtypeStruct((n, 1), jnp.float32)),
    )(d2, h)

    acc1, n_pad = _scatter_add_call(g1, idxb, n, NB)

    w2p = jnp.concatenate(
        [W2, jnp.zeros((hid, dpad - out_dim), jnp.float32)], axis=1)
    g2 = pl.pallas_call(
        _mid(n, n_pad),
        out_shape=jax.ShapeDtypeStruct((n, dpad), jnp.float32),
    )(acc1, dis, b1.reshape(1, hid), w2p)

    acc2, n_pad2 = _scatter_add_call(g2, idxb, n, NB_S)

    b2p = jnp.concatenate(
        [b2, jnp.full((dpad - out_dim,), -1e30, jnp.float32)]).reshape(1, dpad)
    out = pl.pallas_call(
        _fin(n, n_pad2, out_dim),
        out_shape=jax.ShapeDtypeStruct((n, out_dim), jnp.float32),
    )(acc2, dis, b2p)

    return (out, out, out, out)

# --- scband reference (transcript-rebuilt; emitter-appended) ---
"""Pipeline reference for scband-gcn-simple-multiple-output-39702677684848 (READ-ONLY COPY).

The authoritative reference and input builder live on the scoring server;
editing this copy changes nothing except your own understanding.
"""

import jax, jax.numpy as jnp
import numpy as np

N = 10000
E = 320000
F_IN = 128
HID = 128
OUT = 4


def setup_inputs(seed: int = 0) -> dict:
    key = jax.random.key(seed)
    k1, k2, k3, k4, k5, k6 = jax.random.split(key, 6)
    x = jax.random.normal(k1, (N, F_IN), dtype=jnp.float32)
    edge_index = jax.random.randint(k2, (2, E), 0, N, dtype=jnp.int32)
    W1 = jax.random.normal(k3, (F_IN, HID), dtype=jnp.float32) * (1.0 / np.sqrt(F_IN))
    b1 = jnp.zeros((HID,), dtype=jnp.float32)
    W2 = jax.random.normal(k4, (HID, OUT), dtype=jnp.float32) * (1.0 / np.sqrt(HID))
    b2 = jnp.zeros((OUT,), dtype=jnp.float32)
    return {"x": x, "edge_index": edge_index, "W1": W1, "b1": b1, "W2": W2, "b2": b2}


def gcn_conv(x, edge_index, W, b):
    # PyG GCNConv with add_self_loops=False, normalize=True (eval mode)
    src = edge_index[0]
    dst = edge_index[1]
    h = x @ W
    n = x.shape[0]
    ones = jnp.ones((src.shape[0],), dtype=x.dtype)
    deg = jax.ops.segment_sum(ones, dst, num_segments=n)
    deg_inv_sqrt = jnp.where(deg > 0, jax.lax.rsqrt(jnp.where(deg > 0, deg, 1.0)), 0.0)
    norm = deg_inv_sqrt[src] * deg_inv_sqrt[dst]
    msg = h[src] * norm[:, None]
    out = jax.ops.segment_sum(msg, dst, num_segments=n)
    return out + b


def reference(x, edge_index, W1, b1, W2, b2):
    # eval mode: dropout is identity; four identical branches kept for faithfulness
    outs = []
    for _ in range(4):
        h = jax.nn.relu(gcn_conv(x, edge_index, W1, b1))
        y = gcn_conv(h, edge_index, W2, b2)
        outs.append(jax.nn.log_softmax(y, axis=1))
    return tuple(outs)

if __name__ == "__main__":
    import jax
    _d = setup_inputs()
    print(jax.jit(kernel)(*tuple(_d.values())))

</pallas_src>

<mosaic_0001>
#map = affine_map<(d0, d1) -> (0, 0)>
#map1 = affine_map<(d0, d1) -> (0, 0, 0)>
module attributes {stable_mosaic.version = 14 : i64} {
  func.func @body(%arg0: i32, %arg1: i32, %arg2: memref<10000x128xf32, #tpu.memory_space<hbm>>, %arg3: memref<2560x2x128xi32, #tpu.memory_space<hbm>>, %arg4: memref<80x128xf32, #tpu.memory_space<hbm>>, %arg5: memref<20480x128xf32, #tpu.memory_space<hbm>>, %arg6: memref<10240x128xf32, #tpu.memory_space<vmem_shared>>, %arg7: memref<80x128xf32, #tpu.memory_space<vmem>>, %arg8: memref<2x128xi32, #tpu.memory_space<vmem>>, %arg9: memref<2x128xi32, #tpu.memory_space<vmem>>, %arg10: memref<128x128xf32, #tpu.memory_space<vmem>>, %arg11: memref<128x128xf32, #tpu.memory_space<vmem>>, %arg12: memref<!tpu.dma_semaphore, #tpu.memory_space<semaphore_mem>>, %arg13: memref<!tpu.dma_semaphore, #tpu.memory_space<semaphore_mem>>, %arg14: memref<!tpu.dma_semaphore, #tpu.memory_space<semaphore_mem>>, %arg15: memref<!tpu.dma_semaphore, #tpu.memory_space<semaphore_mem>>, %arg16: memref<!tpu.dma_semaphore, #tpu.memory_space<semaphore_mem>>, %arg17: memref<!tpu.dma_semaphore, #tpu.memory_space<semaphore_mem>>) attributes {dimension_semantics = [#tpu.dimension_semantics<core_parallel>, #tpu.dimension_semantics<subcore_parallel>], iteration_bounds = array<i64: 2, 16>, scalar_prefetch = 0 : i64, scratch_operands = 12 : i64, tpu.core_type = #tpu.core_type<sc_vector_subcore>, window_params = [{transform_indices = #map}, {transform_indices = #map1}, {transform_indices = #map}, {transform_indices = #map}]} {
    "tpu.region"() ({
      %run_scoped3A = tpu.sem_alloc : memref<!tpu.dma_semaphore, #tpu.memory_space<semaphore_mem>>
      tpu.enqueue_dma source(%arg4 : memref<80x128xf32, #tpu.memory_space<hbm>>) target(%arg7 : memref<80x128xf32, #tpu.memory_space<vmem>>) target_semaphore(%run_scoped3A : memref<!tpu.dma_semaphore, #tpu.memory_space<semaphore_mem>>)
      tpu.wait_dma2 semaphore(%run_scoped3A : memref<!tpu.dma_semaphore, #tpu.memory_space<semaphore_mem>>) src(%arg4 : memref<80x128xf32, #tpu.memory_space<hbm>>) dst(%arg7 : memref<80x128xf32, #tpu.memory_space<vmem>>)
      tpu.yield
    }) : () -> ()
    %mul3A = arith.constant 640 : i32
    %mul3A_0 = arith.muli %arg1, %mul3A : i32
    %add3A = arith.constant 0 : i32
    %add3A_1 = arith.addi %mul3A_0, %add3A : i32
    "tpu.region"() ({
      %run_scoped3A = tpu.sem_alloc : memref<!tpu.dma_semaphore, #tpu.memory_space<semaphore_mem>>
      %dma_start3A = arith.constant 0 : i32
      %dma_start3A_129 = tpu.memref_slice %arg6[%add3A_1, %dma_start3A] : memref<10240x128xf32, #tpu.memory_space<vmem_shared>> -> memref<80x128xf32, #tpu.memory_space<vmem_shared>>
      %dma_start3A_130 = arith.constant 0 : i32
      %dma_start3A_131 = tpu.memref_slice %arg6[%add3A_1, %dma_start3A_130] : memref<10240x128xf32, #tpu.memory_space<vmem_shared>> -> memref<80x128xf32, #tpu.memory_space<vmem_shared>>
      tpu.enqueue_dma source(%arg7 : memref<80x128xf32, #tpu.memory_space<vmem>>) target(%dma_start3A_131 : memref<80x128xf32, #tpu.memory_space<vmem_shared>>) target_semaphore(%run_scoped3A : memref<!tpu.dma_semaphore, #tpu.memory_space<semaphore_mem>>)
      %dma_wait3A = arith.constant 0 : i32
      %dma_wait3A_132 = tpu.memref_slice %arg6[%add3A_1, %dma_wait3A] : memref<10240x128xf32, #tpu.memory_space<vmem_shared>> -> memref<80x128xf32, #tpu.memory_space<vmem_shared>>
      %dma_wait3A_133 = arith.constant 0 : i32
      %dma_wait3A_134 = tpu.memref_slice %arg6[%add3A_1, %dma_wait3A_133] : memref<10240x128xf32, #tpu.memory_space<vmem_shared>> -> memref<80x128xf32, #tpu.memory_space<vmem_shared>>
      tpu.wait_dma2 semaphore(%run_scoped3A : memref<!tpu.dma_semaphore, #tpu.memory_space<semaphore_mem>>) src(%arg7 : memref<80x128xf32, #tpu.memory_space<vmem>>) dst(%dma_wait3A_134 : memref<80x128xf32, #tpu.memory_space<vmem_shared>>)
      tpu.yield
    }) : () -> ()
    %mul3A_2 = arith.constant 640 : i32
    %mul3A_3 = arith.muli %arg1, %mul3A_2 : i32
    %add3A_4 = arith.constant 80 : i32
    %add3A_5 = arith.addi %mul3A_3, %add3A_4 : i32
    "tpu.region"() ({
      %run_scoped3A = tpu.sem_alloc : memref<!tpu.dma_semaphore, #tpu.memory_space<semaphore_mem>>
      %dma_start3A = arith.constant 0 : i32
      %dma_start3A_129 = tpu.memref_slice %arg6[%add3A_5, %dma_start3A] : memref<10240x128xf32, #tpu.memory_space<vmem_shared>> -> memref<80x128xf32, #tpu.memory_space<vmem_shared>>
      %dma_start3A_130 = arith.constant 0 : i32
      %dma_start3A_131 = tpu.memref_slice %arg6[%add3A_5, %dma_start3A_130] : memref<10240x128xf32, #tpu.memory_space<vmem_shared>> -> memref<80x128xf32, #tpu.memory_space<vmem_shared>>
      tpu.enqueue_dma source(%arg7 : memref<80x128xf32, #tpu.memory_space<vmem>>) target(%dma_start3A_131 : memref<80x128xf32, #tpu.memory_space<vmem_shared>>) target_semaphore(%run_scoped3A : memref<!tpu.dma_semaphore, #tpu.memory_space<semaphore_mem>>)
      %dma_wait3A = arith.constant 0 : i32
      %dma_wait3A_132 = tpu.memref_slice %arg6[%add3A_5, %dma_wait3A] : memref<10240x128xf32, #tpu.memory_space<vmem_shared>> -> memref<80x128xf32, #tpu.memory_space<vmem_shared>>
      %dma_wait3A_133 = arith.constant 0 : i32
      %dma_wait3A_134 = tpu.memref_slice %arg6[%add3A_5, %dma_wait3A_133] : memref<10240x128xf32, #tpu.memory_space<vmem_shared>> -> memref<80x128xf32, #tpu.memory_space<vmem_shared>>
      tpu.wait_dma2 semaphore(%run_scoped3A : memref<!tpu.dma_semaphore, #tpu.memory_space<semaphore_mem>>) src(%arg7 : memref<80x128xf32, #tpu.memory_space<vmem>>) dst(%dma_wait3A_134 : memref<80x128xf32, #tpu.memory_space<vmem_shared>>)
      tpu.yield
    }) : () -> ()
    %mul3A_6 = arith.constant 640 : i32
    %mul3A_7 = arith.muli %arg1, %mul3A_6 : i32
    %add3A_8 = arith.constant 160 : i32
    %add3A_9 = arith.addi %mul3A_7, %add3A_8 : i32
    "tpu.region"() ({
      %run_scoped3A = tpu.sem_alloc : memref<!tpu.dma_semaphore, #tpu.memory_space<semaphore_mem>>
      %dma_start3A = arith.constant 0 : i32
      %dma_start3A_129 = tpu.memref_slice %arg6[%add3A_9, %dma_start3A] : memref<10240x128xf32, #tpu.memory_space<vmem_shared>> -> memref<80x128xf32, #tpu.memory_space<vmem_shared>>
      %dma_start3A_130 = arith.constant 0 : i32
      %dma_start3A_131 = tpu.memref_slice %arg6[%add3A_9, %dma_start3A_130] : memref<10240x128xf32, #tpu.memory_space<vmem_shared>> -> memref<80x128xf32, #tpu.memory_space<vmem_shared>>
      tpu.enqueue_dma source(%arg7 : memref<80x128xf32, #tpu.memory_space<vmem>>) target(%dma_start3A_131 : memref<80x128xf32, #tpu.memory_space<vmem_shared>>) target_semaphore(%run_scoped3A : memref<!tpu.dma_semaphore, #tpu.memory_space<semaphore_mem>>)
      %dma_wait3A = arith.constant 0 : i32
      %dma_wait3A_132 = tpu.memref_slice %arg6[%add3A_9, %dma_wait3A] : memref<10240x128xf32, #tpu.memory_space<vmem_shared>> -> memref<80x128xf32, #tpu.memory_space<vmem_shared>>
      %dma_wait3A_133 = arith.constant 0 : i32
      %dma_wait3A_134 = tpu.memref_slice %arg6[%add3A_9, %dma_wait3A_133] : memref<10240x128xf32, #tpu.memory_space<vmem_shared>> -> memref<80x128xf32, #tpu.memory_space<vmem_shared>>
      tpu.wait_dma2 semaphore(%run_scoped3A : memref<!tpu.dma_semaphore, #tpu.memory_space<semaphore_mem>>) src(%arg7 : memref<80x128xf32, #tpu.memory_space<vmem>>) dst(%dma_wait3A_134 : memref<80x128xf32, #tpu.memory_space<vmem_shared>>)
      tpu.yield
    }) : () -> ()
    %mul3A_10 = arith.constant 640 : i32
    %mul3A_11 = arith.muli %arg1, %mul3A_10 : i32
    %add3A_12 = arith.constant 240 : i32
    %add3A_13 = arith.addi %mul3A_11, %add3A_12 : i32
    "tpu.region"() ({
      %run_scoped3A = tpu.sem_alloc : memref<!tpu.dma_semaphore, #tpu.memory_space<semaphore_mem>>
      %dma_start3A = arith.constant 0 : i32
      %dma_start3A_129 = tpu.memref_slice %arg6[%add3A_13, %dma_start3A] : memref<10240x128xf32, #tpu.memory_space<vmem_shared>> -> memref<80x128xf32, #tpu.memory_space<vmem_shared>>
      %dma_start3A_130 = arith.constant 0 : i32
      %dma_start3A_131 = tpu.memref_slice %arg6[%add3A_13, %dma_start3A_130] : memref<10240x128xf32, #tpu.memory_space<vmem_shared>> -> memref<80x128xf32, #tpu.memory_space<vmem_shared>>
      tpu.enqueue_dma source(%arg7 : memref<80x128xf32, #tpu.memory_space<vmem>>) target(%dma_start3A_131 : memref<80x128xf32, #tpu.memory_space<vmem_shared>>) target_semaphore(%run_scoped3A : memref<!tpu.dma_semaphore, #tpu.memory_space<semaphore_mem>>)
      %dma_wait3A = arith.constant 0 : i32
      %dma_wait3A_132 = tpu.memref_slice %arg6[%add3A_13, %dma_wait3A] : memref<10240x128xf32, #tpu.memory_space<vmem_shared>> -> memref<80x128xf32, #tpu.memory_space<vmem_shared>>
      %dma_wait3A_133 = arith.constant 0 : i32
      %dma_wait3A_134 = tpu.memref_slice %arg6[%add3A_13, %dma_wait3A_133] : memref<10240x128xf32, #tpu.memory_space<vmem_shared>> -> memref<80x128xf32, #tpu.memory_space<vmem_shared>>
      tpu.wait_dma2 semaphore(%run_scoped3A : memref<!tpu.dma_semaphore, #tpu.memory_space<semaphore_mem>>) src(%arg7 : memref<80x128xf32, #tpu.memory_space<vmem>>) dst(%dma_wait3A_134 : memref<80x128xf32, #tpu.memory_space<vmem_shared>>)
      tpu.yield
    }) : () -> ()
    %mul3A_14 = arith.constant 640 : i32
    %mul3A_15 = arith.muli %arg1, %mul3A_14 : i32
    %add3A_16 = arith.constant 320 : i32
    %add3A_17 = arith.addi %mul3A_15, %add3A_16 : i32
    "tpu.region"() ({
      %run_scoped3A = tpu.sem_alloc : memref<!tpu.dma_semaphore, #tpu.memory_space<semaphore_mem>>
      %dma_start3A = arith.constant 0 : i32
      %dma_start3A_129 = tpu.memref_slice %arg6[%add3A_17, %dma_start3A] : memref<10240x128xf32, #tpu.memory_space<vmem_shared>> -> memref<80x128xf32, #tpu.memory_space<vmem_shared>>
      %dma_start3A_130 = arith.constant 0 : i32
      %dma_start3A_131 = tpu.memref_slice %arg6[%add3A_17, %dma_start3A_130] : memref<10240x128xf32, #tpu.memory_space<vmem_shared>> -> memref<80x128xf32, #tpu.memory_space<vmem_shared>>
      tpu.enqueue_dma source(%arg7 : memref<80x128xf32, #tpu.memory_space<vmem>>) target(%dma_start3A_131 : memref<80x128xf32, #tpu.memory_space<vmem_shared>>) target_semaphore(%run_scoped3A : memref<!tpu.dma_semaphore, #tpu.memory_space<semaphore_mem>>)
      %dma_wait3A = arith.constant 0 : i32
      %dma_wait3A_132 = tpu.memref_slice %arg6[%add3A_17, %dma_wait3A] : memref<10240x128xf32, #tpu.memory_space<vmem_shared>> -> memref<80x128xf32, #tpu.memory_space<vmem_shared>>
      %dma_wait3A_133 = arith.constant 0 : i32
      %dma_wait3A_134 = tpu.memref_slice %arg6[%add3A_17, %dma_wait3A_133] : memref<10240x128xf32, #tpu.memory_space<vmem_shared>> -> memref<80x128xf32, #tpu.memory_space<vmem_shared>>
      tpu.wait_dma2 semaphore(%run_scoped3A : memref<!tpu.dma_semaphore, #tpu.memory_space<semaphore_mem>>) src(%arg7 : memref<80x128xf32, #tpu.memory_space<vmem>>) dst(%dma_wait3A_134 : memref<80x128xf32, #tpu.memory_space<vmem_shared>>)
      tpu.yield
    }) : () -> ()
    %mul3A_18 = arith.constant 640 : i32
    %mul3A_19 = arith.muli %arg1, %mul3A_18 : i32
    %add3A_20 = arith.constant 400 : i32
    %add3A_21 = arith.addi %mul3A_19, %add3A_20 : i32
    "tpu.region"() ({
      %run_scoped3A = tpu.sem_alloc : memref<!tpu.dma_semaphore, #tpu.memory_space<semaphore_mem>>
      %dma_start3A = arith.constant 0 : i32
      %dma_start3A_129 = tpu.memref_slice %arg6[%add3A_21, %dma_start3A] : memref<10240x128xf32, #tpu.memory_space<vmem_shared>> -> memref<80x128xf32, #tpu.memory_space<vmem_shared>>
      %dma_start3A_130 = arith.constant 0 : i32
      %dma_start3A_131 = tpu.memref_slice %arg6[%add3A_21, %dma_start3A_130] : memref<10240x128xf32, #tpu.memory_space<vmem_shared>> -> memref<80x128xf32, #tpu.memory_space<vmem_shared>>
      tpu.enqueue_dma source(%arg7 : memref<80x128xf32, #tpu.memory_space<vmem>>) target(%dma_start3A_131 : memref<80x128xf32, #tpu.memory_space<vmem_shared>>) target_semaphore(%run_scoped3A : memref<!tpu.dma_semaphore, #tpu.memory_space<semaphore_mem>>)
      %dma_wait3A = arith.constant 0 : i32
      %dma_wait3A_132 = tpu.memref_slice %arg6[%add3A_21, %dma_wait3A] : memref<10240x128xf32, #tpu.memory_space<vmem_shared>> -> memref<80x128xf32, #tpu.memory_space<vmem_shared>>
      %dma_wait3A_133 = arith.constant 0 : i32
      %dma_wait3A_134 = tpu.memref_slice %arg6[%add3A_21, %dma_wait3A_133] : memref<10240x128xf32, #tpu.memory_space<vmem_shared>> -> memref<80x128xf32, #tpu.memory_space<vmem_shared>>
      tpu.wait_dma2 semaphore(%run_scoped3A : memref<!tpu.dma_semaphore, #tpu.memory_space<semaphore_mem>>) src(%arg7 : memref<80x128xf32, #tpu.memory_space<vmem>>) dst(%dma_wait3A_134 : memref<80x128xf32, #tpu.memory_space<vmem_shared>>)
      tpu.yield
    }) : () -> ()
    %mul3A_22 = arith.constant 640 : i32
    %mul3A_23 = arith.muli %arg1, %mul3A_22 : i32
    %add3A_24 = arith.constant 480 : i32
    %add3A_25 = arith.addi %mul3A_23, %add3A_24 : i32
    "tpu.region"() ({
      %run_scoped3A = tpu.sem_alloc : memref<!tpu.dma_semaphore, #tpu.memory_space<semaphore_mem>>
      %dma_start3A = arith.constant 0 : i32
      %dma_start3A_129 = tpu.memref_slice %arg6[%add3A_25, %dma_start3A] : memref<10240x128xf32, #tpu.memory_space<vmem_shared>> -> memref<80x128xf32, #tpu.memory_space<vmem_shared>>
      %dma_start3A_130 = arith.constant 0 : i32
      %dma_start3A_131 = tpu.memref_slice %arg6[%add3A_25, %dma_start3A_130] : memref<10240x128xf32, #tpu.memory_space<vmem_shared>> -> memref<80x128xf32, #tpu.memory_space<vmem_shared>>
      tpu.enqueue_dma source(%arg7 : memref<80x128xf32, #tpu.memory_space<vmem>>) target(%dma_start3A_131 : memref<80x128xf32, #tpu.memory_space<vmem_shared>>) target_semaphore(%run_scoped3A : memref<!tpu.dma_semaphore, #tpu.memory_space<semaphore_mem>>)
      %dma_wait3A = arith.constant 0 : i32
      %dma_wait3A_132 = tpu.memref_slice %arg6[%add3A_25, %dma_wait3A] : memref<10240x128xf32, #tpu.memory_space<vmem_shared>> -> memref<80x128xf32, #tpu.memory_space<vmem_shared>>
      %dma_wait3A_133 = arith.constant 0 : i32
      %dma_wait3A_134 = tpu.memref_slice %arg6[%add3A_25, %dma_wait3A_133] : memref<10240x128xf32, #tpu.memory_space<vmem_shared>> -> memref<80x128xf32, #tpu.memory_space<vmem_shared>>
      tpu.wait_dma2 semaphore(%run_scoped3A : memref<!tpu.dma_semaphore, #tpu.memory_space<semaphore_mem>>) src(%arg7 : memref<80x128xf32, #tpu.memory_space<vmem>>) dst(%dma_wait3A_134 : memref<80x128xf32, #tpu.memory_space<vmem_shared>>)
      tpu.yield
    }) : () -> ()
    %mul3A_26 = arith.constant 640 : i32
    %mul3A_27 = arith.muli %arg1, %mul3A_26 : i32
    %add3A_28 = arith.constant 560 : i32
    %add3A_29 = arith.addi %mul3A_27, %add3A_28 : i32
    "tpu.region"() ({
      %run_scoped3A = tpu.sem_alloc : memref<!tpu.dma_semaphore, #tpu.memory_space<semaphore_mem>>
      %dma_start3A = arith.constant 0 : i32
      %dma_start3A_129 = tpu.memref_slice %arg6[%add3A_29, %dma_start3A] : memref<10240x128xf32, #tpu.memory_space<vmem_shared>> -> memref<80x128xf32, #tpu.memory_space<vmem_shared>>
      %dma_start3A_130 = arith.constant 0 : i32
      %dma_start3A_131 = tpu.memref_slice %arg6[%add3A_29, %dma_start3A_130] : memref<10240x128xf32, #tpu.memory_space<vmem_shared>> -> memref<80x128xf32, #tpu.memory_space<vmem_shared>>
      tpu.enqueue_dma source(%arg7 : memref<80x128xf32, #tpu.memory_space<vmem>>) target(%dma_start3A_131 : memref<80x128xf32, #tpu.memory_space<vmem_shared>>) target_semaphore(%run_scoped3A : memref<!tpu.dma_semaphore, #tpu.memory_space<semaphore_mem>>)
      %dma_wait3A = arith.constant 0 : i32
      %dma_wait3A_132 = tpu.memref_slice %arg6[%add3A_29, %dma_wait3A] : memref<10240x128xf32, #tpu.memory_space<vmem_shared>> -> memref<80x128xf32, #tpu.memory_space<vmem_shared>>
      %dma_wait3A_133 = arith.constant 0 : i32
      %dma_wait3A_134 = tpu.memref_slice %arg6[%add3A_29, %dma_wait3A_133] : memref<10240x128xf32, #tpu.memory_space<vmem_shared>> -> memref<80x128xf32, #tpu.memory_space<vmem_shared>>
      tpu.wait_dma2 semaphore(%run_scoped3A : memref<!tpu.dma_semaphore, #tpu.memory_space<semaphore_mem>>) src(%arg7 : memref<80x128xf32, #tpu.memory_space<vmem>>) dst(%dma_wait3A_134 : memref<80x128xf32, #tpu.memory_space<vmem_shared>>)
      tpu.yield
    }) : () -> ()
    %barrier3A = arith.constant 0 : index
    tpu.barrier barrier_id(%barrier3A)
    %mul3A_30 = arith.constant 16 : i32
    %mul3A_31 = arith.muli %arg0, %mul3A_30 : i32
    %add3A_32 = arith.addi %mul3A_31, %arg1 : i32
    %mul3A_33 = arith.constant 80 : i32
    %mul3A_34 = arith.muli %add3A_32, %mul3A_33 : i32
    %scan3A = arith.constant 0 : i32
    %scan3A_35 = arith.constant 0 : i32
    %scan3A_36 = arith.constant 40 : i32
    %scan3A_37 = arith.addi %scan3A_35, %scan3A_36 : i32
    %scan3A_38 = arith.constant 1 : i32
    scf.for %scan3A_129 = %scan3A_35 to %scan3A_37 step %scan3A_38  : i32 {
      %mul3A_130 = arith.constant 2 : i32
      %mul3A_131 = arith.muli %scan3A_129, %mul3A_130 : i32
      %add3A_132 = arith.addi %mul3A_34, %mul3A_131 : i32
      %add3A_133 = arith.constant 0 : i32
      %add3A_134 = arith.addi %add3A_132, %add3A_133 : i32
      %dma_start3A = arith.constant 0 : i32
      %dma_start3A_135 = arith.constant 0 : i32
      %dma_start3A_136 = tpu.memref_slice %arg3[%add3A_134, %dma_start3A, %dma_start3A_135] : memref<2560x2x128xi32, #tpu.memory_space<hbm>> -> memref<1x2x128xi32, #tpu.memory_space<hbm>>
      %dma_start3A_137 = tpu.memref_squeeze %dma_start3A_136 : memref<1x2x128xi32, #tpu.memory_space<hbm>> -> memref<2x128xi32, #tpu.memory_space<hbm>>
      %dma_start3A_138 = arith.constant 0 : i32
      %dma_start3A_139 = arith.constant 0 : i32
      %dma_start3A_140 = tpu.memref_slice %arg3[%add3A_134, %dma_start3A_138, %dma_start3A_139] : memref<2560x2x128xi32, #tpu.memory_space<hbm>> -> memref<1x2x128xi32, #tpu.memory_space<hbm>>
      %dma_start3A_141 = tpu.memref_squeeze %dma_start3A_140 : memref<1x2x128xi32, #tpu.memory_space<hbm>> -> memref<2x128xi32, #tpu.memory_space<hbm>>
      tpu.enqueue_dma source(%dma_start3A_141 : memref<2x128xi32, #tpu.memory_space<hbm>>) target(%arg8 : memref<2x128xi32, #tpu.memory_space<vmem>>) target_semaphore(%arg12 : memref<!tpu.dma_semaphore, #tpu.memory_space<semaphore_mem>>)
      %add3A_142 = arith.constant 1 : i32
      %add3A_143 = arith.addi %add3A_132, %add3A_142 : i32
      %dma_start3A_144 = arith.constant 0 : i32
      %dma_start3A_145 = arith.constant 0 : i32
      %dma_start3A_146 = tpu.memref_slice %arg3[%add3A_143, %dma_start3A_144, %dma_start3A_145] : memref<2560x2x128xi32, #tpu.memory_space<hbm>> -> memref<1x2x128xi32, #tpu.memory_space<hbm>>
      %dma_start3A_147 = tpu.memref_squeeze %dma_start3A_146 : memref<1x2x128xi32, #tpu.memory_space<hbm>> -> memref<2x128xi32, #tpu.memory_space<hbm>>
      %dma_start3A_148 = arith.constant 0 : i32
      %dma_start3A_149 = arith.constant 0 : i32
      %dma_start3A_150 = tpu.memref_slice %arg3[%add3A_143, %dma_start3A_148, %dma_start3A_149] : memref<2560x2x128xi32, #tpu.memory_space<hbm>> -> memref<1x2x128xi32, #tpu.memory_space<hbm>>
      %dma_start3A_151 = tpu.memref_squeeze %dma_start3A_150 : memref<1x2x128xi32, #tpu.memory_space<hbm>> -> memref<2x128xi32, #tpu.memory_space<hbm>>
      tpu.enqueue_dma source(%dma_start3A_151 : memref<2x128xi32, #tpu.memory_space<hbm>>) target(%arg9 : memref<2x128xi32, #tpu.memory_space<vmem>>) target_semaphore(%arg13 : memref<!tpu.dma_semaphore, #tpu.memory_space<semaphore_mem>>)
      %dma_wait3A = arith.constant 0 : i32
      %dma_wait3A_152 = arith.constant 0 : i32
      %dma_wait3A_153 = tpu.memref_slice %arg3[%add3A_134, %dma_wait3A, %dma_wait3A_152] : memref<2560x2x128xi32, #tpu.memory_space<hbm>> -> memref<1x2x128xi32, #tpu.memory_space<hbm>>
      %dma_wait3A_154 = tpu.memref_squeeze %dma_wait3A_153 : memref<1x2x128xi32, #tpu.memory_space<hbm>> -> memref<2x128xi32, #tpu.memory_space<hbm>>
      %dma_wait3A_155 = arith.constant 0 : i32
      %dma_wait3A_156 = arith.constant 0 : i32
      %dma_wait3A_157 = tpu.memref_slice %arg3[%add3A_134, %dma_wait3A_155, %dma_wait3A_156] : memref<2560x2x128xi32, #tpu.memory_space<hbm>> -> memref<1x2x128xi32, #tpu.memory_space<hbm>>
      %dma_wait3A_158 = tpu.memref_squeeze %dma_wait3A_157 : memref<1x2x128xi32, #tpu.memory_space<hbm>> -> memref<2x128xi32, #tpu.memory_space<hbm>>
      tpu.wait_dma2 semaphore(%arg12 : memref<!tpu.dma_semaphore, #tpu.memory_space<semaphore_mem>>) src(%dma_wait3A_158 : memref<2x128xi32, #tpu.memory_space<hbm>>) dst(%arg8 : memref<2x128xi32, #tpu.memory_space<vmem>>)
      %dma_start3A_159 = arith.constant 0 : i32
      %dma_start3A_160 = arith.constant 0 : i32
      %dma_start3A_161 = tpu.memref_slice %arg8[%dma_start3A_159, %dma_start3A_160] : memref<2x128xi32, #tpu.memory_space<vmem>> -> memref<1x128xi32, #tpu.memory_space<vmem>>
      %dma_start3A_162 = tpu.memref_squeeze %dma_start3A_161 : memref<1x128xi32, #tpu.memory_space<vmem>> -> memref<128xi32, #tpu.memory_space<vmem>>
      %dma_start3A_163 = arith.constant 0 : i32
      %dma_start3A_164 = arith.constant 0 : i32
      %dma_start3A_165 = tpu.memref_slice %arg2[%dma_start3A_163, %dma_start3A_164] : memref<10000x128xf32, #tpu.memory_space<hbm>> -> memref<10000x128xf32, #tpu.memory_space<hbm>>
      tpu.enqueue_indirect_dma source(%dma_start3A_165 : memref<10000x128xf32, #tpu.memory_space<hbm>>) target(%arg10 : memref<128x128xf32, #tpu.memory_space<vmem>>) offsets(%dma_start3A_162 : memref<128xi32, #tpu.memory_space<vmem>>) semaphore(%arg14 : memref<!tpu.dma_semaphore, #tpu.memory_space<semaphore_mem>>)
      %dma_wait3A_166 = arith.constant 0 : i32
      %dma_wait3A_167 = arith.constant 0 : i32
      %dma_wait3A_168 = tpu.memref_slice %arg3[%add3A_143, %dma_wait3A_166, %dma_wait3A_167] : memref<2560x2x128xi32, #tpu.memory_space<hbm>> -> memref<1x2x128xi32, #tpu.memory_space<hbm>>
      %dma_wait3A_169 = tpu.memref_squeeze %dma_wait3A_168 : memref<1x2x128xi32, #tpu.memory_space<hbm>> -> memref<2x128xi32, #tpu.memory_space<hbm>>
      %dma_wait3A_170 = arith.constant 0 : i32
      %dma_wait3A_171 = arith.constant 0 : i32
      %dma_wait3A_172 = tpu.memref_slice %arg3[%add3A_143, %dma_wait3A_170, %dma_wait3A_171] : memref<2560x2x128xi32, #tpu.memory_space<hbm>> -> memref<1x2x128xi32, #tpu.memory_space<hbm>>
      %dma_wait3A_173 = tpu.memref_squeeze %dma_wait3A_172 : memref<1x2x128xi32, #tpu.memory_space<hbm>> -> memref<2x128xi32, #tpu.memory_space<hbm>>
      tpu.wait_dma2 semaphore(%arg13 : memref<!tpu.dma_semaphore, #tpu.memory_space<semaphore_mem>>) src(%dma_wait3A_173 : memref<2x128xi32, #tpu.memory_space<hbm>>) dst(%arg9 : memref<2x128xi32, #tpu.memory_space<vmem>>)
      %dma_start3A_174 = arith.constant 0 : i32
      %dma_start3A_175 = arith.constant 0 : i32
      %dma_start3A_176 = tpu.memref_slice %arg9[%dma_start3A_174, %dma_start3A_175] : memref<2x128xi32, #tpu.memory_space<vmem>> -> memref<1x128xi32, #tpu.memory_space<vmem>>
      %dma_start3A_177 = tpu.memref_squeeze %dma_start3A_176 : memref<1x128xi32, #tpu.memory_space<vmem>> -> memref<128xi32, #tpu.memory_space<vmem>>
      %dma_start3A_178 = arith.constant 0 : i32
      %dma_start3A_179 = arith.constant 0 : i32
      %dma_start3A_180 = tpu.memref_slice %arg2[%dma_start3A_178, %dma_start3A_179] : memref<10000x128xf32, #tpu.memory_space<hbm>> -> memref<10000x128xf32, #tpu.memory_space<hbm>>
      tpu.enqueue_indirect_dma source(%dma_start3A_180 : memref<10000x128xf32, #tpu.memory_space<hbm>>) target(%arg11 : memref<128x128xf32, #tpu.memory_space<vmem>>) offsets(%dma_start3A_177 : memref<128xi32, #tpu.memory_space<vmem>>) semaphore(%arg15 : memref<!tpu.dma_semaphore, #tpu.memory_space<semaphore_mem>>)
      %dma_wait3A_181 = arith.constant 0 : i32
      %dma_wait3A_182 = arith.constant 0 : i32
      %dma_wait3A_183 = tpu.memref_slice %arg8[%dma_wait3A_181, %dma_wait3A_182] : memref<2x128xi32, #tpu.memory_space<vmem>> -> memref<1x128xi32, #tpu.memory_space<vmem>>
      %dma_wait3A_184 = tpu.memref_squeeze %dma_wait3A_183 : memref<1x128xi32, #tpu.memory_space<vmem>> -> memref<128xi32, #tpu.memory_space<vmem>>
      %dma_wait3A_185 = arith.constant 0 : i32
      %dma_wait3A_186 = arith.constant 0 : i32
      %dma_wait3A_187 = tpu.memref_slice %arg2[%dma_wait3A_185, %dma_wait3A_186] : memref<10000x128xf32, #tpu.memory_space<hbm>> -> memref<10000x128xf32, #tpu.memory_space<hbm>>
      tpu.wait_indirect_dma semaphore(%arg14 : memref<!tpu.dma_semaphore, #tpu.memory_space<semaphore_mem>>) src(%dma_wait3A_187 : memref<10000x128xf32, #tpu.memory_space<hbm>>) dst(%arg10 : memref<128x128xf32, #tpu.memory_space<vmem>>)
      %dma_start3A_188 = arith.constant 1 : i32
      %dma_start3A_189 = arith.constant 0 : i32
      %dma_start3A_190 = tpu.memref_slice %arg8[%dma_start3A_188, %dma_start3A_189] : memref<2x128xi32, #tpu.memory_space<vmem>> -> memref<1x128xi32, #tpu.memory_space<vmem>>
      %dma_start3A_191 = tpu.memref_squeeze %dma_start3A_190 : memref<1x128xi32, #tpu.memory_space<vmem>> -> memref<128xi32, #tpu.memory_space<vmem>>
      %dma_start3A_192 = arith.constant 0 : i32
      %dma_start3A_193 = arith.constant 0 : i32
      %dma_start3A_194 = tpu.memref_slice %arg6[%dma_start3A_192, %dma_start3A_193] : memref<10240x128xf32, #tpu.memory_space<vmem_shared>> -> memref<10240x128xf32, #tpu.memory_space<vmem_shared>>
      tpu.enqueue_indirect_dma source(%arg10 : memref<128x128xf32, #tpu.memory_space<vmem>>) target(%dma_start3A_194 : memref<10240x128xf32, #tpu.memory_space<vmem_shared>>) offsets(%dma_start3A_191 : memref<128xi32, #tpu.memory_space<vmem>>) semaphore(%arg16 : memref<!tpu.dma_semaphore, #tpu.memory_space<semaphore_mem>>) {add = true}
      %dma_wait3A_195 = arith.constant 0 : i32
      %dma_wait3A_196 = arith.constant 0 : i32
      %dma_wait3A_197 = tpu.memref_slice %arg9[%dma_wait3A_195, %dma_wait3A_196] : memref<2x128xi32, #tpu.memory_space<vmem>> -> memref<1x128xi32, #tpu.memory_space<vmem>>
      %dma_wait3A_198 = tpu.memref_squeeze %dma_wait3A_197 : memref<1x128xi32, #tpu.memory_space<vmem>> -> memref<128xi32, #tpu.memory_space<vmem>>
      %dma_wait3A_199 = arith.constant 0 : i32
      %dma_wait3A_200 = arith.constant 0 : i32
      %dma_wait3A_201 = tpu.memref_slice %arg2[%dma_wait3A_199, %dma_wait3A_200] : memref<10000x128xf32, #tpu.memory_space<hbm>> -> memref<10000x128xf32, #tpu.memory_space<hbm>>
      tpu.wait_indirect_dma semaphore(%arg15 : memref<!tpu.dma_semaphore, #tpu.memory_space<semaphore_mem>>) src(%dma_wait3A_201 : memref<10000x128xf32, #tpu.memory_space<hbm>>) dst(%arg11 : memref<128x128xf32, #tpu.memory_space<vmem>>)
      %dma_start3A_202 = arith.constant 1 : i32
      %dma_start3A_203 = arith.constant 0 : i32
      %dma_start3A_204 = tpu.memref_slice %arg9[%dma_start3A_202, %dma_start3A_203] : memref<2x128xi32, #tpu.memory_space<vmem>> -> memref<1x128xi32, #tpu.memory_space<vmem>>
      %dma_start3A_205 = tpu.memref_squeeze %dma_start3A_204 : memref<1x128xi32, #tpu.memory_space<vmem>> -> memref<128xi32, #tpu.memory_space<vmem>>
      %dma_start3A_206 = arith.constant 0 : i32
      %dma_start3A_207 = arith.constant 0 : i32
      %dma_start3A_208 = tpu.memref_slice %arg6[%dma_start3A_206, %dma_start3A_207] : memref<10240x128xf32, #tpu.memory_space<vmem_shared>> -> memref<10240x128xf32, #tpu.memory_space<vmem_shared>>
      tpu.enqueue_indirect_dma source(%arg11 : memref<128x128xf32, #tpu.memory_space<vmem>>) target(%dma_start3A_208 : memref<10240x128xf32, #tpu.memory_space<vmem_shared>>) offsets(%dma_start3A_205 : memref<128xi32, #tpu.memory_space<vmem>>) semaphore(%arg17 : memref<!tpu.dma_semaphore, #tpu.memory_space<semaphore_mem>>) {add = true}
      %dma_wait3A_209 = arith.constant 1 : i32
      %dma_wait3A_210 = arith.constant 0 : i32
      %dma_wait3A_211 = tpu.memref_slice %arg8[%dma_wait3A_209, %dma_wait3A_210] : memref<2x128xi32, #tpu.memory_space<vmem>> -> memref<1x128xi32, #tpu.memory_space<vmem>>
      %dma_wait3A_212 = tpu.memref_squeeze %dma_wait3A_211 : memref<1x128xi32, #tpu.memory_space<vmem>> -> memref<128xi32, #tpu.memory_space<vmem>>
      %dma_wait3A_213 = arith.constant 0 : i32
      %dma_wait3A_214 = arith.constant 0 : i32
      %dma_wait3A_215 = tpu.memref_slice %arg6[%dma_wait3A_213, %dma_wait3A_214] : memref<10240x128xf32, #tpu.memory_space<vmem_shared>> -> memref<10240x128xf32, #tpu.memory_space<vmem_shared>>
      tpu.wait_indirect_dma semaphore(%arg16 : memref<!tpu.dma_semaphore, #tpu.memory_space<semaphore_mem>>) src(%arg10 : memref<128x128xf32, #tpu.memory_space<vmem>>) dst(%dma_wait3A_215 : memref<10240x128xf32, #tpu.memory_space<vmem_shared>>)
      %dma_wait3A_216 = arith.constant 1 : i32
      %dma_wait3A_217 = arith.constant 0 : i32
      %dma_wait3A_218 = tpu.memref_slice %arg9[%dma_wait3A_216, %dma_wait3A_217] : memref<2x128xi32, #tpu.memory_space<vmem>> -> memref<1x128xi32, #tpu.memory_space<vmem>>
      %dma_wait3A_219 = tpu.memref_squeeze %dma_wait3A_218 : memref<1x128xi32, #tpu.memory_space<vmem>> -> memref<128xi32, #tpu.memory_space<vmem>>
      %dma_wait3A_220 = arith.constant 0 : i32
      %dma_wait3A_221 = arith.constant 0 : i32
      %dma_wait3A_222 = tpu.memref_slice %arg6[%dma_wait3A_220, %dma_wait3A_221] : memref<10240x128xf32, #tpu.memory_space<vmem_shared>> -> memref<10240x128xf32, #tpu.memory_space<vmem_shared>>
      tpu.wait_indirect_dma semaphore(%arg17 : memref<!tpu.dma_semaphore, #tpu.memory_space<semaphore_mem>>) src(%arg11 : memref<128x128xf32, #tpu.memory_space<vmem>>) dst(%dma_wait3A_222 : memref<10240x128xf32, #tpu.memory_space<vmem_shared>>)
    }
    %scan3A_39 = arith.constant 40 : i32
    %barrier3A_40 = arith.constant 0 : index
    tpu.barrier barrier_id(%barrier3A_40)
    %mul3A_41 = arith.constant 640 : i32
    %mul3A_42 = arith.muli %arg1, %mul3A_41 : i32
    %add3A_43 = arith.constant 0 : i32
    %add3A_44 = arith.addi %mul3A_42, %add3A_43 : i32
    "tpu.region"() ({
      %run_scoped3A = tpu.sem_alloc : memref<!tpu.dma_semaphore, #tpu.memory_space<semaphore_mem>>
      %dma_start3A = arith.constant 0 : i32
      %dma_start3A_129 = tpu.memref_slice %arg6[%add3A_44, %dma_start3A] : memref<10240x128xf32, #tpu.memory_space<vmem_shared>> -> memref<80x128xf32, #tpu.memory_space<vmem_shared>>
      %dma_start3A_130 = arith.constant 0 : i32
      %dma_start3A_131 = tpu.memref_slice %arg6[%add3A_44, %dma_start3A_130] : memref<10240x128xf32, #tpu.memory_space<vmem_shared>> -> memref<80x128xf32, #tpu.memory_space<vmem_shared>>
      tpu.enqueue_dma source(%dma_start3A_131 : memref<80x128xf32, #tpu.memory_space<vmem_shared>>) target(%arg7 : memref<80x128xf32, #tpu.memory_space<vmem>>) target_semaphore(%run_scoped3A : memref<!tpu.dma_semaphore, #tpu.memory_space<semaphore_mem>>)
      %dma_wait3A = arith.constant 0 : i32
      %dma_wait3A_132 = tpu.memref_slice %arg6[%add3A_44, %dma_wait3A] : memref<10240x128xf32, #tpu.memory_space<vmem_shared>> -> memref<80x128xf32, #tpu.memory_space<vmem_shared>>
      %dma_wait3A_133 = arith.constant 0 : i32
      %dma_wait3A_134 = tpu.memref_slice %arg6[%add3A_44, %dma_wait3A_133] : memref<10240x128xf32, #tpu.memory_space<vmem_shared>> -> memref<80x128xf32, #tpu.memory_space<vmem_shared>>
      tpu.wait_dma2 semaphore(%run_scoped3A : memref<!tpu.dma_semaphore, #tpu.memory_space<semaphore_mem>>) src(%dma_wait3A_134 : memref<80x128xf32, #tpu.memory_space<vmem_shared>>) dst(%arg7 : memref<80x128xf32, #tpu.memory_space<vmem>>)
      tpu.yield
    }) : () -> ()
    %mul3A_45 = arith.constant 16 : i32
    %mul3A_46 = arith.muli %arg0, %mul3A_45 : i32
    %add3A_47 = arith.addi %mul3A_46, %arg1 : i32
    %mul3A_48 = arith.constant 640 : i32
    %mul3A_49 = arith.muli %add3A_47, %mul3A_48 : i32
    %add3A_50 = arith.constant 0 : i32
    %add3A_51 = arith.addi %mul3A_49, %add3A_50 : i32
    "tpu.region"() ({
      %run_scoped3A = tpu.sem_alloc : memref<!tpu.dma_semaphore, #tpu.memory_space<semaphore_mem>>
      %dma_start3A = arith.constant 0 : i32
      %dma_start3A_129 = tpu.memref_slice %arg5[%add3A_51, %dma_start3A] : memref<20480x128xf32, #tpu.memory_space<hbm>> -> memref<80x128xf32, #tpu.memory_space<hbm>>
      %dma_start3A_130 = arith.constant 0 : i32
      %dma_start3A_131 = tpu.memref_slice %arg5[%add3A_51, %dma_start3A_130] : memref<20480x128xf32, #tpu.memory_space<hbm>> -> memref<80x128xf32, #tpu.memory_space<hbm>>
      tpu.enqueue_dma source(%arg7 : memref<80x128xf32, #tpu.memory_space<vmem>>) target(%dma_start3A_131 : memref<80x128xf32, #tpu.memory_space<hbm>>) target_semaphore(%run_scoped3A : memref<!tpu.dma_semaphore, #tpu.memory_space<semaphore_mem>>)
      %dma_wait3A = arith.constant 0 : i32
      %dma_wait3A_132 = tpu.memref_slice %arg5[%add3A_51, %dma_wait3A] : memref<20480x128xf32, #tpu.memory_space<hbm>> -> memref<80x128xf32, #tpu.memory_space<hbm>>
      %dma_wait3A_133 = arith.constant 0 : i32
      %dma_wait3A_134 = tpu.memref_slice %arg5[%add3A_51, %dma_wait3A_133] : memref<20480x128xf32, #tpu.memory_space<hbm>> -> memref<80x128xf32, #tpu.memory_space<hbm>>
      tpu.wait_dma2 semaphore(%run_scoped3A : memref<!tpu.dma_semaphore, #tpu.memory_space<semaphore_mem>>) src(%arg7 : memref<80x128xf32, #tpu.memory_space<vmem>>) dst(%dma_wait3A_134 : memref<80x128xf32, #tpu.memory_space<hbm>>)
      tpu.yield
    }) : () -> ()
    %mul3A_52 = arith.constant 640 : i32
    %mul3A_53 = arith.muli %arg1, %mul3A_52 : i32
    %add3A_54 = arith.constant 80 : i32
    %add3A_55 = arith.addi %mul3A_53, %add3A_54 : i32
    "tpu.region"() ({
      %run_scoped3A = tpu.sem_alloc : memref<!tpu.dma_semaphore, #tpu.memory_space<semaphore_mem>>
      %dma_start3A = arith.constant 0 : i32
      %dma_start3A_129 = tpu.memref_slice %arg6[%add3A_55, %dma_start3A] : memref<10240x128xf32, #tpu.memory_space<vmem_shared>> -> memref<80x128xf32, #tpu.memory_space<vmem_shared>>
      %dma_start3A_130 = arith.constant 0 : i32
      %dma_start3A_131 = tpu.memref_slice %arg6[%add3A_55, %dma_start3A_130] : memref<10240x128xf32, #tpu.memory_space<vmem_shared>> -> memref<80x128xf32, #tpu.memory_space<vmem_shared>>
      tpu.enqueue_dma source(%dma_start3A_131 : memref<80x128xf32, #tpu.memory_space<vmem_shared>>) target(%arg7 : memref<80x128xf32, #tpu.memory_space<vmem>>) target_semaphore(%run_scoped3A : memref<!tpu.dma_semaphore, #tpu.memory_space<semaphore_mem>>)
      %dma_wait3A = arith.constant 0 : i32
      %dma_wait3A_132 = tpu.memref_slice %arg6[%add3A_55, %dma_wait3A] : memref<10240x128xf32, #tpu.memory_space<vmem_shared>> -> memref<80x128xf32, #tpu.memory_space<vmem_shared>>
      %dma_wait3A_133 = arith.constant 0 : i32
      %dma_wait3A_134 = tpu.memref_slice %arg6[%add3A_55, %dma_wait3A_133] : memref<10240x128xf32, #tpu.memory_space<vmem_shared>> -> memref<80x128xf32, #tpu.memory_space<vmem_shared>>
      tpu.wait_dma2 semaphore(%run_scoped3A : memref<!tpu.dma_semaphore, #tpu.memory_space<semaphore_mem>>) src(%dma_wait3A_134 : memref<80x128xf32, #tpu.memory_space<vmem_shared>>) dst(%arg7 : memref<80x128xf32, #tpu.memory_space<vmem>>)
      tpu.yield
    }) : () -> ()
    %mul3A_56 = arith.constant 16 : i32
    %mul3A_57 = arith.muli %arg0, %mul3A_56 : i32
    %add3A_58 = arith.addi %mul3A_57, %arg1 : i32
    %mul3A_59 = arith.constant 640 : i32
    %mul3A_60 = arith.muli %add3A_58, %mul3A_59 : i32
    %add3A_61 = arith.constant 80 : i32
    %add3A_62 = arith.addi %mul3A_60, %add3A_61 : i32
    "tpu.region"() ({
      %run_scoped3A = tpu.sem_alloc : memref<!tpu.dma_semaphore, #tpu.memory_space<semaphore_mem>>
      %dma_start3A = arith.constant 0 : i32
      %dma_start3A_129 = tpu.memref_slice %arg5[%add3A_62, %dma_start3A] : memref<20480x128xf32, #tpu.memory_space<hbm>> -> memref<80x128xf32, #tpu.memory_space<hbm>>
      %dma_start3A_130 = arith.constant 0 : i32
      %dma_start3A_131 = tpu.memref_slice %arg5[%add3A_62, %dma_start3A_130] : memref<20480x128xf32, #tpu.memory_space<hbm>> -> memref<80x128xf32, #tpu.memory_space<hbm>>
      tpu.enqueue_dma source(%arg7 : memref<80x128xf32, #tpu.memory_space<vmem>>) target(%dma_start3A_131 : memref<80x128xf32, #tpu.memory_space<hbm>>) target_semaphore(%run_scoped3A : memref<!tpu.dma_semaphore, #tpu.memory_space<semaphore_mem>>)
      %dma_wait3A = arith.constant 0 : i32
      %dma_wait3A_132 = tpu.memref_slice %arg5[%add3A_62, %dma_wait3A] : memref<20480x128xf32, #tpu.memory_space<hbm>> -> memref<80x128xf32, #tpu.memory_space<hbm>>
      %dma_wait3A_133 = arith.constant 0 : i32
      %dma_wait3A_134 = tpu.memref_slice %arg5[%add3A_62, %dma_wait3A_133] : memref<20480x128xf32, #tpu.memory_space<hbm>> -> memref<80x128xf32, #tpu.memory_space<hbm>>
      tpu.wait_dma2 semaphore(%run_scoped3A : memref<!tpu.dma_semaphore, #tpu.memory_space<semaphore_mem>>) src(%arg7 : memref<80x128xf32, #tpu.memory_space<vmem>>) dst(%dma_wait3A_134 : memref<80x128xf32, #tpu.memory_space<hbm>>)
      tpu.yield
    }) : () -> ()
    %mul3A_63 = arith.constant 640 : i32
    %mul3A_64 = arith.muli %arg1, %mul3A_63 : i32
    %add3A_65 = arith.constant 160 : i32
    %add3A_66 = arith.addi %mul3A_64, %add3A_65 : i32
    "tpu.region"() ({
      %run_scoped3A = tpu.sem_alloc : memref<!tpu.dma_semaphore, #tpu.memory_space<semaphore_mem>>
      %dma_start3A = arith.constant 0 : i32
      %dma_start3A_129 = tpu.memref_slice %arg6[%add3A_66, %dma_start3A] : memref<10240x128xf32, #tpu.memory_space<vmem_shared>> -> memref<80x128xf32, #tpu.memory_space<vmem_shared>>
      %dma_start3A_130 = arith.constant 0 : i32
      %dma_start3A_131 = tpu.memref_slice %arg6[%add3A_66, %dma_start3A_130] : memref<10240x128xf32, #tpu.memory_space<vmem_shared>> -> memref<80x128xf32, #tpu.memory_space<vmem_shared>>
      tpu.enqueue_dma source(%dma_start3A_131 : memref<80x128xf32, #tpu.memory_space<vmem_shared>>) target(%arg7 : memref<80x128xf32, #tpu.memory_space<vmem>>) target_semaphore(%run_scoped3A : memref<!tpu.dma_semaphore, #tpu.memory_space<semaphore_mem>>)
      %dma_wait3A = arith.constant 0 : i32
      %dma_wait3A_132 = tpu.memref_slice %arg6[%add3A_66, %dma_wait3A] : memref<10240x128xf32, #tpu.memory_space<vmem_shared>> -> memref<80x128xf32, #tpu.memory_space<vmem_shared>>
      %dma_wait3A_133 = arith.constant 0 : i32
      %dma_wait3A_134 = tpu.memref_slice %arg6[%add3A_66, %dma_wait3A_133] : memref<10240x128xf32, #tpu.memory_space<vmem_shared>> -> memref<80x128xf32, #tpu.memory_space<vmem_shared>>
      tpu.wait_dma2 semaphore(%run_scoped3A : memref<!tpu.dma_semaphore, #tpu.memory_space<semaphore_mem>>) src(%dma_wait3A_134 : memref<80x128xf32, #tpu.memory_space<vmem_shared>>) dst(%arg7 : memref<80x128xf32, #tpu.memory_space<vmem>>)
      tpu.yield
    }) : () -> ()
    %mul3A_67 = arith.constant 16 : i32
    %mul3A_68 = arith.muli %arg0, %mul3A_67 : i32
    %add3A_69 = arith.addi %mul3A_68, %arg1 : i32
    %mul3A_70 = arith.constant 640 : i32
    %mul3A_71 = arith.muli %add3A_69, %mul3A_70 : i32
    %add3A_72 = arith.constant 160 : i32
    %add3A_73 = arith.addi %mul3A_71, %add3A_72 : i32
    "tpu.region"() ({
      %run_scoped3A = tpu.sem_alloc : memref<!tpu.dma_semaphore, #tpu.memory_space<semaphore_mem>>
      %dma_start3A = arith.constant 0 : i32
      %dma_start3A_129 = tpu.memref_slice %arg5[%add3A_73, %dma_start3A] : memref<20480x128xf32, #tpu.memory_space<hbm>> -> memref<80x128xf32, #tpu.memory_space<hbm>>
      %dma_start3A_130 = arith.constant 0 : i32
      %dma_start3A_131 = tpu.memref_slice %arg5[%add3A_73, %dma_start3A_130] : memref<20480x128xf32, #tpu.memory_space<hbm>> -> memref<80x128xf32, #tpu.memory_space<hbm>>
      tpu.enqueue_dma source(%arg7 : memref<80x128xf32, #tpu.memory_space<vmem>>) target(%dma_start3A_131 : memref<80x128xf32, #tpu.memory_space<hbm>>) target_semaphore(%run_scoped3A : memref<!tpu.dma_semaphore, #tpu.memory_space<semaphore_mem>>)
      %dma_wait3A = arith.constant 0 : i32
      %dma_wait3A_132 = tpu.memref_slice %arg5[%add3A_73, %dma_wait3A] : memref<20480x128xf32, #tpu.memory_space<hbm>> -> memref<80x128xf32, #tpu.memory_space<hbm>>
      %dma_wait3A_133 = arith.constant 0 : i32
      %dma_wait3A_134 = tpu.memref_slice %arg5[%add3A_73, %dma_wait3A_133] : memref<20480x128xf32, #tpu.memory_space<hbm>> -> memref<80x128xf32, #tpu.memory_space<hbm>>
      tpu.wait_dma2 semaphore(%run_scoped3A : memref<!tpu.dma_semaphore, #tpu.memory_space<semaphore_mem>>) src(%arg7 : memref<80x128xf32, #tpu.memory_space<vmem>>) dst(%dma_wait3A_134 : memref<80x128xf32, #tpu.memory_space<hbm>>)
      tpu.yield
    }) : () -> ()
    %mul3A_74 = arith.constant 640 : i32
    %mul3A_75 = arith.muli %arg1, %mul3A_74 : i32
    %add3A_76 = arith.constant 240 : i32
    %add3A_77 = arith.addi %mul3A_75, %add3A_76 : i32
    "tpu.region"() ({
      %run_scoped3A = tpu.sem_alloc : memref<!tpu.dma_semaphore, #tpu.memory_space<semaphore_mem>>
      %dma_start3A = arith.constant 0 : i32
      %dma_start3A_129 = tpu.memref_slice %arg6[%add3A_77, %dma_start3A] : memref<10240x128xf32, #tpu.memory_space<vmem_shared>> -> memref<80x128xf32, #tpu.memory_space<vmem_shared>>
      %dma_start3A_130 = arith.constant 0 : i32
      %dma_start3A_131 = tpu.memref_slice %arg6[%add3A_77, %dma_start3A_130] : memref<10240x128xf32, #tpu.memory_space<vmem_shared>> -> memref<80x128xf32, #tpu.memory_space<vmem_shared>>
      tpu.enqueue_dma source(%dma_start3A_131 : memref<80x128xf32, #tpu.memory_space<vmem_shared>>) target(%arg7 : memref<80x128xf32, #tpu.memory_space<vmem>>) target_semaphore(%run_scoped3A : memref<!tpu.dma_semaphore, #tpu.memory_space<semaphore_mem>>)
      %dma_wait3A = arith.constant 0 : i32
      %dma_wait3A_132 = tpu.memref_slice %arg6[%add3A_77, %dma_wait3A] : memref<10240x128xf32, #tpu.memory_space<vmem_shared>> -> memref<80x128xf32, #tpu.memory_space<vmem_shared>>
      %dma_wait3A_133 = arith.constant 0 : i32
      %dma_wait3A_134 = tpu.memref_slice %arg6[%add3A_77, %dma_wait3A_133] : memref<10240x128xf32, #tpu.memory_space<vmem_shared>> -> memref<80x128xf32, #tpu.memory_space<vmem_shared>>
      tpu.wait_dma2 semaphore(%run_scoped3A : memref<!tpu.dma_semaphore, #tpu.memory_space<semaphore_mem>>) src(%dma_wait3A_134 : memref<80x128xf32, #tpu.memory_space<vmem_shared>>) dst(%arg7 : memref<80x128xf32, #tpu.memory_space<vmem>>)
      tpu.yield
    }) : () -> ()
    %mul3A_78 = arith.constant 16 : i32
    %mul3A_79 = arith.muli %arg0, %mul3A_78 : i32
    %add3A_80 = arith.addi %mul3A_79, %arg1 : i32
    %mul3A_81 = arith.constant 640 : i32
    %mul3A_82 = arith.muli %add3A_80, %mul3A_81 : i32
    %add3A_83 = arith.constant 240 : i32
    %add3A_84 = arith.addi %mul3A_82, %add3A_83 : i32
    "tpu.region"() ({
      %run_scoped3A = tpu.sem_alloc : memref<!tpu.dma_semaphore, #tpu.memory_space<semaphore_mem>>
      %dma_start3A = arith.constant 0 : i32
      %dma_start3A_129 = tpu.memref_slice %arg5[%add3A_84, %dma_start3A] : memref<20480x128xf32, #tpu.memory_space<hbm>> -> memref<80x128xf32, #tpu.memory_space<hbm>>
      %dma_start3A_130 = arith.constant 0 : i32
      %dma_start3A_131 = tpu.memref_slice %arg5[%add3A_84, %dma_start3A_130] : memref<20480x128xf32, #tpu.memory_space<hbm>> -> memref<80x128xf32, #tpu.memory_space<hbm>>
      tpu.enqueue_dma source(%arg7 : memref<80x128xf32, #tpu.memory_space<vmem>>) target(%dma_start3A_131 : memref<80x128xf32, #tpu.memory_space<hbm>>) target_semaphore(%run_scoped3A : memref<!tpu.dma_semaphore, #tpu.memory_space<semaphore_mem>>)
      %dma_wait3A = arith.constant 0 : i32
      %dma_wait3A_132 = tpu.memref_slice %arg5[%add3A_84, %dma_wait3A] : memref<20480x128xf32, #tpu.memory_space<hbm>> -> memref<80x128xf32, #tpu.memory_space<hbm>>
      %dma_wait3A_133 = arith.constant 0 : i32
      %dma_wait3A_134 = tpu.memref_slice %arg5[%add3A_84, %dma_wait3A_133] : memref<20480x128xf32, #tpu.memory_space<hbm>> -> memref<80x128xf32, #tpu.memory_space<hbm>>
      tpu.wait_dma2 semaphore(%run_scoped3A : memref<!tpu.dma_semaphore, #tpu.memory_space<semaphore_mem>>) src(%arg7 : memref<80x128xf32, #tpu.memory_space<vmem>>) dst(%dma_wait3A_134 : memref<80x128xf32, #tpu.memory_space<hbm>>)
      tpu.yield
    }) : () -> ()
    %mul3A_85 = arith.constant 640 : i32
    %mul3A_86 = arith.muli %arg1, %mul3A_85 : i32
    %add3A_87 = arith.constant 320 : i32
    %add3A_88 = arith.addi %mul3A_86, %add3A_87 : i32
    "tpu.region"() ({
      %run_scoped3A = tpu.sem_alloc : memref<!tpu.dma_semaphore, #tpu.memory_space<semaphore_mem>>
      %dma_start3A = arith.constant 0 : i32
      %dma_start3A_129 = tpu.memref_slice %arg6[%add3A_88, %dma_start3A] : memref<10240x128xf32, #tpu.memory_space<vmem_shared>> -> memref<80x128xf32, #tpu.memory_space<vmem_shared>>
      %dma_start3A_130 = arith.constant 0 : i32
      %dma_start3A_131 = tpu.memref_slice %arg6[%add3A_88, %dma_start3A_130] : memref<10240x128xf32, #tpu.memory_space<vmem_shared>> -> memref<80x128xf32, #tpu.memory_space<vmem_shared>>
      tpu.enqueue_dma source(%dma_start3A_131 : memref<80x128xf32, #tpu.memory_space<vmem_shared>>) target(%arg7 : memref<80x128xf32, #tpu.memory_space<vmem>>) target_semaphore(%run_scoped3A : memref<!tpu.dma_semaphore, #tpu.memory_space<semaphore_mem>>)
      %dma_wait3A = arith.constant 0 : i32
      %dma_wait3A_132 = tpu.memref_slice %arg6[%add3A_88, %dma_wait3A] : memref<10240x128xf32, #tpu.memory_space<vmem_shared>> -> memref<80x128xf32, #tpu.memory_space<vmem_shared>>
      %dma_wait3A_133 = arith.constant 0 : i32
      %dma_wait3A_134 = tpu.memref_slice %arg6[%add3A_88, %dma_wait3A_133] : memref<10240x128xf32, #tpu.memory_space<vmem_shared>> -> memref<80x128xf32, #tpu.memory_space<vmem_shared>>
      tpu.wait_dma2 semaphore(%run_scoped3A : memref<!tpu.dma_semaphore, #tpu.memory_space<semaphore_mem>>) src(%dma_wait3A_134 : memref<80x128xf32, #tpu.memory_space<vmem_shared>>) dst(%arg7 : memref<80x128xf32, #tpu.memory_space<vmem>>)
      tpu.yield
    }) : () -> ()
    %mul3A_89 = arith.constant 16 : i32
    %mul3A_90 = arith.muli %arg0, %mul3A_89 : i32
    %add3A_91 = arith.addi %mul3A_90, %arg1 : i32
    %mul3A_92 = arith.constant 640 : i32
    %mul3A_93 = arith.muli %add3A_91, %mul3A_92 : i32
    %add3A_94 = arith.constant 320 : i32
    %add3A_95 = arith.addi %mul3A_93, %add3A_94 : i32
    "tpu.region"() ({
      %run_scoped3A = tpu.sem_alloc : memref<!tpu.dma_semaphore, #tpu.memory_space<semaphore_mem>>
      %dma_start3A = arith.constant 0 : i32
      %dma_start3A_129 = tpu.memref_slice %arg5[%add3A_95, %dma_start3A] : memref<20480x128xf32, #tpu.memory_space<hbm>> -> memref<80x128xf32, #tpu.memory_space<hbm>>
      %dma_start3A_130 = arith.constant 0 : i32
      %dma_start3A_131 = tpu.memref_slice %arg5[%add3A_95, %dma_start3A_130] : memref<20480x128xf32, #tpu.memory_space<hbm>> -> memref<80x128xf32, #tpu.memory_space<hbm>>
      tpu.enqueue_dma source(%arg7 : memref<80x128xf32, #tpu.memory_space<vmem>>) target(%dma_start3A_131 : memref<80x128xf32, #tpu.memory_space<hbm>>) target_semaphore(%run_scoped3A : memref<!tpu.dma_semaphore, #tpu.memory_space<semaphore_mem>>)
      %dma_wait3A = arith.constant 0 : i32
      %dma_wait3A_132 = tpu.memref_slice %arg5[%add3A_95, %dma_wait3A] : memref<20480x128xf32, #tpu.memory_space<hbm>> -> memref<80x128xf32, #tpu.memory_space<hbm>>
      %dma_wait3A_133 = arith.constant 0 : i32
      %dma_wait3A_134 = tpu.memref_slice %arg5[%add3A_95, %dma_wait3A_133] : memref<20480x128xf32, #tpu.memory_space<hbm>> -> memref<80x128xf32, #tpu.memory_space<hbm>>
      tpu.wait_dma2 semaphore(%run_scoped3A : memref<!tpu.dma_semaphore, #tpu.memory_space<semaphore_mem>>) src(%arg7 : memref<80x128xf32, #tpu.memory_space<vmem>>) dst(%dma_wait3A_134 : memref<80x128xf32, #tpu.memory_space<hbm>>)
      tpu.yield
    }) : () -> ()
    %mul3A_96 = arith.constant 640 : i32
    %mul3A_97 = arith.muli %arg1, %mul3A_96 : i32
    %add3A_98 = arith.constant 400 : i32
    %add3A_99 = arith.addi %mul3A_97, %add3A_98 : i32
    "tpu.region"() ({
      %run_scoped3A = tpu.sem_alloc : memref<!tpu.dma_semaphore, #tpu.memory_space<semaphore_mem>>
      %dma_start3A = arith.constant 0 : i32
      %dma_start3A_129 = tpu.memref_slice %arg6[%add3A_99, %dma_start3A] : memref<10240x128xf32, #tpu.memory_space<vmem_shared>> -> memref<80x128xf32, #tpu.memory_space<vmem_shared>>
      %dma_start3A_130 = arith.constant 0 : i32
      %dma_start3A_131 = tpu.memref_slice %arg6[%add3A_99, %dma_start3A_130] : memref<10240x128xf32, #tpu.memory_space<vmem_shared>> -> memref<80x128xf32, #tpu.memory_space<vmem_shared>>
      tpu.enqueue_dma source(%dma_start3A_131 : memref<80x128xf32, #tpu.memory_space<vmem_shared>>) target(%arg7 : memref<80x128xf32, #tpu.memory_space<vmem>>) target_semaphore(%run_scoped3A : memref<!tpu.dma_semaphore, #tpu.memory_space<semaphore_mem>>)
      %dma_wait3A = arith.constant 0 : i32
      %dma_wait3A_132 = tpu.memref_slice %arg6[%add3A_99, %dma_wait3A] : memref<10240x128xf32, #tpu.memory_space<vmem_shared>> -> memref<80x128xf32, #tpu.memory_space<vmem_shared>>
      %dma_wait3A_133 = arith.constant 0 : i32
      %dma_wait3A_134 = tpu.memref_slice %arg6[%add3A_99, %dma_wait3A_133] : memref<10240x128xf32, #tpu.memory_space<vmem_shared>> -> memref<80x128xf32, #tpu.memory_space<vmem_shared>>
      tpu.wait_dma2 semaphore(%run_scoped3A : memref<!tpu.dma_semaphore, #tpu.memory_space<semaphore_mem>>) src(%dma_wait3A_134 : memref<80x128xf32, #tpu.memory_space<vmem_shared>>) dst(%arg7 : memref<80x128xf32, #tpu.memory_space<vmem>>)
      tpu.yield
    }) : () -> ()
    %mul3A_100 = arith.constant 16 : i32
    %mul3A_101 = arith.muli %arg0, %mul3A_100 : i32
    %add3A_102 = arith.addi %mul3A_101, %arg1 : i32
    %mul3A_103 = arith.constant 640 : i32
    %mul3A_104 = arith.muli %add3A_102, %mul3A_103 : i32
    %add3A_105 = arith.constant 400 : i32
    %add3A_106 = arith.addi %mul3A_104, %add3A_105 : i32
    "tpu.region"() ({
      %run_scoped3A = tpu.sem_alloc : memref<!tpu.dma_semaphore, #tpu.memory_space<semaphore_mem>>
      %dma_start3A = arith.constant 0 : i32
      %dma_start3A_129 = tpu.memref_slice %arg5[%add3A_106, %dma_start3A] : memref<20480x128xf32, #tpu.memory_space<hbm>> -> memref<80x128xf32, #tpu.memory_space<hbm>>
      %dma_start3A_130 = arith.constant 0 : i32
      %dma_start3A_131 = tpu.memref_slice %arg5[%add3A_106, %dma_start3A_130] : memref<20480x128xf32, #tpu.memory_space<hbm>> -> memref<80x128xf32, #tpu.memory_space<hbm>>
      tpu.enqueue_dma source(%arg7 : memref<80x128xf32, #tpu.memory_space<vmem>>) target(%dma_start3A_131 : memref<80x128xf32, #tpu.memory_space<hbm>>) target_semaphore(%run_scoped3A : memref<!tpu.dma_semaphore, #tpu.memory_space<semaphore_mem>>)
      %dma_wait3A = arith.constant 0 : i32
      %dma_wait3A_132 = tpu.memref_slice %arg5[%add3A_106, %dma_wait3A] : memref<20480x128xf32, #tpu.memory_space<hbm>> -> memref<80x128xf32, #tpu.memory_space<hbm>>
      %dma_wait3A_133 = arith.constant 0 : i32
      %dma_wait3A_134 = tpu.memref_slice %arg5[%add3A_106, %dma_wait3A_133] : memref<20480x128xf32, #tpu.memory_space<hbm>> -> memref<80x128xf32, #tpu.memory_space<hbm>>
      tpu.wait_dma2 semaphore(%run_scoped3A : memref<!tpu.dma_semaphore, #tpu.memory_space<semaphore_mem>>) src(%arg7 : memref<80x128xf32, #tpu.memory_space<vmem>>) dst(%dma_wait3A_134 : memref<80x128xf32, #tpu.memory_space<hbm>>)
      tpu.yield
    }) : () -> ()
    %mul3A_107 = arith.constant 640 : i32
    %mul3A_108 = arith.muli %arg1, %mul3A_107 : i32
    %add3A_109 = arith.constant 480 : i32
    %add3A_110 = arith.addi %mul3A_108, %add3A_109 : i32
    "tpu.region"() ({
      %run_scoped3A = tpu.sem_alloc : memref<!tpu.dma_semaphore, #tpu.memory_space<semaphore_mem>>
      %dma_start3A = arith.constant 0 : i32
      %dma_start3A_129 = tpu.memref_slice %arg6[%add3A_110, %dma_start3A] : memref<10240x128xf32, #tpu.memory_space<vmem_shared>> -> memref<80x128xf32, #tpu.memory_space<vmem_shared>>
      %dma_start3A_130 = arith.constant 0 : i32
      %dma_start3A_131 = tpu.memref_slice %arg6[%add3A_110, %dma_start3A_130] : memref<10240x128xf32, #tpu.memory_space<vmem_shared>> -> memref<80x128xf32, #tpu.memory_space<vmem_shared>>
      tpu.enqueue_dma source(%dma_start3A_131 : memref<80x128xf32, #tpu.memory_space<vmem_shared>>) target(%arg7 : memref<80x128xf32, #tpu.memory_space<vmem>>) target_semaphore(%run_scoped3A : memref<!tpu.dma_semaphore, #tpu.memory_space<semaphore_mem>>)
      %dma_wait3A = arith.constant 0 : i32
      %dma_wait3A_132 = tpu.memref_slice %arg6[%add3A_110, %dma_wait3A] : memref<10240x128xf32, #tpu.memory_space<vmem_shared>> -> memref<80x128xf32, #tpu.memory_space<vmem_shared>>
      %dma_wait3A_133 = arith.constant 0 : i32
      %dma_wait3A_134 = tpu.memref_slice %arg6[%add3A_110, %dma_wait3A_133] : memref<10240x128xf32, #tpu.memory_space<vmem_shared>> -> memref<80x128xf32, #tpu.memory_space<vmem_shared>>
      tpu.wait_dma2 semaphore(%run_scoped3A : memref<!tpu.dma_semaphore, #tpu.memory_space<semaphore_mem>>) src(%dma_wait3A_134 : memref<80x128xf32, #tpu.memory_space<vmem_shared>>) dst(%arg7 : memref<80x128xf32, #tpu.memory_space<vmem>>)
      tpu.yield
    }) : () -> ()
    %mul3A_111 = arith.constant 16 : i32
    %mul3A_112 = arith.muli %arg0, %mul3A_111 : i32
    %add3A_113 = arith.addi %mul3A_112, %arg1 : i32
    %mul3A_114 = arith.constant 640 : i32
    %mul3A_115 = arith.muli %add3A_113, %mul3A_114 : i32
    %add3A_116 = arith.constant 480 : i32
    %add3A_117 = arith.addi %mul3A_115, %add3A_116 : i32
    "tpu.region"() ({
      %run_scoped3A = tpu.sem_alloc : memref<!tpu.dma_semaphore, #tpu.memory_space<semaphore_mem>>
      %dma_start3A = arith.constant 0 : i32
      %dma_start3A_129 = tpu.memref_slice %arg5[%add3A_117, %dma_start3A] : memref<20480x128xf32, #tpu.memory_space<hbm>> -> memref<80x128xf32, #tpu.memory_space<hbm>>
      %dma_start3A_130 = arith.constant 0 : i32
      %dma_start3A_131 = tpu.memref_slice %arg5[%add3A_117, %dma_start3A_130] : memref<20480x128xf32, #tpu.memory_space<hbm>> -> memref<80x128xf32, #tpu.memory_space<hbm>>
      tpu.enqueue_dma source(%arg7 : memref<80x128xf32, #tpu.memory_space<vmem>>) target(%dma_start3A_131 : memref<80x128xf32, #tpu.memory_space<hbm>>) target_semaphore(%run_scoped3A : memref<!tpu.dma_semaphore, #tpu.memory_space<semaphore_mem>>)
      %dma_wait3A = arith.constant 0 : i32
      %dma_wait3A_132 = tpu.memref_slice %arg5[%add3A_117, %dma_wait3A] : memref<20480x128xf32, #tpu.memory_space<hbm>> -> memref<80x128xf32, #tpu.memory_space<hbm>>
      %dma_wait3A_133 = arith.constant 0 : i32
      %dma_wait3A_134 = tpu.memref_slice %arg5[%add3A_117, %dma_wait3A_133] : memref<20480x128xf32, #tpu.memory_space<hbm>> -> memref<80x128xf32, #tpu.memory_space<hbm>>
      tpu.wait_dma2 semaphore(%run_scoped3A : memref<!tpu.dma_semaphore, #tpu.memory_space<semaphore_mem>>) src(%arg7 : memref<80x128xf32, #tpu.memory_space<vmem>>) dst(%dma_wait3A_134 : memref<80x128xf32, #tpu.memory_space<hbm>>)
      tpu.yield
    }) : () -> ()
    %mul3A_118 = arith.constant 640 : i32
    %mul3A_119 = arith.muli %arg1, %mul3A_118 : i32
    %add3A_120 = arith.constant 560 : i32
    %add3A_121 = arith.addi %mul3A_119, %add3A_120 : i32
    "tpu.region"() ({
      %run_scoped3A = tpu.sem_alloc : memref<!tpu.dma_semaphore, #tpu.memory_space<semaphore_mem>>
      %dma_start3A = arith.constant 0 : i32
      %dma_start3A_129 = tpu.memref_slice %arg6[%add3A_121, %dma_start3A] : memref<10240x128xf32, #tpu.memory_space<vmem_shared>> -> memref<80x128xf32, #tpu.memory_space<vmem_shared>>
      %dma_start3A_130 = arith.constant 0 : i32
      %dma_start3A_131 = tpu.memref_slice %arg6[%add3A_121, %dma_start3A_130] : memref<10240x128xf32, #tpu.memory_space<vmem_shared>> -> memref<80x128xf32, #tpu.memory_space<vmem_shared>>
      tpu.enqueue_dma source(%dma_start3A_131 : memref<80x128xf32, #tpu.memory_space<vmem_shared>>) target(%arg7 : memref<80x128xf32, #tpu.memory_space<vmem>>) target_semaphore(%run_scoped3A : memref<!tpu.dma_semaphore, #tpu.memory_space<semaphore_mem>>)
      %dma_wait3A = arith.constant 0 : i32
      %dma_wait3A_132 = tpu.memref_slice %arg6[%add3A_121, %dma_wait3A] : memref<10240x128xf32, #tpu.memory_space<vmem_shared>> -> memref<80x128xf32, #tpu.memory_space<vmem_shared>>
      %dma_wait3A_133 = arith.constant 0 : i32
      %dma_wait3A_134 = tpu.memref_slice %arg6[%add3A_121, %dma_wait3A_133] : memref<10240x128xf32, #tpu.memory_space<vmem_shared>> -> memref<80x128xf32, #tpu.memory_space<vmem_shared>>
      tpu.wait_dma2 semaphore(%run_scoped3A : memref<!tpu.dma_semaphore, #tpu.memory_space<semaphore_mem>>) src(%dma_wait3A_134 : memref<80x128xf32, #tpu.memory_space<vmem_shared>>) dst(%arg7 : memref<80x128xf32, #tpu.memory_space<vmem>>)
      tpu.yield
    }) : () -> ()
    %mul3A_122 = arith.constant 16 : i32
    %mul3A_123 = arith.muli %arg0, %mul3A_122 : i32
    %add3A_124 = arith.addi %mul3A_123, %arg1 : i32
    %mul3A_125 = arith.constant 640 : i32
    %mul3A_126 = arith.muli %add3A_124, %mul3A_125 : i32
    %add3A_127 = arith.constant 560 : i32
    %add3A_128 = arith.addi %mul3A_126, %add3A_127 : i32
    "tpu.region"() ({
      %run_scoped3A = tpu.sem_alloc : memref<!tpu.dma_semaphore, #tpu.memory_space<semaphore_mem>>
      %dma_start3A = arith.constant 0 : i32
      %dma_start3A_129 = tpu.memref_slice %arg5[%add3A_128, %dma_start3A] : memref<20480x128xf32, #tpu.memory_space<hbm>> -> memref<80x128xf32, #tpu.memory_space<hbm>>
      %dma_start3A_130 = arith.constant 0 : i32
      %dma_start3A_131 = tpu.memref_slice %arg5[%add3A_128, %dma_start3A_130] : memref<20480x128xf32, #tpu.memory_space<hbm>> -> memref<80x128xf32, #tpu.memory_space<hbm>>
      tpu.enqueue_dma source(%arg7 : memref<80x128xf32, #tpu.memory_space<vmem>>) target(%dma_start3A_131 : memref<80x128xf32, #tpu.memory_space<hbm>>) target_semaphore(%run_scoped3A : memref<!tpu.dma_semaphore, #tpu.memory_space<semaphore_mem>>)
      %dma_wait3A = arith.constant 0 : i32
      %dma_wait3A_132 = tpu.memref_slice %arg5[%add3A_128, %dma_wait3A] : memref<20480x128xf32, #tpu.memory_space<hbm>> -> memref<80x128xf32, #tpu.memory_space<hbm>>
      %dma_wait3A_133 = arith.constant 0 : i32
      %dma_wait3A_134 = tpu.memref_slice %arg5[%add3A_128, %dma_wait3A_133] : memref<20480x128xf32, #tpu.memory_space<hbm>> -> memref<80x128xf32, #tpu.memory_space<hbm>>
      tpu.wait_dma2 semaphore(%run_scoped3A : memref<!tpu.dma_semaphore, #tpu.memory_space<semaphore_mem>>) src(%arg7 : memref<80x128xf32, #tpu.memory_space<vmem>>) dst(%dma_wait3A_134 : memref<80x128xf32, #tpu.memory_space<hbm>>)
      tpu.yield
    }) : () -> ()
    return
  }
}

#map = affine_map<(d0, d1) -> (0, 0, 0)>
#map1 = affine_map<(d0, d1) -> (0)>
module attributes {stable_mosaic.version = 14 : i64} {
  func.func @body(%arg0: i32, %arg1: i32, %arg2: memref<2560x2x128xi32, #tpu.memory_space<hbm>>, %arg3: memref<640xf32, #tpu.memory_space<hbm>>, %arg4: memref<128xf32, #tpu.memory_space<hbm>>, %arg5: memref<20480xf32, #tpu.memory_space<hbm>>, %arg6: memref<10240xf32, #tpu.memory_space<vmem_shared>>, %arg7: memref<640xf32, #tpu.memory_space<vmem>>, %arg8: memref<128xf32, #tpu.memory_space<vmem>>, %arg9: memref<2x128xi32, #tpu.memory_space<vmem>>, %arg10: memref<2x128xi32, #tpu.memory_space<vmem>>, %arg11: memref<2x128xi32, #tpu.memory_space<vmem>>, %arg12: memref<2x128xi32, #tpu.memory_space<vmem>>, %arg13: memref<2x128xi32, #tpu.memory_space<vmem>>, %arg14: memref<2x128xi32, #tpu.memory_space<vmem>>, %arg15: memref<2x128xi32, #tpu.memory_space<vmem>>, %arg16: memref<2x128xi32, #tpu.memory_space<vmem>>, %arg17: memref<!tpu.dma_semaphore, #tpu.memory_space<semaphore_mem>>, %arg18: memref<!tpu.dma_semaphore, #tpu.memory_space<semaphore_mem>>, %arg19: memref<!tpu.dma_semaphore, #tpu.memory_space<semaphore_mem>>, %arg20: memref<!tpu.dma_semaphore, #tpu.memory_space<semaphore_mem>>, %arg21: memref<!tpu.dma_semaphore, #tpu.memory_space<semaphore_mem>>, %arg22: memref<!tpu.dma_semaphore, #tpu.memory_space<semaphore_mem>>, %arg23: memref<!tpu.dma_semaphore, #tpu.memory_space<semaphore_mem>>, %arg24: memref<!tpu.dma_semaphore, #tpu.memory_space<semaphore_mem>>, %arg25: memref<!tpu.dma_semaphore, #tpu.memory_space<semaphore_mem>>, %arg26: memref<!tpu.dma_semaphore, #tpu.memory_space<semaphore_mem>>, %arg27: memref<!tpu.dma_semaphore, #tpu.memory_space<semaphore_mem>>, %arg28: memref<!tpu.dma_semaphore, #tpu.memory_space<semaphore_mem>>, %arg29: memref<!tpu.dma_semaphore, #tpu.memory_space<semaphore_mem>>, %arg30: memref<!tpu.dma_semaphore, #tpu.memory_space<semaphore_mem>>, %arg31: memref<!tpu.dma_semaphore, #tpu.memory_space<semaphore_mem>>, %arg32: memref<!tpu.dma_semaphore, #tpu.memory_space<semaphore_mem>>) attributes {dimension_semantics = [#tpu.dimension_semantics<core_parallel>, #tpu.dimension_semantics<subcore_parallel>], iteration_bounds = array<i64: 2, 16>, scalar_prefetch = 0 : i64, scratch_operands = 27 : i64, tpu.core_type = #tpu.core_type<sc_vector_subcore>, window_params = [{transform_indices = #map}, {transform_indices = #map1}, {transform_indices = #map1}, {transform_indices = #map1}]} {
    %mul3A = arith.constant 640 : i32
    %mul3A_0 = arith.muli %arg1, %mul3A : i32
    "tpu.region"() ({
      %run_scoped3A = tpu.sem_alloc : memref<!tpu.dma_semaphore, #tpu.memory_space<semaphore_mem>>
      tpu.enqueue_dma source(%arg3 : memref<640xf32, #tpu.memory_space<hbm>>) target(%arg7 : memref<640xf32, #tpu.memory_space<vmem>>) target_semaphore(%run_scoped3A : memref<!tpu.dma_semaphore, #tpu.memory_space<semaphore_mem>>)
      tpu.wait_dma2 semaphore(%run_scoped3A : memref<!tpu.dma_semaphore, #tpu.memory_space<semaphore_mem>>) src(%arg3 : memref<640xf32, #tpu.memory_space<hbm>>) dst(%arg7 : memref<640xf32, #tpu.memory_space<vmem>>)
      tpu.yield
    }) : () -> ()
    "tpu.region"() ({
      %run_scoped3A = tpu.sem_alloc : memref<!tpu.dma_semaphore, #tpu.memory_space<semaphore_mem>>
      %dma_start3A = tpu.memref_slice %arg6[%mul3A_0] : memref<10240xf32, #tpu.memory_space<vmem_shared>> -> memref<640xf32, #tpu.memory_space<vmem_shared>>
      %dma_start3A_16 = tpu.memref_slice %arg6[%mul3A_0] : memref<10240xf32, #tpu.memory_space<vmem_shared>> -> memref<640xf32, #tpu.memory_space<vmem_shared>>
      tpu.enqueue_dma source(%arg7 : memref<640xf32, #tpu.memory_space<vmem>>) target(%dma_start3A_16 : memref<640xf32, #tpu.memory_space<vmem_shared>>) target_semaphore(%run_scoped3A : memref<!tpu.dma_semaphore, #tpu.memory_space<semaphore_mem>>)
      %dma_wait3A = tpu.memref_slice %arg6[%mul3A_0] : memref<10240xf32, #tpu.memory_space<vmem_shared>> -> memref<640xf32, #tpu.memory_space<vmem_shared>>
      %dma_wait3A_17 = tpu.memref_slice %arg6[%mul3A_0] : memref<10240xf32, #tpu.memory_space<vmem_shared>> -> memref<640xf32, #tpu.memory_space<vmem_shared>>
      tpu.wait_dma2 semaphore(%run_scoped3A : memref<!tpu.dma_semaphore, #tpu.memory_space<semaphore_mem>>) src(%arg7 : memref<640xf32, #tpu.memory_space<vmem>>) dst(%dma_wait3A_17 : memref<640xf32, #tpu.memory_space<vmem_shared>>)
      tpu.yield
    }) : () -> ()
    "tpu.region"() ({
      %run_scoped3A = tpu.sem_alloc : memref<!tpu.dma_semaphore, #tpu.memory_space<semaphore_mem>>
      tpu.enqueue_dma source(%arg4 : memref<128xf32, #tpu.memory_space<hbm>>) target(%arg8 : memref<128xf32, #tpu.memory_space<vmem>>) target_semaphore(%run_scoped3A : memref<!tpu.dma_semaphore, #tpu.memory_space<semaphore_mem>>)
      tpu.wait_dma2 semaphore(%run_scoped3A : memref<!tpu.dma_semaphore, #tpu.memory_space<semaphore_mem>>) src(%arg4 : memref<128xf32, #tpu.memory_space<hbm>>) dst(%arg8 : memref<128xf32, #tpu.memory_space<vmem>>)
      tpu.yield
    }) : () -> ()
    %barrier3A = arith.constant 0 : index
    tpu.barrier barrier_id(%barrier3A)
    %mul3A_1 = arith.constant 16 : i32
    %mul3A_2 = arith.muli %arg0, %mul3A_1 : i32
    %add3A = arith.addi %mul3A_2, %arg1 : i32
    %mul3A_3 = arith.constant 80 : i32
    %mul3A_4 = arith.muli %add3A, %mul3A_3 : i32
    %scan3A = arith.constant 0 : i32
    %scan3A_5 = arith.constant 0 : i32
    %scan3A_6 = arith.constant 10 : i32
    %scan3A_7 = arith.addi %scan3A_5, %scan3A_6 : i32
    %scan3A_8 = arith.constant 1 : i32
    scf.for %scan3A_16 = %scan3A_5 to %scan3A_7 step %scan3A_8  : i32 {
      %mul3A_17 = arith.constant 8 : i32
      %mul3A_18 = arith.muli %scan3A_16, %mul3A_17 : i32
      %add3A_19 = arith.addi %mul3A_4, %mul3A_18 : i32
      %add3A_20 = arith.constant 0 : i32
      %add3A_21 = arith.addi %add3A_19, %add3A_20 : i32
      %dma_start3A = arith.constant 0 : i32
      %dma_start3A_22 = arith.constant 0 : i32
      %dma_start3A_23 = tpu.memref_slice %arg2[%add3A_21, %dma_start3A, %dma_start3A_22] : memref<2560x2x128xi32, #tpu.memory_space<hbm>> -> memref<1x2x128xi32, #tpu.memory_space<hbm>>
      %dma_start3A_24 = tpu.memref_squeeze %dma_start3A_23 : memref<1x2x128xi32, #tpu.memory_space<hbm>> -> memref<2x128xi32, #tpu.memory_space<hbm>>
      %dma_start3A_25 = arith.constant 0 : i32
      %dma_start3A_26 = arith.constant 0 : i32
      %dma_start3A_27 = tpu.memref_slice %arg2[%add3A_21, %dma_start3A_25, %dma_start3A_26] : memref<2560x2x128xi32, #tpu.memory_space<hbm>> -> memref<1x2x128xi32, #tpu.memory_space<hbm>>
      %dma_start3A_28 = tpu.memref_squeeze %dma_start3A_27 : memref<1x2x128xi32, #tpu.memory_space<hbm>> -> memref<2x128xi32, #tpu.memory_space<hbm>>
      tpu.enqueue_dma source(%dma_start3A_28 : memref<2x128xi32, #tpu.memory_space<hbm>>) target(%arg9 : memref<2x128xi32, #tpu.memory_space<vmem>>) target_semaphore(%arg17 : memref<!tpu.dma_semaphore, #tpu.memory_space<semaphore_mem>>)
      %add3A_29 = arith.constant 1 : i32
      %add3A_30 = arith.addi %add3A_19, %add3A_29 : i32
      %dma_start3A_31 = arith.constant 0 : i32
      %dma_start3A_32 = arith.constant 0 : i32
      %dma_start3A_33 = tpu.memref_slice %arg2[%add3A_30, %dma_start3A_31, %dma_start3A_32] : memref<2560x2x128xi32, #tpu.memory_space<hbm>> -> memref<1x2x128xi32, #tpu.memory_space<hbm>>
      %dma_start3A_34 = tpu.memref_squeeze %dma_start3A_33 : memref<1x2x128xi32, #tpu.memory_space<hbm>> -> memref<2x128xi32, #tpu.memory_space<hbm>>
      %dma_start3A_35 = arith.constant 0 : i32
      %dma_start3A_36 = arith.constant 0 : i32
      %dma_start3A_37 = tpu.memref_slice %arg2[%add3A_30, %dma_start3A_35, %dma_start3A_36] : memref<2560x2x128xi32, #tpu.memory_space<hbm>> -> memref<1x2x128xi32, #tpu.memory_space<hbm>>
      %dma_start3A_38 = tpu.memref_squeeze %dma_start3A_37 : memref<1x2x128xi32, #tpu.memory_space<hbm>> -> memref<2x128xi32, #tpu.memory_space<hbm>>
      tpu.enqueue_dma source(%dma_start3A_38 : memref<2x128xi32, #tpu.memory_space<hbm>>) target(%arg10 : memref<2x128xi32, #tpu.memory_space<vmem>>) target_semaphore(%arg18 : memref<!tpu.dma_semaphore, #tpu.memory_space<semaphore_mem>>)
      %add3A_39 = arith.constant 2 : i32
      %add3A_40 = arith.addi %add3A_19, %add3A_39 : i32
      %dma_start3A_41 = arith.constant 0 : i32
      %dma_start3A_42 = arith.constant 0 : i32
      %dma_start3A_43 = tpu.memref_slice %arg2[%add3A_40, %dma_start3A_41, %dma_start3A_42] : memref<2560x2x128xi32, #tpu.memory_space<hbm>> -> memref<1x2x128xi32, #tpu.memory_space<hbm>>
      %dma_start3A_44 = tpu.memref_squeeze %dma_start3A_43 : memref<1x2x128xi32, #tpu.memory_space<hbm>> -> memref<2x128xi32, #tpu.memory_space<hbm>>
      %dma_start3A_45 = arith.constant 0 : i32
      %dma_start3A_46 = arith.constant 0 : i32
      %dma_start3A_47 = tpu.memref_slice %arg2[%add3A_40, %dma_start3A_45, %dma_start3A_46] : memref<2560x2x128xi32, #tpu.memory_space<hbm>> -> memref<1x2x128xi32, #tpu.memory_space<hbm>>
      %dma_start3A_48 = tpu.memref_squeeze %dma_start3A_47 : memref<1x2x128xi32, #tpu.memory_space<hbm>> -> memref<2x128xi32, #tpu.memory_space<hbm>>
      tpu.enqueue_dma source(%dma_start3A_48 : memref<2x128xi32, #tpu.memory_space<hbm>>) target(%arg11 : memref<2x128xi32, #tpu.memory_space<vmem>>) target_semaphore(%arg19 : memref<!tpu.dma_semaphore, #tpu.memory_space<semaphore_mem>>)
      %add3A_49 = arith.constant 3 : i32
      %add3A_50 = arith.addi %add3A_19, %add3A_49 : i32
      %dma_start3A_51 = arith.constant 0 : i32
      %dma_start3A_52 = arith.constant 0 : i32
      %dma_start3A_53 = tpu.memref_slice %arg2[%add3A_50, %dma_start3A_51, %dma_start3A_52] : memref<2560x2x128xi32, #tpu.memory_space<hbm>> -> memref<1x2x128xi32, #tpu.memory_space<hbm>>
      %dma_start3A_54 = tpu.memref_squeeze %dma_start3A_53 : memref<1x2x128xi32, #tpu.memory_space<hbm>> -> memref<2x128xi32, #tpu.memory_space<hbm>>
      %dma_start3A_55 = arith.constant 0 : i32
      %dma_start3A_56 = arith.constant 0 : i32
      %dma_start3A_57 = tpu.memref_slice %arg2[%add3A_50, %dma_start3A_55, %dma_start3A_56] : memref<2560x2x128xi32, #tpu.memory_space<hbm>> -> memref<1x2x128xi32, #tpu.memory_space<hbm>>
      %dma_start3A_58 = tpu.memref_squeeze %dma_start3A_57 : memref<1x2x128xi32, #tpu.memory_space<hbm>> -> memref<2x128xi32, #tpu.memory_space<hbm>>
      tpu.enqueue_dma source(%dma_start3A_58 : memref<2x128xi32, #tpu.memory_space<hbm>>) target(%arg12 : memref<2x128xi32, #tpu.memory_space<vmem>>) target_semaphore(%arg20 : memref<!tpu.dma_semaphore, #tpu.memory_space<semaphore_mem>>)
      %add3A_59 = arith.constant 4 : i32
      %add3A_60 = arith.addi %add3A_19, %add3A_59 : i32
      %dma_start3A_61 = arith.constant 0 : i32
      %dma_start3A_62 = arith.constant 0 : i32
      %dma_start3A_63 = tpu.memref_slice %arg2[%add3A_60, %dma_start3A_61, %dma_start3A_62] : memref<2560x2x128xi32, #tpu.memory_space<hbm>> -> memref<1x2x128xi32, #tpu.memory_space<hbm>>
      %dma_start3A_64 = tpu.memref_squeeze %dma_start3A_63 : memref<1x2x128xi32, #tpu.memory_space<hbm>> -> memref<2x128xi32, #tpu.memory_space<hbm>>
      %dma_start3A_65 = arith.constant 0 : i32
      %dma_start3A_66 = arith.constant 0 : i32
      %dma_start3A_67 = tpu.memref_slice %arg2[%add3A_60, %dma_start3A_65, %dma_start3A_66] : memref<2560x2x128xi32, #tpu.memory_space<hbm>> -> memref<1x2x128xi32, #tpu.memory_space<hbm>>
      %dma_start3A_68 = tpu.memref_squeeze %dma_start3A_67 : memref<1x2x128xi32, #tpu.memory_space<hbm>> -> memref<2x128xi32, #tpu.memory_space<hbm>>
      tpu.enqueue_dma source(%dma_start3A_68 : memref<2x128xi32, #tpu.memory_space<hbm>>) target(%arg13 : memref<2x128xi32, #tpu.memory_space<vmem>>) target_semaphore(%arg21 : memref<!tpu.dma_semaphore, #tpu.memory_space<semaphore_mem>>)
      %add3A_69 = arith.constant 5 : i32
      %add3A_70 = arith.addi %add3A_19, %add3A_69 : i32
      %dma_start3A_71 = arith.constant 0 : i32
      %dma_start3A_72 = arith.constant 0 : i32
      %dma_start3A_73 = tpu.memref_slice %arg2[%add3A_70, %dma_start3A_71, %dma_start3A_72] : memref<2560x2x128xi32, #tpu.memory_space<hbm>> -> memref<1x2x128xi32, #tpu.memory_space<hbm>>
      %dma_start3A_74 = tpu.memref_squeeze %dma_start3A_73 : memref<1x2x128xi32, #tpu.memory_space<hbm>> -> memref<2x128xi32, #tpu.memory_space<hbm>>
      %dma_start3A_75 = arith.constant 0 : i32
      %dma_start3A_76 = arith.constant 0 : i32
      %dma_start3A_77 = tpu.memref_slice %arg2[%add3A_70, %dma_start3A_75, %dma_start3A_76] : memref<2560x2x128xi32, #tpu.memory_space<hbm>> -> memref<1x2x128xi32, #tpu.memory_space<hbm>>
      %dma_start3A_78 = tpu.memref_squeeze %dma_start3A_77 : memref<1x2x128xi32, #tpu.memory_space<hbm>> -> memref<2x128xi32, #tpu.memory_space<hbm>>
      tpu.enqueue_dma source(%dma_start3A_78 : memref<2x128xi32, #tpu.memory_space<hbm>>) target(%arg14 : memref<2x128xi32, #tpu.memory_space<vmem>>) target_semaphore(%arg22 : memref<!tpu.dma_semaphore, #tpu.memory_space<semaphore_mem>>)
      %add3A_79 = arith.constant 6 : i32
      %add3A_80 = arith.addi %add3A_19, %add3A_79 : i32
      %dma_start3A_81 = arith.constant 0 : i32
      %dma_start3A_82 = arith.constant 0 : i32
      %dma_start3A_83 = tpu.memref_slice %arg2[%add3A_80, %dma_start3A_81, %dma_start3A_82] : memref<2560x2x128xi32, #tpu.memory_space<hbm>> -> memref<1x2x128xi32, #tpu.memory_space<hbm>>
      %dma_start3A_84 = tpu.memref_squeeze %dma_start3A_83 : memref<1x2x128xi32, #tpu.memory_space<hbm>> -> memref<2x128xi32, #tpu.memory_space<hbm>>
      %dma_start3A_85 = arith.constant 0 : i32
      %dma_start3A_86 = arith.constant 0 : i32
      %dma_start3A_87 = tpu.memref_slice %arg2[%add3A_80, %dma_start3A_85, %dma_start3A_86] : memref<2560x2x128xi32, #tpu.memory_space<hbm>> -> memref<1x2x128xi32, #tpu.memory_space<hbm>>
      %dma_start3A_88 = tpu.memref_squeeze %dma_start3A_87 : memref<1x2x128xi32, #tpu.memory_space<hbm>> -> memref<2x128xi32, #tpu.memory_space<hbm>>
      tpu.enqueue_dma source(%dma_start3A_88 : memref<2x128xi32, #tpu.memory_space<hbm>>) target(%arg15 : memref<2x128xi32, #tpu.memory_space<vmem>>) target_semaphore(%arg23 : memref<!tpu.dma_semaphore, #tpu.memory_space<semaphore_mem>>)
      %add3A_89 = arith.constant 7 : i32
      %add3A_90 = arith.addi %add3A_19, %add3A_89 : i32
      %dma_start3A_91 = arith.constant 0 : i32
      %dma_start3A_92 = arith.constant 0 : i32
      %dma_start3A_93 = tpu.memref_slice %arg2[%add3A_90, %dma_start3A_91, %dma_start3A_92] : memref<2560x2x128xi32, #tpu.memory_space<hbm>> -> memref<1x2x128xi32, #tpu.memory_space<hbm>>
      %dma_start3A_94 = tpu.memref_squeeze %dma_start3A_93 : memref<1x2x128xi32, #tpu.memory_space<hbm>> -> memref<2x128xi32, #tpu.memory_space<hbm>>
      %dma_start3A_95 = arith.constant 0 : i32
      %dma_start3A_96 = arith.constant 0 : i32
      %dma_start3A_97 = tpu.memref_slice %arg2[%add3A_90, %dma_start3A_95, %dma_start3A_96] : memref<2560x2x128xi32, #tpu.memory_space<hbm>> -> memref<1x2x128xi32, #tpu.memory_space<hbm>>
      %dma_start3A_98 = tpu.memref_squeeze %dma_start3A_97 : memref<1x2x128xi32, #tpu.memory_space<hbm>> -> memref<2x128xi32, #tpu.memory_space<hbm>>
      tpu.enqueue_dma source(%dma_start3A_98 : memref<2x128xi32, #tpu.memory_space<hbm>>) target(%arg16 : memref<2x128xi32, #tpu.memory_space<vmem>>) target_semaphore(%arg24 : memref<!tpu.dma_semaphore, #tpu.memory_space<semaphore_mem>>)
      %dma_wait3A = arith.constant 0 : i32
      %dma_wait3A_99 = arith.constant 0 : i32
      %dma_wait3A_100 = tpu.memref_slice %arg2[%add3A_21, %dma_wait3A, %dma_wait3A_99] : memref<2560x2x128xi32, #tpu.memory_space<hbm>> -> memref<1x2x128xi32, #tpu.memory_space<hbm>>
      %dma_wait3A_101 = tpu.memref_squeeze %dma_wait3A_100 : memref<1x2x128xi32, #tpu.memory_space<hbm>> -> memref<2x128xi32, #tpu.memory_space<hbm>>
      %dma_wait3A_102 = arith.constant 0 : i32
      %dma_wait3A_103 = arith.constant 0 : i32
      %dma_wait3A_104 = tpu.memref_slice %arg2[%add3A_21, %dma_wait3A_102, %dma_wait3A_103] : memref<2560x2x128xi32, #tpu.memory_space<hbm>> -> memref<1x2x128xi32, #tpu.memory_space<hbm>>
      %dma_wait3A_105 = tpu.memref_squeeze %dma_wait3A_104 : memref<1x2x128xi32, #tpu.memory_space<hbm>> -> memref<2x128xi32, #tpu.memory_space<hbm>>
      tpu.wait_dma2 semaphore(%arg17 : memref<!tpu.dma_semaphore, #tpu.memory_space<semaphore_mem>>) src(%dma_wait3A_105 : memref<2x128xi32, #tpu.memory_space<hbm>>) dst(%arg9 : memref<2x128xi32, #tpu.memory_space<vmem>>)
      %dma_start3A_106 = arith.constant 1 : i32
      %dma_start3A_107 = arith.constant 0 : i32
      %dma_start3A_108 = tpu.memref_slice %arg9[%dma_start3A_106, %dma_start3A_107] : memref<2x128xi32, #tpu.memory_space<vmem>> -> memref<1x128xi32, #tpu.memory_space<vmem>>
      %dma_start3A_109 = tpu.memref_squeeze %dma_start3A_108 : memref<1x128xi32, #tpu.memory_space<vmem>> -> memref<128xi32, #tpu.memory_space<vmem>>
      %dma_start3A_110 = arith.constant 0 : i32
      %dma_start3A_111 = tpu.memref_slice %arg6[%dma_start3A_110] : memref<10240xf32, #tpu.memory_space<vmem_shared>> -> memref<10240xf32, #tpu.memory_space<vmem_shared>>
      tpu.enqueue_indirect_dma source(%arg8 : memref<128xf32, #tpu.memory_space<vmem>>) target(%dma_start3A_111 : memref<10240xf32, #tpu.memory_space<vmem_shared>>) offsets(%dma_start3A_109 : memref<128xi32, #tpu.memory_space<vmem>>) semaphore(%arg25 : memref<!tpu.dma_semaphore, #tpu.memory_space<semaphore_mem>>) {add = true}
      %dma_wait3A_112 = arith.constant 0 : i32
      %dma_wait3A_113 = arith.constant 0 : i32
      %dma_wait3A_114 = tpu.memref_slice %arg2[%add3A_30, %dma_wait3A_112, %dma_wait3A_113] : memref<2560x2x128xi32, #tpu.memory_space<hbm>> -> memref<1x2x128xi32, #tpu.memory_space<hbm>>
      %dma_wait3A_115 = tpu.memref_squeeze %dma_wait3A_114 : memref<1x2x128xi32, #tpu.memory_space<hbm>> -> memref<2x128xi32, #tpu.memory_space<hbm>>
      %dma_wait3A_116 = arith.constant 0 : i32
      %dma_wait3A_117 = arith.constant 0 : i32
      %dma_wait3A_118 = tpu.memref_slice %arg2[%add3A_30, %dma_wait3A_116, %dma_wait3A_117] : memref<2560x2x128xi32, #tpu.memory_space<hbm>> -> memref<1x2x128xi32, #tpu.memory_space<hbm>>
      %dma_wait3A_119 = tpu.memref_squeeze %dma_wait3A_118 : memref<1x2x128xi32, #tpu.memory_space<hbm>> -> memref<2x128xi32, #tpu.memory_space<hbm>>
      tpu.wait_dma2 semaphore(%arg18 : memref<!tpu.dma_semaphore, #tpu.memory_space<semaphore_mem>>) src(%dma_wait3A_119 : memref<2x128xi32, #tpu.memory_space<hbm>>) dst(%arg10 : memref<2x128xi32, #tpu.memory_space<vmem>>)
      %dma_start3A_120 = arith.constant 1 : i32
      %dma_start3A_121 = arith.constant 0 : i32
      %dma_start3A_122 = tpu.memref_slice %arg10[%dma_start3A_120, %dma_start3A_121] : memref<2x128xi32, #tpu.memory_space<vmem>> -> memref<1x128xi32, #tpu.memory_space<vmem>>
      %dma_start3A_123 = tpu.memref_squeeze %dma_start3A_122 : memref<1x128xi32, #tpu.memory_space<vmem>> -> memref<128xi32, #tpu.memory_space<vmem>>
      %dma_start3A_124 = arith.constant 0 : i32
      %dma_start3A_125 = tpu.memref_slice %arg6[%dma_start3A_124] : memref<10240xf32, #tpu.memory_space<vmem_shared>> -> memref<10240xf32, #tpu.memory_space<vmem_shared>>
      tpu.enqueue_indirect_dma source(%arg8 : memref<128xf32, #tpu.memory_space<vmem>>) target(%dma_start3A_125 : memref<10240xf32, #tpu.memory_space<vmem_shared>>) offsets(%dma_start3A_123 : memref<128xi32, #tpu.memory_space<vmem>>) semaphore(%arg26 : memref<!tpu.dma_semaphore, #tpu.memory_space<semaphore_mem>>) {add = true}
      %dma_wait3A_126 = arith.constant 0 : i32
      %dma_wait3A_127 = arith.constant 0 : i32
      %dma_wait3A_128 = tpu.memref_slice %arg2[%add3A_40, %dma_wait3A_126, %dma_wait3A_127] : memref<2560x2x128xi32, #tpu.memory_space<hbm>> -> memref<1x2x128xi32, #tpu.memory_space<hbm>>
      %dma_wait3A_129 = tpu.memref_squeeze %dma_wait3A_128 : memref<1x2x128xi32, #tpu.memory_space<hbm>> -> memref<2x128xi32, #tpu.memory_space<hbm>>
      %dma_wait3A_130 = arith.constant 0 : i32
      %dma_wait3A_131 = arith.constant 0 : i32
      %dma_wait3A_132 = tpu.memref_slice %arg2[%add3A_40, %dma_wait3A_130, %dma_wait3A_131] : memref<2560x2x128xi32, #tpu.memory_space<hbm>> -> memref<1x2x128xi32, #tpu.memory_space<hbm>>
      %dma_wait3A_133 = tpu.memref_squeeze %dma_wait3A_132 : memref<1x2x128xi32, #tpu.memory_space<hbm>> -> memref<2x128xi32, #tpu.memory_space<hbm>>
      tpu.wait_dma2 semaphore(%arg19 : memref<!tpu.dma_semaphore, #tpu.memory_space<semaphore_mem>>) src(%dma_wait3A_133 : memref<2x128xi32, #tpu.memory_space<hbm>>) dst(%arg11 : memref<2x128xi32, #tpu.memory_space<vmem>>)
      %dma_start3A_134 = arith.constant 1 : i32
      %dma_start3A_135 = arith.constant 0 : i32
      %dma_start3A_136 = tpu.memref_slice %arg11[%dma_start3A_134, %dma_start3A_135] : memref<2x128xi32, #tpu.memory_space<vmem>> -> memref<1x128xi32, #tpu.memory_space<vmem>>
      %dma_start3A_137 = tpu.memref_squeeze %dma_start3A_136 : memref<1x128xi32, #tpu.memory_space<vmem>> -> memref<128xi32, #tpu.memory_space<vmem>>
      %dma_start3A_138 = arith.constant 0 : i32
      %dma_start3A_139 = tpu.memref_slice %arg6[%dma_start3A_138] : memref<10240xf32, #tpu.memory_space<vmem_shared>> -> memref<10240xf32, #tpu.memory_space<vmem_shared>>
      tpu.enqueue_indirect_dma source(%arg8 : memref<128xf32, #tpu.memory_space<vmem>>) target(%dma_start3A_139 : memref<10240xf32, #tpu.memory_space<vmem_shared>>) offsets(%dma_start3A_137 : memref<128xi32, #tpu.memory_space<vmem>>) semaphore(%arg27 : memref<!tpu.dma_semaphore, #tpu.memory_space<semaphore_mem>>) {add = true}
      %dma_wait3A_140 = arith.constant 0 : i32
      %dma_wait3A_141 = arith.constant 0 : i32
      %dma_wait3A_142 = tpu.memref_slice %arg2[%add3A_50, %dma_wait3A_140, %dma_wait3A_141] : memref<2560x2x128xi32, #tpu.memory_space<hbm>> -> memref<1x2x128xi32, #tpu.memory_space<hbm>>
      %dma_wait3A_143 = tpu.memref_squeeze %dma_wait3A_142 : memref<1x2x128xi32, #tpu.memory_space<hbm>> -> memref<2x128xi32, #tpu.memory_space<hbm>>
      %dma_wait3A_144 = arith.constant 0 : i32
      %dma_wait3A_145 = arith.constant 0 : i32
      %dma_wait3A_146 = tpu.memref_slice %arg2[%add3A_50, %dma_wait3A_144, %dma_wait3A_145] : memref<2560x2x128xi32, #tpu.memory_space<hbm>> -> memref<1x2x128xi32, #tpu.memory_space<hbm>>
      %dma_wait3A_147 = tpu.memref_squeeze %dma_wait3A_146 : memref<1x2x128xi32, #tpu.memory_space<hbm>> -> memref<2x128xi32, #tpu.memory_space<hbm>>
      tpu.wait_dma2 semaphore(%arg20 : memref<!tpu.dma_semaphore, #tpu.memory_space<semaphore_mem>>) src(%dma_wait3A_147 : memref<2x128xi32, #tpu.memory_space<hbm>>) dst(%arg12 : memref<2x128xi32, #tpu.memory_space<vmem>>)
      %dma_start3A_148 = arith.constant 1 : i32
      %dma_start3A_149 = arith.constant 0 : i32
      %dma_start3A_150 = tpu.memref_slice %arg12[%dma_start3A_148, %dma_start3A_149] : memref<2x128xi32, #tpu.memory_space<vmem>> -> memref<1x128xi32, #tpu.memory_space<vmem>>
      %dma_start3A_151 = tpu.memref_squeeze %dma_start3A_150 : memref<1x128xi32, #tpu.memory_space<vmem>> -> memref<128xi32, #tpu.memory_space<vmem>>
      %dma_start3A_152 = arith.constant 0 : i32
      %dma_start3A_153 = tpu.memref_slice %arg6[%dma_start3A_152] : memref<10240xf32, #tpu.memory_space<vmem_shared>> -> memref<10240xf32, #tpu.memory_space<vmem_shared>>
      tpu.enqueue_indirect_dma source(%arg8 : memref<128xf32, #tpu.memory_space<vmem>>) target(%dma_start3A_153 : memref<10240xf32, #tpu.memory_space<vmem_shared>>) offsets(%dma_start3A_151 : memref<128xi32, #tpu.memory_space<vmem>>) semaphore(%arg28 : memref<!tpu.dma_semaphore, #tpu.memory_space<semaphore_mem>>) {add = true}
      %dma_wait3A_154 = arith.constant 0 : i32
      %dma_wait3A_155 = arith.constant 0 : i32
      %dma_wait3A_156 = tpu.memref_slice %arg2[%add3A_60, %dma_wait3A_154, %dma_wait3A_155] : memref<2560x2x128xi32, #tpu.memory_space<hbm>> -> memref<1x2x128xi32, #tpu.memory_space<hbm>>
      %dma_wait3A_157 = tpu.memref_squeeze %dma_wait3A_156 : memref<1x2x128xi32, #tpu.memory_space<hbm>> -> memref<2x128xi32, #tpu.memory_space<hbm>>
      %dma_wait3A_158 = arith.constant 0 : i32
      %dma_wait3A_159 = arith.constant 0 : i32
      %dma_wait3A_160 = tpu.memref_slice %arg2[%add3A_60, %dma_wait3A_158, %dma_wait3A_159] : memref<2560x2x128xi32, #tpu.memory_space<hbm>> -> memref<1x2x128xi32, #tpu.memory_space<hbm>>
      %dma_wait3A_161 = tpu.memref_squeeze %dma_wait3A_160 : memref<1x2x128xi32, #tpu.memory_space<hbm>> -> memref<2x128xi32, #tpu.memory_space<hbm>>
      tpu.wait_dma2 semaphore(%arg21 : memref<!tpu.dma_semaphore, #tpu.memory_space<semaphore_mem>>) src(%dma_wait3A_161 : memref<2x128xi32, #tpu.memory_space<hbm>>) dst(%arg13 : memref<2x128xi32, #tpu.memory_space<vmem>>)
      %dma_start3A_162 = arith.constant 1 : i32
      %dma_start3A_163 = arith.constant 0 : i32
      %dma_start3A_164 = tpu.memref_slice %arg13[%dma_start3A_162, %dma_start3A_163] : memref<2x128xi32, #tpu.memory_space<vmem>> -> memref<1x128xi32, #tpu.memory_space<vmem>>
      %dma_start3A_165 = tpu.memref_squeeze %dma_start3A_164 : memref<1x128xi32, #tpu.memory_space<vmem>> -> memref<128xi32, #tpu.memory_space<vmem>>
      %dma_start3A_166 = arith.constant 0 : i32
      %dma_start3A_167 = tpu.memref_slice %arg6[%dma_start3A_166] : memref<10240xf32, #tpu.memory_space<vmem_shared>> -> memref<10240xf32, #tpu.memory_space<vmem_shared>>
      tpu.enqueue_indirect_dma source(%arg8 : memref<128xf32, #tpu.memory_space<vmem>>) target(%dma_start3A_167 : memref<10240xf32, #tpu.memory_space<vmem_shared>>) offsets(%dma_start3A_165 : memref<128xi32, #tpu.memory_space<vmem>>) semaphore(%arg29 : memref<!tpu.dma_semaphore, #tpu.memory_space<semaphore_mem>>) {add = true}
      %dma_wait3A_168 = arith.constant 0 : i32
      %dma_wait3A_169 = arith.constant 0 : i32
      %dma_wait3A_170 = tpu.memref_slice %arg2[%add3A_70, %dma_wait3A_168, %dma_wait3A_169] : memref<2560x2x128xi32, #tpu.memory_space<hbm>> -> memref<1x2x128xi32, #tpu.memory_space<hbm>>
      %dma_wait3A_171 = tpu.memref_squeeze %dma_wait3A_170 : memref<1x2x128xi32, #tpu.memory_space<hbm>> -> memref<2x128xi32, #tpu.memory_space<hbm>>
      %dma_wait3A_172 = arith.constant 0 : i32
      %dma_wait3A_173 = arith.constant 0 : i32
      %dma_wait3A_174 = tpu.memref_slice %arg2[%add3A_70, %dma_wait3A_172, %dma_wait3A_173] : memref<2560x2x128xi32, #tpu.memory_space<hbm>> -> memref<1x2x128xi32, #tpu.memory_space<hbm>>
      %dma_wait3A_175 = tpu.memref_squeeze %dma_wait3A_174 : memref<1x2x128xi32, #tpu.memory_space<hbm>> -> memref<2x128xi32, #tpu.memory_space<hbm>>
      tpu.wait_dma2 semaphore(%arg22 : memref<!tpu.dma_semaphore, #tpu.memory_space<semaphore_mem>>) src(%dma_wait3A_175 : memref<2x128xi32, #tpu.memory_space<hbm>>) dst(%arg14 : memref<2x128xi32, #tpu.memory_space<vmem>>)
      %dma_start3A_176 = arith.constant 1 : i32
      %dma_start3A_177 = arith.constant 0 : i32
      %dma_start3A_178 = tpu.memref_slice %arg14[%dma_start3A_176, %dma_start3A_177] : memref<2x128xi32, #tpu.memory_space<vmem>> -> memref<1x128xi32, #tpu.memory_space<vmem>>
      %dma_start3A_179 = tpu.memref_squeeze %dma_start3A_178 : memref<1x128xi32, #tpu.memory_space<vmem>> -> memref<128xi32, #tpu.memory_space<vmem>>
      %dma_start3A_180 = arith.constant 0 : i32
      %dma_start3A_181 = tpu.memref_slice %arg6[%dma_start3A_180] : memref<10240xf32, #tpu.memory_space<vmem_shared>> -> memref<10240xf32, #tpu.memory_space<vmem_shared>>
      tpu.enqueue_indirect_dma source(%arg8 : memref<128xf32, #tpu.memory_space<vmem>>) target(%dma_start3A_181 : memref<10240xf32, #tpu.memory_space<vmem_shared>>) offsets(%dma_start3A_179 : memref<128xi32, #tpu.memory_space<vmem>>) semaphore(%arg30 : memref<!tpu.dma_semaphore, #tpu.memory_space<semaphore_mem>>) {add = true}
      %dma_wait3A_182 = arith.constant 0 : i32
      %dma_wait3A_183 = arith.constant 0 : i32
      %dma_wait3A_184 = tpu.memref_slice %arg2[%add3A_80, %dma_wait3A_182, %dma_wait3A_183] : memref<2560x2x128xi32, #tpu.memory_space<hbm>> -> memref<1x2x128xi32, #tpu.memory_space<hbm>>
      %dma_wait3A_185 = tpu.memref_squeeze %dma_wait3A_184 : memref<1x2x128xi32, #tpu.memory_space<hbm>> -> memref<2x128xi32, #tpu.memory_space<hbm>>
      %dma_wait3A_186 = arith.constant 0 : i32
      %dma_wait3A_187 = arith.constant 0 : i32
      %dma_wait3A_188 = tpu.memref_slice %arg2[%add3A_80, %dma_wait3A_186, %dma_wait3A_187] : memref<2560x2x128xi32, #tpu.memory_space<hbm>> -> memref<1x2x128xi32, #tpu.memory_space<hbm>>
      %dma_wait3A_189 = tpu.memref_squeeze %dma_wait3A_188 : memref<1x2x128xi32, #tpu.memory_space<hbm>> -> memref<2x128xi32, #tpu.memory_space<hbm>>
      tpu.wait_dma2 semaphore(%arg23 : memref<!tpu.dma_semaphore, #tpu.memory_space<semaphore_mem>>) src(%dma_wait3A_189 : memref<2x128xi32, #tpu.memory_space<hbm>>) dst(%arg15 : memref<2x128xi32, #tpu.memory_space<vmem>>)
      %dma_start3A_190 = arith.constant 1 : i32
      %dma_start3A_191 = arith.constant 0 : i32
      %dma_start3A_192 = tpu.memref_slice %arg15[%dma_start3A_190, %dma_start3A_191] : memref<2x128xi32, #tpu.memory_space<vmem>> -> memref<1x128xi32, #tpu.memory_space<vmem>>
      %dma_start3A_193 = tpu.memref_squeeze %dma_start3A_192 : memref<1x128xi32, #tpu.memory_space<vmem>> -> memref<128xi32, #tpu.memory_space<vmem>>
      %dma_start3A_194 = arith.constant 0 : i32
      %dma_start3A_195 = tpu.memref_slice %arg6[%dma_start3A_194] : memref<10240xf32, #tpu.memory_space<vmem_shared>> -> memref<10240xf32, #tpu.memory_space<vmem_shared>>
      tpu.enqueue_indirect_dma source(%arg8 : memref<128xf32, #tpu.memory_space<vmem>>) target(%dma_start3A_195 : memref<10240xf32, #tpu.memory_space<vmem_shared>>) offsets(%dma_start3A_193 : memref<128xi32, #tpu.memory_space<vmem>>) semaphore(%arg31 : memref<!tpu.dma_semaphore, #tpu.memory_space<semaphore_mem>>) {add = true}
      %dma_wait3A_196 = arith.constant 0 : i32
      %dma_wait3A_197 = arith.constant 0 : i32
      %dma_wait3A_198 = tpu.memref_slice %arg2[%add3A_90, %dma_wait3A_196, %dma_wait3A_197] : memref<2560x2x128xi32, #tpu.memory_space<hbm>> -> memref<1x2x128xi32, #tpu.memory_space<hbm>>
      %dma_wait3A_199 = tpu.memref_squeeze %dma_wait3A_198 : memref<1x2x128xi32, #tpu.memory_space<hbm>> -> memref<2x128xi32, #tpu.memory_space<hbm>>
      %dma_wait3A_200 = arith.constant 0 : i32
      %dma_wait3A_201 = arith.constant 0 : i32
      %dma_wait3A_202 = tpu.memref_slice %arg2[%add3A_90, %dma_wait3A_200, %dma_wait3A_201] : memref<2560x2x128xi32, #tpu.memory_space<hbm>> -> memref<1x2x128xi32, #tpu.memory_space<hbm>>
      %dma_wait3A_203 = tpu.memref_squeeze %dma_wait3A_202 : memref<1x2x128xi32, #tpu.memory_space<hbm>> -> memref<2x128xi32, #tpu.memory_space<hbm>>
      tpu.wait_dma2 semaphore(%arg24 : memref<!tpu.dma_semaphore, #tpu.memory_space<semaphore_mem>>) src(%dma_wait3A_203 : memref<2x128xi32, #tpu.memory_space<hbm>>) dst(%arg16 : memref<2x128xi32, #tpu.memory_space<vmem>>)
      %dma_start3A_204 = arith.constant 1 : i32
      %dma_start3A_205 = arith.constant 0 : i32
      %dma_start3A_206 = tpu.memref_slice %arg16[%dma_start3A_204, %dma_start3A_205] : memref<2x128xi32, #tpu.memory_space<vmem>> -> memref<1x128xi32, #tpu.memory_space<vmem>>
      %dma_start3A_207 = tpu.memref_squeeze %dma_start3A_206 : memref<1x128xi32, #tpu.memory_space<vmem>> -> memref<128xi32, #tpu.memory_space<vmem>>
      %dma_start3A_208 = arith.constant 0 : i32
      %dma_start3A_209 = tpu.memref_slice %arg6[%dma_start3A_208] : memref<10240xf32, #tpu.memory_space<vmem_shared>> -> memref<10240xf32, #tpu.memory_space<vmem_shared>>
      tpu.enqueue_indirect_dma source(%arg8 : memref<128xf32, #tpu.memory_space<vmem>>) target(%dma_start3A_209 : memref<10240xf32, #tpu.memory_space<vmem_shared>>) offsets(%dma_start3A_207 : memref<128xi32, #tpu.memory_space<vmem>>) semaphore(%arg32 : memref<!tpu.dma_semaphore, #tpu.memory_space<semaphore_mem>>) {add = true}
      %dma_wait3A_210 = arith.constant 1 : i32
      %dma_wait3A_211 = arith.constant 0 : i32
      %dma_wait3A_212 = tpu.memref_slice %arg9[%dma_wait3A_210, %dma_wait3A_211] : memref<2x128xi32, #tpu.memory_space<vmem>> -> memref<1x128xi32, #tpu.memory_space<vmem>>
      %dma_wait3A_213 = tpu.memref_squeeze %dma_wait3A_212 : memref<1x128xi32, #tpu.memory_space<vmem>> -> memref<128xi32, #tpu.memory_space<vmem>>
      %dma_wait3A_214 = arith.constant 0 : i32
      %dma_wait3A_215 = tpu.memref_slice %arg6[%dma_wait3A_214] : memref<10240xf32, #tpu.memory_space<vmem_shared>> -> memref<10240xf32, #tpu.memory_space<vmem_shared>>
      tpu.wait_indirect_dma semaphore(%arg25 : memref<!tpu.dma_semaphore, #tpu.memory_space<semaphore_mem>>) src(%arg8 : memref<128xf32, #tpu.memory_space<vmem>>) dst(%dma_wait3A_215 : memref<10240xf32, #tpu.memory_space<vmem_shared>>)
      %dma_wait3A_216 = arith.constant 1 : i32
      %dma_wait3A_217 = arith.constant 0 : i32
      %dma_wait3A_218 = tpu.memref_slice %arg10[%dma_wait3A_216, %dma_wait3A_217] : memref<2x128xi32, #tpu.memory_space<vmem>> -> memref<1x128xi32, #tpu.memory_space<vmem>>
      %dma_wait3A_219 = tpu.memref_squeeze %dma_wait3A_218 : memref<1x128xi32, #tpu.memory_space<vmem>> -> memref<128xi32, #tpu.memory_space<vmem>>
      %dma_wait3A_220 = arith.constant 0 : i32
      %dma_wait3A_221 = tpu.memref_slice %arg6[%dma_wait3A_220] : memref<10240xf32, #tpu.memory_space<vmem_shared>> -> memref<10240xf32, #tpu.memory_space<vmem_shared>>
      tpu.wait_indirect_dma semaphore(%arg26 : memref<!tpu.dma_semaphore, #tpu.memory_space<semaphore_mem>>) src(%arg8 : memref<128xf32, #tpu.memory_space<vmem>>) dst(%dma_wait3A_221 : memref<10240xf32, #tpu.memory_space<vmem_shared>>)
      %dma_wait3A_222 = arith.constant 1 : i32
      %dma_wait3A_223 = arith.constant 0 : i32
      %dma_wait3A_224 = tpu.memref_slice %arg11[%dma_wait3A_222, %dma_wait3A_223] : memref<2x128xi32, #tpu.memory_space<vmem>> -> memref<1x128xi32, #tpu.memory_space<vmem>>
      %dma_wait3A_225 = tpu.memref_squeeze %dma_wait3A_224 : memref<1x128xi32, #tpu.memory_space<vmem>> -> memref<128xi32, #tpu.memory_space<vmem>>
      %dma_wait3A_226 = arith.constant 0 : i32
      %dma_wait3A_227 = tpu.memref_slice %arg6[%dma_wait3A_226] : memref<10240xf32, #tpu.memory_space<vmem_shared>> -> memref<10240xf32, #tpu.memory_space<vmem_shared>>
      tpu.wait_indirect_dma semaphore(%arg27 : memref<!tpu.dma_semaphore, #tpu.memory_space<semaphore_mem>>) src(%arg8 : memref<128xf32, #tpu.memory_space<vmem>>) dst(%dma_wait3A_227 : memref<10240xf32, #tpu.memory_space<vmem_shared>>)
      %dma_wait3A_228 = arith.constant 1 : i32
      %dma_wait3A_229 = arith.constant 0 : i32
      %dma_wait3A_230 = tpu.memref_slice %arg12[%dma_wait3A_228, %dma_wait3A_229] : memref<2x128xi32, #tpu.memory_space<vmem>> -> memref<1x128xi32, #tpu.memory_space<vmem>>
      %dma_wait3A_231 = tpu.memref_squeeze %dma_wait3A_230 : memref<1x128xi32, #tpu.memory_space<vmem>> -> memref<128xi32, #tpu.memory_space<vmem>>
      %dma_wait3A_232 = arith.constant 0 : i32
      %dma_wait3A_233 = tpu.memref_slice %arg6[%dma_wait3A_232] : memref<10240xf32, #tpu.memory_space<vmem_shared>> -> memref<10240xf32, #tpu.memory_space<vmem_shared>>
      tpu.wait_indirect_dma semaphore(%arg28 : memref<!tpu.dma_semaphore, #tpu.memory_space<semaphore_mem>>) src(%arg8 : memref<128xf32, #tpu.memory_space<vmem>>) dst(%dma_wait3A_233 : memref<10240xf32, #tpu.memory_space<vmem_shared>>)
      %dma_wait3A_234 = arith.constant 1 : i32
      %dma_wait3A_235 = arith.constant 0 : i32
      %dma_wait3A_236 = tpu.memref_slice %arg13[%dma_wait3A_234, %dma_wait3A_235] : memref<2x128xi32, #tpu.memory_space<vmem>> -> memref<1x128xi32, #tpu.memory_space<vmem>>
      %dma_wait3A_237 = tpu.memref_squeeze %dma_wait3A_236 : memref<1x128xi32, #tpu.memory_space<vmem>> -> memref<128xi32, #tpu.memory_space<vmem>>
      %dma_wait3A_238 = arith.constant 0 : i32
      %dma_wait3A_239 = tpu.memref_slice %arg6[%dma_wait3A_238] : memref<10240xf32, #tpu.memory_space<vmem_shared>> -> memref<10240xf32, #tpu.memory_space<vmem_shared>>
      tpu.wait_indirect_dma semaphore(%arg29 : memref<!tpu.dma_semaphore, #tpu.memory_space<semaphore_mem>>) src(%arg8 : memref<128xf32, #tpu.memory_space<vmem>>) dst(%dma_wait3A_239 : memref<10240xf32, #tpu.memory_space<vmem_shared>>)
      %dma_wait3A_240 = arith.constant 1 : i32
      %dma_wait3A_241 = arith.constant 0 : i32
      %dma_wait3A_242 = tpu.memref_slice %arg14[%dma_wait3A_240, %dma_wait3A_241] : memref<2x128xi32, #tpu.memory_space<vmem>> -> memref<1x128xi32, #tpu.memory_space<vmem>>
      %dma_wait3A_243 = tpu.memref_squeeze %dma_wait3A_242 : memref<1x128xi32, #tpu.memory_space<vmem>> -> memref<128xi32, #tpu.memory_space<vmem>>
      %dma_wait3A_244 = arith.constant 0 : i32
      %dma_wait3A_245 = tpu.memref_slice %arg6[%dma_wait3A_244] : memref<10240xf32, #tpu.memory_space<vmem_shared>> -> memref<10240xf32, #tpu.memory_space<vmem_shared>>
      tpu.wait_indirect_dma semaphore(%arg30 : memref<!tpu.dma_semaphore, #tpu.memory_space<semaphore_mem>>) src(%arg8 : memref<128xf32, #tpu.memory_space<vmem>>) dst(%dma_wait3A_245 : memref<10240xf32, #tpu.memory_space<vmem_shared>>)
      %dma_wait3A_246 = arith.constant 1 : i32
      %dma_wait3A_247 = arith.constant 0 : i32
      %dma_wait3A_248 = tpu.memref_slice %arg15[%dma_wait3A_246, %dma_wait3A_247] : memref<2x128xi32, #tpu.memory_space<vmem>> -> memref<1x128xi32, #tpu.memory_space<vmem>>
      %dma_wait3A_249 = tpu.memref_squeeze %dma_wait3A_248 : memref<1x128xi32, #tpu.memory_space<vmem>> -> memref<128xi32, #tpu.memory_space<vmem>>
      %dma_wait3A_250 = arith.constant 0 : i32
      %dma_wait3A_251 = tpu.memref_slice %arg6[%dma_wait3A_250] : memref<10240xf32, #tpu.memory_space<vmem_shared>> -> memref<10240xf32, #tpu.memory_space<vmem_shared>>
      tpu.wait_indirect_dma semaphore(%arg31 : memref<!tpu.dma_semaphore, #tpu.memory_space<semaphore_mem>>) src(%arg8 : memref<128xf32, #tpu.memory_space<vmem>>) dst(%dma_wait3A_251 : memref<10240xf32, #tpu.memory_space<vmem_shared>>)
      %dma_wait3A_252 = arith.constant 1 : i32
      %dma_wait3A_253 = arith.constant 0 : i32
      %dma_wait3A_254 = tpu.memref_slice %arg16[%dma_wait3A_252, %dma_wait3A_253] : memref<2x128xi32, #tpu.memory_space<vmem>> -> memref<1x128xi32, #tpu.memory_space<vmem>>
      %dma_wait3A_255 = tpu.memref_squeeze %dma_wait3A_254 : memref<1x128xi32, #tpu.memory_space<vmem>> -> memref<128xi32, #tpu.memory_space<vmem>>
      %dma_wait3A_256 = arith.constant 0 : i32
      %dma_wait3A_257 = tpu.memref_slice %arg6[%dma_wait3A_256] : memref<10240xf32, #tpu.memory_space<vmem_shared>> -> memref<10240xf32, #tpu.memory_space<vmem_shared>>
      tpu.wait_indirect_dma semaphore(%arg32 : memref<!tpu.dma_semaphore, #tpu.memory_space<semaphore_mem>>) src(%arg8 : memref<128xf32, #tpu.memory_space<vmem>>) dst(%dma_wait3A_257 : memref<10240xf32, #tpu.memory_space<vmem_shared>>)
    }
    %scan3A_9 = arith.constant 10 : i32
    %barrier3A_10 = arith.constant 0 : index
    tpu.barrier barrier_id(%barrier3A_10)
    "tpu.region"() ({
      %run_scoped3A = tpu.sem_alloc : memref<!tpu.dma_semaphore, #tpu.memory_space<semaphore_mem>>
      %dma_start3A = tpu.memref_slice %arg6[%mul3A_0] : memref<10240xf32, #tpu.memory_space<vmem_shared>> -> memref<640xf32, #tpu.memory_space<vmem_shared>>
      %dma_start3A_16 = tpu.memref_slice %arg6[%mul3A_0] : memref<10240xf32, #tpu.memory_space<vmem_shared>> -> memref<640xf32, #tpu.memory_space<vmem_shared>>
      tpu.enqueue_dma source(%dma_start3A_16 : memref<640xf32, #tpu.memory_space<vmem_shared>>) target(%arg7 : memref<640xf32, #tpu.memory_space<vmem>>) target_semaphore(%run_scoped3A : memref<!tpu.dma_semaphore, #tpu.memory_space<semaphore_mem>>)
      %dma_wait3A = tpu.memref_slice %arg6[%mul3A_0] : memref<10240xf32, #tpu.memory_space<vmem_shared>> -> memref<640xf32, #tpu.memory_space<vmem_shared>>
      %dma_wait3A_17 = tpu.memref_slice %arg6[%mul3A_0] : memref<10240xf32, #tpu.memory_space<vmem_shared>> -> memref<640xf32, #tpu.memory_space<vmem_shared>>
      tpu.wait_dma2 semaphore(%run_scoped3A : memref<!tpu.dma_semaphore, #tpu.memory_space<semaphore_mem>>) src(%dma_wait3A_17 : memref<640xf32, #tpu.memory_space<vmem_shared>>) dst(%arg7 : memref<640xf32, #tpu.memory_space<vmem>>)
      tpu.yield
    }) : () -> ()
    %mul3A_11 = arith.constant 16 : i32
    %mul3A_12 = arith.muli %arg0, %mul3A_11 : i32
    %add3A_13 = arith.addi %mul3A_12, %arg1 : i32
    %mul3A_14 = arith.constant 640 : i32
    %mul3A_15 = arith.muli %add3A_13, %mul3A_14 : i32
    "tpu.region"() ({
      %run_scoped3A = tpu.sem_alloc : memref<!tpu.dma_semaphore, #tpu.memory_space<semaphore_mem>>
      %dma_start3A = tpu.memref_slice %arg5[%mul3A_15] : memref<20480xf32, #tpu.memory_space<hbm>> -> memref<640xf32, #tpu.memory_space<hbm>>
      %dma_start3A_16 = tpu.memref_slice %arg5[%mul3A_15] : memref<20480xf32, #tpu.memory_space<hbm>> -> memref<640xf32, #tpu.memory_space<hbm>>
      tpu.enqueue_dma source(%arg7 : memref<640xf32, #tpu.memory_space<vmem>>) target(%dma_start3A_16 : memref<640xf32, #tpu.memory_space<hbm>>) target_semaphore(%run_scoped3A : memref<!tpu.dma_semaphore, #tpu.memory_space<semaphore_mem>>)
      %dma_wait3A = tpu.memref_slice %arg5[%mul3A_15] : memref<20480xf32, #tpu.memory_space<hbm>> -> memref<640xf32, #tpu.memory_space<hbm>>
      %dma_wait3A_17 = tpu.memref_slice %arg5[%mul3A_15] : memref<20480xf32, #tpu.memory_space<hbm>> -> memref<640xf32, #tpu.memory_space<hbm>>
      tpu.wait_dma2 semaphore(%run_scoped3A : memref<!tpu.dma_semaphore, #tpu.memory_space<semaphore_mem>>) src(%arg7 : memref<640xf32, #tpu.memory_space<vmem>>) dst(%dma_wait3A_17 : memref<640xf32, #tpu.memory_space<hbm>>)
      tpu.yield
    }) : () -> ()
    return
  }
}

#map = affine_map<(d0, d1) -> (0, 0)>
#map1 = affine_map<(d0, d1) -> (0, 0, 0)>
module attributes {stable_mosaic.version = 14 : i64} {
  func.func @body(%arg0: i32, %arg1: i32, %arg2: memref<10000x8xf32, #tpu.memory_space<hbm>>, %arg3: memref<2560x2x128xi32, #tpu.memory_space<hbm>>, %arg4: memref<80x8xf32, #tpu.memory_space<hbm>>, %arg5: memref<20480x8xf32, #tpu.memory_space<hbm>>, %arg6: memref<10240x8xf32, #tpu.memory_space<vmem_shared>>, %arg7: memref<80x8xf32, #tpu.memory_space<vmem>>, %arg8: memref<2x128xi32, #tpu.memory_space<vmem>>, %arg9: memref<2x128xi32, #tpu.memory_space<vmem>>, %arg10: memref<2x128xi32, #tpu.memory_space<vmem>>, %arg11: memref<2x128xi32, #tpu.memory_space<vmem>>, %arg12: memref<2x128xi32, #tpu.memory_space<vmem>>, %arg13: memref<2x128xi32, #tpu.memory_space<vmem>>, %arg14: memref<2x128xi32, #tpu.memory_space<vmem>>, %arg15: memref<2x128xi32, #tpu.memory_space<vmem>>, %arg16: memref<128x8xf32, #tpu.memory_space<vmem>>, %arg17: memref<128x8xf32, #tpu.memory_space<vmem>>, %arg18: memref<128x8xf32, #tpu.memory_space<vmem>>, %arg19: memref<128x8xf32, #tpu.memory_space<vmem>>, %arg20: memref<128x8xf32, #tpu.memory_space<vmem>>, %arg21: memref<128x8xf32, #tpu.memory_space<vmem>>, %arg22: memref<128x8xf32, #tpu.memory_space<vmem>>, %arg23: memref<128x8xf32, #tpu.memory_space<vmem>>, %arg24: memref<!tpu.dma_semaphore, #tpu.memory_space<semaphore_mem>>, %arg25: memref<!tpu.dma_semaphore, #tpu.memory_space<semaphore_mem>>, %arg26: memref<!tpu.dma_semaphore, #tpu.memory_space<semaphore_mem>>, %arg27: memref<!tpu.dma_semaphore, #tpu.memory_space<semaphore_mem>>, %arg28: memref<!tpu.dma_semaphore, #tpu.memory_space<semaphore_mem>>, %arg29: memref<!tpu.dma_semaphore, #tpu.memory_space<semaphore_mem>>, %arg30: memref<!tpu.dma_semaphore, #tpu.memory_space<semaphore_mem>>, %arg31: memref<!tpu.dma_semaphore, #tpu.memory_space<semaphore_mem>>, %arg32: memref<!tpu.dma_semaphore, #tpu.memory_space<semaphore_mem>>, %arg33: memref<!tpu.dma_semaphore, #tpu.memory_space<semaphore_mem>>, %arg34: memref<!tpu.dma_semaphore, #tpu.memory_space<semaphore_mem>>, %arg35: memref<!tpu.dma_semaphore, #tpu.memory_space<semaphore_mem>>, %arg36: memref<!tpu.dma_semaphore, #tpu.memory_space<semaphore_mem>>, %arg37: memref<!tpu.dma_semaphore, #tpu.memory_space<semaphore_mem>>, %arg38: memref<!tpu.dma_semaphore, #tpu.memory_space<semaphore_mem>>, %arg39: memref<!tpu.dma_semaphore, #tpu.memory_space<semaphore_mem>>, %arg40: memref<!tpu.dma_semaphore, #tpu.memory_space<semaphore_mem>>, %arg41: memref<!tpu.dma_semaphore, #tpu.memory_space<semaphore_mem>>, %arg42: memref<!tpu.dma_semaphore, #tpu.memory_space<semaphore_mem>>, %arg43: memref<!tpu.dma_semaphore, #tpu.memory_space<semaphore_mem>>, %arg44: memref<!tpu.dma_semaphore, #tpu.memory_space<semaphore_mem>>, %arg45: memref<!tpu.dma_semaphore, #tpu.memory_space<semaphore_mem>>, %arg46: memref<!tpu.dma_semaphore, #tpu.memory_space<semaphore_mem>>, %arg47: memref<!tpu.dma_semaphore, #tpu.memory_space<semaphore_mem>>) attributes {dimension_semantics = [#tpu.dimension_semantics<core_parallel>, #tpu.dimension_semantics<subcore_parallel>], iteration_bounds = array<i64: 2, 16>, scalar_prefetch = 0 : i64, scratch_operands = 42 : i64, tpu.core_type = #tpu.core_type<sc_vector_subcore>, window_params = [{transform_indices = #map}, {transform_indices = #map1}, {transform_indices = #map}, {transform_indices = #map}]} {
    "tpu.region"() ({
      %run_scoped3A = tpu.sem_alloc : memref<!tpu.dma_semaphore, #tpu.memory_space<semaphore_mem>>
      tpu.enqueue_dma source(%arg4 : memref<80x8xf32, #tpu.memory_space<hbm>>) target(%arg7 : memref<80x8xf32, #tpu.memory_space<vmem>>) target_semaphore(%run_scoped3A : memref<!tpu.dma_semaphore, #tpu.memory_space<semaphore_mem>>)
      tpu.wait_dma2 semaphore(%run_scoped3A : memref<!tpu.dma_semaphore, #tpu.memory_space<semaphore_mem>>) src(%arg4 : memref<80x8xf32, #tpu.memory_space<hbm>>) dst(%arg7 : memref<80x8xf32, #tpu.memory_space<vmem>>)
      tpu.yield
    }) : () -> ()
    %mul3A = arith.constant 640 : i32
    %mul3A_0 = arith.muli %arg1, %mul3A : i32
    %add3A = arith.constant 0 : i32
    %add3A_1 = arith.addi %mul3A_0, %add3A : i32
    "tpu.region"() ({
      %run_scoped3A = tpu.sem_alloc : memref<!tpu.dma_semaphore, #tpu.memory_space<semaphore_mem>>
      %dma_start3A = arith.constant 0 : i32
      %dma_start3A_129 = tpu.memref_slice %arg6[%add3A_1, %dma_start3A] : memref<10240x8xf32, #tpu.memory_space<vmem_shared>> -> memref<80x8xf32, #tpu.memory_space<vmem_shared>>
      %dma_start3A_130 = arith.constant 0 : i32
      %dma_start3A_131 = tpu.memref_slice %arg6[%add3A_1, %dma_start3A_130] : memref<10240x8xf32, #tpu.memory_space<vmem_shared>> -> memref<80x8xf32, #tpu.memory_space<vmem_shared>>
      tpu.enqueue_dma source(%arg7 : memref<80x8xf32, #tpu.memory_space<vmem>>) target(%dma_start3A_131 : memref<80x8xf32, #tpu.memory_space<vmem_shared>>) target_semaphore(%run_scoped3A : memref<!tpu.dma_semaphore, #tpu.memory_space<semaphore_mem>>)
      %dma_wait3A = arith.constant 0 : i32
      %dma_wait3A_132 = tpu.memref_slice %arg6[%add3A_1, %dma_wait3A] : memref<10240x8xf32, #tpu.memory_space<vmem_shared>> -> memref<80x8xf32, #tpu.memory_space<vmem_shared>>
      %dma_wait3A_133 = arith.constant 0 : i32
      %dma_wait3A_134 = tpu.memref_slice %arg6[%add3A_1, %dma_wait3A_133] : memref<10240x8xf32, #tpu.memory_space<vmem_shared>> -> memref<80x8xf32, #tpu.memory_space<vmem_shared>>
      tpu.wait_dma2 semaphore(%run_scoped3A : memref<!tpu.dma_semaphore, #tpu.memory_space<semaphore_mem>>) src(%arg7 : memref<80x8xf32, #tpu.memory_space<vmem>>) dst(%dma_wait3A_134 : memref<80x8xf32, #tpu.memory_space<vmem_shared>>)
      tpu.yield
    }) : () -> ()
    %mul3A_2 = arith.constant 640 : i32
    %mul3A_3 = arith.muli %arg1, %mul3A_2 : i32
    %add3A_4 = arith.constant 80 : i32
    %add3A_5 = arith.addi %mul3A_3, %add3A_4 : i32
    "tpu.region"() ({
      %run_scoped3A = tpu.sem_alloc : memref<!tpu.dma_semaphore, #tpu.memory_space<semaphore_mem>>
      %dma_start3A = arith.constant 0 : i32
      %dma_start3A_129 = tpu.memref_slice %arg6[%add3A_5, %dma_start3A] : memref<10240x8xf32, #tpu.memory_space<vmem_shared>> -> memref<80x8xf32, #tpu.memory_space<vmem_shared>>
      %dma_start3A_130 = arith.constant 0 : i32
      %dma_start3A_131 = tpu.memref_slice %arg6[%add3A_5, %dma_start3A_130] : memref<10240x8xf32, #tpu.memory_space<vmem_shared>> -> memref<80x8xf32, #tpu.memory_space<vmem_shared>>
      tpu.enqueue_dma source(%arg7 : memref<80x8xf32, #tpu.memory_space<vmem>>) target(%dma_start3A_131 : memref<80x8xf32, #tpu.memory_space<vmem_shared>>) target_semaphore(%run_scoped3A : memref<!tpu.dma_semaphore, #tpu.memory_space<semaphore_mem>>)
      %dma_wait3A = arith.constant 0 : i32
      %dma_wait3A_132 = tpu.memref_slice %arg6[%add3A_5, %dma_wait3A] : memref<10240x8xf32, #tpu.memory_space<vmem_shared>> -> memref<80x8xf32, #tpu.memory_space<vmem_shared>>
      %dma_wait3A_133 = arith.constant 0 : i32
      %dma_wait3A_134 = tpu.memref_slice %arg6[%add3A_5, %dma_wait3A_133] : memref<10240x8xf32, #tpu.memory_space<vmem_shared>> -> memref<80x8xf32, #tpu.memory_space<vmem_shared>>
      tpu.wait_dma2 semaphore(%run_scoped3A : memref<!tpu.dma_semaphore, #tpu.memory_space<semaphore_mem>>) src(%arg7 : memref<80x8xf32, #tpu.memory_space<vmem>>) dst(%dma_wait3A_134 : memref<80x8xf32, #tpu.memory_space<vmem_shared>>)
      tpu.yield
    }) : () -> ()
    %mul3A_6 = arith.constant 640 : i32
    %mul3A_7 = arith.muli %arg1, %mul3A_6 : i32
    %add3A_8 = arith.constant 160 : i32
    %add3A_9 = arith.addi %mul3A_7, %add3A_8 : i32
    "tpu.region"() ({
      %run_scoped3A = tpu.sem_alloc : memref<!tpu.dma_semaphore, #tpu.memory_space<semaphore_mem>>
      %dma_start3A = arith.constant 0 : i32
      %dma_start3A_129 = tpu.memref_slice %arg6[%add3A_9, %dma_start3A] : memref<10240x8xf32, #tpu.memory_space<vmem_shared>> -> memref<80x8xf32, #tpu.memory_space<vmem_shared>>
      %dma_start3A_130 = arith.constant 0 : i32
      %dma_start3A_131 = tpu.memref_slice %arg6[%add3A_9, %dma_start3A_130] : memref<10240x8xf32, #tpu.memory_space<vmem_shared>> -> memref<80x8xf32, #tpu.memory_space<vmem_shared>>
      tpu.enqueue_dma source(%arg7 : memref<80x8xf32, #tpu.memory_space<vmem>>) target(%dma_start3A_131 : memref<80x8xf32, #tpu.memory_space<vmem_shared>>) target_semaphore(%run_scoped3A : memref<!tpu.dma_semaphore, #tpu.memory_space<semaphore_mem>>)
      %dma_wait3A = arith.constant 0 : i32
      %dma_wait3A_132 = tpu.memref_slice %arg6[%add3A_9, %dma_wait3A] : memref<10240x8xf32, #tpu.memory_space<vmem_shared>> -> memref<80x8xf32, #tpu.memory_space<vmem_shared>>
      %dma_wait3A_133 = arith.constant 0 : i32
      %dma_wait3A_134 = tpu.memref_slice %arg6[%add3A_9, %dma_wait3A_133] : memref<10240x8xf32, #tpu.memory_space<vmem_shared>> -> memref<80x8xf32, #tpu.memory_space<vmem_shared>>
      tpu.wait_dma2 semaphore(%run_scoped3A : memref<!tpu.dma_semaphore, #tpu.memory_space<semaphore_mem>>) src(%arg7 : memref<80x8xf32, #tpu.memory_space<vmem>>) dst(%dma_wait3A_134 : memref<80x8xf32, #tpu.memory_space<vmem_shared>>)
      tpu.yield
    }) : () -> ()
    %mul3A_10 = arith.constant 640 : i32
    %mul3A_11 = arith.muli %arg1, %mul3A_10 : i32
    %add3A_12 = arith.constant 240 : i32
    %add3A_13 = arith.addi %mul3A_11, %add3A_12 : i32
    "tpu.region"() ({
      %run_scoped3A = tpu.sem_alloc : memref<!tpu.dma_semaphore, #tpu.memory_space<semaphore_mem>>
      %dma_start3A = arith.constant 0 : i32
      %dma_start3A_129 = tpu.memref_slice %arg6[%add3A_13, %dma_start3A] : memref<10240x8xf32, #tpu.memory_space<vmem_shared>> -> memref<80x8xf32, #tpu.memory_space<vmem_shared>>
      %dma_start3A_130 = arith.constant 0 : i32
      %dma_start3A_131 = tpu.memref_slice %arg6[%add3A_13, %dma_start3A_130] : memref<10240x8xf32, #tpu.memory_space<vmem_shared>> -> memref<80x8xf32, #tpu.memory_space<vmem_shared>>
      tpu.enqueue_dma source(%arg7 : memref<80x8xf32, #tpu.memory_space<vmem>>) target(%dma_start3A_131 : memref<80x8xf32, #tpu.memory_space<vmem_shared>>) target_semaphore(%run_scoped3A : memref<!tpu.dma_semaphore, #tpu.memory_space<semaphore_mem>>)
      %dma_wait3A = arith.constant 0 : i32
      %dma_wait3A_132 = tpu.memref_slice %arg6[%add3A_13, %dma_wait3A] : memref<10240x8xf32, #tpu.memory_space<vmem_shared>> -> memref<80x8xf32, #tpu.memory_space<vmem_shared>>
      %dma_wait3A_133 = arith.constant 0 : i32
      %dma_wait3A_134 = tpu.memref_slice %arg6[%add3A_13, %dma_wait3A_133] : memref<10240x8xf32, #tpu.memory_space<vmem_shared>> -> memref<80x8xf32, #tpu.memory_space<vmem_shared>>
      tpu.wait_dma2 semaphore(%run_scoped3A : memref<!tpu.dma_semaphore, #tpu.memory_space<semaphore_mem>>) src(%arg7 : memref<80x8xf32, #tpu.memory_space<vmem>>) dst(%dma_wait3A_134 : memref<80x8xf32, #tpu.memory_space<vmem_shared>>)
      tpu.yield
    }) : () -> ()
    %mul3A_14 = arith.constant 640 : i32
    %mul3A_15 = arith.muli %arg1, %mul3A_14 : i32
    %add3A_16 = arith.constant 320 : i32
    %add3A_17 = arith.addi %mul3A_15, %add3A_16 : i32
    "tpu.region"() ({
      %run_scoped3A = tpu.sem_alloc : memref<!tpu.dma_semaphore, #tpu.memory_space<semaphore_mem>>
      %dma_start3A = arith.constant 0 : i32
      %dma_start3A_129 = tpu.memref_slice %arg6[%add3A_17, %dma_start3A] : memref<10240x8xf32, #tpu.memory_space<vmem_shared>> -> memref<80x8xf32, #tpu.memory_space<vmem_shared>>
      %dma_start3A_130 = arith.constant 0 : i32
      %dma_start3A_131 = tpu.memref_slice %arg6[%add3A_17, %dma_start3A_130] : memref<10240x8xf32, #tpu.memory_space<vmem_shared>> -> memref<80x8xf32, #tpu.memory_space<vmem_shared>>
      tpu.enqueue_dma source(%arg7 : memref<80x8xf32, #tpu.memory_space<vmem>>) target(%dma_start3A_131 : memref<80x8xf32, #tpu.memory_space<vmem_shared>>) target_semaphore(%run_scoped3A : memref<!tpu.dma_semaphore, #tpu.memory_space<semaphore_mem>>)
      %dma_wait3A = arith.constant 0 : i32
      %dma_wait3A_132 = tpu.memref_slice %arg6[%add3A_17, %dma_wait3A] : memref<10240x8xf32, #tpu.memory_space<vmem_shared>> -> memref<80x8xf32, #tpu.memory_space<vmem_shared>>
      %dma_wait3A_133 = arith.constant 0 : i32
      %dma_wait3A_134 = tpu.memref_slice %arg6[%add3A_17, %dma_wait3A_133] : memref<10240x8xf32, #tpu.memory_space<vmem_shared>> -> memref<80x8xf32, #tpu.memory_space<vmem_shared>>
      tpu.wait_dma2 semaphore(%run_scoped3A : memref<!tpu.dma_semaphore, #tpu.memory_space<semaphore_mem>>) src(%arg7 : memref<80x8xf32, #tpu.memory_space<vmem>>) dst(%dma_wait3A_134 : memref<80x8xf32, #tpu.memory_space<vmem_shared>>)
      tpu.yield
    }) : () -> ()
    %mul3A_18 = arith.constant 640 : i32
    %mul3A_19 = arith.muli %arg1, %mul3A_18 : i32
    %add3A_20 = arith.constant 400 : i32
    %add3A_21 = arith.addi %mul3A_19, %add3A_20 : i32
    "tpu.region"() ({
      %run_scoped3A = tpu.sem_alloc : memref<!tpu.dma_semaphore, #tpu.memory_space<semaphore_mem>>
      %dma_start3A = arith.constant 0 : i32
      %dma_start3A_129 = tpu.memref_slice %arg6[%add3A_21, %dma_start3A] : memref<10240x8xf32, #tpu.memory_space<vmem_shared>> -> memref<80x8xf32, #tpu.memory_space<vmem_shared>>
      %dma_start3A_130 = arith.constant 0 : i32
      %dma_start3A_131 = tpu.memref_slice %arg6[%add3A_21, %dma_start3A_130] : memref<10240x8xf32, #tpu.memory_space<vmem_shared>> -> memref<80x8xf32, #tpu.memory_space<vmem_shared>>
      tpu.enqueue_dma source(%arg7 : memref<80x8xf32, #tpu.memory_space<vmem>>) target(%dma_start3A_131 : memref<80x8xf32, #tpu.memory_space<vmem_shared>>) target_semaphore(%run_scoped3A : memref<!tpu.dma_semaphore, #tpu.memory_space<semaphore_mem>>)
      %dma_wait3A = arith.constant 0 : i32
      %dma_wait3A_132 = tpu.memref_slice %arg6[%add3A_21, %dma_wait3A] : memref<10240x8xf32, #tpu.memory_space<vmem_shared>> -> memref<80x8xf32, #tpu.memory_space<vmem_shared>>
      %dma_wait3A_133 = arith.constant 0 : i32
      %dma_wait3A_134 = tpu.memref_slice %arg6[%add3A_21, %dma_wait3A_133] : memref<10240x8xf32, #tpu.memory_space<vmem_shared>> -> memref<80x8xf32, #tpu.memory_space<vmem_shared>>
      tpu.wait_dma2 semaphore(%run_scoped3A : memref<!tpu.dma_semaphore, #tpu.memory_space<semaphore_mem>>) src(%arg7 : memref<80x8xf32, #tpu.memory_space<vmem>>) dst(%dma_wait3A_134 : memref<80x8xf32, #tpu.memory_space<vmem_shared>>)
      tpu.yield
    }) : () -> ()
    %mul3A_22 = arith.constant 640 : i32
    %mul3A_23 = arith.muli %arg1, %mul3A_22 : i32
    %add3A_24 = arith.constant 480 : i32
    %add3A_25 = arith.addi %mul3A_23, %add3A_24 : i32
    "tpu.region"() ({
      %run_scoped3A = tpu.sem_alloc : memref<!tpu.dma_semaphore, #tpu.memory_space<semaphore_mem>>
      %dma_start3A = arith.constant 0 : i32
      %dma_start3A_129 = tpu.memref_slice %arg6[%add3A_25, %dma_start3A] : memref<10240x8xf32, #tpu.memory_space<vmem_shared>> -> memref<80x8xf32, #tpu.memory_space<vmem_shared>>
      %dma_start3A_130 = arith.constant 0 : i32
      %dma_start3A_131 = tpu.memref_slice %arg6[%add3A_25, %dma_start3A_130] : memref<10240x8xf32, #tpu.memory_space<vmem_shared>> -> memref<80x8xf32, #tpu.memory_space<vmem_shared>>
      tpu.enqueue_dma source(%arg7 : memref<80x8xf32, #tpu.memory_space<vmem>>) target(%dma_start3A_131 : memref<80x8xf32, #tpu.memory_space<vmem_shared>>) target_semaphore(%run_scoped3A : memref<!tpu.dma_semaphore, #tpu.memory_space<semaphore_mem>>)
      %dma_wait3A = arith.constant 0 : i32
      %dma_wait3A_132 = tpu.memref_slice %arg6[%add3A_25, %dma_wait3A] : memref<10240x8xf32, #tpu.memory_space<vmem_shared>> -> memref<80x8xf32, #tpu.memory_space<vmem_shared>>
      %dma_wait3A_133 = arith.constant 0 : i32
      %dma_wait3A_134 = tpu.memref_slice %arg6[%add3A_25, %dma_wait3A_133] : memref<10240x8xf32, #tpu.memory_space<vmem_shared>> -> memref<80x8xf32, #tpu.memory_space<vmem_shared>>
      tpu.wait_dma2 semaphore(%run_scoped3A : memref<!tpu.dma_semaphore, #tpu.memory_space<semaphore_mem>>) src(%arg7 : memref<80x8xf32, #tpu.memory_space<vmem>>) dst(%dma_wait3A_134 : memref<80x8xf32, #tpu.memory_space<vmem_shared>>)
      tpu.yield
    }) : () -> ()
    %mul3A_26 = arith.constant 640 : i32
    %mul3A_27 = arith.muli %arg1, %mul3A_26 : i32
    %add3A_28 = arith.constant 560 : i32
    %add3A_29 = arith.addi %mul3A_27, %add3A_28 : i32
    "tpu.region"() ({
      %run_scoped3A = tpu.sem_alloc : memref<!tpu.dma_semaphore, #tpu.memory_space<semaphore_mem>>
      %dma_start3A = arith.constant 0 : i32
      %dma_start3A_129 = tpu.memref_slice %arg6[%add3A_29, %dma_start3A] : memref<10240x8xf32, #tpu.memory_space<vmem_shared>> -> memref<80x8xf32, #tpu.memory_space<vmem_shared>>
      %dma_start3A_130 = arith.constant 0 : i32
      %dma_start3A_131 = tpu.memref_slice %arg6[%add3A_29, %dma_start3A_130] : memref<10240x8xf32, #tpu.memory_space<vmem_shared>> -> memref<80x8xf32, #tpu.memory_space<vmem_shared>>
      tpu.enqueue_dma source(%arg7 : memref<80x8xf32, #tpu.memory_space<vmem>>) target(%dma_start3A_131 : memref<80x8xf32, #tpu.memory_space<vmem_shared>>) target_semaphore(%run_scoped3A : memref<!tpu.dma_semaphore, #tpu.memory_space<semaphore_mem>>)
      %dma_wait3A = arith.constant 0 : i32
      %dma_wait3A_132 = tpu.memref_slice %arg6[%add3A_29, %dma_wait3A] : memref<10240x8xf32, #tpu.memory_space<vmem_shared>> -> memref<80x8xf32, #tpu.memory_space<vmem_shared>>
      %dma_wait3A_133 = arith.constant 0 : i32
      %dma_wait3A_134 = tpu.memref_slice %arg6[%add3A_29, %dma_wait3A_133] : memref<10240x8xf32, #tpu.memory_space<vmem_shared>> -> memref<80x8xf32, #tpu.memory_space<vmem_shared>>
      tpu.wait_dma2 semaphore(%run_scoped3A : memref<!tpu.dma_semaphore, #tpu.memory_space<semaphore_mem>>) src(%arg7 : memref<80x8xf32, #tpu.memory_space<vmem>>) dst(%dma_wait3A_134 : memref<80x8xf32, #tpu.memory_space<vmem_shared>>)
      tpu.yield
    }) : () -> ()
    %barrier3A = arith.constant 0 : index
    tpu.barrier barrier_id(%barrier3A)
    %mul3A_30 = arith.constant 16 : i32
    %mul3A_31 = arith.muli %arg0, %mul3A_30 : i32
    %add3A_32 = arith.addi %mul3A_31, %arg1 : i32
    %mul3A_33 = arith.constant 80 : i32
    %mul3A_34 = arith.muli %add3A_32, %mul3A_33 : i32
    %scan3A = arith.constant 0 : i32
    %scan3A_35 = arith.constant 0 : i32
    %scan3A_36 = arith.constant 10 : i32
    %scan3A_37 = arith.addi %scan3A_35, %scan3A_36 : i32
    %scan3A_38 = arith.constant 1 : i32
    scf.for %scan3A_129 = %scan3A_35 to %scan3A_37 step %scan3A_38  : i32 {
      %mul3A_130 = arith.constant 8 : i32
      %mul3A_131 = arith.muli %scan3A_129, %mul3A_130 : i32
      %add3A_132 = arith.addi %mul3A_34, %mul3A_131 : i32
      %add3A_133 = arith.constant 0 : i32
      %add3A_134 = arith.addi %add3A_132, %add3A_133 : i32
      %dma_start3A = arith.constant 0 : i32
      %dma_start3A_135 = arith.constant 0 : i32
      %dma_start3A_136 = tpu.memref_slice %arg3[%add3A_134, %dma_start3A, %dma_start3A_135] : memref<2560x2x128xi32, #tpu.memory_space<hbm>> -> memref<1x2x128xi32, #tpu.memory_space<hbm>>
      %dma_start3A_137 = tpu.memref_squeeze %dma_start3A_136 : memref<1x2x128xi32, #tpu.memory_space<hbm>> -> memref<2x128xi32, #tpu.memory_space<hbm>>
      %dma_start3A_138 = arith.constant 0 : i32
      %dma_start3A_139 = arith.constant 0 : i32
      %dma_start3A_140 = tpu.memref_slice %arg3[%add3A_134, %dma_start3A_138, %dma_start3A_139] : memref<2560x2x128xi32, #tpu.memory_space<hbm>> -> memref<1x2x128xi32, #tpu.memory_space<hbm>>
      %dma_start3A_141 = tpu.memref_squeeze %dma_start3A_140 : memref<1x2x128xi32, #tpu.memory_space<hbm>> -> memref<2x128xi32, #tpu.memory_space<hbm>>
      tpu.enqueue_dma source(%dma_start3A_141 : memref<2x128xi32, #tpu.memory_space<hbm>>) target(%arg8 : memref<2x128xi32, #tpu.memory_space<vmem>>) target_semaphore(%arg24 : memref<!tpu.dma_semaphore, #tpu.memory_space<semaphore_mem>>)
      %add3A_142 = arith.constant 1 : i32
      %add3A_143 = arith.addi %add3A_132, %add3A_142 : i32
      %dma_start3A_144 = arith.constant 0 : i32
      %dma_start3A_145 = arith.constant 0 : i32
      %dma_start3A_146 = tpu.memref_slice %arg3[%add3A_143, %dma_start3A_144, %dma_start3A_145] : memref<2560x2x128xi32, #tpu.memory_space<hbm>> -> memref<1x2x128xi32, #tpu.memory_space<hbm>>
      %dma_start3A_147 = tpu.memref_squeeze %dma_start3A_146 : memref<1x2x128xi32, #tpu.memory_space<hbm>> -> memref<2x128xi32, #tpu.memory_space<hbm>>
      %dma_start3A_148 = arith.constant 0 : i32
      %dma_start3A_149 = arith.constant 0 : i32
      %dma_start3A_150 = tpu.memref_slice %arg3[%add3A_143, %dma_start3A_148, %dma_start3A_149] : memref<2560x2x128xi32, #tpu.memory_space<hbm>> -> memref<1x2x128xi32, #tpu.memory_space<hbm>>
      %dma_start3A_151 = tpu.memref_squeeze %dma_start3A_150 : memref<1x2x128xi32, #tpu.memory_space<hbm>> -> memref<2x128xi32, #tpu.memory_space<hbm>>
      tpu.enqueue_dma source(%dma_start3A_151 : memref<2x128xi32, #tpu.memory_space<hbm>>) target(%arg9 : memref<2x128xi32, #tpu.memory_space<vmem>>) target_semaphore(%arg25 : memref<!tpu.dma_semaphore, #tpu.memory_space<semaphore_mem>>)
      %add3A_152 = arith.constant 2 : i32
      %add3A_153 = arith.addi %add3A_132, %add3A_152 : i32
      %dma_start3A_154 = arith.constant 0 : i32
      %dma_start3A_155 = arith.constant 0 : i32
      %dma_start3A_156 = tpu.memref_slice %arg3[%add3A_153, %dma_start3A_154, %dma_start3A_155] : memref<2560x2x128xi32, #tpu.memory_space<hbm>> -> memref<1x2x128xi32, #tpu.memory_space<hbm>>
      %dma_start3A_157 = tpu.memref_squeeze %dma_start3A_156 : memref<1x2x128xi32, #tpu.memory_space<hbm>> -> memref<2x128xi32, #tpu.memory_space<hbm>>
      %dma_start3A_158 = arith.constant 0 : i32
      %dma_start3A_159 = arith.constant 0 : i32
      %dma_start3A_160 = tpu.memref_slice %arg3[%add3A_153, %dma_start3A_158, %dma_start3A_159] : memref<2560x2x128xi32, #tpu.memory_space<hbm>> -> memref<1x2x128xi32, #tpu.memory_space<hbm>>
      %dma_start3A_161 = tpu.memref_squeeze %dma_start3A_160 : memref<1x2x128xi32, #tpu.memory_space<hbm>> -> memref<2x128xi32, #tpu.memory_space<hbm>>
      tpu.enqueue_dma source(%dma_start3A_161 : memref<2x128xi32, #tpu.memory_space<hbm>>) target(%arg10 : memref<2x128xi32, #tpu.memory_space<vmem>>) target_semaphore(%arg26 : memref<!tpu.dma_semaphore, #tpu.memory_space<semaphore_mem>>)
      %add3A_162 = arith.constant 3 : i32
      %add3A_163 = arith.addi %add3A_132, %add3A_162 : i32
      %dma_start3A_164 = arith.constant 0 : i32
      %dma_start3A_165 = arith.constant 0 : i32
      %dma_start3A_166 = tpu.memref_slice %arg3[%add3A_163, %dma_start3A_164, %dma_start3A_165] : memref<2560x2x128xi32, #tpu.memory_space<hbm>> -> memref<1x2x128xi32, #tpu.memory_space<hbm>>
      %dma_start3A_167 = tpu.memref_squeeze %dma_start3A_166 : memref<1x2x128xi32, #tpu.memory_space<hbm>> -> memref<2x128xi32, #tpu.memory_space<hbm>>
      %dma_start3A_168 = arith.constant 0 : i32
      %dma_start3A_169 = arith.constant 0 : i32
      %dma_start3A_170 = tpu.memref_slice %arg3[%add3A_163, %dma_start3A_168, %dma_start3A_169] : memref<2560x2x128xi32, #tpu.memory_space<hbm>> -> memref<1x2x128xi32, #tpu.memory_space<hbm>>
      %dma_start3A_171 = tpu.memref_squeeze %dma_start3A_170 : memref<1x2x128xi32, #tpu.memory_space<hbm>> -> memref<2x128xi32, #tpu.memory_space<hbm>>
      tpu.enqueue_dma source(%dma_start3A_171 : memref<2x128xi32, #tpu.memory_space<hbm>>) target(%arg11 : memref<2x128xi32, #tpu.memory_space<vmem>>) target_semaphore(%arg27 : memref<!tpu.dma_semaphore, #tpu.memory_space<semaphore_mem>>)
      %add3A_172 = arith.constant 4 : i32
      %add3A_173 = arith.addi %add3A_132, %add3A_172 : i32
      %dma_start3A_174 = arith.constant 0 : i32
      %dma_start3A_175 = arith.constant 0 : i32
      %dma_start3A_176 = tpu.memref_slice %arg3[%add3A_173, %dma_start3A_174, %dma_start3A_175] : memref<2560x2x128xi32, #tpu.memory_space<hbm>> -> memref<1x2x128xi32, #tpu.memory_space<hbm>>
      %dma_start3A_177 = tpu.memref_squeeze %dma_start3A_176 : memref<1x2x128xi32, #tpu.memory_space<hbm>> -> memref<2x128xi32, #tpu.memory_space<hbm>>
      %dma_start3A_178 = arith.constant 0 : i32
      %dma_start3A_179 = arith.constant 0 : i32
      %dma_start3A_180 = tpu.memref_slice %arg3[%add3A_173, %dma_start3A_178, %dma_start3A_179] : memref<2560x2x128xi32, #tpu.memory_space<hbm>> -> memref<1x2x128xi32, #tpu.memory_space<hbm>>
      %dma_start3A_181 = tpu.memref_squeeze %dma_start3A_180 : memref<1x2x128xi32, #tpu.memory_space<hbm>> -> memref<2x128xi32, #tpu.memory_space<hbm>>
      tpu.enqueue_dma source(%dma_start3A_181 : memref<2x128xi32, #tpu.memory_space<hbm>>) target(%arg12 : memref<2x128xi32, #tpu.memory_space<vmem>>) target_semaphore(%arg28 : memref<!tpu.dma_semaphore, #tpu.memory_space<semaphore_mem>>)
      %add3A_182 = arith.constant 5 : i32
      %add3A_183 = arith.addi %add3A_132, %add3A_182 : i32
      %dma_start3A_184 = arith.constant 0 : i32
      %dma_start3A_185 = arith.constant 0 : i32
      %dma_start3A_186 = tpu.memref_slice %arg3[%add3A_183, %dma_start3A_184, %dma_start3A_185] : memref<2560x2x128xi32, #tpu.memory_space<hbm>> -> memref<1x2x128xi32, #tpu.memory_space<hbm>>
      %dma_start3A_187 = tpu.memref_squeeze %dma_start3A_186 : memref<1x2x128xi32, #tpu.memory_space<hbm>> -> memref<2x128xi32, #tpu.memory_space<hbm>>
      %dma_start3A_188 = arith.constant 0 : i32
      %dma_start3A_189 = arith.constant 0 : i32
      %dma_start3A_190 = tpu.memref_slice %arg3[%add3A_183, %dma_start3A_188, %dma_start3A_189] : memref<2560x2x128xi32, #tpu.memory_space<hbm>> -> memref<1x2x128xi32, #tpu.memory_space<hbm>>
      %dma_start3A_191 = tpu.memref_squeeze %dma_start3A_190 : memref<1x2x128xi32, #tpu.memory_space<hbm>> -> memref<2x128xi32, #tpu.memory_space<hbm>>
      tpu.enqueue_dma source(%dma_start3A_191 : memref<2x128xi32, #tpu.memory_space<hbm>>) target(%arg13 : memref<2x128xi32, #tpu.memory_space<vmem>>) target_semaphore(%arg29 : memref<!tpu.dma_semaphore, #tpu.memory_space<semaphore_mem>>)
      %add3A_192 = arith.constant 6 : i32
      %add3A_193 = arith.addi %add3A_132, %add3A_192 : i32
      %dma_start3A_194 = arith.constant 0 : i32
      %dma_start3A_195 = arith.constant 0 : i32
      %dma_start3A_196 = tpu.memref_slice %arg3[%add3A_193, %dma_start3A_194, %dma_start3A_195] : memref<2560x2x128xi32, #tpu.memory_space<hbm>> -> memref<1x2x128xi32, #tpu.memory_space<hbm>>
      %dma_start3A_197 = tpu.memref_squeeze %dma_start3A_196 : memref<1x2x128xi32, #tpu.memory_space<hbm>> -> memref<2x128xi32, #tpu.memory_space<hbm>>
      %dma_start3A_198 = arith.constant 0 : i32
      %dma_start3A_199 = arith.constant 0 : i32
      %dma_start3A_200 = tpu.memref_slice %arg3[%add3A_193, %dma_start3A_198, %dma_start3A_199] : memref<2560x2x128xi32, #tpu.memory_space<hbm>> -> memref<1x2x128xi32, #tpu.memory_space<hbm>>
      %dma_start3A_201 = tpu.memref_squeeze %dma_start3A_200 : memref<1x2x128xi32, #tpu.memory_space<hbm>> -> memref<2x128xi32, #tpu.memory_space<hbm>>
      tpu.enqueue_dma source(%dma_start3A_201 : memref<2x128xi32, #tpu.memory_space<hbm>>) target(%arg14 : memref<2x128xi32, #tpu.memory_space<vmem>>) target_semaphore(%arg30 : memref<!tpu.dma_semaphore, #tpu.memory_space<semaphore_mem>>)
      %add3A_202 = arith.constant 7 : i32
      %add3A_203 = arith.addi %add3A_132, %add3A_202 : i32
      %dma_start3A_204 = arith.constant 0 : i32
      %dma_start3A_205 = arith.constant 0 : i32
      %dma_start3A_206 = tpu.memref_slice %arg3[%add3A_203, %dma_start3A_204, %dma_start3A_205] : memref<2560x2x128xi32, #tpu.memory_space<hbm>> -> memref<1x2x128xi32, #tpu.memory_space<hbm>>
      %dma_start3A_207 = tpu.memref_squeeze %dma_start3A_206 : memref<1x2x128xi32, #tpu.memory_space<hbm>> -> memref<2x128xi32, #tpu.memory_space<hbm>>
      %dma_start3A_208 = arith.constant 0 : i32
      %dma_start3A_209 = arith.constant 0 : i32
      %dma_start3A_210 = tpu.memref_slice %arg3[%add3A_203, %dma_start3A_208, %dma_start3A_209] : memref<2560x2x128xi32, #tpu.memory_space<hbm>> -> memref<1x2x128xi32, #tpu.memory_space<hbm>>
      %dma_start3A_211 = tpu.memref_squeeze %dma_start3A_210 : memref<1x2x128xi32, #tpu.memory_space<hbm>> -> memref<2x128xi32, #tpu.memory_space<hbm>>
      tpu.enqueue_dma source(%dma_start3A_211 : memref<2x128xi32, #tpu.memory_space<hbm>>) target(%arg15 : memref<2x128xi32, #tpu.memory_space<vmem>>) target_semaphore(%arg31 : memref<!tpu.dma_semaphore, #tpu.memory_space<semaphore_mem>>)
      %dma_wait3A = arith.constant 0 : i32
      %dma_wait3A_212 = arith.constant 0 : i32
      %dma_wait3A_213 = tpu.memref_slice %arg3[%add3A_134, %dma_wait3A, %dma_wait3A_212] : memref<2560x2x128xi32, #tpu.memory_space<hbm>> -> memref<1x2x128xi32, #tpu.memory_space<hbm>>
      %dma_wait3A_214 = tpu.memref_squeeze %dma_wait3A_213 : memref<1x2x128xi32, #tpu.memory_space<hbm>> -> memref<2x128xi32, #tpu.memory_space<hbm>>
      %dma_wait3A_215 = arith.constant 0 : i32
      %dma_wait3A_216 = arith.constant 0 : i32
      %dma_wait3A_217 = tpu.memref_slice %arg3[%add3A_134, %dma_wait3A_215, %dma_wait3A_216] : memref<2560x2x128xi32, #tpu.memory_space<hbm>> -> memref<1x2x128xi32, #tpu.memory_space<hbm>>
      %dma_wait3A_218 = tpu.memref_squeeze %dma_wait3A_217 : memref<1x2x128xi32, #tpu.memory_space<hbm>> -> memref<2x128xi32, #tpu.memory_space<hbm>>
      tpu.wait_dma2 semaphore(%arg24 : memref<!tpu.dma_semaphore, #tpu.memory_space<semaphore_mem>>) src(%dma_wait3A_218 : memref<2x128xi32, #tpu.memory_space<hbm>>) dst(%arg8 : memref<2x128xi32, #tpu.memory_space<vmem>>)
      %dma_start3A_219 = arith.constant 0 : i32
      %dma_start3A_220 = arith.constant 0 : i32
      %dma_start3A_221 = tpu.memref_slice %arg8[%dma_start3A_219, %dma_start3A_220] : memref<2x128xi32, #tpu.memory_space<vmem>> -> memref<1x128xi32, #tpu.memory_space<vmem>>
      %dma_start3A_222 = tpu.memref_squeeze %dma_start3A_221 : memref<1x128xi32, #tpu.memory_space<vmem>> -> memref<128xi32, #tpu.memory_space<vmem>>
      %dma_start3A_223 = arith.constant 0 : i32
      %dma_start3A_224 = arith.constant 0 : i32
      %dma_start3A_225 = tpu.memref_slice %arg2[%dma_start3A_223, %dma_start3A_224] : memref<10000x8xf32, #tpu.memory_space<hbm>> -> memref<10000x8xf32, #tpu.memory_space<hbm>>
      tpu.enqueue_indirect_dma source(%dma_start3A_225 : memref<10000x8xf32, #tpu.memory_space<hbm>>) target(%arg16 : memref<128x8xf32, #tpu.memory_space<vmem>>) offsets(%dma_start3A_222 : memref<128xi32, #tpu.memory_space<vmem>>) semaphore(%arg32 : memref<!tpu.dma_semaphore, #tpu.memory_space<semaphore_mem>>)
      %dma_wait3A_226 = arith.constant 0 : i32
      %dma_wait3A_227 = arith.constant 0 : i32
      %dma_wait3A_228 = tpu.memref_slice %arg3[%add3A_143, %dma_wait3A_226, %dma_wait3A_227] : memref<2560x2x128xi32, #tpu.memory_space<hbm>> -> memref<1x2x128xi32, #tpu.memory_space<hbm>>
      %dma_wait3A_229 = tpu.memref_squeeze %dma_wait3A_228 : memref<1x2x128xi32, #tpu.memory_space<hbm>> -> memref<2x128xi32, #tpu.memory_space<hbm>>
      %dma_wait3A_230 = arith.constant 0 : i32
      %dma_wait3A_231 = arith.constant 0 : i32
      %dma_wait3A_232 = tpu.memref_slice %arg3[%add3A_143, %dma_wait3A_230, %dma_wait3A_231] : memref<2560x2x128xi32, #tpu.memory_space<hbm>> -> memref<1x2x128xi32, #tpu.memory_space<hbm>>
      %dma_wait3A_233 = tpu.memref_squeeze %dma_wait3A_232 : memref<1x2x128xi32, #tpu.memory_space<hbm>> -> memref<2x128xi32, #tpu.memory_space<hbm>>
      tpu.wait_dma2 semaphore(%arg25 : memref<!tpu.dma_semaphore, #tpu.memory_space<semaphore_mem>>) src(%dma_wait3A_233 : memref<2x128xi32, #tpu.memory_space<hbm>>) dst(%arg9 : memref<2x128xi32, #tpu.memory_space<vmem>>)
      %dma_start3A_234 = arith.constant 0 : i32
      %dma_start3A_235 = arith.constant 0 : i32
      %dma_start3A_236 = tpu.memref_slice %arg9[%dma_start3A_234, %dma_start3A_235] : memref<2x128xi32, #tpu.memory_space<vmem>> -> memref<1x128xi32, #tpu.memory_space<vmem>>
      %dma_start3A_237 = tpu.memref_squeeze %dma_start3A_236 : memref<1x128xi32, #tpu.memory_space<vmem>> -> memref<128xi32, #tpu.memory_space<vmem>>
      %dma_start3A_238 = arith.constant 0 : i32
      %dma_start3A_239 = arith.constant 0 : i32
      %dma_start3A_240 = tpu.memref_slice %arg2[%dma_start3A_238, %dma_start3A_239] : memref<10000x8xf32, #tpu.memory_space<hbm>> -> memref<10000x8xf32, #tpu.memory_space<hbm>>
      tpu.enqueue_indirect_dma source(%dma_start3A_240 : memref<10000x8xf32, #tpu.memory_space<hbm>>) target(%arg17 : memref<128x8xf32, #tpu.memory_space<vmem>>) offsets(%dma_start3A_237 : memref<128xi32, #tpu.memory_space<vmem>>) semaphore(%arg33 : memref<!tpu.dma_semaphore, #tpu.memory_space<semaphore_mem>>)
      %dma_wait3A_241 = arith.constant 0 : i32
      %dma_wait3A_242 = arith.constant 0 : i32
      %dma_wait3A_243 = tpu.memref_slice %arg3[%add3A_153, %dma_wait3A_241, %dma_wait3A_242] : memref<2560x2x128xi32, #tpu.memory_space<hbm>> -> memref<1x2x128xi32, #tpu.memory_space<hbm>>
      %dma_wait3A_244 = tpu.memref_squeeze %dma_wait3A_243 : memref<1x2x128xi32, #tpu.memory_space<hbm>> -> memref<2x128xi32, #tpu.memory_space<hbm>>
      %dma_wait3A_245 = arith.constant 0 : i32
      %dma_wait3A_246 = arith.constant 0 : i32
      %dma_wait3A_247 = tpu.memref_slice %arg3[%add3A_153, %dma_wait3A_245, %dma_wait3A_246] : memref<2560x2x128xi32, #tpu.memory_space<hbm>> -> memref<1x2x128xi32, #tpu.memory_space<hbm>>
      %dma_wait3A_248 = tpu.memref_squeeze %dma_wait3A_247 : memref<1x2x128xi32, #tpu.memory_space<hbm>> -> memref<2x128xi32, #tpu.memory_space<hbm>>
      tpu.wait_dma2 semaphore(%arg26 : memref<!tpu.dma_semaphore, #tpu.memory_space<semaphore_mem>>) src(%dma_wait3A_248 : memref<2x128xi32, #tpu.memory_space<hbm>>) dst(%arg10 : memref<2x128xi32, #tpu.memory_space<vmem>>)
      %dma_start3A_249 = arith.constant 0 : i32
      %dma_start3A_250 = arith.constant 0 : i32
      %dma_start3A_251 = tpu.memref_slice %arg10[%dma_start3A_249, %dma_start3A_250] : memref<2x128xi32, #tpu.memory_space<vmem>> -> memref<1x128xi32, #tpu.memory_space<vmem>>
      %dma_start3A_252 = tpu.memref_squeeze %dma_start3A_251 : memref<1x128xi32, #tpu.memory_space<vmem>> -> memref<128xi32, #tpu.memory_space<vmem>>
      %dma_start3A_253 = arith.constant 0 : i32
      %dma_start3A_254 = arith.constant 0 : i32
      %dma_start3A_255 = tpu.memref_slice %arg2[%dma_start3A_253, %dma_start3A_254] : memref<10000x8xf32, #tpu.memory_space<hbm>> -> memref<10000x8xf32, #tpu.memory_space<hbm>>
      tpu.enqueue_indirect_dma source(%dma_start3A_255 : memref<10000x8xf32, #tpu.memory_space<hbm>>) target(%arg18 : memref<128x8xf32, #tpu.memory_space<vmem>>) offsets(%dma_start3A_252 : memref<128xi32, #tpu.memory_space<vmem>>) semaphore(%arg34 : memref<!tpu.dma_semaphore, #tpu.memory_space<semaphore_mem>>)
      %dma_wait3A_256 = arith.constant 0 : i32
      %dma_wait3A_257 = arith.constant 0 : i32
      %dma_wait3A_258 = tpu.memref_slice %arg3[%add3A_163, %dma_wait3A_256, %dma_wait3A_257] : memref<2560x2x128xi32, #tpu.memory_space<hbm>> -> memref<1x2x128xi32, #tpu.memory_space<hbm>>
      %dma_wait3A_259 = tpu.memref_squeeze %dma_wait3A_258 : memref<1x2x128xi32, #tpu.memory_space<hbm>> -> memref<2x128xi32, #tpu.memory_space<hbm>>
      %dma_wait3A_260 = arith.constant 0 : i32
      %dma_wait3A_261 = arith.constant 0 : i32
      %dma_wait3A_262 = tpu.memref_slice %arg3[%add3A_163, %dma_wait3A_260, %dma_wait3A_261] : memref<2560x2x128xi32, #tpu.memory_space<hbm>> -> memref<1x2x128xi32, #tpu.memory_space<hbm>>
      %dma_wait3A_263 = tpu.memref_squeeze %dma_wait3A_262 : memref<1x2x128xi32, #tpu.memory_space<hbm>> -> memref<2x128xi32, #tpu.memory_space<hbm>>
      tpu.wait_dma2 semaphore(%arg27 : memref<!tpu.dma_semaphore, #tpu.memory_space<semaphore_mem>>) src(%dma_wait3A_263 : memref<2x128xi32, #tpu.memory_space<hbm>>) dst(%arg11 : memref<2x128xi32, #tpu.memory_space<vmem>>)
      %dma_start3A_264 = arith.constant 0 : i32
      %dma_start3A_265 = arith.constant 0 : i32
      %dma_start3A_266 = tpu.memref_slice %arg11[%dma_start3A_264, %dma_start3A_265] : memref<2x128xi32, #tpu.memory_space<vmem>> -> memref<1x128xi32, #tpu.memory_space<vmem>>
      %dma_start3A_267 = tpu.memref_squeeze %dma_start3A_266 : memref<1x128xi32, #tpu.memory_space<vmem>> -> memref<128xi32, #tpu.memory_space<vmem>>
      %dma_start3A_268 = arith.constant 0 : i32
      %dma_start3A_269 = arith.constant 0 : i32
      %dma_start3A_270 = tpu.memref_slice %arg2[%dma_start3A_268, %dma_start3A_269] : memref<10000x8xf32, #tpu.memory_space<hbm>> -> memref<10000x8xf32, #tpu.memory_space<hbm>>
      tpu.enqueue_indirect_dma source(%dma_start3A_270 : memref<10000x8xf32, #tpu.memory_space<hbm>>) target(%arg19 : memref<128x8xf32, #tpu.memory_space<vmem>>) offsets(%dma_start3A_267 : memref<128xi32, #tpu.memory_space<vmem>>) semaphore(%arg35 : memref<!tpu.dma_semaphore, #tpu.memory_space<semaphore_mem>>)
      %dma_wait3A_271 = arith.constant 0 : i32
      %dma_wait3A_272 = arith.constant 0 : i32
      %dma_wait3A_273 = tpu.memref_slice %arg3[%add3A_173, %dma_wait3A_271, %dma_wait3A_272] : memref<2560x2x128xi32, #tpu.memory_space<hbm>> -> memref<1x2x128xi32, #tpu.memory_space<hbm>>
      %dma_wait3A_274 = tpu.memref_squeeze %dma_wait3A_273 : memref<1x2x128xi32, #tpu.memory_space<hbm>> -> memref<2x128xi32, #tpu.memory_space<hbm>>
      %dma_wait3A_275 = arith.constant 0 : i32
      %dma_wait3A_276 = arith.constant 0 : i32
      %dma_wait3A_277 = tpu.memref_slice %arg3[%add3A_173, %dma_wait3A_275, %dma_wait3A_276] : memref<2560x2x128xi32, #tpu.memory_space<hbm>> -> memref<1x2x128xi32, #tpu.memory_space<hbm>>
      %dma_wait3A_278 = tpu.memref_squeeze %dma_wait3A_277 : memref<1x2x128xi32, #tpu.memory_space<hbm>> -> memref<2x128xi32, #tpu.memory_space<hbm>>
      tpu.wait_dma2 semaphore(%arg28 : memref<!tpu.dma_semaphore, #tpu.memory_space<semaphore_mem>>) src(%dma_wait3A_278 : memref<2x128xi32, #tpu.memory_space<hbm>>) dst(%arg12 : memref<2x128xi32, #tpu.memory_space<vmem>>)
      %dma_start3A_279 = arith.constant 0 : i32
      %dma_start3A_280 = arith.constant 0 : i32
      %dma_start3A_281 = tpu.memref_slice %arg12[%dma_start3A_279, %dma_start3A_280] : memref<2x128xi32, #tpu.memory_space<vmem>> -> memref<1x128xi32, #tpu.memory_space<vmem>>
      %dma_start3A_282 = tpu.memref_squeeze %dma_start3A_281 : memref<1x128xi32, #tpu.memory_space<vmem>> -> memref<128xi32, #tpu.memory_space<vmem>>
      %dma_start3A_283 = arith.constant 0 : i32
      %dma_start3A_284 = arith.constant 0 : i32
      %dma_start3A_285 = tpu.memref_slice %arg2[%dma_start3A_283, %dma_start3A_284] : memref<10000x8xf32, #tpu.memory_space<hbm>> -> memref<10000x8xf32, #tpu.memory_space<hbm>>
      tpu.enqueue_indirect_dma source(%dma_start3A_285 : memref<10000x8xf32, #tpu.memory_space<hbm>>) target(%arg20 : memref<128x8xf32, #tpu.memory_space<vmem>>) offsets(%dma_start3A_282 : memref<128xi32, #tpu.memory_space<vmem>>) semaphore(%arg36 : memref<!tpu.dma_semaphore, #tpu.memory_space<semaphore_mem>>)
      %dma_wait3A_286 = arith.constant 0 : i32
      %dma_wait3A_287 = arith.constant 0 : i32
      %dma_wait3A_288 = tpu.memref_slice %arg3[%add3A_183, %dma_wait3A_286, %dma_wait3A_287] : memref<2560x2x128xi32, #tpu.memory_space<hbm>> -> memref<1x2x128xi32, #tpu.memory_space<hbm>>
      %dma_wait3A_289 = tpu.memref_squeeze %dma_wait3A_288 : memref<1x2x128xi32, #tpu.memory_space<hbm>> -> memref<2x128xi32, #tpu.memory_space<hbm>>
      %dma_wait3A_290 = arith.constant 0 : i32
      %dma_wait3A_291 = arith.constant 0 : i32
      %dma_wait3A_292 = tpu.memref_slice %arg3[%add3A_183, %dma_wait3A_290, %dma_wait3A_291] : memref<2560x2x128xi32, #tpu.memory_space<hbm>> -> memref<1x2x128xi32, #tpu.memory_space<hbm>>
      %dma_wait3A_293 = tpu.memref_squeeze %dma_wait3A_292 : memref<1x2x128xi32, #tpu.memory_space<hbm>> -> memref<2x128xi32, #tpu.memory_space<hbm>>
      tpu.wait_dma2 semaphore(%arg29 : memref<!tpu.dma_semaphore, #tpu.memory_space<semaphore_mem>>) src(%dma_wait3A_293 : memref<2x128xi32, #tpu.memory_space<hbm>>) dst(%arg13 : memref<2x128xi32, #tpu.memory_space<vmem>>)
      %dma_start3A_294 = arith.constant 0 : i32
      %dma_start3A_295 = arith.constant 0 : i32
      %dma_start3A_296 = tpu.memref_slice %arg13[%dma_start3A_294, %dma_start3A_295] : memref<2x128xi32, #tpu.memory_space<vmem>> -> memref<1x128xi32, #tpu.memory_space<vmem>>
      %dma_start3A_297 = tpu.memref_squeeze %dma_start3A_296 : memref<1x128xi32, #tpu.memory_space<vmem>> -> memref<128xi32, #tpu.memory_space<vmem>>
      %dma_start3A_298 = arith.constant 0 : i32
      %dma_start3A_299 = arith.constant 0 : i32
      %dma_start3A_300 = tpu.memref_slice %arg2[%dma_start3A_298, %dma_start3A_299] : memref<10000x8xf32, #tpu.memory_space<hbm>> -> memref<10000x8xf32, #tpu.memory_space<hbm>>
      tpu.enqueue_indirect_dma source(%dma_start3A_300 : memref<10000x8xf32, #tpu.memory_space<hbm>>) target(%arg21 : memref<128x8xf32, #tpu.memory_space<vmem>>) offsets(%dma_start3A_297 : memref<128xi32, #tpu.memory_space<vmem>>) semaphore(%arg37 : memref<!tpu.dma_semaphore, #tpu.memory_space<semaphore_mem>>)
      %dma_wait3A_301 = arith.constant 0 : i32
      %dma_wait3A_302 = arith.constant 0 : i32
      %dma_wait3A_303 = tpu.memref_slice %arg3[%add3A_193, %dma_wait3A_301, %dma_wait3A_302] : memref<2560x2x128xi32, #tpu.memory_space<hbm>> -> memref<1x2x128xi32, #tpu.memory_space<hbm>>
      %dma_wait3A_304 = tpu.memref_squeeze %dma_wait3A_303 : memref<1x2x128xi32, #tpu.memory_space<hbm>> -> memref<2x128xi32, #tpu.memory_space<hbm>>
      %dma_wait3A_305 = arith.constant 0 : i32
      %dma_wait3A_306 = arith.constant 0 : i32
      %dma_wait3A_307 = tpu.memref_slice %arg3[%add3A_193, %dma_wait3A_305, %dma_wait3A_306] : memref<2560x2x128xi32, #tpu.memory_space<hbm>> -> memref<1x2x128xi32, #tpu.memory_space<hbm>>
      %dma_wait3A_308 = tpu.memref_squeeze %dma_wait3A_307 : memref<1x2x128xi32, #tpu.memory_space<hbm>> -> memref<2x128xi32, #tpu.memory_space<hbm>>
      tpu.wait_dma2 semaphore(%arg30 : memref<!tpu.dma_semaphore, #tpu.memory_space<semaphore_mem>>) src(%dma_wait3A_308 : memref<2x128xi32, #tpu.memory_space<hbm>>) dst(%arg14 : memref<2x128xi32, #tpu.memory_space<vmem>>)
      %dma_start3A_309 = arith.constant 0 : i32
      %dma_start3A_310 = arith.constant 0 : i32
      %dma_start3A_311 = tpu.memref_slice %arg14[%dma_start3A_309, %dma_start3A_310] : memref<2x128xi32, #tpu.memory_space<vmem>> -> memref<1x128xi32, #tpu.memory_space<vmem>>
      %dma_start3A_312 = tpu.memref_squeeze %dma_start3A_311 : memref<1x128xi32, #tpu.memory_space<vmem>> -> memref<128xi32, #tpu.memory_space<vmem>>
      %dma_start3A_313 = arith.constant 0 : i32
      %dma_start3A_314 = arith.constant 0 : i32
      %dma_start3A_315 = tpu.memref_slice %arg2[%dma_start3A_313, %dma_start3A_314] : memref<10000x8xf32, #tpu.memory_space<hbm>> -> memref<10000x8xf32, #tpu.memory_space<hbm>>
      tpu.enqueue_indirect_dma source(%dma_start3A_315 : memref<10000x8xf32, #tpu.memory_space<hbm>>) target(%arg22 : memref<128x8xf32, #tpu.memory_space<vmem>>) offsets(%dma_start3A_312 : memref<128xi32, #tpu.memory_space<vmem>>) semaphore(%arg38 : memref<!tpu.dma_semaphore, #tpu.memory_space<semaphore_mem>>)
      %dma_wait3A_316 = arith.constant 0 : i32
      %dma_wait3A_317 = arith.constant 0 : i32
      %dma_wait3A_318 = tpu.memref_slice %arg3[%add3A_203, %dma_wait3A_316, %dma_wait3A_317] : memref<2560x2x128xi32, #tpu.memory_space<hbm>> -> memref<1x2x128xi32, #tpu.memory_space<hbm>>
      %dma_wait3A_319 = tpu.memref_squeeze %dma_wait3A_318 : memref<1x2x128xi32, #tpu.memory_space<hbm>> -> memref<2x128xi32, #tpu.memory_space<hbm>>
      %dma_wait3A_320 = arith.constant 0 : i32
      %dma_wait3A_321 = arith.constant 0 : i32
      %dma_wait3A_322 = tpu.memref_slice %arg3[%add3A_203, %dma_wait3A_320, %dma_wait3A_321] : memref<2560x2x128xi32, #tpu.memory_space<hbm>> -> memref<1x2x128xi32, #tpu.memory_space<hbm>>
      %dma_wait3A_323 = tpu.memref_squeeze %dma_wait3A_322 : memref<1x2x128xi32, #tpu.memory_space<hbm>> -> memref<2x128xi32, #tpu.memory_space<hbm>>
      tpu.wait_dma2 semaphore(%arg31 : memref<!tpu.dma_semaphore, #tpu.memory_space<semaphore_mem>>) src(%dma_wait3A_323 : memref<2x128xi32, #tpu.memory_space<hbm>>) dst(%arg15 : memref<2x128xi32, #tpu.memory_space<vmem>>)
      %dma_start3A_324 = arith.constant 0 : i32
      %dma_start3A_325 = arith.constant 0 : i32
      %dma_start3A_326 = tpu.memref_slice %arg15[%dma_start3A_324, %dma_start3A_325] : memref<2x128xi32, #tpu.memory_space<vmem>> -> memref<1x128xi32, #tpu.memory_space<vmem>>
      %dma_start3A_327 = tpu.memref_squeeze %dma_start3A_326 : memref<1x128xi32, #tpu.memory_space<vmem>> -> memref<128xi32, #tpu.memory_space<vmem>>
      %dma_start3A_328 = arith.constant 0 : i32
      %dma_start3A_329 = arith.constant 0 : i32
      %dma_start3A_330 = tpu.memref_slice %arg2[%dma_start3A_328, %dma_start3A_329] : memref<10000x8xf32, #tpu.memory_space<hbm>> -> memref<10000x8xf32, #tpu.memory_space<hbm>>
      tpu.enqueue_indirect_dma source(%dma_start3A_330 : memref<10000x8xf32, #tpu.memory_space<hbm>>) target(%arg23 : memref<128x8xf32, #tpu.memory_space<vmem>>) offsets(%dma_start3A_327 : memref<128xi32, #tpu.memory_space<vmem>>) semaphore(%arg39 : memref<!tpu.dma_semaphore, #tpu.memory_space<semaphore_mem>>)
      %dma_wait3A_331 = arith.constant 0 : i32
      %dma_wait3A_332 = arith.constant 0 : i32
      %dma_wait3A_333 = tpu.memref_slice %arg8[%dma_wait3A_331, %dma_wait3A_332] : memref<2x128xi32, #tpu.memory_space<vmem>> -> memref<1x128xi32, #tpu.memory_space<vmem>>
      %dma_wait3A_334 = tpu.memref_squeeze %dma_wait3A_333 : memref<1x128xi32, #tpu.memory_space<vmem>> -> memref<128xi32, #tpu.memory_space<vmem>>
      %dma_wait3A_335 = arith.constant 0 : i32
      %dma_wait3A_336 = arith.constant 0 : i32
      %dma_wait3A_337 = tpu.memref_slice %arg2[%dma_wait3A_335, %dma_wait3A_336] : memref<10000x8xf32, #tpu.memory_space<hbm>> -> memref<10000x8xf32, #tpu.memory_space<hbm>>
      tpu.wait_indirect_dma semaphore(%arg32 : memref<!tpu.dma_semaphore, #tpu.memory_space<semaphore_mem>>) src(%dma_wait3A_337 : memref<10000x8xf32, #tpu.memory_space<hbm>>) dst(%arg16 : memref<128x8xf32, #tpu.memory_space<vmem>>)
      %dma_start3A_338 = arith.constant 1 : i32
      %dma_start3A_339 = arith.constant 0 : i32
      %dma_start3A_340 = tpu.memref_slice %arg8[%dma_start3A_338, %dma_start3A_339] : memref<2x128xi32, #tpu.memory_space<vmem>> -> memref<1x128xi32, #tpu.memory_space<vmem>>
      %dma_start3A_341 = tpu.memref_squeeze %dma_start3A_340 : memref<1x128xi32, #tpu.memory_space<vmem>> -> memref<128xi32, #tpu.memory_space<vmem>>
      %dma_start3A_342 = arith.constant 0 : i32
      %dma_start3A_343 = arith.constant 0 : i32
      %dma_start3A_344 = tpu.memref_slice %arg6[%dma_start3A_342, %dma_start3A_343] : memref<10240x8xf32, #tpu.memory_space<vmem_shared>> -> memref<10240x8xf32, #tpu.memory_space<vmem_shared>>
      tpu.enqueue_indirect_dma source(%arg16 : memref<128x8xf32, #tpu.memory_space<vmem>>) target(%dma_start3A_344 : memref<10240x8xf32, #tpu.memory_space<vmem_shared>>) offsets(%dma_start3A_341 : memref<128xi32, #tpu.memory_space<vmem>>) semaphore(%arg40 : memref<!tpu.dma_semaphore, #tpu.memory_space<semaphore_mem>>) {add = true}
      %dma_wait3A_345 = arith.constant 0 : i32
      %dma_wait3A_346 = arith.constant 0 : i32
      %dma_wait3A_347 = tpu.memref_slice %arg9[%dma_wait3A_345, %dma_wait3A_346] : memref<2x128xi32, #tpu.memory_space<vmem>> -> memref<1x128xi32, #tpu.memory_space<vmem>>
      %dma_wait3A_348 = tpu.memref_squeeze %dma_wait3A_347 : memref<1x128xi32, #tpu.memory_space<vmem>> -> memref<128xi32, #tpu.memory_space<vmem>>
      %dma_wait3A_349 = arith.constant 0 : i32
      %dma_wait3A_350 = arith.constant 0 : i32
      %dma_wait3A_351 = tpu.memref_slice %arg2[%dma_wait3A_349, %dma_wait3A_350] : memref<10000x8xf32, #tpu.memory_space<hbm>> -> memref<10000x8xf32, #tpu.memory_space<hbm>>
      tpu.wait_indirect_dma semaphore(%arg33 : memref<!tpu.dma_semaphore, #tpu.memory_space<semaphore_mem>>) src(%dma_wait3A_351 : memref<10000x8xf32, #tpu.memory_space<hbm>>) dst(%arg17 : memref<128x8xf32, #tpu.memory_space<vmem>>)
      %dma_start3A_352 = arith.constant 1 : i32
      %dma_start3A_353 = arith.constant 0 : i32
      %dma_start3A_354 = tpu.memref_slice %arg9[%dma_start3A_352, %dma_start3A_353] : memref<2x128xi32, #tpu.memory_space<vmem>> -> memref<1x128xi32, #tpu.memory_space<vmem>>
      %dma_start3A_355 = tpu.memref_squeeze %dma_start3A_354 : memref<1x128xi32, #tpu.memory_space<vmem>> -> memref<128xi32, #tpu.memory_space<vmem>>
      %dma_start3A_356 = arith.constant 0 : i32
      %dma_start3A_357 = arith.constant 0 : i32
      %dma_start3A_358 = tpu.memref_slice %arg6[%dma_start3A_356, %dma_start3A_357] : memref<10240x8xf32, #tpu.memory_space<vmem_shared>> -> memref<10240x8xf32, #tpu.memory_space<vmem_shared>>
      tpu.enqueue_indirect_dma source(%arg17 : memref<128x8xf32, #tpu.memory_space<vmem>>) target(%dma_start3A_358 : memref<10240x8xf32, #tpu.memory_space<vmem_shared>>) offsets(%dma_start3A_355 : memref<128xi32, #tpu.memory_space<vmem>>) semaphore(%arg41 : memref<!tpu.dma_semaphore, #tpu.memory_space<semaphore_mem>>) {add = true}
      %dma_wait3A_359 = arith.constant 0 : i32
      %dma_wait3A_360 = arith.constant 0 : i32
      %dma_wait3A_361 = tpu.memref_slice %arg10[%dma_wait3A_359, %dma_wait3A_360] : memref<2x128xi32, #tpu.memory_space<vmem>> -> memref<1x128xi32, #tpu.memory_space<vmem>>
      %dma_wait3A_362 = tpu.memref_squeeze %dma_wait3A_361 : memref<1x128xi32, #tpu.memory_space<vmem>> -> memref<128xi32, #tpu.memory_space<vmem>>
      %dma_wait3A_363 = arith.constant 0 : i32
      %dma_wait3A_364 = arith.constant 0 : i32
      %dma_wait3A_365 = tpu.memref_slice %arg2[%dma_wait3A_363, %dma_wait3A_364] : memref<10000x8xf32, #tpu.memory_space<hbm>> -> memref<10000x8xf32, #tpu.memory_space<hbm>>
      tpu.wait_indirect_dma semaphore(%arg34 : memref<!tpu.dma_semaphore, #tpu.memory_space<semaphore_mem>>) src(%dma_wait3A_365 : memref<10000x8xf32, #tpu.memory_space<hbm>>) dst(%arg18 : memref<128x8xf32, #tpu.memory_space<vmem>>)
      %dma_start3A_366 = arith.constant 1 : i32
      %dma_start3A_367 = arith.constant 0 : i32
      %dma_start3A_368 = tpu.memref_slice %arg10[%dma_start3A_366, %dma_start3A_367] : memref<2x128xi32, #tpu.memory_space<vmem>> -> memref<1x128xi32, #tpu.memory_space<vmem>>
      %dma_start3A_369 = tpu.memref_squeeze %dma_start3A_368 : memref<1x128xi32, #tpu.memory_space<vmem>> -> memref<128xi32, #tpu.memory_space<vmem>>
      %dma_start3A_370 = arith.constant 0 : i32
      %dma_start3A_371 = arith.constant 0 : i32
      %dma_start3A_372 = tpu.memref_slice %arg6[%dma_start3A_370, %dma_start3A_371] : memref<10240x8xf32, #tpu.memory_space<vmem_shared>> -> memref<10240x8xf32, #tpu.memory_space<vmem_shared>>
      tpu.enqueue_indirect_dma source(%arg18 : memref<128x8xf32, #tpu.memory_space<vmem>>) target(%dma_start3A_372 : memref<10240x8xf32, #tpu.memory_space<vmem_shared>>) offsets(%dma_start3A_369 : memref<128xi32, #tpu.memory_space<vmem>>) semaphore(%arg42 : memref<!tpu.dma_semaphore, #tpu.memory_space<semaphore_mem>>) {add = true}
      %dma_wait3A_373 = arith.constant 0 : i32
      %dma_wait3A_374 = arith.constant 0 : i32
      %dma_wait3A_375 = tpu.memref_slice %arg11[%dma_wait3A_373, %dma_wait3A_374] : memref<2x128xi32, #tpu.memory_space<vmem>> -> memref<1x128xi32, #tpu.memory_space<vmem>>
      %dma_wait3A_376 = tpu.memref_squeeze %dma_wait3A_375 : memref<1x128xi32, #tpu.memory_space<vmem>> -> memref<128xi32, #tpu.memory_space<vmem>>
      %dma_wait3A_377 = arith.constant 0 : i32
      %dma_wait3A_378 = arith.constant 0 : i32
      %dma_wait3A_379 = tpu.memref_slice %arg2[%dma_wait3A_377, %dma_wait3A_378] : memref<10000x8xf32, #tpu.memory_space<hbm>> -> memref<10000x8xf32, #tpu.memory_space<hbm>>
      tpu.wait_indirect_dma semaphore(%arg35 : memref<!tpu.dma_semaphore, #tpu.memory_space<semaphore_mem>>) src(%dma_wait3A_379 : memref<10000x8xf32, #tpu.memory_space<hbm>>) dst(%arg19 : memref<128x8xf32, #tpu.memory_space<vmem>>)
      %dma_start3A_380 = arith.constant 1 : i32
      %dma_start3A_381 = arith.constant 0 : i32
      %dma_start3A_382 = tpu.memref_slice %arg11[%dma_start3A_380, %dma_start3A_381] : memref<2x128xi32, #tpu.memory_space<vmem>> -> memref<1x128xi32, #tpu.memory_space<vmem>>
      %dma_start3A_383 = tpu.memref_squeeze %dma_start3A_382 : memref<1x128xi32, #tpu.memory_space<vmem>> -> memref<128xi32, #tpu.memory_space<vmem>>
      %dma_start3A_384 = arith.constant 0 : i32
      %dma_start3A_385 = arith.constant 0 : i32
      %dma_start3A_386 = tpu.memref_slice %arg6[%dma_start3A_384, %dma_start3A_385] : memref<10240x8xf32, #tpu.memory_space<vmem_shared>> -> memref<10240x8xf32, #tpu.memory_space<vmem_shared>>
      tpu.enqueue_indirect_dma source(%arg19 : memref<128x8xf32, #tpu.memory_space<vmem>>) target(%dma_start3A_386 : memref<10240x8xf32, #tpu.memory_space<vmem_shared>>) offsets(%dma_start3A_383 : memref<128xi32, #tpu.memory_space<vmem>>) semaphore(%arg43 : memref<!tpu.dma_semaphore, #tpu.memory_space<semaphore_mem>>) {add = true}
      %dma_wait3A_387 = arith.constant 0 : i32
      %dma_wait3A_388 = arith.constant 0 : i32
      %dma_wait3A_389 = tpu.memref_slice %arg12[%dma_wait3A_387, %dma_wait3A_388] : memref<2x128xi32, #tpu.memory_space<vmem>> -> memref<1x128xi32, #tpu.memory_space<vmem>>
      %dma_wait3A_390 = tpu.memref_squeeze %dma_wait3A_389 : memref<1x128xi32, #tpu.memory_space<vmem>> -> memref<128xi32, #tpu.memory_space<vmem>>
      %dma_wait3A_391 = arith.constant 0 : i32
      %dma_wait3A_392 = arith.constant 0 : i32
      %dma_wait3A_393 = tpu.memref_slice %arg2[%dma_wait3A_391, %dma_wait3A_392] : memref<10000x8xf32, #tpu.memory_space<hbm>> -> memref<10000x8xf32, #tpu.memory_space<hbm>>
      tpu.wait_indirect_dma semaphore(%arg36 : memref<!tpu.dma_semaphore, #tpu.memory_space<semaphore_mem>>) src(%dma_wait3A_393 : memref<10000x8xf32, #tpu.memory_space<hbm>>) dst(%arg20 : memref<128x8xf32, #tpu.memory_space<vmem>>)
      %dma_start3A_394 = arith.constant 1 : i32
      %dma_start3A_395 = arith.constant 0 : i32
      %dma_start3A_396 = tpu.memref_slice %arg12[%dma_start3A_394, %dma_start3A_395] : memref<2x128xi32, #tpu.memory_space<vmem>> -> memref<1x128xi32, #tpu.memory_space<vmem>>
      %dma_start3A_397 = tpu.memref_squeeze %dma_start3A_396 : memref<1x128xi32, #tpu.memory_space<vmem>> -> memref<128xi32, #tpu.memory_space<vmem>>
      %dma_start3A_398 = arith.constant 0 : i32
      %dma_start3A_399 = arith.constant 0 : i32
      %dma_start3A_400 = tpu.memref_slice %arg6[%dma_start3A_398, %dma_start3A_399] : memref<10240x8xf32, #tpu.memory_space<vmem_shared>> -> memref<10240x8xf32, #tpu.memory_space<vmem_shared>>
      tpu.enqueue_indirect_dma source(%arg20 : memref<128x8xf32, #tpu.memory_space<vmem>>) target(%dma_start3A_400 : memref<10240x8xf32, #tpu.memory_space<vmem_shared>>) offsets(%dma_start3A_397 : memref<128xi32, #tpu.memory_space<vmem>>) semaphore(%arg44 : memref<!tpu.dma_semaphore, #tpu.memory_space<semaphore_mem>>) {add = true}
      %dma_wait3A_401 = arith.constant 0 : i32
      %dma_wait3A_402 = arith.constant 0 : i32
      %dma_wait3A_403 = tpu.memref_slice %arg13[%dma_wait3A_401, %dma_wait3A_402] : memref<2x128xi32, #tpu.memory_space<vmem>> -> memref<1x128xi32, #tpu.memory_space<vmem>>
      %dma_wait3A_404 = tpu.memref_squeeze %dma_wait3A_403 : memref<1x128xi32, #tpu.memory_space<vmem>> -> memref<128xi32, #tpu.memory_space<vmem>>
      %dma_wait3A_405 = arith.constant 0 : i32
      %dma_wait3A_406 = arith.constant 0 : i32
      %dma_wait3A_407 = tpu.memref_slice %arg2[%dma_wait3A_405, %dma_wait3A_406] : memref<10000x8xf32, #tpu.memory_space<hbm>> -> memref<10000x8xf32, #tpu.memory_space<hbm>>
      tpu.wait_indirect_dma semaphore(%arg37 : memref<!tpu.dma_semaphore, #tpu.memory_space<semaphore_mem>>) src(%dma_wait3A_407 : memref<10000x8xf32, #tpu.memory_space<hbm>>) dst(%arg21 : memref<128x8xf32, #tpu.memory_space<vmem>>)
      %dma_start3A_408 = arith.constant 1 : i32
      %dma_start3A_409 = arith.constant 0 : i32
      %dma_start3A_410 = tpu.memref_slice %arg13[%dma_start3A_408, %dma_start3A_409] : memref<2x128xi32, #tpu.memory_space<vmem>> -> memref<1x128xi32, #tpu.memory_space<vmem>>
      %dma_start3A_411 = tpu.memref_squeeze %dma_start3A_410 : memref<1x128xi32, #tpu.memory_space<vmem>> -> memref<128xi32, #tpu.memory_space<vmem>>
      %dma_start3A_412 = arith.constant 0 : i32
      %dma_start3A_413 = arith.constant 0 : i32
      %dma_start3A_414 = tpu.memref_slice %arg6[%dma_start3A_412, %dma_start3A_413] : memref<10240x8xf32, #tpu.memory_space<vmem_shared>> -> memref<10240x8xf32, #tpu.memory_space<vmem_shared>>
      tpu.enqueue_indirect_dma source(%arg21 : memref<128x8xf32, #tpu.memory_space<vmem>>) target(%dma_start3A_414 : memref<10240x8xf32, #tpu.memory_space<vmem_shared>>) offsets(%dma_start3A_411 : memref<128xi32, #tpu.memory_space<vmem>>) semaphore(%arg45 : memref<!tpu.dma_semaphore, #tpu.memory_space<semaphore_mem>>) {add = true}
      %dma_wait3A_415 = arith.constant 0 : i32
      %dma_wait3A_416 = arith.constant 0 : i32
      %dma_wait3A_417 = tpu.memref_slice %arg14[%dma_wait3A_415, %dma_wait3A_416] : memref<2x128xi32, #tpu.memory_space<vmem>> -> memref<1x128xi32, #tpu.memory_space<vmem>>
      %dma_wait3A_418 = tpu.memref_squeeze %dma_wait3A_417 : memref<1x128xi32, #tpu.memory_space<vmem>> -> memref<128xi32, #tpu.memory_space<vmem>>
      %dma_wait3A_419 = arith.constant 0 : i32
      %dma_wait3A_420 = arith.constant 0 : i32
      %dma_wait3A_421 = tpu.memref_slice %arg2[%dma_wait3A_419, %dma_wait3A_420] : memref<10000x8xf32, #tpu.memory_space<hbm>> -> memref<10000x8xf32, #tpu.memory_space<hbm>>
      tpu.wait_indirect_dma semaphore(%arg38 : memref<!tpu.dma_semaphore, #tpu.memory_space<semaphore_mem>>) src(%dma_wait3A_421 : memref<10000x8xf32, #tpu.memory_space<hbm>>) dst(%arg22 : memref<128x8xf32, #tpu.memory_space<vmem>>)
      %dma_start3A_422 = arith.constant 1 : i32
      %dma_start3A_423 = arith.constant 0 : i32
      %dma_start3A_424 = tpu.memref_slice %arg14[%dma_start3A_422, %dma_start3A_423] : memref<2x128xi32, #tpu.memory_space<vmem>> -> memref<1x128xi32, #tpu.memory_space<vmem>>
      %dma_start3A_425 = tpu.memref_squeeze %dma_start3A_424 : memref<1x128xi32, #tpu.memory_space<vmem>> -> memref<128xi32, #tpu.memory_space<vmem>>
      %dma_start3A_426 = arith.constant 0 : i32
      %dma_start3A_427 = arith.constant 0 : i32
      %dma_start3A_428 = tpu.memref_slice %arg6[%dma_start3A_426, %dma_start3A_427] : memref<10240x8xf32, #tpu.memory_space<vmem_shared>> -> memref<10240x8xf32, #tpu.memory_space<vmem_shared>>
      tpu.enqueue_indirect_dma source(%arg22 : memref<128x8xf32, #tpu.memory_space<vmem>>) target(%dma_start3A_428 : memref<10240x8xf32, #tpu.memory_space<vmem_shared>>) offsets(%dma_start3A_425 : memref<128xi32, #tpu.memory_space<vmem>>) semaphore(%arg46 : memref<!tpu.dma_semaphore, #tpu.memory_space<semaphore_mem>>) {add = true}
      %dma_wait3A_429 = arith.constant 0 : i32
      %dma_wait3A_430 = arith.constant 0 : i32
      %dma_wait3A_431 = tpu.memref_slice %arg15[%dma_wait3A_429, %dma_wait3A_430] : memref<2x128xi32, #tpu.memory_space<vmem>> -> memref<1x128xi32, #tpu.memory_space<vmem>>
      %dma_wait3A_432 = tpu.memref_squeeze %dma_wait3A_431 : memref<1x128xi32, #tpu.memory_space<vmem>> -> memref<128xi32, #tpu.memory_space<vmem>>
      %dma_wait3A_433 = arith.constant 0 : i32
      %dma_wait3A_434 = arith.constant 0 : i32
      %dma_wait3A_435 = tpu.memref_slice %arg2[%dma_wait3A_433, %dma_wait3A_434] : memref<10000x8xf32, #tpu.memory_space<hbm>> -> memref<10000x8xf32, #tpu.memory_space<hbm>>
      tpu.wait_indirect_dma semaphore(%arg39 : memref<!tpu.dma_semaphore, #tpu.memory_space<semaphore_mem>>) src(%dma_wait3A_435 : memref<10000x8xf32, #tpu.memory_space<hbm>>) dst(%arg23 : memref<128x8xf32, #tpu.memory_space<vmem>>)
      %dma_start3A_436 = arith.constant 1 : i32
      %dma_start3A_437 = arith.constant 0 : i32
      %dma_start3A_438 = tpu.memref_slice %arg15[%dma_start3A_436, %dma_start3A_437] : memref<2x128xi32, #tpu.memory_space<vmem>> -> memref<1x128xi32, #tpu.memory_space<vmem>>
      %dma_start3A_439 = tpu.memref_squeeze %dma_start3A_438 : memref<1x128xi32, #tpu.memory_space<vmem>> -> memref<128xi32, #tpu.memory_space<vmem>>
      %dma_start3A_440 = arith.constant 0 : i32
      %dma_start3A_441 = arith.constant 0 : i32
      %dma_start3A_442 = tpu.memref_slice %arg6[%dma_start3A_440, %dma_start3A_441] : memref<10240x8xf32, #tpu.memory_space<vmem_shared>> -> memref<10240x8xf32, #tpu.memory_space<vmem_shared>>
      tpu.enqueue_indirect_dma source(%arg23 : memref<128x8xf32, #tpu.memory_space<vmem>>) target(%dma_start3A_442 : memref<10240x8xf32, #tpu.memory_space<vmem_shared>>) offsets(%dma_start3A_439 : memref<128xi32, #tpu.memory_space<vmem>>) semaphore(%arg47 : memref<!tpu.dma_semaphore, #tpu.memory_space<semaphore_mem>>) {add = true}
      %dma_wait3A_443 = arith.constant 1 : i32
      %dma_wait3A_444 = arith.constant 0 : i32
      %dma_wait3A_445 = tpu.memref_slice %arg8[%dma_wait3A_443, %dma_wait3A_444] : memref<2x128xi32, #tpu.memory_space<vmem>> -> memref<1x128xi32, #tpu.memory_space<vmem>>
      %dma_wait3A_446 = tpu.memref_squeeze %dma_wait3A_445 : memref<1x128xi32, #tpu.memory_space<vmem>> -> memref<128xi32, #tpu.memory_space<vmem>>
      %dma_wait3A_447 = arith.constant 0 : i32
      %dma_wait3A_448 = arith.constant 0 : i32
      %dma_wait3A_449 = tpu.memref_slice %arg6[%dma_wait3A_447, %dma_wait3A_448] : memref<10240x8xf32, #tpu.memory_space<vmem_shared>> -> memref<10240x8xf32, #tpu.memory_space<vmem_shared>>
      tpu.wait_indirect_dma semaphore(%arg40 : memref<!tpu.dma_semaphore, #tpu.memory_space<semaphore_mem>>) src(%arg16 : memref<128x8xf32, #tpu.memory_space<vmem>>) dst(%dma_wait3A_449 : memref<10240x8xf32, #tpu.memory_space<vmem_shared>>)
      %dma_wait3A_450 = arith.constant 1 : i32
      %dma_wait3A_451 = arith.constant 0 : i32
      %dma_wait3A_452 = tpu.memref_slice %arg9[%dma_wait3A_450, %dma_wait3A_451] : memref<2x128xi32, #tpu.memory_space<vmem>> -> memref<1x128xi32, #tpu.memory_space<vmem>>
      %dma_wait3A_453 = tpu.memref_squeeze %dma_wait3A_452 : memref<1x128xi32, #tpu.memory_space<vmem>> -> memref<128xi32, #tpu.memory_space<vmem>>
      %dma_wait3A_454 = arith.constant 0 : i32
      %dma_wait3A_455 = arith.constant 0 : i32
      %dma_wait3A_456 = tpu.memref_slice %arg6[%dma_wait3A_454, %dma_wait3A_455] : memref<10240x8xf32, #tpu.memory_space<vmem_shared>> -> memref<10240x8xf32, #tpu.memory_space<vmem_shared>>
      tpu.wait_indirect_dma semaphore(%arg41 : memref<!tpu.dma_semaphore, #tpu.memory_space<semaphore_mem>>) src(%arg17 : memref<128x8xf32, #tpu.memory_space<vmem>>) dst(%dma_wait3A_456 : memref<10240x8xf32, #tpu.memory_space<vmem_shared>>)
      %dma_wait3A_457 = arith.constant 1 : i32
      %dma_wait3A_458 = arith.constant 0 : i32
      %dma_wait3A_459 = tpu.memref_slice %arg10[%dma_wait3A_457, %dma_wait3A_458] : memref<2x128xi32, #tpu.memory_space<vmem>> -> memref<1x128xi32, #tpu.memory_space<vmem>>
      %dma_wait3A_460 = tpu.memref_squeeze %dma_wait3A_459 : memref<1x128xi32, #tpu.memory_space<vmem>> -> memref<128xi32, #tpu.memory_space<vmem>>
      %dma_wait3A_461 = arith.constant 0 : i32
      %dma_wait3A_462 = arith.constant 0 : i32
      %dma_wait3A_463 = tpu.memref_slice %arg6[%dma_wait3A_461, %dma_wait3A_462] : memref<10240x8xf32, #tpu.memory_space<vmem_shared>> -> memref<10240x8xf32, #tpu.memory_space<vmem_shared>>
      tpu.wait_indirect_dma semaphore(%arg42 : memref<!tpu.dma_semaphore, #tpu.memory_space<semaphore_mem>>) src(%arg18 : memref<128x8xf32, #tpu.memory_space<vmem>>) dst(%dma_wait3A_463 : memref<10240x8xf32, #tpu.memory_space<vmem_shared>>)
      %dma_wait3A_464 = arith.constant 1 : i32
      %dma_wait3A_465 = arith.constant 0 : i32
      %dma_wait3A_466 = tpu.memref_slice %arg11[%dma_wait3A_464, %dma_wait3A_465] : memref<2x128xi32, #tpu.memory_space<vmem>> -> memref<1x128xi32, #tpu.memory_space<vmem>>
      %dma_wait3A_467 = tpu.memref_squeeze %dma_wait3A_466 : memref<1x128xi32, #tpu.memory_space<vmem>> -> memref<128xi32, #tpu.memory_space<vmem>>
      %dma_wait3A_468 = arith.constant 0 : i32
      %dma_wait3A_469 = arith.constant 0 : i32
      %dma_wait3A_470 = tpu.memref_slice %arg6[%dma_wait3A_468, %dma_wait3A_469] : memref<10240x8xf32, #tpu.memory_space<vmem_shared>> -> memref<10240x8xf32, #tpu.memory_space<vmem_shared>>
      tpu.wait_indirect_dma semaphore(%arg43 : memref<!tpu.dma_semaphore, #tpu.memory_space<semaphore_mem>>) src(%arg19 : memref<128x8xf32, #tpu.memory_space<vmem>>) dst(%dma_wait3A_470 : memref<10240x8xf32, #tpu.memory_space<vmem_shared>>)
      %dma_wait3A_471 = arith.constant 1 : i32
      %dma_wait3A_472 = arith.constant 0 : i32
      %dma_wait3A_473 = tpu.memref_slice %arg12[%dma_wait3A_471, %dma_wait3A_472] : memref<2x128xi32, #tpu.memory_space<vmem>> -> memref<1x128xi32, #tpu.memory_space<vmem>>
      %dma_wait3A_474 = tpu.memref_squeeze %dma_wait3A_473 : memref<1x128xi32, #tpu.memory_space<vmem>> -> memref<128xi32, #tpu.memory_space<vmem>>
      %dma_wait3A_475 = arith.constant 0 : i32
      %dma_wait3A_476 = arith.constant 0 : i32
      %dma_wait3A_477 = tpu.memref_slice %arg6[%dma_wait3A_475, %dma_wait3A_476] : memref<10240x8xf32, #tpu.memory_space<vmem_shared>> -> memref<10240x8xf32, #tpu.memory_space<vmem_shared>>
      tpu.wait_indirect_dma semaphore(%arg44 : memref<!tpu.dma_semaphore, #tpu.memory_space<semaphore_mem>>) src(%arg20 : memref<128x8xf32, #tpu.memory_space<vmem>>) dst(%dma_wait3A_477 : memref<10240x8xf32, #tpu.memory_space<vmem_shared>>)
      %dma_wait3A_478 = arith.constant 1 : i32
      %dma_wait3A_479 = arith.constant 0 : i32
      %dma_wait3A_480 = tpu.memref_slice %arg13[%dma_wait3A_478, %dma_wait3A_479] : memref<2x128xi32, #tpu.memory_space<vmem>> -> memref<1x128xi32, #tpu.memory_space<vmem>>
      %dma_wait3A_481 = tpu.memref_squeeze %dma_wait3A_480 : memref<1x128xi32, #tpu.memory_space<vmem>> -> memref<128xi32, #tpu.memory_space<vmem>>
      %dma_wait3A_482 = arith.constant 0 : i32
      %dma_wait3A_483 = arith.constant 0 : i32
      %dma_wait3A_484 = tpu.memref_slice %arg6[%dma_wait3A_482, %dma_wait3A_483] : memref<10240x8xf32, #tpu.memory_space<vmem_shared>> -> memref<10240x8xf32, #tpu.memory_space<vmem_shared>>
      tpu.wait_indirect_dma semaphore(%arg45 : memref<!tpu.dma_semaphore, #tpu.memory_space<semaphore_mem>>) src(%arg21 : memref<128x8xf32, #tpu.memory_space<vmem>>) dst(%dma_wait3A_484 : memref<10240x8xf32, #tpu.memory_space<vmem_shared>>)
      %dma_wait3A_485 = arith.constant 1 : i32
      %dma_wait3A_486 = arith.constant 0 : i32
      %dma_wait3A_487 = tpu.memref_slice %arg14[%dma_wait3A_485, %dma_wait3A_486] : memref<2x128xi32, #tpu.memory_space<vmem>> -> memref<1x128xi32, #tpu.memory_space<vmem>>
      %dma_wait3A_488 = tpu.memref_squeeze %dma_wait3A_487 : memref<1x128xi32, #tpu.memory_space<vmem>> -> memref<128xi32, #tpu.memory_space<vmem>>
      %dma_wait3A_489 = arith.constant 0 : i32
      %dma_wait3A_490 = arith.constant 0 : i32
      %dma_wait3A_491 = tpu.memref_slice %arg6[%dma_wait3A_489, %dma_wait3A_490] : memref<10240x8xf32, #tpu.memory_space<vmem_shared>> -> memref<10240x8xf32, #tpu.memory_space<vmem_shared>>
      tpu.wait_indirect_dma semaphore(%arg46 : memref<!tpu.dma_semaphore, #tpu.memory_space<semaphore_mem>>) src(%arg22 : memref<128x8xf32, #tpu.memory_space<vmem>>) dst(%dma_wait3A_491 : memref<10240x8xf32, #tpu.memory_space<vmem_shared>>)
      %dma_wait3A_492 = arith.constant 1 : i32
      %dma_wait3A_493 = arith.constant 0 : i32
      %dma_wait3A_494 = tpu.memref_slice %arg15[%dma_wait3A_492, %dma_wait3A_493] : memref<2x128xi32, #tpu.memory_space<vmem>> -> memref<1x128xi32, #tpu.memory_space<vmem>>
      %dma_wait3A_495 = tpu.memref_squeeze %dma_wait3A_494 : memref<1x128xi32, #tpu.memory_space<vmem>> -> memref<128xi32, #tpu.memory_space<vmem>>
      %dma_wait3A_496 = arith.constant 0 : i32
      %dma_wait3A_497 = arith.constant 0 : i32
      %dma_wait3A_498 = tpu.memref_slice %arg6[%dma_wait3A_496, %dma_wait3A_497] : memref<10240x8xf32, #tpu.memory_space<vmem_shared>> -> memref<10240x8xf32, #tpu.memory_space<vmem_shared>>
      tpu.wait_indirect_dma semaphore(%arg47 : memref<!tpu.dma_semaphore, #tpu.memory_space<semaphore_mem>>) src(%arg23 : memref<128x8xf32, #tpu.memory_space<vmem>>) dst(%dma_wait3A_498 : memref<10240x8xf32, #tpu.memory_space<vmem_shared>>)
    }
    %scan3A_39 = arith.constant 10 : i32
    %barrier3A_40 = arith.constant 0 : index
    tpu.barrier barrier_id(%barrier3A_40)
    %mul3A_41 = arith.constant 640 : i32
    %mul3A_42 = arith.muli %arg1, %mul3A_41 : i32
    %add3A_43 = arith.constant 0 : i32
    %add3A_44 = arith.addi %mul3A_42, %add3A_43 : i32
    "tpu.region"() ({
      %run_scoped3A = tpu.sem_alloc : memref<!tpu.dma_semaphore, #tpu.memory_space<semaphore_mem>>
      %dma_start3A = arith.constant 0 : i32
      %dma_start3A_129 = tpu.memref_slice %arg6[%add3A_44, %dma_start3A] : memref<10240x8xf32, #tpu.memory_space<vmem_shared>> -> memref<80x8xf32, #tpu.memory_space<vmem_shared>>
      %dma_start3A_130 = arith.constant 0 : i32
      %dma_start3A_131 = tpu.memref_slice %arg6[%add3A_44, %dma_start3A_130] : memref<10240x8xf32, #tpu.memory_space<vmem_shared>> -> memref<80x8xf32, #tpu.memory_space<vmem_shared>>
      tpu.enqueue_dma source(%dma_start3A_131 : memref<80x8xf32, #tpu.memory_space<vmem_shared>>) target(%arg7 : memref<80x8xf32, #tpu.memory_space<vmem>>) target_semaphore(%run_scoped3A : memref<!tpu.dma_semaphore, #tpu.memory_space<semaphore_mem>>)
      %dma_wait3A = arith.constant 0 : i32
      %dma_wait3A_132 = tpu.memref_slice %arg6[%add3A_44, %dma_wait3A] : memref<10240x8xf32, #tpu.memory_space<vmem_shared>> -> memref<80x8xf32, #tpu.memory_space<vmem_shared>>
      %dma_wait3A_133 = arith.constant 0 : i32
      %dma_wait3A_134 = tpu.memref_slice %arg6[%add3A_44, %dma_wait3A_133] : memref<10240x8xf32, #tpu.memory_space<vmem_shared>> -> memref<80x8xf32, #tpu.memory_space<vmem_shared>>
      tpu.wait_dma2 semaphore(%run_scoped3A : memref<!tpu.dma_semaphore, #tpu.memory_space<semaphore_mem>>) src(%dma_wait3A_134 : memref<80x8xf32, #tpu.memory_space<vmem_shared>>) dst(%arg7 : memref<80x8xf32, #tpu.memory_space<vmem>>)
      tpu.yield
    }) : () -> ()
    %mul3A_45 = arith.constant 16 : i32
    %mul3A_46 = arith.muli %arg0, %mul3A_45 : i32
    %add3A_47 = arith.addi %mul3A_46, %arg1 : i32
    %mul3A_48 = arith.constant 640 : i32
    %mul3A_49 = arith.muli %add3A_47, %mul3A_48 : i32
    %add3A_50 = arith.constant 0 : i32
    %add3A_51 = arith.addi %mul3A_49, %add3A_50 : i32
    "tpu.region"() ({
      %run_scoped3A = tpu.sem_alloc : memref<!tpu.dma_semaphore, #tpu.memory_space<semaphore_mem>>
      %dma_start3A = arith.constant 0 : i32
      %dma_start3A_129 = tpu.memref_slice %arg5[%add3A_51, %dma_start3A] : memref<20480x8xf32, #tpu.memory_space<hbm>> -> memref<80x8xf32, #tpu.memory_space<hbm>>
      %dma_start3A_130 = arith.constant 0 : i32
      %dma_start3A_131 = tpu.memref_slice %arg5[%add3A_51, %dma_start3A_130] : memref<20480x8xf32, #tpu.memory_space<hbm>> -> memref<80x8xf32, #tpu.memory_space<hbm>>
      tpu.enqueue_dma source(%arg7 : memref<80x8xf32, #tpu.memory_space<vmem>>) target(%dma_start3A_131 : memref<80x8xf32, #tpu.memory_space<hbm>>) target_semaphore(%run_scoped3A : memref<!tpu.dma_semaphore, #tpu.memory_space<semaphore_mem>>)
      %dma_wait3A = arith.constant 0 : i32
      %dma_wait3A_132 = tpu.memref_slice %arg5[%add3A_51, %dma_wait3A] : memref<20480x8xf32, #tpu.memory_space<hbm>> -> memref<80x8xf32, #tpu.memory_space<hbm>>
      %dma_wait3A_133 = arith.constant 0 : i32
      %dma_wait3A_134 = tpu.memref_slice %arg5[%add3A_51, %dma_wait3A_133] : memref<20480x8xf32, #tpu.memory_space<hbm>> -> memref<80x8xf32, #tpu.memory_space<hbm>>
      tpu.wait_dma2 semaphore(%run_scoped3A : memref<!tpu.dma_semaphore, #tpu.memory_space<semaphore_mem>>) src(%arg7 : memref<80x8xf32, #tpu.memory_space<vmem>>) dst(%dma_wait3A_134 : memref<80x8xf32, #tpu.memory_space<hbm>>)
      tpu.yield
    }) : () -> ()
    %mul3A_52 = arith.constant 640 : i32
    %mul3A_53 = arith.muli %arg1, %mul3A_52 : i32
    %add3A_54 = arith.constant 80 : i32
    %add3A_55 = arith.addi %mul3A_53, %add3A_54 : i32
    "tpu.region"() ({
      %run_scoped3A = tpu.sem_alloc : memref<!tpu.dma_semaphore, #tpu.memory_space<semaphore_mem>>
      %dma_start3A = arith.constant 0 : i32
      %dma_start3A_129 = tpu.memref_slice %arg6[%add3A_55, %dma_start3A] : memref<10240x8xf32, #tpu.memory_space<vmem_shared>> -> memref<80x8xf32, #tpu.memory_space<vmem_shared>>
      %dma_start3A_130 = arith.constant 0 : i32
      %dma_start3A_131 = tpu.memref_slice %arg6[%add3A_55, %dma_start3A_130] : memref<10240x8xf32, #tpu.memory_space<vmem_shared>> -> memref<80x8xf32, #tpu.memory_space<vmem_shared>>
      tpu.enqueue_dma source(%dma_start3A_131 : memref<80x8xf32, #tpu.memory_space<vmem_shared>>) target(%arg7 : memref<80x8xf32, #tpu.memory_space<vmem>>) target_semaphore(%run_scoped3A : memref<!tpu.dma_semaphore, #tpu.memory_space<semaphore_mem>>)
      %dma_wait3A = arith.constant 0 : i32
      %dma_wait3A_132 = tpu.memref_slice %arg6[%add3A_55, %dma_wait3A] : memref<10240x8xf32, #tpu.memory_space<vmem_shared>> -> memref<80x8xf32, #tpu.memory_space<vmem_shared>>
      %dma_wait3A_133 = arith.constant 0 : i32
      %dma_wait3A_134 = tpu.memref_slice %arg6[%add3A_55, %dma_wait3A_133] : memref<10240x8xf32, #tpu.memory_space<vmem_shared>> -> memref<80x8xf32, #tpu.memory_space<vmem_shared>>
      tpu.wait_dma2 semaphore(%run_scoped3A : memref<!tpu.dma_semaphore, #tpu.memory_space<semaphore_mem>>) src(%dma_wait3A_134 : memref<80x8xf32, #tpu.memory_space<vmem_shared>>) dst(%arg7 : memref<80x8xf32, #tpu.memory_space<vmem>>)
      tpu.yield
    }) : () -> ()
    %mul3A_56 = arith.constant 16 : i32
    %mul3A_57 = arith.muli %arg0, %mul3A_56 : i32
    %add3A_58 = arith.addi %mul3A_57, %arg1 : i32
    %mul3A_59 = arith.constant 640 : i32
    %mul3A_60 = arith.muli %add3A_58, %mul3A_59 : i32
    %add3A_61 = arith.constant 80 : i32
    %add3A_62 = arith.addi %mul3A_60, %add3A_61 : i32
    "tpu.region"() ({
      %run_scoped3A = tpu.sem_alloc : memref<!tpu.dma_semaphore, #tpu.memory_space<semaphore_mem>>
      %dma_start3A = arith.constant 0 : i32
      %dma_start3A_129 = tpu.memref_slice %arg5[%add3A_62, %dma_start3A] : memref<20480x8xf32, #tpu.memory_space<hbm>> -> memref<80x8xf32, #tpu.memory_space<hbm>>
      %dma_start3A_130 = arith.constant 0 : i32
      %dma_start3A_131 = tpu.memref_slice %arg5[%add3A_62, %dma_start3A_130] : memref<20480x8xf32, #tpu.memory_space<hbm>> -> memref<80x8xf32, #tpu.memory_space<hbm>>
      tpu.enqueue_dma source(%arg7 : memref<80x8xf32, #tpu.memory_space<vmem>>) target(%dma_start3A_131 : memref<80x8xf32, #tpu.memory_space<hbm>>) target_semaphore(%run_scoped3A : memref<!tpu.dma_semaphore, #tpu.memory_space<semaphore_mem>>)
      %dma_wait3A = arith.constant 0 : i32
      %dma_wait3A_132 = tpu.memref_slice %arg5[%add3A_62, %dma_wait3A] : memref<20480x8xf32, #tpu.memory_space<hbm>> -> memref<80x8xf32, #tpu.memory_space<hbm>>
      %dma_wait3A_133 = arith.constant 0 : i32
      %dma_wait3A_134 = tpu.memref_slice %arg5[%add3A_62, %dma_wait3A_133] : memref<20480x8xf32, #tpu.memory_space<hbm>> -> memref<80x8xf32, #tpu.memory_space<hbm>>
      tpu.wait_dma2 semaphore(%run_scoped3A : memref<!tpu.dma_semaphore, #tpu.memory_space<semaphore_mem>>) src(%arg7 : memref<80x8xf32, #tpu.memory_space<vmem>>) dst(%dma_wait3A_134 : memref<80x8xf32, #tpu.memory_space<hbm>>)
      tpu.yield
    }) : () -> ()
    %mul3A_63 = arith.constant 640 : i32
    %mul3A_64 = arith.muli %arg1, %mul3A_63 : i32
    %add3A_65 = arith.constant 160 : i32
    %add3A_66 = arith.addi %mul3A_64, %add3A_65 : i32
    "tpu.region"() ({
      %run_scoped3A = tpu.sem_alloc : memref<!tpu.dma_semaphore, #tpu.memory_space<semaphore_mem>>
      %dma_start3A = arith.constant 0 : i32
      %dma_start3A_129 = tpu.memref_slice %arg6[%add3A_66, %dma_start3A] : memref<10240x8xf32, #tpu.memory_space<vmem_shared>> -> memref<80x8xf32, #tpu.memory_space<vmem_shared>>
      %dma_start3A_130 = arith.constant 0 : i32
      %dma_start3A_131 = tpu.memref_slice %arg6[%add3A_66, %dma_start3A_130] : memref<10240x8xf32, #tpu.memory_space<vmem_shared>> -> memref<80x8xf32, #tpu.memory_space<vmem_shared>>
      tpu.enqueue_dma source(%dma_start3A_131 : memref<80x8xf32, #tpu.memory_space<vmem_shared>>) target(%arg7 : memref<80x8xf32, #tpu.memory_space<vmem>>) target_semaphore(%run_scoped3A : memref<!tpu.dma_semaphore, #tpu.memory_space<semaphore_mem>>)
      %dma_wait3A = arith.constant 0 : i32
      %dma_wait3A_132 = tpu.memref_slice %arg6[%add3A_66, %dma_wait3A] : memref<10240x8xf32, #tpu.memory_space<vmem_shared>> -> memref<80x8xf32, #tpu.memory_space<vmem_shared>>
      %dma_wait3A_133 = arith.constant 0 : i32
      %dma_wait3A_134 = tpu.memref_slice %arg6[%add3A_66, %dma_wait3A_133] : memref<10240x8xf32, #tpu.memory_space<vmem_shared>> -> memref<80x8xf32, #tpu.memory_space<vmem_shared>>
      tpu.wait_dma2 semaphore(%run_scoped3A : memref<!tpu.dma_semaphore, #tpu.memory_space<semaphore_mem>>) src(%dma_wait3A_134 : memref<80x8xf32, #tpu.memory_space<vmem_shared>>) dst(%arg7 : memref<80x8xf32, #tpu.memory_space<vmem>>)
      tpu.yield
    }) : () -> ()
    %mul3A_67 = arith.constant 16 : i32
    %mul3A_68 = arith.muli %arg0, %mul3A_67 : i32
    %add3A_69 = arith.addi %mul3A_68, %arg1 : i32
    %mul3A_70 = arith.constant 640 : i32
    %mul3A_71 = arith.muli %add3A_69, %mul3A_70 : i32
    %add3A_72 = arith.constant 160 : i32
    %add3A_73 = arith.addi %mul3A_71, %add3A_72 : i32
    "tpu.region"() ({
      %run_scoped3A = tpu.sem_alloc : memref<!tpu.dma_semaphore, #tpu.memory_space<semaphore_mem>>
      %dma_start3A = arith.constant 0 : i32
      %dma_start3A_129 = tpu.memref_slice %arg5[%add3A_73, %dma_start3A] : memref<20480x8xf32, #tpu.memory_space<hbm>> -> memref<80x8xf32, #tpu.memory_space<hbm>>
      %dma_start3A_130 = arith.constant 0 : i32
      %dma_start3A_131 = tpu.memref_slice %arg5[%add3A_73, %dma_start3A_130] : memref<20480x8xf32, #tpu.memory_space<hbm>> -> memref<80x8xf32, #tpu.memory_space<hbm>>
      tpu.enqueue_dma source(%arg7 : memref<80x8xf32, #tpu.memory_space<vmem>>) target(%dma_start3A_131 : memref<80x8xf32, #tpu.memory_space<hbm>>) target_semaphore(%run_scoped3A : memref<!tpu.dma_semaphore, #tpu.memory_space<semaphore_mem>>)
      %dma_wait3A = arith.constant 0 : i32
      %dma_wait3A_132 = tpu.memref_slice %arg5[%add3A_73, %dma_wait3A] : memref<20480x8xf32, #tpu.memory_space<hbm>> -> memref<80x8xf32, #tpu.memory_space<hbm>>
      %dma_wait3A_133 = arith.constant 0 : i32
      %dma_wait3A_134 = tpu.memref_slice %arg5[%add3A_73, %dma_wait3A_133] : memref<20480x8xf32, #tpu.memory_space<hbm>> -> memref<80x8xf32, #tpu.memory_space<hbm>>
      tpu.wait_dma2 semaphore(%run_scoped3A : memref<!tpu.dma_semaphore, #tpu.memory_space<semaphore_mem>>) src(%arg7 : memref<80x8xf32, #tpu.memory_space<vmem>>) dst(%dma_wait3A_134 : memref<80x8xf32, #tpu.memory_space<hbm>>)
      tpu.yield
    }) : () -> ()
    %mul3A_74 = arith.constant 640 : i32
    %mul3A_75 = arith.muli %arg1, %mul3A_74 : i32
    %add3A_76 = arith.constant 240 : i32
    %add3A_77 = arith.addi %mul3A_75, %add3A_76 : i32
    "tpu.region"() ({
      %run_scoped3A = tpu.sem_alloc : memref<!tpu.dma_semaphore, #tpu.memory_space<semaphore_mem>>
      %dma_start3A = arith.constant 0 : i32
      %dma_start3A_129 = tpu.memref_slice %arg6[%add3A_77, %dma_start3A] : memref<10240x8xf32, #tpu.memory_space<vmem_shared>> -> memref<80x8xf32, #tpu.memory_space<vmem_shared>>
      %dma_start3A_130 = arith.constant 0 : i32
      %dma_start3A_131 = tpu.memref_slice %arg6[%add3A_77, %dma_start3A_130] : memref<10240x8xf32, #tpu.memory_space<vmem_shared>> -> memref<80x8xf32, #tpu.memory_space<vmem_shared>>
      tpu.enqueue_dma source(%dma_start3A_131 : memref<80x8xf32, #tpu.memory_space<vmem_shared>>) target(%arg7 : memref<80x8xf32, #tpu.memory_space<vmem>>) target_semaphore(%run_scoped3A : memref<!tpu.dma_semaphore, #tpu.memory_space<semaphore_mem>>)
      %dma_wait3A = arith.constant 0 : i32
      %dma_wait3A_132 = tpu.memref_slice %arg6[%add3A_77, %dma_wait3A] : memref<10240x8xf32, #tpu.memory_space<vmem_shared>> -> memref<80x8xf32, #tpu.memory_space<vmem_shared>>
      %dma_wait3A_133 = arith.constant 0 : i32
      %dma_wait3A_134 = tpu.memref_slice %arg6[%add3A_77, %dma_wait3A_133] : memref<10240x8xf32, #tpu.memory_space<vmem_shared>> -> memref<80x8xf32, #tpu.memory_space<vmem_shared>>
      tpu.wait_dma2 semaphore(%run_scoped3A : memref<!tpu.dma_semaphore, #tpu.memory_space<semaphore_mem>>) src(%dma_wait3A_134 : memref<80x8xf32, #tpu.memory_space<vmem_shared>>) dst(%arg7 : memref<80x8xf32, #tpu.memory_space<vmem>>)
      tpu.yield
    }) : () -> ()
    %mul3A_78 = arith.constant 16 : i32
    %mul3A_79 = arith.muli %arg0, %mul3A_78 : i32
    %add3A_80 = arith.addi %mul3A_79, %arg1 : i32
    %mul3A_81 = arith.constant 640 : i32
    %mul3A_82 = arith.muli %add3A_80, %mul3A_81 : i32
    %add3A_83 = arith.constant 240 : i32
    %add3A_84 = arith.addi %mul3A_82, %add3A_83 : i32
    "tpu.region"() ({
      %run_scoped3A = tpu.sem_alloc : memref<!tpu.dma_semaphore, #tpu.memory_space<semaphore_mem>>
      %dma_start3A = arith.constant 0 : i32
      %dma_start3A_129 = tpu.memref_slice %arg5[%add3A_84, %dma_start3A] : memref<20480x8xf32, #tpu.memory_space<hbm>> -> memref<80x8xf32, #tpu.memory_space<hbm>>
      %dma_start3A_130 = arith.constant 0 : i32
      %dma_start3A_131 = tpu.memref_slice %arg5[%add3A_84, %dma_start3A_130] : memref<20480x8xf32, #tpu.memory_space<hbm>> -> memref<80x8xf32, #tpu.memory_space<hbm>>
      tpu.enqueue_dma source(%arg7 : memref<80x8xf32, #tpu.memory_space<vmem>>) target(%dma_start3A_131 : memref<80x8xf32, #tpu.memory_space<hbm>>) target_semaphore(%run_scoped3A : memref<!tpu.dma_semaphore, #tpu.memory_space<semaphore_mem>>)
      %dma_wait3A = arith.constant 0 : i32
      %dma_wait3A_132 = tpu.memref_slice %arg5[%add3A_84, %dma_wait3A] : memref<20480x8xf32, #tpu.memory_space<hbm>> -> memref<80x8xf32, #tpu.memory_space<hbm>>
      %dma_wait3A_133 = arith.constant 0 : i32
      %dma_wait3A_134 = tpu.memref_slice %arg5[%add3A_84, %dma_wait3A_133] : memref<20480x8xf32, #tpu.memory_space<hbm>> -> memref<80x8xf32, #tpu.memory_space<hbm>>
      tpu.wait_dma2 semaphore(%run_scoped3A : memref<!tpu.dma_semaphore, #tpu.memory_space<semaphore_mem>>) src(%arg7 : memref<80x8xf32, #tpu.memory_space<vmem>>) dst(%dma_wait3A_134 : memref<80x8xf32, #tpu.memory_space<hbm>>)
      tpu.yield
    }) : () -> ()
    %mul3A_85 = arith.constant 640 : i32
    %mul3A_86 = arith.muli %arg1, %mul3A_85 : i32
    %add3A_87 = arith.constant 320 : i32
    %add3A_88 = arith.addi %mul3A_86, %add3A_87 : i32
    "tpu.region"() ({
      %run_scoped3A = tpu.sem_alloc : memref<!tpu.dma_semaphore, #tpu.memory_space<semaphore_mem>>
      %dma_start3A = arith.constant 0 : i32
      %dma_start3A_129 = tpu.memref_slice %arg6[%add3A_88, %dma_start3A] : memref<10240x8xf32, #tpu.memory_space<vmem_shared>> -> memref<80x8xf32, #tpu.memory_space<vmem_shared>>
      %dma_start3A_130 = arith.constant 0 : i32
      %dma_start3A_131 = tpu.memref_slice %arg6[%add3A_88, %dma_start3A_130] : memref<10240x8xf32, #tpu.memory_space<vmem_shared>> -> memref<80x8xf32, #tpu.memory_space<vmem_shared>>
      tpu.enqueue_dma source(%dma_start3A_131 : memref<80x8xf32, #tpu.memory_space<vmem_shared>>) target(%arg7 : memref<80x8xf32, #tpu.memory_space<vmem>>) target_semaphore(%run_scoped3A : memref<!tpu.dma_semaphore, #tpu.memory_space<semaphore_mem>>)
      %dma_wait3A = arith.constant 0 : i32
      %dma_wait3A_132 = tpu.memref_slice %arg6[%add3A_88, %dma_wait3A] : memref<10240x8xf32, #tpu.memory_space<vmem_shared>> -> memref<80x8xf32, #tpu.memory_space<vmem_shared>>
      %dma_wait3A_133 = arith.constant 0 : i32
      %dma_wait3A_134 = tpu.memref_slice %arg6[%add3A_88, %dma_wait3A_133] : memref<10240x8xf32, #tpu.memory_space<vmem_shared>> -> memref<80x8xf32, #tpu.memory_space<vmem_shared>>
      tpu.wait_dma2 semaphore(%run_scoped3A : memref<!tpu.dma_semaphore, #tpu.memory_space<semaphore_mem>>) src(%dma_wait3A_134 : memref<80x8xf32, #tpu.memory_space<vmem_shared>>) dst(%arg7 : memref<80x8xf32, #tpu.memory_space<vmem>>)
      tpu.yield
    }) : () -> ()
    %mul3A_89 = arith.constant 16 : i32
    %mul3A_90 = arith.muli %arg0, %mul3A_89 : i32
    %add3A_91 = arith.addi %mul3A_90, %arg1 : i32
    %mul3A_92 = arith.constant 640 : i32
    %mul3A_93 = arith.muli %add3A_91, %mul3A_92 : i32
    %add3A_94 = arith.constant 320 : i32
    %add3A_95 = arith.addi %mul3A_93, %add3A_94 : i32
    "tpu.region"() ({
      %run_scoped3A = tpu.sem_alloc : memref<!tpu.dma_semaphore, #tpu.memory_space<semaphore_mem>>
      %dma_start3A = arith.constant 0 : i32
      %dma_start3A_129 = tpu.memref_slice %arg5[%add3A_95, %dma_start3A] : memref<20480x8xf32, #tpu.memory_space<hbm>> -> memref<80x8xf32, #tpu.memory_space<hbm>>
      %dma_start3A_130 = arith.constant 0 : i32
      %dma_start3A_131 = tpu.memref_slice %arg5[%add3A_95, %dma_start3A_130] : memref<20480x8xf32, #tpu.memory_space<hbm>> -> memref<80x8xf32, #tpu.memory_space<hbm>>
      tpu.enqueue_dma source(%arg7 : memref<80x8xf32, #tpu.memory_space<vmem>>) target(%dma_start3A_131 : memref<80x8xf32, #tpu.memory_space<hbm>>) target_semaphore(%run_scoped3A : memref<!tpu.dma_semaphore, #tpu.memory_space<semaphore_mem>>)
      %dma_wait3A = arith.constant 0 : i32
      %dma_wait3A_132 = tpu.memref_slice %arg5[%add3A_95, %dma_wait3A] : memref<20480x8xf32, #tpu.memory_space<hbm>> -> memref<80x8xf32, #tpu.memory_space<hbm>>
      %dma_wait3A_133 = arith.constant 0 : i32
      %dma_wait3A_134 = tpu.memref_slice %arg5[%add3A_95, %dma_wait3A_133] : memref<20480x8xf32, #tpu.memory_space<hbm>> -> memref<80x8xf32, #tpu.memory_space<hbm>>
      tpu.wait_dma2 semaphore(%run_scoped3A : memref<!tpu.dma_semaphore, #tpu.memory_space<semaphore_mem>>) src(%arg7 : memref<80x8xf32, #tpu.memory_space<vmem>>) dst(%dma_wait3A_134 : memref<80x8xf32, #tpu.memory_space<hbm>>)
      tpu.yield
    }) : () -> ()
    %mul3A_96 = arith.constant 640 : i32
    %mul3A_97 = arith.muli %arg1, %mul3A_96 : i32
    %add3A_98 = arith.constant 400 : i32
    %add3A_99 = arith.addi %mul3A_97, %add3A_98 : i32
    "tpu.region"() ({
      %run_scoped3A = tpu.sem_alloc : memref<!tpu.dma_semaphore, #tpu.memory_space<semaphore_mem>>
      %dma_start3A = arith.constant 0 : i32
      %dma_start3A_129 = tpu.memref_slice %arg6[%add3A_99, %dma_start3A] : memref<10240x8xf32, #tpu.memory_space<vmem_shared>> -> memref<80x8xf32, #tpu.memory_space<vmem_shared>>
      %dma_start3A_130 = arith.constant 0 : i32
      %dma_start3A_131 = tpu.memref_slice %arg6[%add3A_99, %dma_start3A_130] : memref<10240x8xf32, #tpu.memory_space<vmem_shared>> -> memref<80x8xf32, #tpu.memory_space<vmem_shared>>
      tpu.enqueue_dma source(%dma_start3A_131 : memref<80x8xf32, #tpu.memory_space<vmem_shared>>) target(%arg7 : memref<80x8xf32, #tpu.memory_space<vmem>>) target_semaphore(%run_scoped3A : memref<!tpu.dma_semaphore, #tpu.memory_space<semaphore_mem>>)
      %dma_wait3A = arith.constant 0 : i32
      %dma_wait3A_132 = tpu.memref_slice %arg6[%add3A_99, %dma_wait3A] : memref<10240x8xf32, #tpu.memory_space<vmem_shared>> -> memref<80x8xf32, #tpu.memory_space<vmem_shared>>
      %dma_wait3A_133 = arith.constant 0 : i32
      %dma_wait3A_134 = tpu.memref_slice %arg6[%add3A_99, %dma_wait3A_133] : memref<10240x8xf32, #tpu.memory_space<vmem_shared>> -> memref<80x8xf32, #tpu.memory_space<vmem_shared>>
      tpu.wait_dma2 semaphore(%run_scoped3A : memref<!tpu.dma_semaphore, #tpu.memory_space<semaphore_mem>>) src(%dma_wait3A_134 : memref<80x8xf32, #tpu.memory_space<vmem_shared>>) dst(%arg7 : memref<80x8xf32, #tpu.memory_space<vmem>>)
      tpu.yield
    }) : () -> ()
    %mul3A_100 = arith.constant 16 : i32
    %mul3A_101 = arith.muli %arg0, %mul3A_100 : i32
    %add3A_102 = arith.addi %mul3A_101, %arg1 : i32
    %mul3A_103 = arith.constant 640 : i32
    %mul3A_104 = arith.muli %add3A_102, %mul3A_103 : i32
    %add3A_105 = arith.constant 400 : i32
    %add3A_106 = arith.addi %mul3A_104, %add3A_105 : i32
    "tpu.region"() ({
      %run_scoped3A = tpu.sem_alloc : memref<!tpu.dma_semaphore, #tpu.memory_space<semaphore_mem>>
      %dma_start3A = arith.constant 0 : i32
      %dma_start3A_129 = tpu.memref_slice %arg5[%add3A_106, %dma_start3A] : memref<20480x8xf32, #tpu.memory_space<hbm>> -> memref<80x8xf32, #tpu.memory_space<hbm>>
      %dma_start3A_130 = arith.constant 0 : i32
      %dma_start3A_131 = tpu.memref_slice %arg5[%add3A_106, %dma_start3A_130] : memref<20480x8xf32, #tpu.memory_space<hbm>> -> memref<80x8xf32, #tpu.memory_space<hbm>>
      tpu.enqueue_dma source(%arg7 : memref<80x8xf32, #tpu.memory_space<vmem>>) target(%dma_start3A_131 : memref<80x8xf32, #tpu.memory_space<hbm>>) target_semaphore(%run_scoped3A : memref<!tpu.dma_semaphore, #tpu.memory_space<semaphore_mem>>)
      %dma_wait3A = arith.constant 0 : i32
      %dma_wait3A_132 = tpu.memref_slice %arg5[%add3A_106, %dma_wait3A] : memref<20480x8xf32, #tpu.memory_space<hbm>> -> memref<80x8xf32, #tpu.memory_space<hbm>>
      %dma_wait3A_133 = arith.constant 0 : i32
      %dma_wait3A_134 = tpu.memref_slice %arg5[%add3A_106, %dma_wait3A_133] : memref<20480x8xf32, #tpu.memory_space<hbm>> -> memref<80x8xf32, #tpu.memory_space<hbm>>
      tpu.wait_dma2 semaphore(%run_scoped3A : memref<!tpu.dma_semaphore, #tpu.memory_space<semaphore_mem>>) src(%arg7 : memref<80x8xf32, #tpu.memory_space<vmem>>) dst(%dma_wait3A_134 : memref<80x8xf32, #tpu.memory_space<hbm>>)
      tpu.yield
    }) : () -> ()
    %mul3A_107 = arith.constant 640 : i32
    %mul3A_108 = arith.muli %arg1, %mul3A_107 : i32
    %add3A_109 = arith.constant 480 : i32
    %add3A_110 = arith.addi %mul3A_108, %add3A_109 : i32
    "tpu.region"() ({
      %run_scoped3A = tpu.sem_alloc : memref<!tpu.dma_semaphore, #tpu.memory_space<semaphore_mem>>
      %dma_start3A = arith.constant 0 : i32
      %dma_start3A_129 = tpu.memref_slice %arg6[%add3A_110, %dma_start3A] : memref<10240x8xf32, #tpu.memory_space<vmem_shared>> -> memref<80x8xf32, #tpu.memory_space<vmem_shared>>
      %dma_start3A_130 = arith.constant 0 : i32
      %dma_start3A_131 = tpu.memref_slice %arg6[%add3A_110, %dma_start3A_130] : memref<10240x8xf32, #tpu.memory_space<vmem_shared>> -> memref<80x8xf32, #tpu.memory_space<vmem_shared>>
      tpu.enqueue_dma source(%dma_start3A_131 : memref<80x8xf32, #tpu.memory_space<vmem_shared>>) target(%arg7 : memref<80x8xf32, #tpu.memory_space<vmem>>) target_semaphore(%run_scoped3A : memref<!tpu.dma_semaphore, #tpu.memory_space<semaphore_mem>>)
      %dma_wait3A = arith.constant 0 : i32
      %dma_wait3A_132 = tpu.memref_slice %arg6[%add3A_110, %dma_wait3A] : memref<10240x8xf32, #tpu.memory_space<vmem_shared>> -> memref<80x8xf32, #tpu.memory_space<vmem_shared>>
      %dma_wait3A_133 = arith.constant 0 : i32
      %dma_wait3A_134 = tpu.memref_slice %arg6[%add3A_110, %dma_wait3A_133] : memref<10240x8xf32, #tpu.memory_space<vmem_shared>> -> memref<80x8xf32, #tpu.memory_space<vmem_shared>>
      tpu.wait_dma2 semaphore(%run_scoped3A : memref<!tpu.dma_semaphore, #tpu.memory_space<semaphore_mem>>) src(%dma_wait3A_134 : memref<80x8xf32, #tpu.memory_space<vmem_shared>>) dst(%arg7 : memref<80x8xf32, #tpu.memory_space<vmem>>)
      tpu.yield
    }) : () -> ()
    %mul3A_111 = arith.constant 16 : i32
    %mul3A_112 = arith.muli %arg0, %mul3A_111 : i32
    %add3A_113 = arith.addi %mul3A_112, %arg1 : i32
    %mul3A_114 = arith.constant 640 : i32
    %mul3A_115 = arith.muli %add3A_113, %mul3A_114 : i32
    %add3A_116 = arith.constant 480 : i32
    %add3A_117 = arith.addi %mul3A_115, %add3A_116 : i32
    "tpu.region"() ({
      %run_scoped3A = tpu.sem_alloc : memref<!tpu.dma_semaphore, #tpu.memory_space<semaphore_mem>>
      %dma_start3A = arith.constant 0 : i32
      %dma_start3A_129 = tpu.memref_slice %arg5[%add3A_117, %dma_start3A] : memref<20480x8xf32, #tpu.memory_space<hbm>> -> memref<80x8xf32, #tpu.memory_space<hbm>>
      %dma_start3A_130 = arith.constant 0 : i32
      %dma_start3A_131 = tpu.memref_slice %arg5[%add3A_117, %dma_start3A_130] : memref<20480x8xf32, #tpu.memory_space<hbm>> -> memref<80x8xf32, #tpu.memory_space<hbm>>
      tpu.enqueue_dma source(%arg7 : memref<80x8xf32, #tpu.memory_space<vmem>>) target(%dma_start3A_131 : memref<80x8xf32, #tpu.memory_space<hbm>>) target_semaphore(%run_scoped3A : memref<!tpu.dma_semaphore, #tpu.memory_space<semaphore_mem>>)
      %dma_wait3A = arith.constant 0 : i32
      %dma_wait3A_132 = tpu.memref_slice %arg5[%add3A_117, %dma_wait3A] : memref<20480x8xf32, #tpu.memory_space<hbm>> -> memref<80x8xf32, #tpu.memory_space<hbm>>
      %dma_wait3A_133 = arith.constant 0 : i32
      %dma_wait3A_134 = tpu.memref_slice %arg5[%add3A_117, %dma_wait3A_133] : memref<20480x8xf32, #tpu.memory_space<hbm>> -> memref<80x8xf32, #tpu.memory_space<hbm>>
      tpu.wait_dma2 semaphore(%run_scoped3A : memref<!tpu.dma_semaphore, #tpu.memory_space<semaphore_mem>>) src(%arg7 : memref<80x8xf32, #tpu.memory_space<vmem>>) dst(%dma_wait3A_134 : memref<80x8xf32, #tpu.memory_space<hbm>>)
      tpu.yield
    }) : () -> ()
    %mul3A_118 = arith.constant 640 : i32
    %mul3A_119 = arith.muli %arg1, %mul3A_118 : i32
    %add3A_120 = arith.constant 560 : i32
    %add3A_121 = arith.addi %mul3A_119, %add3A_120 : i32
    "tpu.region"() ({
      %run_scoped3A = tpu.sem_alloc : memref<!tpu.dma_semaphore, #tpu.memory_space<semaphore_mem>>
      %dma_start3A = arith.constant 0 : i32
      %dma_start3A_129 = tpu.memref_slice %arg6[%add3A_121, %dma_start3A] : memref<10240x8xf32, #tpu.memory_space<vmem_shared>> -> memref<80x8xf32, #tpu.memory_space<vmem_shared>>
      %dma_start3A_130 = arith.constant 0 : i32
      %dma_start3A_131 = tpu.memref_slice %arg6[%add3A_121, %dma_start3A_130] : memref<10240x8xf32, #tpu.memory_space<vmem_shared>> -> memref<80x8xf32, #tpu.memory_space<vmem_shared>>
      tpu.enqueue_dma source(%dma_start3A_131 : memref<80x8xf32, #tpu.memory_space<vmem_shared>>) target(%arg7 : memref<80x8xf32, #tpu.memory_space<vmem>>) target_semaphore(%run_scoped3A : memref<!tpu.dma_semaphore, #tpu.memory_space<semaphore_mem>>)
      %dma_wait3A = arith.constant 0 : i32
      %dma_wait3A_132 = tpu.memref_slice %arg6[%add3A_121, %dma_wait3A] : memref<10240x8xf32, #tpu.memory_space<vmem_shared>> -> memref<80x8xf32, #tpu.memory_space<vmem_shared>>
      %dma_wait3A_133 = arith.constant 0 : i32
      %dma_wait3A_134 = tpu.memref_slice %arg6[%add3A_121, %dma_wait3A_133] : memref<10240x8xf32, #tpu.memory_space<vmem_shared>> -> memref<80x8xf32, #tpu.memory_space<vmem_shared>>
      tpu.wait_dma2 semaphore(%run_scoped3A : memref<!tpu.dma_semaphore, #tpu.memory_space<semaphore_mem>>) src(%dma_wait3A_134 : memref<80x8xf32, #tpu.memory_space<vmem_shared>>) dst(%arg7 : memref<80x8xf32, #tpu.memory_space<vmem>>)
      tpu.yield
    }) : () -> ()
    %mul3A_122 = arith.constant 16 : i32
    %mul3A_123 = arith.muli %arg0, %mul3A_122 : i32
    %add3A_124 = arith.addi %mul3A_123, %arg1 : i32
    %mul3A_125 = arith.constant 640 : i32
    %mul3A_126 = arith.muli %add3A_124, %mul3A_125 : i32
    %add3A_127 = arith.constant 560 : i32
    %add3A_128 = arith.addi %mul3A_126, %add3A_127 : i32
    "tpu.region"() ({
      %run_scoped3A = tpu.sem_alloc : memref<!tpu.dma_semaphore, #tpu.memory_space<semaphore_mem>>
      %dma_start3A = arith.constant 0 : i32
      %dma_start3A_129 = tpu.memref_slice %arg5[%add3A_128, %dma_start3A] : memref<20480x8xf32, #tpu.memory_space<hbm>> -> memref<80x8xf32, #tpu.memory_space<hbm>>
      %dma_start3A_130 = arith.constant 0 : i32
      %dma_start3A_131 = tpu.memref_slice %arg5[%add3A_128, %dma_start3A_130] : memref<20480x8xf32, #tpu.memory_space<hbm>> -> memref<80x8xf32, #tpu.memory_space<hbm>>
      tpu.enqueue_dma source(%arg7 : memref<80x8xf32, #tpu.memory_space<vmem>>) target(%dma_start3A_131 : memref<80x8xf32, #tpu.memory_space<hbm>>) target_semaphore(%run_scoped3A : memref<!tpu.dma_semaphore, #tpu.memory_space<semaphore_mem>>)
      %dma_wait3A = arith.constant 0 : i32
      %dma_wait3A_132 = tpu.memref_slice %arg5[%add3A_128, %dma_wait3A] : memref<20480x8xf32, #tpu.memory_space<hbm>> -> memref<80x8xf32, #tpu.memory_space<hbm>>
      %dma_wait3A_133 = arith.constant 0 : i32
      %dma_wait3A_134 = tpu.memref_slice %arg5[%add3A_128, %dma_wait3A_133] : memref<20480x8xf32, #tpu.memory_space<hbm>> -> memref<80x8xf32, #tpu.memory_space<hbm>>
      tpu.wait_dma2 semaphore(%run_scoped3A : memref<!tpu.dma_semaphore, #tpu.memory_space<semaphore_mem>>) src(%arg7 : memref<80x8xf32, #tpu.memory_space<vmem>>) dst(%dma_wait3A_134 : memref<80x8xf32, #tpu.memory_space<hbm>>)
      tpu.yield
    }) : () -> ()
    return
  }
}

module attributes {stable_mosaic.version = 14 : i64} {
  func.func @_mm(%arg0: memref<10000x128xf32, #tpu.memory_space<vmem>>, %arg1: memref<128x128xf32, #tpu.memory_space<vmem>>, %arg2: memref<10000x128xf32, #tpu.memory_space<vmem>>) attributes {dimension_semantics = [], scalar_prefetch = 0 : i64, scratch_operands = 0 : i64, tpu.core_type = #tpu.core_type<tc>} {
    %get3A = arith.constant 0 : index
    %get3A_0 = arith.constant 0 : index
    %get3A_1 = vector.load %arg0[%get3A, %get3A_0] : memref<10000x128xf32, #tpu.memory_space<vmem>>, vector<10000x128xf32>
    %get3A_2 = arith.constant 0 : index
    %get3A_3 = arith.constant 0 : index
    %get3A_4 = vector.load %arg1[%get3A_2, %get3A_3] : memref<128x128xf32, #tpu.memory_space<vmem>>, vector<128x128xf32>
    %dot_general3A = arith.constant dense<0.000000e+00> : vector<10000x128xf32>
    %dot_general3A_5 = tpu.matmul %get3A_1, %get3A_4, %dot_general3A {dimension_numbers = #tpu.dot_dimension_numbers<[1], [0], [0], [1], [0, 0, 1, 1], [], []>, transpose_lhs_hint = false} : vector<10000x128xf32>, vector<128x128xf32>, vector<10000x128xf32> -> vector<10000x128xf32>
    %swap3A = arith.constant 0 : index
    %swap3A_6 = arith.constant 0 : index
    %swap3A_7 = vector.load %arg2[%swap3A, %swap3A_6] : memref<10000x128xf32, #tpu.memory_space<vmem>>, vector<10000x128xf32>
    tpu.vector_store %arg2[%swap3A, %swap3A_6], %dot_general3A_5 {strides = array<i32>} : memref<10000x128xf32, #tpu.memory_space<vmem>>, vector<10000x128xf32>,
    return
  }
}

module attributes {stable_mosaic.version = 14 : i64} {
  func.func @_scale(%arg0: memref<10000x2xf32, #tpu.memory_space<vmem>>, %arg1: memref<10000x128xf32, #tpu.memory_space<vmem>>, %arg2: memref<10000x128xf32, #tpu.memory_space<vmem>>, %arg3: memref<10000x1xf32, #tpu.memory_space<vmem>>) attributes {dimension_semantics = [], scalar_prefetch = 0 : i64, scratch_operands = 0 : i64, tpu.core_type = #tpu.core_type<tc>} {
    %get3A = arith.constant 0 : index
    %get3A_0 = arith.constant 0 : index
    %get3A_1 = vector.load %arg0[%get3A, %get3A_0] : memref<10000x2xf32, #tpu.memory_space<vmem>>, vector<10000x1xf32>
    %get3A_2 = arith.constant 0 : index
    %get3A_3 = arith.constant 1 : index
    %get3A_4 = vector.load %arg0[%get3A_2, %get3A_3] : memref<10000x2xf32, #tpu.memory_space<vmem>>, vector<10000x1xf32>
    %add3A = arith.addf %get3A_1, %get3A_4 : vector<10000x1xf32>
    %gt3A = arith.constant 0.000000e+00 : f32
    %gt3A_5 = vector.broadcast %gt3A : f32 to vector<10000x1xf32>
    %gt3A_6 = arith.cmpf ogt, %add3A, %gt3A_5 : vector<10000x1xf32>
    %jit3A = arith.constant 1.000000e+00 : f32
    %broadcast_in_dim3A = vector.broadcast %jit3A : f32 to vector<10000x1xf32>
    %select_n3A = arith.select %gt3A_6, %add3A, %broadcast_in_dim3A : vector<10000x1xi1>, vector<10000x1xf32>
    %rsqrt3A = math.rsqrt %select_n3A : vector<10000x1xf32>
    %jit3A_7 = arith.constant 0.000000e+00 : f32
    %broadcast_in_dim3A_8 = vector.broadcast %jit3A_7 : f32 to vector<10000x1xf32>
    %select_n3A_9 = arith.select %gt3A_6, %rsqrt3A, %broadcast_in_dim3A_8 : vector<10000x1xi1>, vector<10000x1xf32>
    %get3A_10 = arith.constant 0 : index
    %get3A_11 = arith.constant 0 : index
    %get3A_12 = vector.load %arg1[%get3A_10, %get3A_11] : memref<10000x128xf32, #tpu.memory_space<vmem>>, vector<10000x128xf32>
    %mul3A = vector.broadcast %select_n3A_9 : vector<10000x1xf32> to vector<10000x128xf32>
    %mul3A_13 = arith.mulf %get3A_12, %mul3A : vector<10000x128xf32>
    %swap3A = arith.constant 0 : index
    %swap3A_14 = arith.constant 0 : index
    %swap3A_15 = vector.load %arg2[%swap3A, %swap3A_14] : memref<10000x128xf32, #tpu.memory_space<vmem>>, vector<10000x128xf32>
    tpu.vector_store %arg2[%swap3A, %swap3A_14], %mul3A_13 {strides = array<i32>} : memref<10000x128xf32, #tpu.memory_space<vmem>>, vector<10000x128xf32>,
    %swap3A_16 = arith.constant 0 : index
    %swap3A_17 = arith.constant 0 : index
    %swap3A_18 = vector.load %arg3[%swap3A_16, %swap3A_17] : memref<10000x1xf32, #tpu.memory_space<vmem>>, vector<10000x1xf32>
    tpu.vector_store %arg3[%swap3A_16, %swap3A_17], %select_n3A_9 {strides = array<i32>} : memref<10000x1xf32, #tpu.memory_space<vmem>>, vector<10000x1xf32>,
    return
  }
}

module attributes {stable_mosaic.version = 14 : i64} {
  func.func @f(%arg0: memref<20480x128xf32, #tpu.memory_space<vmem>>, %arg1: memref<10000x1xf32, #tpu.memory_space<vmem>>, %arg2: memref<1x128xf32, #tpu.memory_space<vmem>>, %arg3: memref<128x8xf32, #tpu.memory_space<vmem>>, %arg4: memref<10000x8xf32, #tpu.memory_space<vmem>>) attributes {dimension_semantics = [], scalar_prefetch = 0 : i64, scratch_operands = 0 : i64, tpu.core_type = #tpu.core_type<tc>} {
    %get3A = arith.constant 0 : index
    %get3A_0 = arith.constant 0 : index
    %get3A_1 = vector.load %arg1[%get3A, %get3A_0] : memref<10000x1xf32, #tpu.memory_space<vmem>>, vector<10000x1xf32>
    %get3A_2 = arith.constant 0 : index
    %get3A_3 = arith.constant 0 : index
    %get3A_4 = vector.load %arg0[%get3A_2, %get3A_3] : memref<20480x128xf32, #tpu.memory_space<vmem>>, vector<10000x128xf32>
    %get3A_5 = arith.constant 10240 : index
    %get3A_6 = arith.constant 0 : index
    %get3A_7 = vector.load %arg0[%get3A_5, %get3A_6] : memref<20480x128xf32, #tpu.memory_space<vmem>>, vector<10000x128xf32>
    %add3A = arith.addf %get3A_4, %get3A_7 : vector<10000x128xf32>
    %mul3A = vector.broadcast %get3A_1 : vector<10000x1xf32> to vector<10000x128xf32>
    %mul3A_8 = arith.mulf %add3A, %mul3A : vector<10000x128xf32>
    %get3A_9 = arith.constant 0 : index
    %get3A_10 = arith.constant 0 : index
    %get3A_11 = vector.load %arg2[%get3A_9, %get3A_10] : memref<1x128xf32, #tpu.memory_space<vmem>>, vector<1x128xf32>
    %add3A_12 = vector.broadcast %get3A_11 : vector<1x128xf32> to vector<10000x128xf32>
    %add3A_13 = arith.addf %mul3A_8, %add3A_12 : vector<10000x128xf32>
    %max3A = arith.constant 0.000000e+00 : f32
    %max3A_14 = vector.broadcast %max3A : f32 to vector<10000x128xf32>
    %max3A_15 = arith.maximumf %add3A_13, %max3A_14 : vector<10000x128xf32>
    %get3A_16 = arith.constant 0 : index
    %get3A_17 = arith.constant 0 : index
    %get3A_18 = vector.load %arg3[%get3A_16, %get3A_17] : memref<128x8xf32, #tpu.memory_space<vmem>>, vector<128x8xf32>
    %dot_general3A = arith.constant dense<0.000000e+00> : vector<10000x8xf32>
    %dot_general3A_19 = tpu.matmul %max3A_15, %get3A_18, %dot_general3A {dimension_numbers = #tpu.dot_dimension_numbers<[1], [0], [0], [1], [0, 0, 1, 1], [], []>, transpose_lhs_hint = false} : vector<10000x128xf32>, vector<128x8xf32>, vector<10000x8xf32> -> vector<10000x8xf32>
    %mul3A_20 = vector.broadcast %get3A_1 : vector<10000x1xf32> to vector<10000x8xf32>
    %mul3A_21 = arith.mulf %dot_general3A_19, %mul3A_20 : vector<10000x8xf32>
    %swap3A = arith.constant 0 : index
    %swap3A_22 = arith.constant 0 : index
    %swap3A_23 = vector.load %arg4[%swap3A, %swap3A_22] : memref<10000x8xf32, #tpu.memory_space<vmem>>, vector<10000x8xf32>
    tpu.vector_store %arg4[%swap3A, %swap3A_22], %mul3A_21 {strides = array<i32>} : memref<10000x8xf32, #tpu.memory_space<vmem>>, vector<10000x8xf32>,
    return
  }
}

module attributes {stable_mosaic.version = 14 : i64} {
  func.func @f(%arg0: memref<20480x8xf32, #tpu.memory_space<vmem>>, %arg1: memref<10000x1xf32, #tpu.memory_space<vmem>>, %arg2: memref<1x8xf32, #tpu.memory_space<vmem>>, %arg3: memref<10000x4xf32, #tpu.memory_space<vmem>>) attributes {dimension_semantics = [], scalar_prefetch = 0 : i64, scratch_operands = 0 : i64, tpu.core_type = #tpu.core_type<tc>} {
    %get3A = arith.constant 0 : index
    %get3A_0 = arith.constant 0 : index
    %get3A_1 = vector.load %arg0[%get3A, %get3A_0] : memref<20480x8xf32, #tpu.memory_space<vmem>>, vector<10000x8xf32>
    %get3A_2 = arith.constant 10240 : index
    %get3A_3 = arith.constant 0 : index
    %get3A_4 = vector.load %arg0[%get3A_2, %get3A_3] : memref<20480x8xf32, #tpu.memory_space<vmem>>, vector<10000x8xf32>
    %add3A = arith.addf %get3A_1, %get3A_4 : vector<10000x8xf32>
    %get3A_5 = arith.constant 0 : index
    %get3A_6 = arith.constant 0 : index
    %get3A_7 = vector.load %arg1[%get3A_5, %get3A_6] : memref<10000x1xf32, #tpu.memory_space<vmem>>, vector<10000x1xf32>
    %mul3A = vector.broadcast %get3A_7 : vector<10000x1xf32> to vector<10000x8xf32>
    %mul3A_8 = arith.mulf %add3A, %mul3A : vector<10000x8xf32>
    %get3A_9 = arith.constant 0 : index
    %get3A_10 = arith.constant 0 : index
    %get3A_11 = vector.load %arg2[%get3A_9, %get3A_10] : memref<1x8xf32, #tpu.memory_space<vmem>>, vector<1x8xf32>
    %add3A_12 = vector.broadcast %get3A_11 : vector<1x8xf32> to vector<10000x8xf32>
    %add3A_13 = arith.addf %mul3A_8, %add3A_12 : vector<10000x8xf32>
    %reduce_max3A = arith.constant dense<0xFF800000> : vector<10000xf32>
    %reduce_max3A_14 = vector.multi_reduction <maximumf>, %add3A_13, %reduce_max3A [1] : vector<10000x8xf32> to vector<10000xf32>
    %broadcast_in_dim3A = vector.shape_cast %reduce_max3A_14 : vector<10000xf32> to vector<10000x1xf32>
    %sub3A = vector.broadcast %broadcast_in_dim3A : vector<10000x1xf32> to vector<10000x8xf32>
    %sub3A_15 = arith.subf %add3A_13, %sub3A : vector<10000x8xf32>
    %exp3A = math.exp %sub3A_15 : vector<10000x8xf32>
    %reduce_sum3A = arith.constant dense<0.000000e+00> : vector<10000xf32>
    %reduce_sum3A_16 = vector.multi_reduction <add>, %exp3A, %reduce_sum3A [1] : vector<10000x8xf32> to vector<10000xf32>
    %broadcast_in_dim3A_17 = vector.shape_cast %reduce_sum3A_16 : vector<10000xf32> to vector<10000x1xf32>
    %sub3A_18 = vector.broadcast %broadcast_in_dim3A : vector<10000x1xf32> to vector<10000x8xf32>
    %sub3A_19 = arith.subf %add3A_13, %sub3A_18 : vector<10000x8xf32>
    %log3A = math.log %broadcast_in_dim3A_17 : vector<10000x1xf32>
    %sub3A_20 = vector.broadcast %log3A : vector<10000x1xf32> to vector<10000x8xf32>
    %sub3A_21 = arith.subf %sub3A_19, %sub3A_20 : vector<10000x8xf32>
    %slice3A = vector.extract_strided_slice %sub3A_21 {offsets = [0, 0], sizes = [10000, 4], strides = [1, 1]} : vector<10000x8xf32> to vector<10000x4xf32>
    %swap3A = arith.constant 0 : index
    %swap3A_22 = arith.constant 0 : index
    %swap3A_23 = vector.load %arg3[%swap3A, %swap3A_22] : memref<10000x4xf32, #tpu.memory_space<vmem>>, vector<10000x4xf32>
    tpu.vector_store %arg3[%swap3A, %swap3A_22], %slice3A {strides = array<i32>} : memref<10000x4xf32, #tpu.memory_space<vmem>>, vector<10000x4xf32>,
    return
  }
}

</mosaic_0001>

<sc_bundles>
// kernel: kernel.12.cloned.1.call-start
scs
__scs_entry_jumppad:
0x0: {  	(pc) =	sbr.rel $0x88, $3  }
0x1: {  	(tag) =	ssettag $0x0;
	lr =	simm.s32 $0x1  }
0x2: {  	[smem:$0x3F9B] =	sst lr;
	_ =	strace $0xD0000000  }
0x3: {  	_ = 	snop  }
0x4: {  	_ = 	snop  }
0x5: {  	_ = 	snop  }
0x6: {  	_ = 	snop  }
0x7: {  	_ = 	snop  }
__scs_overlays_trampoline_lowered:
0x8: {  	[smem:$0x3FAA] =	sst s0  }
0x9: {  	[smem:$0x3FAB] =	sst s1  }
0xa: {  	[smem:$0x3FAC] =	sst s2  }
0xb: {  	[smem:$0x3FAD] =	sst s3  }
0xc: {  	[smem:$0x3FAE] =	sst s4  }
0xd: {  	[smem:$0x3FAF] =	sst s5  }
0xe: {  	[smem:$0x3FB0] =	sst s6  }
0xf: {  	[smem:$0x3FB1] =	sst s7  }
0x10: {  	[smem:$0x3FB2] =	sst s8  }
0x11: {  	[smem:$0x3FB3] =	sst s9;
	s0 =	simm.s32 @!p0 $0x0  }
0x12: {  	s1 =	sld [smem:$0x3F99];
	s0 =	simm.s32 @p0 $0x1  }
0x13: {  	[smem:$0x3FB4] =	sst s0;
	s0 =	simm.s32 @!p1 $0x0  }
0x14: {  	s2 =	sld [smem:$0x3F98];
	s0 =	simm.s32 @p1 $0x1  }
0x15: {  	[smem:$0x3FB5] =	sst s0;
	s0 =	simm.s32 @!p2 $0x0  }
0x16: {  	s3 =	sld [smem:$0x3FDB];
	s0 =	simm.s32 @p2 $0x1  }
0x17: {  	s4 =	simm.s32 $0x1BF5;
	[smem:$0x3FB7] =	sst s0  }
0x18: {  	s0 =	sld [smem:$0x3F9A];
	_ =	swait.ge [sflag:s4], $0x0  }
0x19: {  	s7 =	sld [smem:$0x3F9B]  }
0x1a: {  	s8 =	sadd.s32 $0xFFFFE003, lr  }
0x1b: {  	s9 =	sadd.s32 $0xFFFFFEF7, lr;
	s5 =	simm.s32 $0xFFFFFFFF;
	p2 =	slt.u32 s8, $0xFFFFF086  }
0x1c: {  	p1 =	slt.u32 s9, $0xF7A;
	s5 =	simm.s32 @!p2 $0x0  }
0x1d: {  	s5 =	simm.s32 @p1 $0x1;
	p0 =	seq.s32 s7, s2  }
0x1e: {  	s7 =	smul.u32 @!p0 $0xF7A, s2;
	p2 =	seq.s32 @!p0 s5, $0x0  }
0x1f: {  	s9 =	smul.u32 $0xF7A, s1;
	s8 =	simm.s32 @!p0 $0x1BF5;
	p2 =	por !p2, p0  }
0x20: {  	[sflag:s8] =	ssyncset.s32 @!p0 $0xFFFFF086;
	s6 =	sadd.s32 @!p0 s3, s7;
	s7 =	simm.s32 @!p0 $0x108  }
0x21: {  	s3 =	sadd.s32 s3, s9;
	s6 =	sadd.s32 @!p0 $0x88, s6;
	s7 =	simm.s32 @p2 $0x1082  }
0x22: {  	[simem:s7], [sflag:s8] =	dma.local @!p0 [hbm:s6], $0xF7A  }
0x23: {  	s9 =	sor.u32 $0xD0000000, s2;
	s6 =	simm.s32 $0x108;
	_ =	swait.ge @!p0 [sflag:s8], $0x0  }
0x24: {  	s3 =	sadd.s32 $0x88, s3;
	s6 =	simm.s32 @!p1 $0x1082;
	[sflag:s4] =	ssyncset.s32 $0xFFFFF086  }
0x25: {  	[simem:s6], [sflag:s4] =	dma.local [hbm:s3], $0xF7A  }
0x26: {  	[smem:$0x3F9B] =	sst s1;
	(tag) =	ssettag s2;
	_ =	strace s9  }
0x27: {  	s1 =	sld [smem:$0x3FAB]  }
0x28: {  	s2 =	sld [smem:$0x3FAC]  }
0x29: {  	s4 =	sld [smem:$0x3FAE]  }
0x2a: {  	p0 =	seq.s32 s5, $0x0;
	s5 =	sld [smem:$0x3FAF]  }
0x2b: {  	s6 =	sld [smem:$0x3FB0]  }
0x2c: {  	s7 =	sld [smem:$0x3FB1]  }
0x2d: {  	s3 =	simm.s32 $0x108;
	s8 =	sld [smem:$0x3FB2]  }
0x2e: {  	s3 =	simm.s32 @!p0 $0x1082;
	s9 =	sld [smem:$0x3FB3]  }
0x2f: {  	lr =	sadd.s32 s0, s3;
	s0 =	sld [smem:$0x3FAA]  }
0x30: {  	s3 =	sld [smem:$0x3FAD]  }
0x31: {  	[smem:$0x3FB6] =	sst s10  }
0x32: {  	s10 =	sld [smem:$0x3FB4];
	_ =	sdelay $0x3  }
0x33: {  	p0 =	seq.s32 s10, $0x1;
	s10 =	sld [smem:$0x3FB6];
	_ =	sdelay $0x3  }
0x34: {  	[smem:$0x3FB6] =	sst s10  }
0x35: {  	s10 =	sld [smem:$0x3FB5];
	_ =	sdelay $0x3  }
0x36: {  	p1 =	seq.s32 s10, $0x1;
	s10 =	sld [smem:$0x3FB6];
	_ =	sdelay $0x3  }
0x37: {  	[smem:$0x3FB6] =	sst s10  }
0x38: {  	s10 =	sld [smem:$0x3FB7]  }
0x39: {  	_ = 	snop;
	(pc) =	sbr.ind lr, $3  }
0x3a: {  	_ = 	snop  }
0x3b: {  	_ = 	snop  }
0x3c: {  	p2 =	seq.s32 s10, $0x1;
	s10 =	sld [smem:$0x3FB6]  }
0x3d: {  	_ =	shalt  }
0x3e: {  	_ =	shalt  }
0x3f: {  	_ =	shalt  }
0x40: {  	_ =	shalt  }
0x41: {  	_ =	shalt  }
0x42: {  	_ =	shalt  }
0x43: {  	_ =	shalt  }
0x44: {  	_ =	shalt  }
0x45: {  	_ =	shalt  }
0x46: {  	_ =	shalt  }
0x47: {  	_ =	shalt  }
0x48: {  	_ =	shalt  }
0x49: {  	_ =	shalt  }
0x4a: {  	_ =	shalt  }
0x4b: {  	_ =	shalt  }
0x4c: {  	_ =	shalt  }
0x4d: {  	_ =	shalt  }
0x4e: {  	_ =	shalt  }
0x4f: {  	_ =	shalt  }
0x50: {  	_ =	shalt  }
0x51: {  	_ =	shalt  }
0x52: {  	_ =	shalt  }
0x53: {  	_ =	shalt  }
0x54: {  	_ =	shalt  }
0x55: {  	_ =	shalt  }
0x56: {  	_ =	shalt  }
0x57: {  	_ =	shalt  }
0x58: {  	_ =	shalt  }
0x59: {  	_ =	shalt  }
0x5a: {  	_ =	shalt  }
0x5b: {  	_ =	shalt  }
0x5c: {  	_ =	shalt  }
0x5d: {  	_ =	shalt  }
0x5e: {  	_ =	shalt  }
0x5f: {  	_ =	shalt  }
0x60: {  	_ =	shalt  }
0x61: {  	_ =	shalt  }
0x62: {  	_ =	shalt  }
0x63: {  	_ =	shalt  }
0x64: {  	_ =	shalt  }
0x65: {  	_ =	shalt  }
0x66: {  	_ =	shalt  }
0x67: {  	_ =	shalt  }
0x68: {  	_ =	shalt  }
0x69: {  	_ =	shalt  }
0x6a: {  	_ =	shalt  }
0x6b: {  	_ =	shalt  }
0x6c: {  	_ =	shalt  }
0x6d: {  	_ =	shalt  }
0x6e: {  	_ =	shalt  }
0x6f: {  	_ =	shalt  }
0x70: {  	_ =	shalt  }
0x71: {  	_ =	shalt  }
0x72: {  	_ =	shalt  }
0x73: {  	_ =	shalt  }
0x74: {  	_ =	shalt  }
0x75: {  	_ =	shalt  }
0x76: {  	_ =	shalt  }
0x77: {  	_ =	shalt  }
0x78: {  	_ =	shalt  }
0x79: {  	_ =	shalt  }
0x7a: {  	_ =	shalt  }
0x7b: {  	_ =	shalt  }
0x7c: {  	_ =	shalt  }
0x7d: {  	_ =	shalt  }
0x7e: {  	_ =	shalt  }
0x7f: {  	_ =	shalt  }
0x80: {  	_ =	shalt  }
0x81: {  	_ =	shalt  }
0x82: {  	_ =	shalt  }
0x83: {  	_ =	shalt  }
0x84: {  	_ =	shalt  }
0x85: {  	_ =	shalt  }
0x86: {  	_ =	shalt  }
0x87: {  	_ =	shalt  }
.Lfunc_end0:
.L_simem_size_0:
called_computation.1_lowered:
.L_overlay_start_0:
0x88: {  	s2 =	sld [smem:$0x3FD9]  }
0x89: {  	s3 =	sld [smem:$0x3FFE];
	_ =	sdelay $0x1  }
0x8a: {  	s1 =	srdreg.scid  }
0x8b: {  	s0 =	sand.u32 $0x1, s1  }
0x8c: {  	s14 =	sshll.u32 s0, $0xA;
	s2 =	sadd.s32 s3, s2  }
0x8d: {  	s2 =	sadd.s32 s2, s14  }
0x8e: {  	[smem:$0x3FC2] =	sst s2  }
0x8f: {  	_ = 	snop  }
0x90: {  	s2 =	sld [smem:$0x3FD0];
	_ =	sdelay $0x2  }
0x91: {  	s15 =	simm.s32 $0xA;
	s4 =	simm.s32 $0x10  }
0x92: {  	[smem:s4], [sflag:s15] =	dma.local [hbm:s2], $0x1  }
0x93: {  	_ =	swait.eq [sflag:s15], $0x1  }
0x94: {  	[sflag:s15] =	ssyncset.done $0x0  }
0x95: {  	[sflag:s15] =	ssyncadd.s32 $0xFFFFFFFF  }
0x96: {  	s16 =	sld [smem:$0x13];
	(tm) =	ssettm $0x1  }
0x97: {  	s17 =	sld [smem:$0x3FFB];
	_ =	sdelay $0x3  }
0x98: {  	_ =	strace s17  }
0x99: {  	s3 =	sld [smem:$0x3FFC];
	_ =	sdelay $0x3  }
0x9a: {  	_ =	strace s3  }
0x9b: {  	s3 =	sld [smem:$0x3FFD];
	_ =	sdelay $0x3  }
0x9c: {  	_ =	strace s3  }
0x9d: {  	_ =	strace $0x8FFFFFFF  }
0x9e: {  	s18 =	sld [smem:$0x3FDB];
	_ =	sdelay $0x1  }
0x9f: {  	s19 =	simm.s32 $_scs_section_size  }
0xa0: {  	s5 =	simm.s32 $_size__tile_overlayer_lowered;
	s6 =	simm.s32 $_tile_overlayer_lowered  }
0xa1: {  	s22 =	simm.s32 $0x1BFF;
	s21 =	sshll.u32 s6, $0x1;
	s3 =	sadd.s32 s19, s18  }
0xa2: {  	s7 =	simm.s32 $0x0;
	s20 =	sshll.u32 s5, $0x1;
	s5 =	sadd.s32 s21, s3  }
0xa3: {  	[timem:s7], [sflag:s22] =	dma.local [hbm:s5], s20  }
0xa4: {  	_ =	swait.ge [sflag:s22], s20  }
0xa5: {  	s4 =	ssub.s32 $0x0, s20;
	[sflag:s22] =	ssyncset.done $0x0  }
0xa6: {  	[sflag:s22] =	ssyncadd.s32 s4;
	_ =	sdelay $0x1  }
0xa7: {  	s23 =	simm.s32 $0x1B8B  }
0xa8: {  	_ =	swait.ge [sflag:s23], $0x1  }
0xa9: {  	[sflag:s23] =	ssyncset.done $0x0  }
0xaa: {  	s25 =	simm.s32 $0x1B8E;
	s24 =	sld [smem:$0x3FFE];
	[sflag:s23] =	ssyncadd.s32 $0xFFFFFFFF  }
0xab: {  	s26 =	simm.s32 $execute0_lowered;
	[smem:$0x3FD2] =	sst s25  }
0xac: {  	s5 =	sshll.u32 s26, $0x1;
	_ =	strace $0x80000049;
	[dreg:$0x1] =	wrdreg $0xFFFFFFFF  }
0xad: {  	s28 =	simm.s32 $_size_execute0_lowered;
	s3 =	sadd.s32 s3, s5;
	[dreg:$0x0] =	wrdreg $0x0  }
0xae: {  	s5 =	sshll.u32 s28, $0x1;
	[dreg:$0x2] =	wrdreg s3  }
0xaf: {  	[dreg:$0x3] =	wrdreg s5  }
0xb0: {  	[dreg:$0x4] =	wrdreg $0xC0  }
0xb1: {  	_ =	task [dreg:s7], $0x5FFFF  }
0xb2: {  	[dreg:$0x1] =	wrdreg $0xFFFFFFFF  }
0xb3: {  	[dreg:$0x0] =	wrdreg $0x60  }
0xb4: {  	[dreg:$0x2] =	wrdreg s24  }
0xb5: {  	[dreg:$0x3] =	wrdreg s16  }
0xb6: {  	[dreg:$0x4] =	wrdreg $0x0  }
0xb7: {  	[dreg:$0x5] =	wrdreg $0x9  }
0xb8: {  	_ =	task.clear_ibuf [dreg:s7], $0x6FFFF;
	_ =	strace $0x90000049  }
0xb9: {  	s29 =	simm.s32 $0x9;
	_ =	strace $0x8000004B  }
0xba: {  	_ =	swait.ge [sflag:s29], $0x1  }
0xbb: {  	[sflag:s29] =	ssyncadd.s32 $0xFFFFFFFF  }
0xbc: {  	_ =	strace $0x9000004B  }
0xbd: {  	_ =	sfence  }
0xbe: {  	s30 =	sld [smem:$0x0];
	_ =	sdelay $0x2  }
0xbf: {  	s31 =	sshll.u32 s1, $0xD;
	s1 =	sshrl.u32 s1, $0x2  }
0xc0: {  	s3 =	sand.u32 $0x4000, s31;
	s1 =	sadd.s32 s1, s30  }
0xc1: {  	s0 =	sor.u32 s3, s0;
	s1 =	sshll.u32 s1, $0x11  }
0xc2: {  	s0 =	sor.u32 s1, s0  }
0xc3: {  	s0 =	sadd.s32 $0x8F2B, s0  }
0xc4: {  	[sflag:s0] =	ssyncadd.remote.s32 $0x1  }
0xc5: {  	_ =	sfence.sel $0xFFFF  }
0xc6: {  	[dreg:$0x0] =	wrdreg $0xFFFFFFFF;
	(pc) =	sbr.abs _section_cstart, $3  }
0xc7: {  	[dreg:$0x1] =	wrdreg $0xFFFFFFFF  }
0xc8: {  	_ =	task.clear_ibuf [dreg:s7], $0x2FFFF;
	_ =	strace $0x9FFFFFFF  }
0xc9: {  	(tm) =	ssettm $0x7FFFFFFF  }
tec
execute0_lowered:
.L_overlay_start_1:
0x0: {  	(tag) =	ssettag $0x1  }
0x1: {  	s0 =	rddreg [dreg:$0x0]  }
0x2: {  	s2 =	rddreg [dreg:$0x2];
	s3 =	simm.s32 $0x0  }
0x3: {  	s1 =	srdreg.scid;
	s16 =	stileid.u32;
	s28 =	simm.s32 $0x16900  }
0x4: {  	s29 =	simm.s32 $0x1;
	s30 =	simm.s32 $0x80;
	s6 =	smul.u32 $0x50000, s16  }
0x5: {  	s31 =	simm.s32 $0x16A00;
	s1 =	sand.u32 $0x1, s1;
	s19 =	smul.u32 $0xA00, s16  }
0x6: {  	[smem:$0x7FF] =	sst s3;
	s5 =	sadd.s32 $0x15E00, s0;
	s4 =	smul.u32 $0xA000, s1  }
0x7: {  	_ =	strace $0x8000004A;
	s7 =	ssub.s32 $0x2, s1;
	s1 =	sshll.u32 s1, $0x4  }
0x8: {  	s8 =	sshrl.u32 s7, $0x1;
	s6 =	sshrl.u32 s6, $0x2;
	s1 =	sor.u32 s16, s1  }
0x9: {  	s16 =	simm.s32 $0x4;
	s4 =	sadd.s32 s4, s0;
	s0 =	sadd.s32 $0x3D000, s0  }
0xa: {  	s14 =	ssub.s32 s7, s8;
	s8 =	sadd.s32 s6, s2;
	s13 =	smul.u32 $0x14000, s1  }
0xb: {  	s1 =	smul.u32 $0x2800, s1;
	s21 =	sadd.s32 $0x2800, s8;
	s26 =	smax.u32 s14, $0x1  }
0xc: {  	s22 =	sadd.s32 $0x5000, s8;
	s6 =	sadd.s32 $0xF000, s8;
	[dreg:$0xf] =	wrdreg s26  }
0xd: {  	s17 =	sadd.s32 $0x7800, s8;
	s12 =	sadd.s32 $0xC800, s8;
	[dreg:$0x4] =	wrdreg s6  }
0xe: {  	s11 =	sadd.s32 $0xA000, s8;
	s9 =	sadd.s32 $0x11800, s8;
	[dreg:$0x5] =	wrdreg s12  }
0xf: {  	s15 =	sshrl.u32 s13, $0x3;
	s1 =	sadd.s32 s0, s1;
	[dreg:$0x6] =	wrdreg s9  }
0x10: {  	s0 =	sadd.s32 s0, s15;
	[dreg:$0x7] =	wrdreg s1;
	s1 =	sadd.s32 $0x500, s1  }
0x11: {  	s25 =	sadd.s32 s19, s4;
	[dreg:$0x8] =	wrdreg s1;
	s18 =	sadd.s32 $0xA00, s0  }
0x12: {  	s4 =	simm.s32 $0x1AA00;
	s10 =	sadd.s32 $0xF00, s0;
	[dreg:$0x9] =	wrdreg s18  }
0x13: {  	s19 =	simm.s32 $0x6;
	s20 =	sadd.s32 $0x1400, s0;
	[dreg:$0xa] =	wrdreg s10  }
0x14: {  	s14 =	smov.u32 s17;
	s23 =	sadd.s32 $0x1900, s0;
	[dreg:$0xb] =	wrdreg s20  }
0x15: {  	s26 =	simm.s32 $0x16800;
	s24 =	sadd.s32 $0x1E00, s0;
	[dreg:$0xc] =	wrdreg s23  }
0x16: {  	s17 =	simm.s32 $0x16980;
	s0 =	sadd.s32 $0x2300, s0;
	[dreg:$0xd] =	wrdreg s24  }
0x17: {  	s15 =	simm.s32 $0x16880;
	s1 =	simm.s32 $0x3;
	[dreg:$0xe] =	wrdreg s0  }
0x18: {  	s23 =	sadd.s32 $0x1E00, s25;
	s24 =	simm.s32 $0x14000;
	s25 =	simm.s32 $0x7  }
0x19: {  	s0 =	simm.s32 $0x2;
	s18 =	simm.s32 $0x5;
	s20 =	simm.s32 $0x0  }
.LBB2_1:
0x1a: {  	s7 =	rddreg [dreg:$0x1]  }
0x1b: {  	[tilespmem:s24], [sflag:$0x7] =	stream.linear.gather [hbm4b:s7+s3], $0x2800, $0x38;
	[tilespmem:$0x1EA00] =	vst v63  }
0x1c: {  	_ =	swait.ge [sflag:s25], $0x2800  }
0x1d: {  	[sflag:s25] =	ssyncset.done $0x0  }
0x1e: {  	[sflag:s25] =	ssyncadd.s32 $0xFFFFD800  }
0x1f: {  	[spmem:s8] =	stream.linear.scatter [tilespmem:s24], [sflag:$0x7], $0x2800, $0x38;
	[tilespmem:$0x1EA00] =	vst v63  }
0x20: {  	_ =	swait.ge [sflag:s25], $0x2800  }
0x21: {  	[sflag:s25] =	ssyncset.done $0x0  }
0x22: {  	[sflag:s25] =	ssyncadd.s32 $0xFFFFD800  }
0x23: {  	[spmem:s21] =	stream.linear.scatter [tilespmem:s24], [sflag:$0x7], $0x2800, $0x38;
	[tilespmem:$0x1EA00] =	vst v63  }
0x24: {  	_ =	swait.ge [sflag:s25], $0x2800  }
0x25: {  	[sflag:s25] =	ssyncset.done $0x0  }
0x26: {  	[sflag:s25] =	ssyncadd.s32 $0xFFFFD800  }
0x27: {  	[spmem:s22] =	stream.linear.scatter [tilespmem:s24], [sflag:$0x7], $0x2800, $0x38;
	[tilespmem:$0x1EA00] =	vst v63  }
0x28: {  	_ =	swait.ge [sflag:s25], $0x2800  }
0x29: {  	[sflag:s25] =	ssyncset.done $0x0  }
0x2a: {  	[sflag:s25] =	ssyncadd.s32 $0xFFFFD800  }
0x2b: {  	[spmem:s14] =	stream.linear.scatter [tilespmem:s24], [sflag:$0x7], $0x2800, $0x38;
	[tilespmem:$0x1EA00] =	vst v63  }
0x2c: {  	_ =	swait.ge [sflag:s25], $0x2800  }
0x2d: {  	[sflag:s25] =	ssyncset.done $0x0  }
0x2e: {  	[sflag:s25] =	ssyncadd.s32 $0xFFFFD800  }
0x2f: {  	[spmem:s11] =	stream.linear.scatter [tilespmem:s24], [sflag:$0x7], $0x2800, $0x38;
	[tilespmem:$0x1EA00] =	vst v63  }
0x30: {  	_ =	swait.ge [sflag:s25], $0x2800  }
0x31: {  	[sflag:s25] =	ssyncset.done $0x0  }
0x32: {  	[sflag:s25] =	ssyncadd.s32 $0xFFFFD800  }
0x33: {  	[spmem:s12] =	stream.linear.scatter [tilespmem:s24], [sflag:$0x7], $0x2800, $0x38;
	[tilespmem:$0x1EA00] =	vst v63  }
0x34: {  	_ =	swait.ge [sflag:s25], $0x2800  }
0x35: {  	[sflag:s25] =	ssyncset.done $0x0  }
0x36: {  	[sflag:s25] =	ssyncadd.s32 $0xFFFFD800  }
0x37: {  	[spmem:s6] =	stream.linear.scatter [tilespmem:s24], [sflag:$0x7], $0x2800, $0x38;
	[tilespmem:$0x1EA00] =	vst v63  }
0x38: {  	_ =	swait.ge [sflag:s25], $0x2800  }
0x39: {  	[sflag:s25] =	ssyncset.done $0x0  }
0x3a: {  	s7 =	smov.u32 s9;
	[sflag:s25] =	ssyncadd.s32 $0xFFFFD800  }
0x3b: {  	[spmem:s7] =	stream.linear.scatter [tilespmem:s24], [sflag:$0x7], $0x2800, $0x38;
	[tilespmem:$0x1EA00] =	vst v63  }
0x3c: {  	_ =	swait.ge [sflag:s25], $0x2800  }
0x3d: {  	[sflag:s25] =	ssyncset.done $0x0  }
0x3e: {  	[sflag:s25] =	ssyncadd.s32 $0xFFFFD800  }
0x3f: {  	s9 =	smov.u32 s22;
	s22 =	sadd.s32 $0x0, s23;
	[bflag:$0x0] =	sbarrier.arrive $0xFFFF  }
0x40: {  	[tilespmem:s26], [sflag:$0x1] =	stream.linear.gather [hbm4b:s22+s3], $0x100, $0x38;
	[tilespmem:$0x1EA00] =	vst v63  }
0x41: {  	s10 =	smov.u32 s14;
	s14 =	sadd.s32 $0x20, s22  }
0x42: {  	[tilespmem:s28], [sflag:$0x2] =	stream.linear.gather [hbm4b:s14+s3], $0x100, $0x38;
	[tilespmem:$0x1EA00] =	vst v63  }
0x43: {  	_ =	swait.ge [sflag:s29], $0x100  }
0x44: {  	[sflag:s29] =	ssyncset.done $0x0  }
0x45: {  	[sflag:s29] =	ssyncadd.s32 $0xFFFFFF00  }
0x46: {  	[tilespmem:s31], [sflag:$0x3] =	stream.indirect.gather [hbm4b:s5+s30], $0x80, s26, s30, $0xb8;
	[tilespmem:$0x1EA00] =	vst v63  }
0x47: {  	_ =	swait.ge [sflag:s0], $0x100  }
0x48: {  	[sflag:s0] =	ssyncset.done $0x0  }
0x49: {  	[sflag:s0] =	ssyncadd.s32 $0xFFFFFF00  }
0x4a: {  	[tilespmem:s4], [sflag:$0x4] =	stream.indirect.gather [hbm4b:s5+s30], $0x80, s28, s30, $0xb8;
	[tilespmem:$0x1EA00] =	vst v63  }
0x4b: {  	_ =	swait.ge [sflag:s1], $0x4000  }
0x4c: {  	[sflag:s1] =	ssyncset.done $0x0  }
0x4d: {  	[sflag:s1] =	ssyncadd.s32 $0xFFFFC000  }
0x4e: {  	[spmem:s2] =	stream.indirect.scatter.add.f32 [tilespmem:s31], [sflag:$0x5], $0x80, s15, s30, $0xb8;
	[tilespmem:$0x1EA00] =	vst v63  }
0x4f: {  	_ =	swait.ge [sflag:s16], $0x4000  }
0x50: {  	[sflag:s16] =	ssyncset.done $0x0  }
0x51: {  	[sflag:s16] =	ssyncadd.s32 $0xFFFFC000  }
0x52: {  	[spmem:s2] =	stream.indirect.scatter.add.f32 [tilespmem:s4], [sflag:$0x6], $0x80, s17, s30, $0xb8;
	[tilespmem:$0x1EA00] =	vst v63  }
0x53: {  	_ =	swait.ge [sflag:s18], $0x4000  }
0x54: {  	[sflag:s18] =	ssyncset.done $0x0  }
0x55: {  	[sflag:s18] =	ssyncadd.s32 $0xFFFFC000  }
0x56: {  	s13 =	smov.u32 s8;
	s8 =	smov.u32 s21;
	_ =	swait.ge [sflag:s19], $0x4000  }
0x57: {  	s21 =	simm.s32 $0x80;
	s14 =	simm.s32 $0x40;
	[sflag:s19] =	ssyncset.done $0x0  }
.LBB2_2:
0x58: {  	s22 =	sadd.s32 s14, s23  }
0x59: {  	[sflag:s19] =	ssyncadd.s32 $0xFFFFC000;
	s14 =	smov.u32 s21;
	s7 =	sadd.s32 $0x40, s21  }
0x5a: {  	[tilespmem:s26], [sflag:$0x1] =	stream.linear.gather [hbm4b:s22+s3], $0x100, $0x38;
	[tilespmem:$0x1EA00] =	vst v63  }
0x5b: {  	p0 =	sne.s32 s21, $0x9C0;
	s21 =	sadd.s32 $0x20, s22  }
0x5c: {  	[tilespmem:s28], [sflag:$0x2] =	stream.linear.gather [hbm4b:s21+s3], $0x100, $0x38;
	[tilespmem:$0x1EA00] =	vst v63  }
0x5d: {  	_ =	swait.ge [sflag:s29], $0x100  }
0x5e: {  	[sflag:s29] =	ssyncset.done $0x0  }
0x5f: {  	[sflag:s29] =	ssyncadd.s32 $0xFFFFFF00  }
0x60: {  	[tilespmem:s31], [sflag:$0x3] =	stream.indirect.gather [hbm4b:s5+s30], $0x80, s26, s30, $0xb8;
	[tilespmem:$0x1EA00] =	vst v63  }
0x61: {  	_ =	swait.ge [sflag:s0], $0x100  }
0x62: {  	[sflag:s0] =	ssyncset.done $0x0  }
0x63: {  	[sflag:s0] =	ssyncadd.s32 $0xFFFFFF00  }
0x64: {  	[tilespmem:s4], [sflag:$0x4] =	stream.indirect.gather [hbm4b:s5+s30], $0x80, s28, s30, $0xb8;
	[tilespmem:$0x1EA00] =	vst v63  }
0x65: {  	_ =	swait.ge [sflag:s1], $0x4000  }
0x66: {  	[sflag:s1] =	ssyncset.done $0x0  }
0x67: {  	[sflag:s1] =	ssyncadd.s32 $0xFFFFC000  }
0x68: {  	[spmem:s2] =	stream.indirect.scatter.add.f32 [tilespmem:s31], [sflag:$0x5], $0x80, s15, s30, $0xb8;
	[tilespmem:$0x1EA00] =	vst v63  }
0x69: {  	_ =	swait.ge [sflag:s16], $0x4000  }
0x6a: {  	[sflag:s16] =	ssyncset.done $0x0  }
0x6b: {  	[sflag:s16] =	ssyncadd.s32 $0xFFFFC000  }
0x6c: {  	[spmem:s2] =	stream.indirect.scatter.add.f32 [tilespmem:s4], [sflag:$0x6], $0x80, s17, s30, $0xb8;
	[tilespmem:$0x1EA00] =	vst v63  }
.Ltmp0:
0x6d: {  	_ =	swait.ge [sflag:s18], $0x4000;
	(pc) =	sbr.rel @p0 .LBB2_2-.Ltmp0, $4  }
0x6e: {  	[sflag:s18] =	ssyncset.done $0x0  }
0x6f: {  	[sflag:s18] =	ssyncadd.s32 $0xFFFFC000  }
0x70: {  	_ =	swait.ge [sflag:s19], $0x4000  }
0x71: {  	s21 =	smov.u32 s7;
	[sflag:s19] =	ssyncset.done $0x0  }
0x72: {  	s7 =	sadd.s32 s14, s23;
	[sflag:s19] =	ssyncadd.s32 $0xFFFFC000  }
0x73: {  	[tilespmem:s26], [sflag:$0x1] =	stream.linear.gather [hbm4b:s7+s3], $0x100, $0x38;
	[tilespmem:$0x1EA00] =	vst v63  }
0x74: {  	s7 =	sadd.s32 $0x20, s7  }
0x75: {  	[tilespmem:s28], [sflag:$0x2] =	stream.linear.gather [hbm4b:s7+s3], $0x100, $0x38;
	[tilespmem:$0x1EA00] =	vst v63  }
0x76: {  	_ =	swait.ge [sflag:s29], $0x100  }
0x77: {  	[sflag:s29] =	ssyncset.done $0x0  }
0x78: {  	[sflag:s29] =	ssyncadd.s32 $0xFFFFFF00  }
0x79: {  	[tilespmem:s31], [sflag:$0x3] =	stream.indirect.gather [hbm4b:s5+s30], $0x80, s26, s30, $0xb8;
	[tilespmem:$0x1EA00] =	vst v63  }
0x7a: {  	_ =	swait.ge [sflag:s0], $0x100  }
0x7b: {  	[sflag:s0] =	ssyncset.done $0x0  }
0x7c: {  	[sflag:s0] =	ssyncadd.s32 $0xFFFFFF00  }
0x7d: {  	[tilespmem:s4], [sflag:$0x4] =	stream.indirect.gather [hbm4b:s5+s30], $0x80, s28, s30, $0xb8;
	[tilespmem:$0x1EA00] =	vst v63  }
0x7e: {  	_ =	swait.ge [sflag:s1], $0x4000  }
0x7f: {  	[sflag:s1] =	ssyncset.done $0x0  }
0x80: {  	[sflag:s1] =	ssyncadd.s32 $0xFFFFC000  }
0x81: {  	[spmem:s2] =	stream.indirect.scatter.add.f32 [tilespmem:s31], [sflag:$0x5], $0x80, s15, s30, $0xb8;
	[tilespmem:$0x1EA00] =	vst v63  }
0x82: {  	_ =	swait.ge [sflag:s16], $0x4000  }
0x83: {  	[sflag:s16] =	ssyncset.done $0x0  }
0x84: {  	[sflag:s16] =	ssyncadd.s32 $0xFFFFC000  }
0x85: {  	[spmem:s2] =	stream.indirect.scatter.add.f32 [tilespmem:s4], [sflag:$0x6], $0x80, s17, s30, $0xb8;
	[tilespmem:$0x1EA00] =	vst v63  }
0x86: {  	_ =	swait.ge [sflag:s18], $0x4000  }
0x87: {  	[sflag:s18] =	ssyncset.done $0x0  }
0x88: {  	[sflag:s18] =	ssyncadd.s32 $0xFFFFC000  }
0x89: {  	_ =	swait.ge [sflag:s19], $0x4000  }
0x8a: {  	[sflag:s19] =	ssyncset.done $0x0  }
0x8b: {  	[sflag:s19] =	ssyncadd.s32 $0xFFFFC000  }
0x8c: {  	[bflag:$0x0] =	sbarrier.arrive $0xFFFF  }
0x8d: {  	[tilespmem:s24], [sflag:$0x7] =	stream.linear.gather [spmem:s13], $0x2800, $0x38;
	[tilespmem:$0x1EA00] =	vst v63  }
0x8e: {  	_ =	swait.ge [sflag:s25], $0x2800  }
0x8f: {  	[sflag:s25] =	ssyncset.done $0x0  }
0x90: {  	s6 =	rddreg [dreg:$0x7];
	[sflag:s25] =	ssyncadd.s32 $0xFFFFD800  }
0x91: {  	[hbm4b:s6+s3] =	stream.linear.scatter [tilespmem:s24], [sflag:$0x7], $0x2800, $0x38;
	[tilespmem:$0x1EA00] =	vst v63  }
0x92: {  	_ =	swait.ge [sflag:s25], $0x2800  }
0x93: {  	[sflag:s25] =	ssyncset.done $0x0  }
0x94: {  	s21 =	smov.u32 s8;
	[sflag:s25] =	ssyncadd.s32 $0xFFFFD800  }
0x95: {  	[tilespmem:s24], [sflag:$0x7] =	stream.linear.gather [spmem:s21], $0x2800, $0x38;
	[tilespmem:$0x1EA00] =	vst v63  }
0x96: {  	_ =	swait.ge [sflag:s25], $0x2800  }
0x97: {  	[sflag:s25] =	ssyncset.done $0x0  }
0x98: {  	s7 =	rddreg [dreg:$0x8];
	[sflag:s25] =	ssyncadd.s32 $0xFFFFD800  }
0x99: {  	[hbm4b:s7+s3] =	stream.linear.scatter [tilespmem:s24], [sflag:$0x7], $0x2800, $0x38;
	[tilespmem:$0x1EA00] =	vst v63  }
0x9a: {  	_ =	swait.ge [sflag:s25], $0x2800  }
0x9b: {  	[sflag:s25] =	ssyncset.done $0x0  }
0x9c: {  	[sflag:s25] =	ssyncadd.s32 $0xFFFFD800  }
0x9d: {  	[tilespmem:s24], [sflag:$0x7] =	stream.linear.gather [spmem:s9], $0x2800, $0x38;
	[tilespmem:$0x1EA00] =	vst v63  }
0x9e: {  	_ =	swait.ge [sflag:s25], $0x2800  }
0x9f: {  	[sflag:s25] =	ssyncset.done $0x0  }
0xa0: {  	s22 =	smov.u32 s9;
	s9 =	rddreg [dreg:$0x9];
	[sflag:s25] =	ssyncadd.s32 $0xFFFFD800  }
0xa1: {  	[hbm4b:s9+s3] =	stream.linear.scatter [tilespmem:s24], [sflag:$0x7], $0x2800, $0x38;
	[tilespmem:$0x1EA00] =	vst v63  }
0xa2: {  	_ =	swait.ge [sflag:s25], $0x2800  }
0xa3: {  	[sflag:s25] =	ssyncset.done $0x0  }
0xa4: {  	[sflag:s25] =	ssyncadd.s32 $0xFFFFD800  }
0xa5: {  	[tilespmem:s24], [sflag:$0x7] =	stream.linear.gather [spmem:s10], $0x2800, $0x38;
	[tilespmem:$0x1EA00] =	vst v63  }
0xa6: {  	_ =	swait.ge [sflag:s25], $0x2800  }
0xa7: {  	[sflag:s25] =	ssyncset.done $0x0  }
0xa8: {  	s12 =	rddreg [dreg:$0xa];
	[sflag:s25] =	ssyncadd.s32 $0xFFFFD800  }
0xa9: {  	[hbm4b:s12+s3] =	stream.linear.scatter [tilespmem:s24], [sflag:$0x7], $0x2800, $0x38;
	[tilespmem:$0x1EA00] =	vst v63  }
0xaa: {  	_ =	swait.ge [sflag:s25], $0x2800  }
0xab: {  	[sflag:s25] =	ssyncset.done $0x0  }
0xac: {  	[sflag:s25] =	ssyncadd.s32 $0xFFFFD800  }
0xad: {  	[tilespmem:s24], [sflag:$0x7] =	stream.linear.gather [spmem:s11], $0x2800, $0x38;
	[tilespmem:$0x1EA00] =	vst v63  }
0xae: {  	_ =	swait.ge [sflag:s25], $0x2800  }
0xaf: {  	[sflag:s25] =	ssyncset.done $0x0  }
0xb0: {  	s8 =	smov.u32 s13;
	s13 =	rddreg [dreg:$0xb];
	[sflag:s25] =	ssyncadd.s32 $0xFFFFD800  }
0xb1: {  	[hbm4b:s13+s3] =	stream.linear.scatter [tilespmem:s24], [sflag:$0x7], $0x2800, $0x38;
	[tilespmem:$0x1EA00] =	vst v63  }
0xb2: {  	_ =	swait.ge [sflag:s25], $0x2800  }
0xb3: {  	[sflag:s25] =	ssyncset.done $0x0  }
0xb4: {  	s12 =	rddreg [dreg:$0x5];
	[sflag:s25] =	ssyncadd.s32 $0xFFFFD800  }
0xb5: {  	[tilespmem:s24], [sflag:$0x7] =	stream.linear.gather [spmem:s12], $0x2800, $0x38;
	[tilespmem:$0x1EA00] =	vst v63  }
0xb6: {  	_ =	swait.ge [sflag:s25], $0x2800  }
0xb7: {  	[sflag:s25] =	ssyncset.done $0x0  }
0xb8: {  	s7 =	rddreg [dreg:$0xc];
	[sflag:s25] =	ssyncadd.s32 $0xFFFFD800  }
0xb9: {  	[hbm4b:s7+s3] =	stream.linear.scatter [tilespmem:s24], [sflag:$0x7], $0x2800, $0x38;
	[tilespmem:$0x1EA00] =	vst v63  }
0xba: {  	_ =	swait.ge [sflag:s25], $0x2800  }
0xbb: {  	[sflag:s25] =	ssyncset.done $0x0  }
0xbc: {  	s6 =	rddreg [dreg:$0x4];
	[sflag:s25] =	ssyncadd.s32 $0xFFFFD800  }
0xbd: {  	[tilespmem:s24], [sflag:$0x7] =	stream.linear.gather [spmem:s6], $0x2800, $0x38;
	[tilespmem:$0x1EA00] =	vst v63  }
0xbe: {  	_ =	swait.ge [sflag:s25], $0x2800  }
0xbf: {  	[sflag:s25] =	ssyncset.done $0x0  }
0xc0: {  	s9 =	rddreg [dreg:$0xd];
	[sflag:s25] =	ssyncadd.s32 $0xFFFFD800  }
0xc1: {  	[hbm4b:s9+s3] =	stream.linear.scatter [tilespmem:s24], [sflag:$0x7], $0x2800, $0x38;
	[tilespmem:$0x1EA00] =	vst v63  }
0xc2: {  	_ =	swait.ge [sflag:s25], $0x2800  }
0xc3: {  	[sflag:s25] =	ssyncset.done $0x0  }
0xc4: {  	s9 =	rddreg [dreg:$0x6];
	[sflag:s25] =	ssyncadd.s32 $0xFFFFD800  }
0xc5: {  	[tilespmem:s24], [sflag:$0x7] =	stream.linear.gather [spmem:s9], $0x2800, $0x38;
	[tilespmem:$0x1EA00] =	vst v63  }
0xc6: {  	_ =	swait.ge [sflag:s25], $0x2800  }
0xc7: {  	[sflag:s25] =	ssyncset.done $0x0  }
0xc8: {  	s14 =	smov.u32 s10;
	s10 =	rddreg [dreg:$0xe];
	[sflag:s25] =	ssyncadd.s32 $0xFFFFD800  }
0xc9: {  	[hbm4b:s10+s3] =	stream.linear.scatter [tilespmem:s24], [sflag:$0x7], $0x2800, $0x38;
	[tilespmem:$0x1EA00] =	vst v63  }
0xca: {  	_ =	swait.ge [sflag:s25], $0x2800  }
0xcb: {  	s20 =	sadd.s32 $0x1, s20;
	s13 =	rddreg [dreg:$0xf]  }
0xcc: {  	p0 =	sne.s32 s20, s13  }
.Ltmp1:
0xcd: {  	_ = 	snop;
	(pc) =	sbr.rel @p0 .LBB2_1-.Ltmp1, $3  }
0xce: {  	_ =	sdelay $0x1  }
0xcf: {  	[sflag:s25] =	ssyncset.done $0x0  }
0xd0: {  	[sflag:s25] =	ssyncadd.s32 $0xFFFFD800  }
0xd1: {  	_ =	sfence.sel $0x180000  }
0xd2: {  	[bflag:$0x0] =	sbarrier.arrive $0xFFFF  }
0xd3: {  	_ =	strace $0x9000004A  }
0xd4: {  	s0 =	stileid.u32;
	[bflag:$0x2] =	sbarrier.arrive $0xFFFF  }
0xd5: {  	p0 =	sne.s32 s0, $0x0;
	s0 =	rddreg [dreg:$0x3]  }
0xd6: {  	s0 =	sadd.s32 @!p0 $0x100000, s0  }
0xd7: {  	[sflag:s0] =	ssyncadd.tile.s32 @!p0 $0x1;
	_ =	shalt  }
.Lfunc_end2:
_tile_overlayer_lowered:
.L_overlay_start_2:
0xd8: {  	(tag) =	ssettag $0x2  }
0xd9: {  	s0 =	rddreg [dreg:$0x0];
	s2 =	stileid.u32  }
0xda: {  	s1 =	rddreg [dreg:$0x1];
	p0 =	sne.s32 s2, $0x0  }
0xdb: {  	s3 =	rddreg [dreg:$0x2];
	[bflag:$0x3] =	sbarrier.arrive $0xFFFF;
	s2 =	simm.s32 @!p0 $0x1C07  }
0xdc: {  	[timem:s3], [sflag:s2] =	dma.local @!p0 [hbm:s0], s1  }
0xdd: {  	s0 =	simm.s32 @!p0 $0x7  }
0xde: {  	_ =	swait.ge @!p0 [sflag:s0], s1  }
0xdf: {  	s1 =	ssub.s32 @!p0 $0x0, s1;
	[sflag:s0] =	ssyncset.done @!p0 $0x0  }
0xe0: {  	[sflag:s0] =	ssyncadd.s32 @!p0 s1  }
0xe1: {  	[bflag:$0x3] =	sbarrier.arrive $0xFFFF  }
0xe2: {  	_ =	shalt  }

// kernel: kernel.15.cloned.1.call-start
scs
__scs_entry_jumppad:
0x0: {  	(pc) =	sbr.rel $0x88, $3  }
0x1: {  	(tag) =	ssettag $0x0;
	lr =	simm.s32 $0x1  }
0x2: {  	[smem:$0x3F9B] =	sst lr;
	_ =	strace $0xD0000000  }
0x3: {  	_ = 	snop  }
0x4: {  	_ = 	snop  }
0x5: {  	_ = 	snop  }
0x6: {  	_ = 	snop  }
0x7: {  	_ = 	snop  }
__scs_overlays_trampoline_lowered:
0x8: {  	[smem:$0x3FAA] =	sst s0  }
0x9: {  	[smem:$0x3FAB] =	sst s1  }
0xa: {  	[smem:$0x3FAC] =	sst s2  }
0xb: {  	[smem:$0x3FAD] =	sst s3  }
0xc: {  	[smem:$0x3FAE] =	sst s4  }
0xd: {  	[smem:$0x3FAF] =	sst s5  }
0xe: {  	[smem:$0x3FB0] =	sst s6  }
0xf: {  	[smem:$0x3FB1] =	sst s7  }
0x10: {  	[smem:$0x3FB2] =	sst s8  }
0x11: {  	[smem:$0x3FB3] =	sst s9;
	s0 =	simm.s32 @!p0 $0x0  }
0x12: {  	s1 =	sld [smem:$0x3F99];
	s0 =	simm.s32 @p0 $0x1  }
0x13: {  	[smem:$0x3FB4] =	sst s0;
	s0 =	simm.s32 @!p1 $0x0  }
0x14: {  	s2 =	sld [smem:$0x3F98];
	s0 =	simm.s32 @p1 $0x1  }
0x15: {  	[smem:$0x3FB5] =	sst s0;
	s0 =	simm.s32 @!p2 $0x0  }
0x16: {  	s3 =	sld [smem:$0x3FDB];
	s0 =	simm.s32 @p2 $0x1  }
0x17: {  	s4 =	simm.s32 $0x1BF5;
	[smem:$0x3FB7] =	sst s0  }
0x18: {  	s0 =	sld [smem:$0x3F9A];
	_ =	swait.ge [sflag:s4], $0x0  }
0x19: {  	s7 =	sld [smem:$0x3F9B]  }
0x1a: {  	s8 =	sadd.s32 $0xFFFFE003, lr  }
0x1b: {  	s9 =	sadd.s32 $0xFFFFFEF7, lr;
	s5 =	simm.s32 $0xFFFFFFFF;
	p2 =	slt.u32 s8, $0xFFFFF086  }
0x1c: {  	p1 =	slt.u32 s9, $0xF7A;
	s5 =	simm.s32 @!p2 $0x0  }
0x1d: {  	s5 =	simm.s32 @p1 $0x1;
	p0 =	seq.s32 s7, s2  }
0x1e: {  	s7 =	smul.u32 @!p0 $0xF7A, s2;
	p2 =	seq.s32 @!p0 s5, $0x0  }
0x1f: {  	s9 =	smul.u32 $0xF7A, s1;
	s8 =	simm.s32 @!p0 $0x1BF5;
	p2 =	por !p2, p0  }
0x20: {  	[sflag:s8] =	ssyncset.s32 @!p0 $0xFFFFF086;
	s6 =	sadd.s32 @!p0 s3, s7;
	s7 =	simm.s32 @!p0 $0x108  }
0x21: {  	s3 =	sadd.s32 s3, s9;
	s6 =	sadd.s32 @!p0 $0x88, s6;
	s7 =	simm.s32 @p2 $0x1082  }
0x22: {  	[simem:s7], [sflag:s8] =	dma.local @!p0 [hbm:s6], $0xF7A  }
0x23: {  	s9 =	sor.u32 $0xD0000000, s2;
	s6 =	simm.s32 $0x108;
	_ =	swait.ge @!p0 [sflag:s8], $0x0  }
0x24: {  	s3 =	sadd.s32 $0x88, s3;
	s6 =	simm.s32 @!p1 $0x1082;
	[sflag:s4] =	ssyncset.s32 $0xFFFFF086  }
0x25: {  	[simem:s6], [sflag:s4] =	dma.local [hbm:s3], $0xF7A  }
0x26: {  	[smem:$0x3F9B] =	sst s1;
	(tag) =	ssettag s2;
	_ =	strace s9  }
0x27: {  	s1 =	sld [smem:$0x3FAB]  }
0x28: {  	s2 =	sld [smem:$0x3FAC]  }
0x29: {  	s4 =	sld [smem:$0x3FAE]  }
0x2a: {  	p0 =	seq.s32 s5, $0x0;
	s5 =	sld [smem:$0x3FAF]  }
0x2b: {  	s6 =	sld [smem:$0x3FB0]  }
0x2c: {  	s7 =	sld [smem:$0x3FB1]  }
0x2d: {  	s3 =	simm.s32 $0x108;
	s8 =	sld [smem:$0x3FB2]  }
0x2e: {  	s3 =	simm.s32 @!p0 $0x1082;
	s9 =	sld [smem:$0x3FB3]  }
0x2f: {  	lr =	sadd.s32 s0, s3;
	s0 =	sld [smem:$0x3FAA]  }
0x30: {  	s3 =	sld [smem:$0x3FAD]  }
0x31: {  	[smem:$0x3FB6] =	sst s10  }
0x32: {  	s10 =	sld [smem:$0x3FB4];
	_ =	sdelay $0x3  }
0x33: {  	p0 =	seq.s32 s10, $0x1;
	s10 =	sld [smem:$0x3FB6];
	_ =	sdelay $0x3  }
0x34: {  	[smem:$0x3FB6] =	sst s10  }
0x35: {  	s10 =	sld [smem:$0x3FB5];
	_ =	sdelay $0x3  }
0x36: {  	p1 =	seq.s32 s10, $0x1;
	s10 =	sld [smem:$0x3FB6];
	_ =	sdelay $0x3  }
0x37: {  	[smem:$0x3FB6] =	sst s10  }
0x38: {  	s10 =	sld [smem:$0x3FB7]  }
0x39: {  	_ = 	snop;
	(pc) =	sbr.ind lr, $3  }
0x3a: {  	_ = 	snop  }
0x3b: {  	_ = 	snop  }
0x3c: {  	p2 =	seq.s32 s10, $0x1;
	s10 =	sld [smem:$0x3FB6]  }
0x3d: {  	_ =	shalt  }
0x3e: {  	_ =	shalt  }
0x3f: {  	_ =	shalt  }
0x40: {  	_ =	shalt  }
0x41: {  	_ =	shalt  }
0x42: {  	_ =	shalt  }
0x43: {  	_ =	shalt  }
0x44: {  	_ =	shalt  }
0x45: {  	_ =	shalt  }
0x46: {  	_ =	shalt  }
0x47: {  	_ =	shalt  }
0x48: {  	_ =	shalt  }
0x49: {  	_ =	shalt  }
0x4a: {  	_ =	shalt  }
0x4b: {  	_ =	shalt  }
0x4c: {  	_ =	shalt  }
0x4d: {  	_ =	shalt  }
0x4e: {  	_ =	shalt  }
0x4f: {  	_ =	shalt  }
0x50: {  	_ =	shalt  }
0x51: {  	_ =	shalt  }
0x52: {  	_ =	shalt  }
0x53: {  	_ =	shalt  }
0x54: {  	_ =	shalt  }
0x55: {  	_ =	shalt  }
0x56: {  	_ =	shalt  }
0x57: {  	_ =	shalt  }
0x58: {  	_ =	shalt  }
0x59: {  	_ =	shalt  }
0x5a: {  	_ =	shalt  }
0x5b: {  	_ =	shalt  }
0x5c: {  	_ =	shalt  }
0x5d: {  	_ =	shalt  }
0x5e: {  	_ =	shalt  }
0x5f: {  	_ =	shalt  }
0x60: {  	_ =	shalt  }
0x61: {  	_ =	shalt  }
0x62: {  	_ =	shalt  }
0x63: {  	_ =	shalt  }
0x64: {  	_ =	shalt  }
0x65: {  	_ =	shalt  }
0x66: {  	_ =	shalt  }
0x67: {  	_ =	shalt  }
0x68: {  	_ =	shalt  }
0x69: {  	_ =	shalt  }
0x6a: {  	_ =	shalt  }
0x6b: {  	_ =	shalt  }
0x6c: {  	_ =	shalt  }
0x6d: {  	_ =	shalt  }
0x6e: {  	_ =	shalt  }
0x6f: {  	_ =	shalt  }
0x70: {  	_ =	shalt  }
0x71: {  	_ =	shalt  }
0x72: {  	_ =	shalt  }
0x73: {  	_ =	shalt  }
0x74: {  	_ =	shalt  }
0x75: {  	_ =	shalt  }
0x76: {  	_ =	shalt  }
0x77: {  	_ =	shalt  }
0x78: {  	_ =	shalt  }
0x79: {  	_ =	shalt  }
0x7a: {  	_ =	shalt  }
0x7b: {  	_ =	shalt  }
0x7c: {  	_ =	shalt  }
0x7d: {  	_ =	shalt  }
0x7e: {  	_ =	shalt  }
0x7f: {  	_ =	shalt  }
0x80: {  	_ =	shalt  }
0x81: {  	_ =	shalt  }
0x82: {  	_ =	shalt  }
0x83: {  	_ =	shalt  }
0x84: {  	_ =	shalt  }
0x85: {  	_ =	shalt  }
0x86: {  	_ =	shalt  }
0x87: {  	_ =	shalt  }
.Lfunc_end0:
.L_simem_size_0:
called_computation.2_lowered:
.L_overlay_start_0:
0x88: {  	s2 =	sld [smem:$0x3FD9]  }
0x89: {  	s3 =	sld [smem:$0x3FFE];
	_ =	sdelay $0x1  }
0x8a: {  	s1 =	srdreg.scid  }
0x8b: {  	s0 =	sand.u32 $0x1, s1  }
0x8c: {  	s14 =	sshll.u32 s0, $0xA;
	s2 =	sadd.s32 s3, s2  }
0x8d: {  	s2 =	sadd.s32 s2, s14  }
0x8e: {  	[smem:$0x3FC2] =	sst s2  }
0x8f: {  	_ = 	snop  }
0x90: {  	s2 =	sld [smem:$0x3FD0];
	_ =	sdelay $0x2  }
0x91: {  	s15 =	simm.s32 $0xA;
	s4 =	simm.s32 $0x10  }
0x92: {  	[smem:s4], [sflag:s15] =	dma.local [hbm:s2], $0x1  }
0x93: {  	_ =	swait.eq [sflag:s15], $0x1  }
0x94: {  	[sflag:s15] =	ssyncset.done $0x0  }
0x95: {  	[sflag:s15] =	ssyncadd.s32 $0xFFFFFFFF  }
0x96: {  	s16 =	sld [smem:$0x12];
	(tm) =	ssettm $0x1  }
0x97: {  	s17 =	sld [smem:$0x3FFB];
	_ =	sdelay $0x3  }
0x98: {  	_ =	strace s17  }
0x99: {  	s3 =	sld [smem:$0x3FFC];
	_ =	sdelay $0x3  }
0x9a: {  	_ =	strace s3  }
0x9b: {  	s3 =	sld [smem:$0x3FFD];
	_ =	sdelay $0x3  }
0x9c: {  	_ =	strace s3  }
0x9d: {  	_ =	strace $0x8FFFFFFF  }
0x9e: {  	s18 =	sld [smem:$0x3FDB];
	_ =	sdelay $0x1  }
0x9f: {  	s19 =	simm.s32 $_scs_section_size  }
0xa0: {  	s5 =	simm.s32 $_size__tile_overlayer_lowered;
	s6 =	simm.s32 $_tile_overlayer_lowered  }
0xa1: {  	s22 =	simm.s32 $0x1BFF;
	s21 =	sshll.u32 s6, $0x1;
	s3 =	sadd.s32 s19, s18  }
0xa2: {  	s7 =	simm.s32 $0x0;
	s20 =	sshll.u32 s5, $0x1;
	s5 =	sadd.s32 s21, s3  }
0xa3: {  	[timem:s7], [sflag:s22] =	dma.local [hbm:s5], s20  }
0xa4: {  	_ =	swait.ge [sflag:s22], s20  }
0xa5: {  	s4 =	ssub.s32 $0x0, s20;
	[sflag:s22] =	ssyncset.done $0x0  }
0xa6: {  	[sflag:s22] =	ssyncadd.s32 s4;
	_ =	sdelay $0x1  }
0xa7: {  	s23 =	simm.s32 $0x1B8B  }
0xa8: {  	_ =	swait.ge [sflag:s23], $0x1  }
0xa9: {  	[sflag:s23] =	ssyncset.done $0x0  }
0xaa: {  	s25 =	simm.s32 $0x1B8E;
	s24 =	sld [smem:$0x3FFE];
	[sflag:s23] =	ssyncadd.s32 $0xFFFFFFFF  }
0xab: {  	s26 =	simm.s32 $execute0_lowered;
	[smem:$0x3FD2] =	sst s25  }
0xac: {  	s5 =	sshll.u32 s26, $0x1;
	_ =	strace $0x8000004C;
	[dreg:$0x1] =	wrdreg $0xFFFFFFFF  }
0xad: {  	s28 =	simm.s32 $_size_execute0_lowered;
	s3 =	sadd.s32 s3, s5;
	[dreg:$0x0] =	wrdreg $0x0  }
0xae: {  	s5 =	sshll.u32 s28, $0x1;
	[dreg:$0x2] =	wrdreg s3  }
0xaf: {  	[dreg:$0x3] =	wrdreg s5  }
0xb0: {  	[dreg:$0x4] =	wrdreg $0xC0  }
0xb1: {  	_ =	task [dreg:s7], $0x5FFFF  }
0xb2: {  	[dreg:$0x1] =	wrdreg $0xFFFFFFFF  }
0xb3: {  	[dreg:$0x0] =	wrdreg $0x60  }
0xb4: {  	[dreg:$0x2] =	wrdreg s24  }
0xb5: {  	[dreg:$0x3] =	wrdreg s16  }
0xb6: {  	[dreg:$0x4] =	wrdreg $0x0  }
0xb7: {  	[dreg:$0x5] =	wrdreg $0x9  }
0xb8: {  	_ =	task.clear_ibuf [dreg:s7], $0x6FFFF;
	_ =	strace $0x9000004C  }
0xb9: {  	s29 =	simm.s32 $0x9;
	_ =	strace $0x8000004E  }
0xba: {  	_ =	swait.ge [sflag:s29], $0x1  }
0xbb: {  	[sflag:s29] =	ssyncadd.s32 $0xFFFFFFFF  }
0xbc: {  	_ =	strace $0x9000004E  }
0xbd: {  	_ =	sfence  }
0xbe: {  	s30 =	sld [smem:$0x0];
	_ =	sdelay $0x2  }
0xbf: {  	s31 =	sshll.u32 s1, $0xD;
	s1 =	sshrl.u32 s1, $0x2  }
0xc0: {  	s3 =	sand.u32 $0x4000, s31;
	s1 =	sadd.s32 s1, s30  }
0xc1: {  	s0 =	sor.u32 s3, s0;
	s1 =	sshll.u32 s1, $0x11  }
0xc2: {  	s0 =	sor.u32 s1, s0  }
0xc3: {  	s0 =	sadd.s32 $0x8F2B, s0  }
0xc4: {  	[sflag:s0] =	ssyncadd.remote.s32 $0x1  }
0xc5: {  	_ =	sfence.sel $0xFFFF  }
0xc6: {  	[dreg:$0x0] =	wrdreg $0xFFFFFFFF;
	(pc) =	sbr.abs _section_cstart, $3  }
0xc7: {  	[dreg:$0x1] =	wrdreg $0xFFFFFFFF  }
0xc8: {  	_ =	task.clear_ibuf [dreg:s7], $0x2FFFF;
	_ =	strace $0x9FFFFFFF  }
0xc9: {  	(tm) =	ssettm $0x7FFFFFFF  }
tec
execute0_lowered:
.L_overlay_start_1:
0x0: {  	(tag) =	ssettag $0x1  }
0x1: {  	s0 =	rddreg [dreg:$0x0]  }
0x2: {  	s2 =	rddreg [dreg:$0x2];
	s3 =	simm.s32 $0x0;
	s1 =	srdreg.scid  }
0x3: {  	s9 =	stileid.u32;
	s25 =	simm.s32 $0x1700;
	s13 =	simm.s32 $0x1900  }
0x4: {  	s15 =	simm.s32 $0x1A00;
	s18 =	simm.s32 $0x1B00;
	[smem:$0x7FF] =	sst s3  }
0x5: {  	s6 =	smul.u32 $0x5000, s9;
	_ =	strace $0x8000004D;
	[dreg:$0x5] =	wrdreg s25  }
0x6: {  	s1 =	sand.u32 $0x1, s1;
	s23 =	smul.u32 $0xA00, s9;
	[dreg:$0x7] =	wrdreg s13  }
0x7: {  	s4 =	smul.u32 $0xA000, s1;
	s7 =	ssub.s32 $0x2, s1;
	[dreg:$0x8] =	wrdreg s15  }
0x8: {  	[dreg:$0x9] =	wrdreg s18;
	s8 =	sshrl.u32 s7, $0x1;
	s6 =	sshrl.u32 s6, $0x2  }
0x9: {  	s4 =	sadd.s32 s4, s0;
	s7 =	ssub.s32 s7, s8;
	s12 =	sadd.s32 s6, s2  }
0xa: {  	s4 =	sadd.s32 s23, s4;
	s23 =	simm.s32 $0x1C00;
	[dreg:$0xd] =	wrdreg s12  }
0xb: {  	s25 =	smax.u32 s7, $0x1;
	[dreg:$0xa] =	wrdreg s23  }
0xc: {  	s28 =	simm.s32 $0xE;
	s17 =	sadd.s32 $0x280, s12;
	[dreg:$0x1d] =	wrdreg s25  }
0xd: {  	s5 =	sadd.s32 $0x15E00, s0;
	s10 =	sadd.s32 $0x500, s12;
	[dreg:$0xe] =	wrdreg s17  }
0xe: {  	s1 =	sshll.u32 s1, $0x4;
	s19 =	sadd.s32 $0x780, s12;
	[dreg:$0xf] =	wrdreg s10  }
0xf: {  	s1 =	sor.u32 s9, s1;
	s20 =	sadd.s32 $0xA00, s12;
	[dreg:$0x10] =	wrdreg s19  }
0x10: {  	s21 =	smul.u32 $0x280, s1;
	s22 =	sadd.s32 $0xC80, s12;
	[dreg:$0x11] =	wrdreg s20  }
0x11: {  	s0 =	sadd.s32 $0x18600, s0;
	s11 =	sadd.s32 $0x1180, s12;
	[dreg:$0x12] =	wrdreg s22  }
0x12: {  	s1 =	smul.u32 $0x1400, s1;
	s6 =	sadd.s32 s0, s21;
	[dreg:$0x14] =	wrdreg s11  }
0x13: {  	s24 =	sadd.s32 $0xF00, s12;
	s4 =	sadd.s32 $0x1E00, s4;
	[dreg:$0x15] =	wrdreg s6  }
0x14: {  	s8 =	smov.u32 s24;
	s24 =	simm.s32 $0x1D00;
	[dreg:$0x4] =	wrdreg s4  }
0x15: {  	s29 =	simm.s32 $0xF;
	s1 =	sshrl.u32 s1, $0x3;
	[dreg:$0xb] =	wrdreg s24  }
0x16: {  	s6 =	sadd.s32 $0x50, s6;
	s0 =	sadd.s32 s0, s1;
	[dreg:$0x13] =	wrdreg s8  }
0x17: {  	s30 =	simm.s32 $0x10;
	[dreg:$0x16] =	wrdreg s6;
	s26 =	sadd.s32 $0xA0, s0  }
0x18: {  	s31 =	simm.s32 $0x11;
	s9 =	sadd.s32 $0xF0, s0;
	[dreg:$0x17] =	wrdreg s26  }
0x19: {  	s15 =	simm.s32 $0x80;
	s6 =	simm.s32 $0x1800;
	[dreg:$0x18] =	wrdreg s9  }
0x1a: {  	s18 =	simm.s32 $0x15;
	s14 =	sadd.s32 $0x140, s0;
	[dreg:$0x6] =	wrdreg s6  }
0x1b: {  	s7 =	simm.s32 $0x18;
	s16 =	sadd.s32 $0x190, s0;
	[dreg:$0x19] =	wrdreg s14  }
0x1c: {  	s23 =	simm.s32 $0xA;
	s21 =	sadd.s32 $0x1E0, s0;
	[dreg:$0x1a] =	wrdreg s16  }
0x1d: {  	s25 =	simm.s32 $0xC;
	s0 =	sadd.s32 $0x230, s0;
	[dreg:$0x1b] =	wrdreg s21  }
0x1e: {  	s24 =	simm.s32 $0xB;
	s4 =	simm.s32 $0x13;
	[dreg:$0x1c] =	wrdreg s0  }
0x1f: {  	s26 =	simm.s32 $0x1E00;
	s9 =	simm.s32 $0x1400;
	s0 =	simm.s32 $0x12  }
0x20: {  	s16 =	simm.s32 $0x14;
	s14 =	simm.s32 $0x16;
	s21 =	simm.s32 $0x17  }
0x21: {  	s6 =	simm.s32 $0x0;
	[dreg:$0xc] =	wrdreg s26;
	s26 =	simm.s32 $0xD  }
.LBB2_1:
0x22: {  	[dreg:$0x1e] =	wrdreg s6  }
0x23: {  	s13 =	simm.s32 $0x19;
	s1 =	rddreg [dreg:$0x1]  }
0x24: {  	[tilespmem:s9], [sflag:$0x19] =	stream.linear.gather [hbm4b:s1+s3], $0x280, $0x38;
	[tilespmem:$0x3E80] =	vst v63  }
0x25: {  	_ =	swait.ge [sflag:s13], $0x280  }
0x26: {  	[sflag:s13] =	ssyncset.done $0x0  }
0x27: {  	[sflag:s13] =	ssyncadd.s32 $0xFFFFFD80  }
0x28: {  	[spmem:s12] =	stream.linear.scatter [tilespmem:s9], [sflag:$0x19], $0x280, $0x38;
	[tilespmem:$0x3E80] =	vst v63  }
0x29: {  	_ =	swait.ge [sflag:s13], $0x280  }
0x2a: {  	[sflag:s13] =	ssyncset.done $0x0  }
0x2b: {  	[sflag:s13] =	ssyncadd.s32 $0xFFFFFD80  }
0x2c: {  	[spmem:s17] =	stream.linear.scatter [tilespmem:s9], [sflag:$0x19], $0x280, $0x38;
	[tilespmem:$0x3E80] =	vst v63  }
0x2d: {  	_ =	swait.ge [sflag:s13], $0x280  }
0x2e: {  	[sflag:s13] =	ssyncset.done $0x0  }
0x2f: {  	[sflag:s13] =	ssyncadd.s32 $0xFFFFFD80  }
0x30: {  	[spmem:s10] =	stream.linear.scatter [tilespmem:s9], [sflag:$0x19], $0x280, $0x38;
	[tilespmem:$0x3E80] =	vst v63  }
0x31: {  	_ =	swait.ge [sflag:s13], $0x280  }
0x32: {  	[sflag:s13] =	ssyncset.done $0x0  }
0x33: {  	[sflag:s13] =	ssyncadd.s32 $0xFFFFFD80  }
0x34: {  	[spmem:s19] =	stream.linear.scatter [tilespmem:s9], [sflag:$0x19], $0x280, $0x38;
	[tilespmem:$0x3E80] =	vst v63  }
0x35: {  	_ =	swait.ge [sflag:s13], $0x280  }
0x36: {  	[sflag:s13] =	ssyncset.done $0x0  }
0x37: {  	[sflag:s13] =	ssyncadd.s32 $0xFFFFFD80  }
0x38: {  	[spmem:s20] =	stream.linear.scatter [tilespmem:s9], [sflag:$0x19], $0x280, $0x38;
	[tilespmem:$0x3E80] =	vst v63  }
0x39: {  	_ =	swait.ge [sflag:s13], $0x280  }
0x3a: {  	[sflag:s13] =	ssyncset.done $0x0  }
0x3b: {  	[sflag:s13] =	ssyncadd.s32 $0xFFFFFD80  }
0x3c: {  	[spmem:s22] =	stream.linear.scatter [tilespmem:s9], [sflag:$0x19], $0x280, $0x38;
	[tilespmem:$0x3E80] =	vst v63  }
0x3d: {  	_ =	swait.ge [sflag:s13], $0x280  }
0x3e: {  	[sflag:s13] =	ssyncset.done $0x0  }
0x3f: {  	[sflag:s13] =	ssyncadd.s32 $0xFFFFFD80  }
0x40: {  	[spmem:s8] =	stream.linear.scatter [tilespmem:s9], [sflag:$0x19], $0x280, $0x38;
	[tilespmem:$0x3E80] =	vst v63  }
0x41: {  	_ =	swait.ge [sflag:s13], $0x280  }
0x42: {  	[sflag:s13] =	ssyncset.done $0x0  }
0x43: {  	[sflag:s13] =	ssyncadd.s32 $0xFFFFFD80  }
0x44: {  	[spmem:s11] =	stream.linear.scatter [tilespmem:s9], [sflag:$0x19], $0x280, $0x38;
	[tilespmem:$0x3E80] =	vst v63  }
0x45: {  	_ =	swait.ge [sflag:s13], $0x280  }
0x46: {  	[sflag:s13] =	ssyncset.done $0x0  }
0x47: {  	[sflag:s13] =	ssyncadd.s32 $0xFFFFFD80  }
0x48: {  	[bflag:$0x0] =	sbarrier.arrive $0xFFFF  }
0x49: {  	s20 =	rddreg [dreg:$0x4]  }
0x4a: {  	s1 =	simm.s32 $0x1680;
	s9 =	sadd.s32 $0x0, s20  }
0x4b: {  	[tilespmem:s1], [sflag:$0x1] =	stream.linear.gather [hbm4b:s9+s3], $0x100, $0x38;
	[tilespmem:$0x3E80] =	vst v63  }
0x4c: {  	s13 =	simm.s32 $0x1780;
	s22 =	sadd.s32 $0x20, s9  }
0x4d: {  	[tilespmem:s13], [sflag:$0x2] =	stream.linear.gather [hbm4b:s22+s3], $0x100, $0x38;
	[tilespmem:$0x3E80] =	vst v63  }
0x4e: {  	s17 =	simm.s32 $0x1880;
	s6 =	sadd.s32 $0x40, s9  }
0x4f: {  	[tilespmem:s17], [sflag:$0x3] =	stream.linear.gather [hbm4b:s6+s3], $0x100, $0x38;
	[tilespmem:$0x3E80] =	vst v63  }
0x50: {  	s19 =	simm.s32 $0x1980;
	s8 =	sadd.s32 $0x60, s9  }
0x51: {  	[tilespmem:s19], [sflag:$0x4] =	stream.linear.gather [hbm4b:s8+s3], $0x100, $0x38;
	[tilespmem:$0x3E80] =	vst v63  }
0x52: {  	s20 =	simm.s32 $0x1A80;
	s10 =	sadd.s32 $0x80, s9  }
0x53: {  	[tilespmem:s20], [sflag:$0x5] =	stream.linear.gather [hbm4b:s10+s3], $0x100, $0x38;
	[tilespmem:$0x3E80] =	vst v63  }
0x54: {  	s12 =	sadd.s32 $0xA0, s9;
	s8 =	simm.s32 $0x1B80  }
0x55: {  	[tilespmem:s8], [sflag:$0x6] =	stream.linear.gather [hbm4b:s12+s3], $0x100, $0x38;
	[tilespmem:$0x3E80] =	vst v63  }
0x56: {  	s22 =	sadd.s32 $0xC0, s9;
	s10 =	simm.s32 $0x1C80  }
0x57: {  	[tilespmem:s10], [sflag:$0x7] =	stream.linear.gather [hbm4b:s22+s3], $0x100, $0x38;
	[tilespmem:$0x3E80] =	vst v63  }
0x58: {  	s11 =	simm.s32 $0x1D80;
	s9 =	sadd.s32 $0xE0, s9;
	s6 =	simm.s32 $0x1  }
0x59: {  	[tilespmem:s11], [sflag:$0x8] =	stream.linear.gather [hbm4b:s9+s3], $0x100, $0x38;
	[tilespmem:$0x3E80] =	vst v63  }
0x5a: {  	_ =	swait.ge [sflag:s6], $0x100  }
0x5b: {  	[sflag:s6] =	ssyncset.done $0x0  }
0x5c: {  	s12 =	simm.s32 $0x2;
	[sflag:s6] =	ssyncadd.s32 $0xFFFFFF00;
	s6 =	simm.s32 $0x1E80  }
0x5d: {  	[tilespmem:s6], [sflag:$0x9] =	stream.indirect.gather [hbm4b:s5+s15], $0x8, s1, s15, $0xb8;
	[tilespmem:$0x3E80] =	vst v63  }
0x5e: {  	_ =	swait.ge [sflag:s12], $0x100  }
0x5f: {  	[sflag:s12] =	ssyncset.done $0x0  }
0x60: {  	s1 =	simm.s32 $0x2280;
	[sflag:s12] =	ssyncadd.s32 $0xFFFFFF00  }
0x61: {  	[tilespmem:s1], [sflag:$0xA] =	stream.indirect.gather [hbm4b:s5+s15], $0x8, s13, s15, $0xb8;
	[tilespmem:$0x3E80] =	vst v63  }
0x62: {  	s13 =	simm.s32 $0x3  }
0x63: {  	_ =	swait.ge [sflag:s13], $0x100  }
0x64: {  	[sflag:s13] =	ssyncset.done $0x0  }
0x65: {  	s12 =	simm.s32 $0x2680;
	[sflag:s13] =	ssyncadd.s32 $0xFFFFFF00  }
0x66: {  	[tilespmem:s12], [sflag:$0xB] =	stream.indirect.gather [hbm4b:s5+s15], $0x8, s17, s15, $0xb8;
	[tilespmem:$0x3E80] =	vst v63  }
0x67: {  	s17 =	simm.s32 $0x4  }
0x68: {  	_ =	swait.ge [sflag:s17], $0x100  }
0x69: {  	[sflag:s17] =	ssyncset.done $0x0  }
0x6a: {  	s13 =	simm.s32 $0x2A80;
	[sflag:s17] =	ssyncadd.s32 $0xFFFFFF00  }
0x6b: {  	[tilespmem:s13], [sflag:$0xC] =	stream.indirect.gather [hbm4b:s5+s15], $0x8, s19, s15, $0xb8;
	[tilespmem:$0x3E80] =	vst v63  }
0x6c: {  	s19 =	simm.s32 $0x5  }
0x6d: {  	_ =	swait.ge [sflag:s19], $0x100  }
0x6e: {  	[sflag:s19] =	ssyncset.done $0x0  }
0x6f: {  	s22 =	simm.s32 $0x6;
	s17 =	simm.s32 $0x2E80;
	[sflag:s19] =	ssyncadd.s32 $0xFFFFFF00  }
0x70: {  	[tilespmem:s17], [sflag:$0xD] =	stream.indirect.gather [hbm4b:s5+s15], $0x8, s20, s15, $0xb8;
	[tilespmem:$0x3E80] =	vst v63  }
0x71: {  	_ =	swait.ge [sflag:s22], $0x100  }
0x72: {  	[sflag:s22] =	ssyncset.done $0x0  }
0x73: {  	s9 =	simm.s32 $0x7;
	s19 =	simm.s32 $0x3280;
	[sflag:s22] =	ssyncadd.s32 $0xFFFFFF00  }
0x74: {  	[tilespmem:s19], [sflag:$0xE] =	stream.indirect.gather [hbm4b:s5+s15], $0x8, s8, s15, $0xb8;
	[tilespmem:$0x3E80] =	vst v63  }
0x75: {  	_ =	swait.ge [sflag:s9], $0x100  }
0x76: {  	[sflag:s9] =	ssyncset.done $0x0  }
0x77: {  	s8 =	simm.s32 $0x3680;
	[sflag:s9] =	ssyncadd.s32 $0xFFFFFF00  }
0x78: {  	[tilespmem:s8], [sflag:$0xF] =	stream.indirect.gather [hbm4b:s5+s15], $0x8, s10, s15, $0xb8;
	[tilespmem:$0x3E80] =	vst v63  }
0x79: {  	s10 =	simm.s32 $0x8  }
0x7a: {  	_ =	swait.ge [sflag:s10], $0x100  }
0x7b: {  	[sflag:s10] =	ssyncset.done $0x0  }
0x7c: {  	s20 =	simm.s32 $0x9;
	[sflag:s10] =	ssyncadd.s32 $0xFFFFFF00;
	s10 =	simm.s32 $0x3A80  }
0x7d: {  	[tilespmem:s10], [sflag:$0x10] =	stream.indirect.gather [hbm4b:s5+s15], $0x8, s11, s15, $0xb8;
	[tilespmem:$0x3E80] =	vst v63  }
0x7e: {  	_ =	swait.ge [sflag:s20], $0x400  }
0x7f: {  	[sflag:s20] =	ssyncset.done $0x0  }
0x80: {  	s22 =	rddreg [dreg:$0x5];
	[sflag:s20] =	ssyncadd.s32 $0xFFFFFC00  }
0x81: {  	[spmem:s2] =	stream.indirect.scatter.add.f32 [tilespmem:s6], [sflag:$0x11], $0x8, s22, s15, $0xb8;
	[tilespmem:$0x3E80] =	vst v63  }
0x82: {  	_ =	swait.ge [sflag:s23], $0x400  }
0x83: {  	[sflag:s23] =	ssyncset.done $0x0  }
0x84: {  	s6 =	rddreg [dreg:$0x6];
	[sflag:s23] =	ssyncadd.s32 $0xFFFFFC00  }
0x85: {  	[spmem:s2] =	stream.indirect.scatter.add.f32 [tilespmem:s1], [sflag:$0x12], $0x8, s6, s15, $0xb8;
	[tilespmem:$0x3E80] =	vst v63  }
0x86: {  	_ =	swait.ge [sflag:s24], $0x400  }
0x87: {  	[sflag:s24] =	ssyncset.done $0x0  }
0x88: {  	s11 =	rddreg [dreg:$0x7];
	[sflag:s24] =	ssyncadd.s32 $0xFFFFFC00  }
0x89: {  	[spmem:s2] =	stream.indirect.scatter.add.f32 [tilespmem:s12], [sflag:$0x13], $0x8, s11, s15, $0xb8;
	[tilespmem:$0x3E80] =	vst v63  }
0x8a: {  	_ =	swait.ge [sflag:s25], $0x400  }
0x8b: {  	[sflag:s25] =	ssyncset.done $0x0  }
0x8c: {  	s12 =	rddreg [dreg:$0x8];
	[sflag:s25] =	ssyncadd.s32 $0xFFFFFC00  }
0x8d: {  	[spmem:s2] =	stream.indirect.scatter.add.f32 [tilespmem:s13], [sflag:$0x14], $0x8, s12, s15, $0xb8;
	[tilespmem:$0x3E80] =	vst v63  }
0x8e: {  	_ =	swait.ge [sflag:s26], $0x400  }
0x8f: {  	[sflag:s26] =	ssyncset.done $0x0  }
0x90: {  	s13 =	rddreg [dreg:$0x9];
	[sflag:s26] =	ssyncadd.s32 $0xFFFFFC00  }
0x91: {  	[spmem:s2] =	stream.indirect.scatter.add.f32 [tilespmem:s17], [sflag:$0x15], $0x8, s13, s15, $0xb8;
	[tilespmem:$0x3E80] =	vst v63  }
0x92: {  	_ =	swait.ge [sflag:s28], $0x400  }
0x93: {  	[sflag:s28] =	ssyncset.done $0x0  }
0x94: {  	s17 =	rddreg [dreg:$0xa];
	[sflag:s28] =	ssyncadd.s32 $0xFFFFFC00  }
0x95: {  	[spmem:s2] =	stream.indirect.scatter.add.f32 [tilespmem:s19], [sflag:$0x16], $0x8, s17, s15, $0xb8;
	[tilespmem:$0x3E80] =	vst v63  }
0x96: {  	_ =	swait.ge [sflag:s29], $0x400  }
0x97: {  	[sflag:s29] =	ssyncset.done $0x0  }
0x98: {  	s20 =	rddreg [dreg:$0xb];
	[sflag:s29] =	ssyncadd.s32 $0xFFFFFC00  }
0x99: {  	[spmem:s2] =	stream.indirect.scatter.add.f32 [tilespmem:s8], [sflag:$0x17], $0x8, s20, s15, $0xb8;
	[tilespmem:$0x3E80] =	vst v63  }
0x9a: {  	_ =	swait.ge [sflag:s30], $0x400  }
0x9b: {  	[sflag:s30] =	ssyncset.done $0x0  }
0x9c: {  	s22 =	rddreg [dreg:$0xc];
	[sflag:s30] =	ssyncadd.s32 $0xFFFFFC00  }
0x9d: {  	[spmem:s2] =	stream.indirect.scatter.add.f32 [tilespmem:s10], [sflag:$0x18], $0x8, s22, s15, $0xb8;
	[tilespmem:$0x3E80] =	vst v63  }
0x9e: {  	_ =	swait.ge [sflag:s31], $0x400  }
0x9f: {  	[sflag:s31] =	ssyncset.done $0x0  }
0xa0: {  	[sflag:s31] =	ssyncadd.s32 $0xFFFFFC00  }
0xa1: {  	_ =	swait.ge [sflag:s0], $0x400  }
0xa2: {  	[sflag:s0] =	ssyncset.done $0x0  }
0xa3: {  	[sflag:s0] =	ssyncadd.s32 $0xFFFFFC00  }
0xa4: {  	_ =	swait.ge [sflag:s4], $0x400  }
0xa5: {  	[sflag:s4] =	ssyncset.done $0x0  }
0xa6: {  	[sflag:s4] =	ssyncadd.s32 $0xFFFFFC00  }
0xa7: {  	_ =	swait.ge [sflag:s16], $0x400  }
0xa8: {  	[sflag:s16] =	ssyncset.done $0x0  }
0xa9: {  	[sflag:s16] =	ssyncadd.s32 $0xFFFFFC00  }
0xaa: {  	_ =	swait.ge [sflag:s18], $0x400  }
0xab: {  	[sflag:s18] =	ssyncset.done $0x0  }
0xac: {  	[sflag:s18] =	ssyncadd.s32 $0xFFFFFC00  }
0xad: {  	_ =	swait.ge [sflag:s14], $0x400  }
0xae: {  	[sflag:s14] =	ssyncset.done $0x0  }
0xaf: {  	[sflag:s14] =	ssyncadd.s32 $0xFFFFFC00  }
0xb0: {  	_ =	swait.ge [sflag:s21], $0x400  }
0xb1: {  	[sflag:s21] =	ssyncset.done $0x0  }
0xb2: {  	[sflag:s21] =	ssyncadd.s32 $0xFFFFFC00  }
0xb3: {  	s9 =	simm.s32 $0x100;
	_ =	swait.ge [sflag:s7], $0x400  }
0xb4: {  	s11 =	simm.s32 $0x200;
	s13 =	rddreg [dreg:$0x4];
	[sflag:s7] =	ssyncset.done $0x0  }
.LBB2_2:
0xb5: {  	[sflag:s7] =	ssyncadd.s32 $0xFFFFFC00;
	s13 =	sadd.s32 s9, s13;
	s17 =	simm.s32 $0x1680  }
0xb6: {  	[tilespmem:s17], [sflag:$0x1] =	stream.linear.gather [hbm4b:s13+s3], $0x100, $0x38;
	[tilespmem:$0x3E80] =	vst v63  }
0xb7: {  	s19 =	simm.s32 $0x1780;
	s22 =	sadd.s32 $0x20, s13  }
0xb8: {  	[tilespmem:s19], [sflag:$0x2] =	stream.linear.gather [hbm4b:s22+s3], $0x100, $0x38;
	[tilespmem:$0x3E80] =	vst v63  }
0xb9: {  	s20 =	simm.s32 $0x1880;
	s6 =	sadd.s32 $0x40, s13  }
0xba: {  	[tilespmem:s20], [sflag:$0x3] =	stream.linear.gather [hbm4b:s6+s3], $0x100, $0x38;
	[tilespmem:$0x3E80] =	vst v63  }
0xbb: {  	s8 =	sadd.s32 $0x60, s13;
	s22 =	simm.s32 $0x1980  }
0xbc: {  	[tilespmem:s22], [sflag:$0x4] =	stream.linear.gather [hbm4b:s8+s3], $0x100, $0x38;
	[tilespmem:$0x3E80] =	vst v63  }
0xbd: {  	s10 =	sadd.s32 $0x80, s13;
	s8 =	simm.s32 $0x1A80  }
0xbe: {  	[tilespmem:s8], [sflag:$0x5] =	stream.linear.gather [hbm4b:s10+s3], $0x100, $0x38;
	[tilespmem:$0x3E80] =	vst v63  }
0xbf: {  	s12 =	sadd.s32 $0xA0, s13;
	s10 =	simm.s32 $0x1B80  }
0xc0: {  	[tilespmem:s10], [sflag:$0x6] =	stream.linear.gather [hbm4b:s12+s3], $0x100, $0x38;
	[tilespmem:$0x3E80] =	vst v63  }
0xc1: {  	s6 =	sadd.s32 $0xC0, s13;
	s12 =	simm.s32 $0x1C80  }
0xc2: {  	[tilespmem:s12], [sflag:$0x7] =	stream.linear.gather [hbm4b:s6+s3], $0x100, $0x38;
	[tilespmem:$0x3E80] =	vst v63  }
0xc3: {  	s6 =	sadd.s32 $0xE0, s13;
	s13 =	simm.s32 $0x1D80  }
0xc4: {  	[tilespmem:s13], [sflag:$0x8] =	stream.linear.gather [hbm4b:s6+s3], $0x100, $0x38;
	[tilespmem:$0x3E80] =	vst v63  }
0xc5: {  	s6 =	simm.s32 $0x1  }
0xc6: {  	_ =	swait.ge [sflag:s6], $0x100  }
0xc7: {  	[sflag:s6] =	ssyncset.done $0x0  }
0xc8: {  	[sflag:s6] =	ssyncadd.s32 $0xFFFFFF00;
	s6 =	simm.s32 $0x1E80  }
0xc9: {  	[tilespmem:s6], [sflag:$0x9] =	stream.indirect.gather [hbm4b:s5+s15], $0x8, s17, s15, $0xb8;
	[tilespmem:$0x3E80] =	vst v63  }
0xca: {  	s17 =	simm.s32 $0x2  }
0xcb: {  	_ =	swait.ge [sflag:s17], $0x100  }
0xcc: {  	[sflag:s17] =	ssyncset.done $0x0  }
0xcd: {  	[sflag:s17] =	ssyncadd.s32 $0xFFFFFF00;
	s17 =	simm.s32 $0x2280  }
0xce: {  	[tilespmem:s17], [sflag:$0xA] =	stream.indirect.gather [hbm4b:s5+s15], $0x8, s19, s15, $0xb8;
	[tilespmem:$0x3E80] =	vst v63  }
0xcf: {  	s19 =	simm.s32 $0x3  }
0xd0: {  	_ =	swait.ge [sflag:s19], $0x100  }
0xd1: {  	[sflag:s19] =	ssyncset.done $0x0  }
0xd2: {  	[sflag:s19] =	ssyncadd.s32 $0xFFFFFF00;
	s19 =	simm.s32 $0x2680  }
0xd3: {  	[tilespmem:s19], [sflag:$0xB] =	stream.indirect.gather [hbm4b:s5+s15], $0x8, s20, s15, $0xb8;
	[tilespmem:$0x3E80] =	vst v63  }
0xd4: {  	s20 =	simm.s32 $0x4  }
0xd5: {  	_ =	swait.ge [sflag:s20], $0x100  }
0xd6: {  	[sflag:s20] =	ssyncset.done $0x0  }
0xd7: {  	[sflag:s20] =	ssyncadd.s32 $0xFFFFFF00;
	s20 =	simm.s32 $0x2A80  }
0xd8: {  	[tilespmem:s20], [sflag:$0xC] =	stream.indirect.gather [hbm4b:s5+s15], $0x8, s22, s15, $0xb8;
	[tilespmem:$0x3E80] =	vst v63  }
0xd9: {  	s22 =	simm.s32 $0x5  }
0xda: {  	_ =	swait.ge [sflag:s22], $0x100  }
0xdb: {  	[sflag:s22] =	ssyncset.done $0x0  }
0xdc: {  	[sflag:s22] =	ssyncadd.s32 $0xFFFFFF00;
	s22 =	simm.s32 $0x2E80  }
0xdd: {  	[tilespmem:s22], [sflag:$0xD] =	stream.indirect.gather [hbm4b:s5+s15], $0x8, s8, s15, $0xb8;
	[tilespmem:$0x3E80] =	vst v63  }
0xde: {  	s8 =	simm.s32 $0x6  }
0xdf: {  	_ =	swait.ge [sflag:s8], $0x100  }
0xe0: {  	[sflag:s8] =	ssyncset.done $0x0  }
0xe1: {  	[sflag:s8] =	ssyncadd.s32 $0xFFFFFF00;
	s8 =	simm.s32 $0x3280  }
0xe2: {  	[tilespmem:s8], [sflag:$0xE] =	stream.indirect.gather [hbm4b:s5+s15], $0x8, s10, s15, $0xb8;
	[tilespmem:$0x3E80] =	vst v63  }
0xe3: {  	s10 =	simm.s32 $0x7  }
0xe4: {  	_ =	swait.ge [sflag:s10], $0x100  }
0xe5: {  	[sflag:s10] =	ssyncset.done $0x0  }
0xe6: {  	[sflag:s10] =	ssyncadd.s32 $0xFFFFFF00;
	s10 =	simm.s32 $0x3680  }
0xe7: {  	[tilespmem:s10], [sflag:$0xF] =	stream.indirect.gather [hbm4b:s5+s15], $0x8, s12, s15, $0xb8;
	[tilespmem:$0x3E80] =	vst v63  }
0xe8: {  	s12 =	simm.s32 $0x8  }
0xe9: {  	_ =	swait.ge [sflag:s12], $0x100  }
0xea: {  	[sflag:s12] =	ssyncset.done $0x0  }
0xeb: {  	[sflag:s12] =	ssyncadd.s32 $0xFFFFFF00;
	s12 =	simm.s32 $0x3A80  }
0xec: {  	[tilespmem:s12], [sflag:$0x10] =	stream.indirect.gather [hbm4b:s5+s15], $0x8, s13, s15, $0xb8;
	[tilespmem:$0x3E80] =	vst v63  }
0xed: {  	s13 =	simm.s32 $0x9  }
0xee: {  	_ =	swait.ge [sflag:s13], $0x400  }
0xef: {  	s1 =	smov.u32 s11;
	[sflag:s13] =	ssyncset.done $0x0  }
0xf0: {  	s9 =	smov.u32 s1;
	s1 =	rddreg [dreg:$0x5];
	[sflag:s13] =	ssyncadd.s32 $0xFFFFFC00  }
0xf1: {  	[spmem:s2] =	stream.indirect.scatter.add.f32 [tilespmem:s6], [sflag:$0x11], $0x8, s1, s15, $0xb8;
	[tilespmem:$0x3E80] =	vst v63  }
0xf2: {  	_ =	swait.ge [sflag:s23], $0x400  }
0xf3: {  	[sflag:s23] =	ssyncset.done $0x0  }
0xf4: {  	s13 =	rddreg [dreg:$0x6];
	[sflag:s23] =	ssyncadd.s32 $0xFFFFFC00  }
0xf5: {  	[spmem:s2] =	stream.indirect.scatter.add.f32 [tilespmem:s17], [sflag:$0x12], $0x8, s13, s15, $0xb8;
	[tilespmem:$0x3E80] =	vst v63  }
0xf6: {  	_ =	swait.ge [sflag:s24], $0x400  }
0xf7: {  	[sflag:s24] =	ssyncset.done $0x0  }
0xf8: {  	s6 =	rddreg [dreg:$0x7];
	[sflag:s24] =	ssyncadd.s32 $0xFFFFFC00  }
0xf9: {  	[spmem:s2] =	stream.indirect.scatter.add.f32 [tilespmem:s19], [sflag:$0x13], $0x8, s6, s15, $0xb8;
	[tilespmem:$0x3E80] =	vst v63  }
0xfa: {  	_ =	swait.ge [sflag:s25], $0x400  }
0xfb: {  	[sflag:s25] =	ssyncset.done $0x0  }
0xfc: {  	s13 =	rddreg [dreg:$0x8];
	[sflag:s25] =	ssyncadd.s32 $0xFFFFFC00  }
0xfd: {  	[spmem:s2] =	stream.indirect.scatter.add.f32 [tilespmem:s20], [sflag:$0x14], $0x8, s13, s15, $0xb8;
	[tilespmem:$0x3E80] =	vst v63  }
0xfe: {  	_ =	swait.ge [sflag:s26], $0x400  }
0xff: {  	[sflag:s26] =	ssyncset.done $0x0  }
0x100: {  	s17 =	rddreg [dreg:$0x9];
	[sflag:s26] =	ssyncadd.s32 $0xFFFFFC00  }
0x101: {  	[spmem:s2] =	stream.indirect.scatter.add.f32 [tilespmem:s22], [sflag:$0x15], $0x8, s17, s15, $0xb8;
	[tilespmem:$0x3E80] =	vst v63  }
0x102: {  	_ =	swait.ge [sflag:s28], $0x400  }
0x103: {  	[sflag:s28] =	ssyncset.done $0x0  }
0x104: {  	s19 =	rddreg [dreg:$0xa];
	[sflag:s28] =	ssyncadd.s32 $0xFFFFFC00  }
0x105: {  	[spmem:s2] =	stream.indirect.scatter.add.f32 [tilespmem:s8], [sflag:$0x16], $0x8, s19, s15, $0xb8;
	[tilespmem:$0x3E80] =	vst v63  }
0x106: {  	_ =	swait.ge [sflag:s29], $0x400  }
0x107: {  	[sflag:s29] =	ssyncset.done $0x0  }
0x108: {  	s20 =	rddreg [dreg:$0xb];
	[sflag:s29] =	ssyncadd.s32 $0xFFFFFC00  }
0x109: {  	[spmem:s2] =	stream.indirect.scatter.add.f32 [tilespmem:s10], [sflag:$0x17], $0x8, s20, s15, $0xb8;
	[tilespmem:$0x3E80] =	vst v63  }
0x10a: {  	_ =	swait.ge [sflag:s30], $0x400  }
0x10b: {  	[sflag:s30] =	ssyncset.done $0x0  }
0x10c: {  	s22 =	rddreg [dreg:$0xc];
	[sflag:s30] =	ssyncadd.s32 $0xFFFFFC00  }
0x10d: {  	[spmem:s2] =	stream.indirect.scatter.add.f32 [tilespmem:s12], [sflag:$0x18], $0x8, s22, s15, $0xb8;
	[tilespmem:$0x3E80] =	vst v63  }
0x10e: {  	_ =	swait.ge [sflag:s31], $0x400  }
0x10f: {  	[sflag:s31] =	ssyncset.done $0x0  }
0x110: {  	[sflag:s31] =	ssyncadd.s32 $0xFFFFFC00  }
0x111: {  	_ =	swait.ge [sflag:s0], $0x400  }
0x112: {  	[sflag:s0] =	ssyncset.done $0x0  }
0x113: {  	[sflag:s0] =	ssyncadd.s32 $0xFFFFFC00  }
0x114: {  	_ =	swait.ge [sflag:s4], $0x400  }
0x115: {  	[sflag:s4] =	ssyncset.done $0x0  }
0x116: {  	[sflag:s4] =	ssyncadd.s32 $0xFFFFFC00  }
0x117: {  	_ =	swait.ge [sflag:s16], $0x400  }
0x118: {  	[sflag:s16] =	ssyncset.done $0x0  }
0x119: {  	[sflag:s16] =	ssyncadd.s32 $0xFFFFFC00  }
0x11a: {  	_ =	swait.ge [sflag:s18], $0x400  }
0x11b: {  	[sflag:s18] =	ssyncset.done $0x0  }
0x11c: {  	[sflag:s18] =	ssyncadd.s32 $0xFFFFFC00  }
0x11d: {  	_ =	swait.ge [sflag:s14], $0x400  }
0x11e: {  	[sflag:s14] =	ssyncset.done $0x0  }
0x11f: {  	p0 =	sne.s32 s11, $0x900;
	[sflag:s14] =	ssyncadd.s32 $0xFFFFFC00  }
.Ltmp0:
0x120: {  	_ =	swait.ge [sflag:s21], $0x400;
	(pc) =	sbr.rel @p0 .LBB2_2-.Ltmp0, $4  }
0x121: {  	[sflag:s21] =	ssyncset.done $0x0  }
0x122: {  	[sflag:s21] =	ssyncadd.s32 $0xFFFFFC00  }
0x123: {  	_ =	swait.ge [sflag:s7], $0x400  }
0x124: {  	s11 =	sadd.s32 $0x100, s11;
	s13 =	rddreg [dreg:$0x4];
	[sflag:s7] =	ssyncset.done $0x0  }
0x125: {  	[sflag:s7] =	ssyncadd.s32 $0xFFFFFC00;
	s1 =	sadd.s32 s9, s13;
	s11 =	simm.s32 $0x1680  }
0x126: {  	[tilespmem:s11], [sflag:$0x1] =	stream.linear.gather [hbm4b:s1+s3], $0x100, $0x38;
	[tilespmem:$0x3E80] =	vst v63  }
0x127: {  	s13 =	simm.s32 $0x1780;
	s9 =	sadd.s32 $0x20, s1  }
0x128: {  	[tilespmem:s13], [sflag:$0x2] =	stream.linear.gather [hbm4b:s9+s3], $0x100, $0x38;
	[tilespmem:$0x3E80] =	vst v63  }
0x129: {  	s17 =	simm.s32 $0x1880;
	s8 =	sadd.s32 $0x40, s1  }
0x12a: {  	[tilespmem:s17], [sflag:$0x3] =	stream.linear.gather [hbm4b:s8+s3], $0x100, $0x38;
	[tilespmem:$0x3E80] =	vst v63  }
0x12b: {  	s19 =	simm.s32 $0x1980;
	s10 =	sadd.s32 $0x60, s1  }
0x12c: {  	[tilespmem:s19], [sflag:$0x4] =	stream.linear.gather [hbm4b:s10+s3], $0x100, $0x38;
	[tilespmem:$0x3E80] =	vst v63  }
0x12d: {  	s12 =	sadd.s32 $0x80, s1;
	s8 =	simm.s32 $0x1A80  }
0x12e: {  	[tilespmem:s8], [sflag:$0x5] =	stream.linear.gather [hbm4b:s12+s3], $0x100, $0x38;
	[tilespmem:$0x3E80] =	vst v63  }
0x12f: {  	s20 =	sadd.s32 $0xA0, s1;
	s10 =	simm.s32 $0x1B80  }
0x130: {  	[tilespmem:s10], [sflag:$0x6] =	stream.linear.gather [hbm4b:s20+s3], $0x100, $0x38;
	[tilespmem:$0x3E80] =	vst v63  }
0x131: {  	s22 =	sadd.s32 $0xC0, s1;
	s12 =	simm.s32 $0x1C80  }
0x132: {  	[tilespmem:s12], [sflag:$0x7] =	stream.linear.gather [hbm4b:s22+s3], $0x100, $0x38;
	[tilespmem:$0x3E80] =	vst v63  }
0x133: {  	s6 =	simm.s32 $0x1;
	s1 =	sadd.s32 $0xE0, s1;
	s9 =	simm.s32 $0x1D80  }
0x134: {  	[tilespmem:s9], [sflag:$0x8] =	stream.linear.gather [hbm4b:s1+s3], $0x100, $0x38;
	[tilespmem:$0x3E80] =	vst v63  }
0x135: {  	_ =	swait.ge [sflag:s6], $0x100  }
0x136: {  	[sflag:s6] =	ssyncset.done $0x0  }
0x137: {  	[sflag:s6] =	ssyncadd.s32 $0xFFFFFF00;
	s6 =	simm.s32 $0x1E80  }
0x138: {  	[tilespmem:s6], [sflag:$0x9] =	stream.indirect.gather [hbm4b:s5+s15], $0x8, s11, s15, $0xb8;
	[tilespmem:$0x3E80] =	vst v63  }
0x139: {  	s11 =	simm.s32 $0x2  }
0x13a: {  	_ =	swait.ge [sflag:s11], $0x100  }
0x13b: {  	[sflag:s11] =	ssyncset.done $0x0  }
0x13c: {  	[sflag:s11] =	ssyncadd.s32 $0xFFFFFF00;
	s11 =	simm.s32 $0x2280  }
0x13d: {  	[tilespmem:s11], [sflag:$0xA] =	stream.indirect.gather [hbm4b:s5+s15], $0x8, s13, s15, $0xb8;
	[tilespmem:$0x3E80] =	vst v63  }
0x13e: {  	s13 =	simm.s32 $0x3  }
0x13f: {  	_ =	swait.ge [sflag:s13], $0x100  }
0x140: {  	[sflag:s13] =	ssyncset.done $0x0  }
0x141: {  	s20 =	simm.s32 $0x4;
	[sflag:s13] =	ssyncadd.s32 $0xFFFFFF00;
	s13 =	simm.s32 $0x2680  }
0x142: {  	[tilespmem:s13], [sflag:$0xB] =	stream.indirect.gather [hbm4b:s5+s15], $0x8, s17, s15, $0xb8;
	[tilespmem:$0x3E80] =	vst v63  }
0x143: {  	_ =	swait.ge [sflag:s20], $0x100  }
0x144: {  	[sflag:s20] =	ssyncset.done $0x0  }
0x145: {  	s22 =	simm.s32 $0x5;
	s17 =	simm.s32 $0x2A80;
	[sflag:s20] =	ssyncadd.s32 $0xFFFFFF00  }
0x146: {  	[tilespmem:s17], [sflag:$0xC] =	stream.indirect.gather [hbm4b:s5+s15], $0x8, s19, s15, $0xb8;
	[tilespmem:$0x3E80] =	vst v63  }
0x147: {  	_ =	swait.ge [sflag:s22], $0x100  }
0x148: {  	[sflag:s22] =	ssyncset.done $0x0  }
0x149: {  	s19 =	simm.s32 $0x2E80;
	[sflag:s22] =	ssyncadd.s32 $0xFFFFFF00  }
0x14a: {  	[tilespmem:s19], [sflag:$0xD] =	stream.indirect.gather [hbm4b:s5+s15], $0x8, s8, s15, $0xb8;
	[tilespmem:$0x3E80] =	vst v63  }
0x14b: {  	s8 =	simm.s32 $0x6  }
0x14c: {  	_ =	swait.ge [sflag:s8], $0x100  }
0x14d: {  	[sflag:s8] =	ssyncset.done $0x0  }
0x14e: {  	[sflag:s8] =	ssyncadd.s32 $0xFFFFFF00;
	s8 =	simm.s32 $0x3280  }
0x14f: {  	[tilespmem:s8], [sflag:$0xE] =	stream.indirect.gather [hbm4b:s5+s15], $0x8, s10, s15, $0xb8;
	[tilespmem:$0x3E80] =	vst v63  }
0x150: {  	s10 =	simm.s32 $0x7  }
0x151: {  	_ =	swait.ge [sflag:s10], $0x100  }
0x152: {  	[sflag:s10] =	ssyncset.done $0x0  }
0x153: {  	[sflag:s10] =	ssyncadd.s32 $0xFFFFFF00;
	s10 =	simm.s32 $0x3680  }
0x154: {  	[tilespmem:s10], [sflag:$0xF] =	stream.indirect.gather [hbm4b:s5+s15], $0x8, s12, s15, $0xb8;
	[tilespmem:$0x3E80] =	vst v63  }
0x155: {  	s12 =	simm.s32 $0x8  }
0x156: {  	_ =	swait.ge [sflag:s12], $0x100  }
0x157: {  	[sflag:s12] =	ssyncset.done $0x0  }
0x158: {  	s20 =	simm.s32 $0x9;
	[sflag:s12] =	ssyncadd.s32 $0xFFFFFF00;
	s12 =	simm.s32 $0x3A80  }
0x159: {  	[tilespmem:s12], [sflag:$0x10] =	stream.indirect.gather [hbm4b:s5+s15], $0x8, s9, s15, $0xb8;
	[tilespmem:$0x3E80] =	vst v63  }
0x15a: {  	_ =	swait.ge [sflag:s20], $0x400  }
0x15b: {  	[sflag:s20] =	ssyncset.done $0x0  }
0x15c: {  	s22 =	rddreg [dreg:$0x5];
	[sflag:s20] =	ssyncadd.s32 $0xFFFFFC00  }
0x15d: {  	[spmem:s2] =	stream.indirect.scatter.add.f32 [tilespmem:s6], [sflag:$0x11], $0x8, s22, s15, $0xb8;
	[tilespmem:$0x3E80] =	vst v63  }
0x15e: {  	_ =	swait.ge [sflag:s23], $0x400  }
0x15f: {  	[sflag:s23] =	ssyncset.done $0x0  }
0x160: {  	s9 =	rddreg [dreg:$0x6];
	[sflag:s23] =	ssyncadd.s32 $0xFFFFFC00  }
0x161: {  	[spmem:s2] =	stream.indirect.scatter.add.f32 [tilespmem:s11], [sflag:$0x12], $0x8, s9, s15, $0xb8;
	[tilespmem:$0x3E80] =	vst v63  }
0x162: {  	_ =	swait.ge [sflag:s24], $0x400  }
0x163: {  	[sflag:s24] =	ssyncset.done $0x0  }
0x164: {  	s20 =	rddreg [dreg:$0x7];
	[sflag:s24] =	ssyncadd.s32 $0xFFFFFC00  }
0x165: {  	[spmem:s2] =	stream.indirect.scatter.add.f32 [tilespmem:s13], [sflag:$0x13], $0x8, s20, s15, $0xb8;
	[tilespmem:$0x3E80] =	vst v63  }
0x166: {  	_ =	swait.ge [sflag:s25], $0x400  }
0x167: {  	[sflag:s25] =	ssyncset.done $0x0  }
0x168: {  	s22 =	rddreg [dreg:$0x8];
	[sflag:s25] =	ssyncadd.s32 $0xFFFFFC00  }
0x169: {  	[spmem:s2] =	stream.indirect.scatter.add.f32 [tilespmem:s17], [sflag:$0x14], $0x8, s22, s15, $0xb8;
	[tilespmem:$0x3E80] =	vst v63  }
0x16a: {  	_ =	swait.ge [sflag:s26], $0x400  }
0x16b: {  	[sflag:s26] =	ssyncset.done $0x0  }
0x16c: {  	s6 =	rddreg [dreg:$0x9];
	[sflag:s26] =	ssyncadd.s32 $0xFFFFFC00  }
0x16d: {  	[spmem:s2] =	stream.indirect.scatter.add.f32 [tilespmem:s19], [sflag:$0x15], $0x8, s6, s15, $0xb8;
	[tilespmem:$0x3E80] =	vst v63  }
0x16e: {  	_ =	swait.ge [sflag:s28], $0x400  }
0x16f: {  	[sflag:s28] =	ssyncset.done $0x0  }
0x170: {  	s9 =	rddreg [dreg:$0xa];
	[sflag:s28] =	ssyncadd.s32 $0xFFFFFC00  }
0x171: {  	[spmem:s2] =	stream.indirect.scatter.add.f32 [tilespmem:s8], [sflag:$0x16], $0x8, s9, s15, $0xb8;
	[tilespmem:$0x3E80] =	vst v63  }
0x172: {  	_ =	swait.ge [sflag:s29], $0x400  }
0x173: {  	[sflag:s29] =	ssyncset.done $0x0  }
0x174: {  	s11 =	rddreg [dreg:$0xb];
	[sflag:s29] =	ssyncadd.s32 $0xFFFFFC00  }
0x175: {  	[spmem:s2] =	stream.indirect.scatter.add.f32 [tilespmem:s10], [sflag:$0x17], $0x8, s11, s15, $0xb8;
	[tilespmem:$0x3E80] =	vst v63  }
0x176: {  	_ =	swait.ge [sflag:s30], $0x400  }
0x177: {  	[sflag:s30] =	ssyncset.done $0x0  }
0x178: {  	s13 =	rddreg [dreg:$0xc];
	[sflag:s30] =	ssyncadd.s32 $0xFFFFFC00  }
0x179: {  	[spmem:s2] =	stream.indirect.scatter.add.f32 [tilespmem:s12], [sflag:$0x18], $0x8, s13, s15, $0xb8;
	[tilespmem:$0x3E80] =	vst v63  }
0x17a: {  	_ =	swait.ge [sflag:s31], $0x400  }
0x17b: {  	[sflag:s31] =	ssyncset.done $0x0  }
0x17c: {  	[sflag:s31] =	ssyncadd.s32 $0xFFFFFC00  }
0x17d: {  	_ =	swait.ge [sflag:s0], $0x400  }
0x17e: {  	[sflag:s0] =	ssyncset.done $0x0  }
0x17f: {  	[sflag:s0] =	ssyncadd.s32 $0xFFFFFC00  }
0x180: {  	_ =	swait.ge [sflag:s4], $0x400  }
0x181: {  	[sflag:s4] =	ssyncset.done $0x0  }
0x182: {  	[sflag:s4] =	ssyncadd.s32 $0xFFFFFC00  }
0x183: {  	_ =	swait.ge [sflag:s16], $0x400  }
0x184: {  	[sflag:s16] =	ssyncset.done $0x0  }
0x185: {  	[sflag:s16] =	ssyncadd.s32 $0xFFFFFC00  }
0x186: {  	_ =	swait.ge [sflag:s18], $0x400  }
0x187: {  	[sflag:s18] =	ssyncset.done $0x0  }
0x188: {  	[sflag:s18] =	ssyncadd.s32 $0xFFFFFC00  }
0x189: {  	_ =	swait.ge [sflag:s14], $0x400  }
0x18a: {  	[sflag:s14] =	ssyncset.done $0x0  }
0x18b: {  	[sflag:s14] =	ssyncadd.s32 $0xFFFFFC00  }
0x18c: {  	_ =	swait.ge [sflag:s21], $0x400  }
0x18d: {  	[sflag:s21] =	ssyncset.done $0x0  }
0x18e: {  	[sflag:s21] =	ssyncadd.s32 $0xFFFFFC00  }
0x18f: {  	_ =	swait.ge [sflag:s7], $0x400  }
0x190: {  	[sflag:s7] =	ssyncset.done $0x0  }
0x191: {  	[sflag:s7] =	ssyncadd.s32 $0xFFFFFC00  }
0x192: {  	[bflag:$0x0] =	sbarrier.arrive $0xFFFF  }
0x193: {  	s9 =	simm.s32 $0x1400;
	s13 =	simm.s32 $0x19;
	s12 =	rddreg [dreg:$0xd]  }
0x194: {  	[tilespmem:s9], [sflag:$0x19] =	stream.linear.gather [spmem:s12], $0x280, $0x38;
	[tilespmem:$0x3E80] =	vst v63  }
0x195: {  	_ =	swait.ge [sflag:s13], $0x280  }
0x196: {  	[sflag:s13] =	ssyncset.done $0x0  }
0x197: {  	s17 =	rddreg [dreg:$0x15];
	[sflag:s13] =	ssyncadd.s32 $0xFFFFFD80  }
0x198: {  	[hbm4b:s17+s3] =	stream.linear.scatter [tilespmem:s9], [sflag:$0x19], $0x280, $0x38;
	[tilespmem:$0x3E80] =	vst v63  }
0x199: {  	_ =	swait.ge [sflag:s13], $0x280  }
0x19a: {  	[sflag:s13] =	ssyncset.done $0x0  }
0x19b: {  	s17 =	rddreg [dreg:$0xe];
	[sflag:s13] =	ssyncadd.s32 $0xFFFFFD80  }
0x19c: {  	[tilespmem:s9], [sflag:$0x19] =	stream.linear.gather [spmem:s17], $0x280, $0x38;
	[tilespmem:$0x3E80] =	vst v63  }
0x19d: {  	_ =	swait.ge [sflag:s13], $0x280  }
0x19e: {  	[sflag:s13] =	ssyncset.done $0x0  }
0x19f: {  	s19 =	rddreg [dreg:$0x16];
	[sflag:s13] =	ssyncadd.s32 $0xFFFFFD80  }
0x1a0: {  	[hbm4b:s19+s3] =	stream.linear.scatter [tilespmem:s9], [sflag:$0x19], $0x280, $0x38;
	[tilespmem:$0x3E80] =	vst v63  }
0x1a1: {  	_ =	swait.ge [sflag:s13], $0x280  }
0x1a2: {  	[sflag:s13] =	ssyncset.done $0x0  }
0x1a3: {  	s10 =	rddreg [dreg:$0xf];
	[sflag:s13] =	ssyncadd.s32 $0xFFFFFD80  }
0x1a4: {  	[tilespmem:s9], [sflag:$0x19] =	stream.linear.gather [spmem:s10], $0x280, $0x38;
	[tilespmem:$0x3E80] =	vst v63  }
0x1a5: {  	_ =	swait.ge [sflag:s13], $0x280  }
0x1a6: {  	[sflag:s13] =	ssyncset.done $0x0  }
0x1a7: {  	s20 =	rddreg [dreg:$0x17];
	[sflag:s13] =	ssyncadd.s32 $0xFFFFFD80  }
0x1a8: {  	[hbm4b:s20+s3] =	stream.linear.scatter [tilespmem:s9], [sflag:$0x19], $0x280, $0x38;
	[tilespmem:$0x3E80] =	vst v63  }
0x1a9: {  	_ =	swait.ge [sflag:s13], $0x280  }
0x1aa: {  	[sflag:s13] =	ssyncset.done $0x0  }
0x1ab: {  	s19 =	rddreg [dreg:$0x10];
	[sflag:s13] =	ssyncadd.s32 $0xFFFFFD80  }
0x1ac: {  	[tilespmem:s9], [sflag:$0x19] =	stream.linear.gather [spmem:s19], $0x280, $0x38;
	[tilespmem:$0x3E80] =	vst v63  }
0x1ad: {  	_ =	swait.ge [sflag:s13], $0x280  }
0x1ae: {  	[sflag:s13] =	ssyncset.done $0x0  }
0x1af: {  	s22 =	rddreg [dreg:$0x18];
	[sflag:s13] =	ssyncadd.s32 $0xFFFFFD80  }
0x1b0: {  	[hbm4b:s22+s3] =	stream.linear.scatter [tilespmem:s9], [sflag:$0x19], $0x280, $0x38;
	[tilespmem:$0x3E80] =	vst v63  }
0x1b1: {  	_ =	swait.ge [sflag:s13], $0x280  }
0x1b2: {  	[sflag:s13] =	ssyncset.done $0x0  }
0x1b3: {  	s20 =	rddreg [dreg:$0x11];
	[sflag:s13] =	ssyncadd.s32 $0xFFFFFD80  }
0x1b4: {  	[tilespmem:s9], [sflag:$0x19] =	stream.linear.gather [spmem:s20], $0x280, $0x38;
	[tilespmem:$0x3E80] =	vst v63  }
0x1b5: {  	_ =	swait.ge [sflag:s13], $0x280  }
0x1b6: {  	[sflag:s13] =	ssyncset.done $0x0  }
0x1b7: {  	s6 =	rddreg [dreg:$0x19];
	[sflag:s13] =	ssyncadd.s32 $0xFFFFFD80  }
0x1b8: {  	[hbm4b:s6+s3] =	stream.linear.scatter [tilespmem:s9], [sflag:$0x19], $0x280, $0x38;
	[tilespmem:$0x3E80] =	vst v63  }
0x1b9: {  	_ =	swait.ge [sflag:s13], $0x280  }
0x1ba: {  	[sflag:s13] =	ssyncset.done $0x0  }
0x1bb: {  	s22 =	rddreg [dreg:$0x12];
	[sflag:s13] =	ssyncadd.s32 $0xFFFFFD80  }
0x1bc: {  	[tilespmem:s9], [sflag:$0x19] =	stream.linear.gather [spmem:s22], $0x280, $0x38;
	[tilespmem:$0x3E80] =	vst v63  }
0x1bd: {  	_ =	swait.ge [sflag:s13], $0x280  }
0x1be: {  	[sflag:s13] =	ssyncset.done $0x0  }
0x1bf: {  	s8 =	rddreg [dreg:$0x1a];
	[sflag:s13] =	ssyncadd.s32 $0xFFFFFD80  }
0x1c0: {  	[hbm4b:s8+s3] =	stream.linear.scatter [tilespmem:s9], [sflag:$0x19], $0x280, $0x38;
	[tilespmem:$0x3E80] =	vst v63  }
0x1c1: {  	_ =	swait.ge [sflag:s13], $0x280  }
0x1c2: {  	[sflag:s13] =	ssyncset.done $0x0  }
0x1c3: {  	s8 =	rddreg [dreg:$0x13];
	[sflag:s13] =	ssyncadd.s32 $0xFFFFFD80  }
0x1c4: {  	[tilespmem:s9], [sflag:$0x19] =	stream.linear.gather [spmem:s8], $0x280, $0x38;
	[tilespmem:$0x3E80] =	vst v63  }
0x1c5: {  	_ =	swait.ge [sflag:s13], $0x280  }
0x1c6: {  	[sflag:s13] =	ssyncset.done $0x0  }
0x1c7: {  	s11 =	rddreg [dreg:$0x1b];
	[sflag:s13] =	ssyncadd.s32 $0xFFFFFD80  }
0x1c8: {  	[hbm4b:s11+s3] =	stream.linear.scatter [tilespmem:s9], [sflag:$0x19], $0x280, $0x38;
	[tilespmem:$0x3E80] =	vst v63  }
0x1c9: {  	_ =	swait.ge [sflag:s13], $0x280  }
0x1ca: {  	[sflag:s13] =	ssyncset.done $0x0  }
0x1cb: {  	s11 =	rddreg [dreg:$0x14];
	[sflag:s13] =	ssyncadd.s32 $0xFFFFFD80  }
0x1cc: {  	[tilespmem:s9], [sflag:$0x19] =	stream.linear.gather [spmem:s11], $0x280, $0x38;
	[tilespmem:$0x3E80] =	vst v63  }
0x1cd: {  	_ =	swait.ge [sflag:s13], $0x280  }
0x1ce: {  	[sflag:s13] =	ssyncset.done $0x0  }
0x1cf: {  	s6 =	rddreg [dreg:$0x1c];
	[sflag:s13] =	ssyncadd.s32 $0xFFFFFD80  }
0x1d0: {  	[hbm4b:s6+s3] =	stream.linear.scatter [tilespmem:s9], [sflag:$0x19], $0x280, $0x38;
	[tilespmem:$0x3E80] =	vst v63  }
0x1d1: {  	_ =	swait.ge [sflag:s13], $0x280  }
0x1d2: {  	s1 =	rddreg [dreg:$0x1e]  }
0x1d3: {  	[sflag:s13] =	ssyncset.done $0x0;
	s13 =	rddreg [dreg:$0x1d];
	s6 =	sadd.s32 $0x1, s1  }
0x1d4: {  	p0 =	sne.s32 s6, s13  }
.Ltmp1:
0x1d5: {  	_ = 	snop;
	(pc) =	sbr.rel @p0 .LBB2_1-.Ltmp1, $3  }
0x1d6: {  	_ =	sdelay $0x1  }
0x1d7: {  	s13 =	simm.s32 $0x19  }
0x1d8: {  	[sflag:s13] =	ssyncadd.s32 $0xFFFFFD80  }
0x1d9: {  	_ =	sfence.sel $0x180000  }
0x1da: {  	[bflag:$0x0] =	sbarrier.arrive $0xFFFF  }
0x1db: {  	_ =	strace $0x9000004D  }
0x1dc: {  	s0 =	stileid.u32;
	[bflag:$0x2] =	sbarrier.arrive $0xFFFF  }
0x1dd: {  	p0 =	sne.s32 s0, $0x0;
	s0 =	rddreg [dreg:$0x3]  }
0x1de: {  	s0 =	sadd.s32 @!p0 $0x100000, s0  }
0x1df: {  	[sflag:s0] =	ssyncadd.tile.s32 @!p0 $0x1;
	_ =	shalt  }
.Lfunc_end2:
_tile_overlayer_lowered:
.L_overlay_start_2:
0x1e0: {  	(tag) =	ssettag $0x2  }
0x1e1: {  	s0 =	rddreg [dreg:$0x0];
	s2 =	stileid.u32  }
0x1e2: {  	s1 =	rddreg [dreg:$0x1];
	p0 =	sne.s32 s2, $0x0  }
0x1e3: {  	s3 =	rddreg [dreg:$0x2];
	[bflag:$0x3] =	sbarrier.arrive $0xFFFF;
	s2 =	simm.s32 @!p0 $0x1C19  }
0x1e4: {  	[timem:s3], [sflag:s2] =	dma.local @!p0 [hbm:s0], s1  }
0x1e5: {  	s0 =	simm.s32 @!p0 $0x19  }
0x1e6: {  	_ =	swait.ge @!p0 [sflag:s0], s1  }
0x1e7: {  	s1 =	ssub.s32 @!p0 $0x0, s1;
	[sflag:s0] =	ssyncset.done @!p0 $0x0  }
0x1e8: {  	[sflag:s0] =	ssyncadd.s32 @!p0 s1  }
0x1e9: {  	[bflag:$0x3] =	sbarrier.arrive $0xFFFF  }
0x1ea: {  	_ =	shalt  }

// kernel: kernel.9.cloned.1.call-start
scs
__scs_entry_jumppad:
0x0: {  	(pc) =	sbr.rel $0x88, $3  }
0x1: {  	(tag) =	ssettag $0x0;
	lr =	simm.s32 $0x1  }
0x2: {  	[smem:$0x3F9B] =	sst lr;
	_ =	strace $0xD0000000  }
0x3: {  	_ = 	snop  }
0x4: {  	_ = 	snop  }
0x5: {  	_ = 	snop  }
0x6: {  	_ = 	snop  }
0x7: {  	_ = 	snop  }
__scs_overlays_trampoline_lowered:
0x8: {  	[smem:$0x3FAA] =	sst s0  }
0x9: {  	[smem:$0x3FAB] =	sst s1  }
0xa: {  	[smem:$0x3FAC] =	sst s2  }
0xb: {  	[smem:$0x3FAD] =	sst s3  }
0xc: {  	[smem:$0x3FAE] =	sst s4  }
0xd: {  	[smem:$0x3FAF] =	sst s5  }
0xe: {  	[smem:$0x3FB0] =	sst s6  }
0xf: {  	[smem:$0x3FB1] =	sst s7  }
0x10: {  	[smem:$0x3FB2] =	sst s8  }
0x11: {  	[smem:$0x3FB3] =	sst s9;
	s0 =	simm.s32 @!p0 $0x0  }
0x12: {  	s1 =	sld [smem:$0x3F99];
	s0 =	simm.s32 @p0 $0x1  }
0x13: {  	[smem:$0x3FB4] =	sst s0;
	s0 =	simm.s32 @!p1 $0x0  }
0x14: {  	s2 =	sld [smem:$0x3F98];
	s0 =	simm.s32 @p1 $0x1  }
0x15: {  	[smem:$0x3FB5] =	sst s0;
	s0 =	simm.s32 @!p2 $0x0  }
0x16: {  	s3 =	sld [smem:$0x3FDB];
	s0 =	simm.s32 @p2 $0x1  }
0x17: {  	s4 =	simm.s32 $0x1BF5;
	[smem:$0x3FB7] =	sst s0  }
0x18: {  	s0 =	sld [smem:$0x3F9A];
	_ =	swait.ge [sflag:s4], $0x0  }
0x19: {  	s7 =	sld [smem:$0x3F9B]  }
0x1a: {  	s8 =	sadd.s32 $0xFFFFE003, lr  }
0x1b: {  	s9 =	sadd.s32 $0xFFFFFEF7, lr;
	s5 =	simm.s32 $0xFFFFFFFF;
	p2 =	slt.u32 s8, $0xFFFFF086  }
0x1c: {  	p1 =	slt.u32 s9, $0xF7A;
	s5 =	simm.s32 @!p2 $0x0  }
0x1d: {  	s5 =	simm.s32 @p1 $0x1;
	p0 =	seq.s32 s7, s2  }
0x1e: {  	s7 =	smul.u32 @!p0 $0xF7A, s2;
	p2 =	seq.s32 @!p0 s5, $0x0  }
0x1f: {  	s9 =	smul.u32 $0xF7A, s1;
	s8 =	simm.s32 @!p0 $0x1BF5;
	p2 =	por !p2, p0  }
0x20: {  	[sflag:s8] =	ssyncset.s32 @!p0 $0xFFFFF086;
	s6 =	sadd.s32 @!p0 s3, s7;
	s7 =	simm.s32 @!p0 $0x108  }
0x21: {  	s3 =	sadd.s32 s3, s9;
	s6 =	sadd.s32 @!p0 $0x88, s6;
	s7 =	simm.s32 @p2 $0x1082  }
0x22: {  	[simem:s7], [sflag:s8] =	dma.local @!p0 [hbm:s6], $0xF7A  }
0x23: {  	s9 =	sor.u32 $0xD0000000, s2;
	s6 =	simm.s32 $0x108;
	_ =	swait.ge @!p0 [sflag:s8], $0x0  }
0x24: {  	s3 =	sadd.s32 $0x88, s3;
	s6 =	simm.s32 @!p1 $0x1082;
	[sflag:s4] =	ssyncset.s32 $0xFFFFF086  }
0x25: {  	[simem:s6], [sflag:s4] =	dma.local [hbm:s3], $0xF7A  }
0x26: {  	[smem:$0x3F9B] =	sst s1;
	(tag) =	ssettag s2;
	_ =	strace s9  }
0x27: {  	s1 =	sld [smem:$0x3FAB]  }
0x28: {  	s2 =	sld [smem:$0x3FAC]  }
0x29: {  	s4 =	sld [smem:$0x3FAE]  }
0x2a: {  	p0 =	seq.s32 s5, $0x0;
	s5 =	sld [smem:$0x3FAF]  }
0x2b: {  	s6 =	sld [smem:$0x3FB0]  }
0x2c: {  	s7 =	sld [smem:$0x3FB1]  }
0x2d: {  	s3 =	simm.s32 $0x108;
	s8 =	sld [smem:$0x3FB2]  }
0x2e: {  	s3 =	simm.s32 @!p0 $0x1082;
	s9 =	sld [smem:$0x3FB3]  }
0x2f: {  	lr =	sadd.s32 s0, s3;
	s0 =	sld [smem:$0x3FAA]  }
0x30: {  	s3 =	sld [smem:$0x3FAD]  }
0x31: {  	[smem:$0x3FB6] =	sst s10  }
0x32: {  	s10 =	sld [smem:$0x3FB4];
	_ =	sdelay $0x3  }
0x33: {  	p0 =	seq.s32 s10, $0x1;
	s10 =	sld [smem:$0x3FB6];
	_ =	sdelay $0x3  }
0x34: {  	[smem:$0x3FB6] =	sst s10  }
0x35: {  	s10 =	sld [smem:$0x3FB5];
	_ =	sdelay $0x3  }
0x36: {  	p1 =	seq.s32 s10, $0x1;
	s10 =	sld [smem:$0x3FB6];
	_ =	sdelay $0x3  }
0x37: {  	[smem:$0x3FB6] =	sst s10  }
0x38: {  	s10 =	sld [smem:$0x3FB7]  }
0x39: {  	_ = 	snop;
	(pc) =	sbr.ind lr, $3  }
0x3a: {  	_ = 	snop  }
0x3b: {  	_ = 	snop  }
0x3c: {  	p2 =	seq.s32 s10, $0x1;
	s10 =	sld [smem:$0x3FB6]  }
0x3d: {  	_ =	shalt  }
0x3e: {  	_ =	shalt  }
0x3f: {  	_ =	shalt  }
0x40: {  	_ =	shalt  }
0x41: {  	_ =	shalt  }
0x42: {  	_ =	shalt  }
0x43: {  	_ =	shalt  }
0x44: {  	_ =	shalt  }
0x45: {  	_ =	shalt  }
0x46: {  	_ =	shalt  }
0x47: {  	_ =	shalt  }
0x48: {  	_ =	shalt  }
0x49: {  	_ =	shalt  }
0x4a: {  	_ =	shalt  }
0x4b: {  	_ =	shalt  }
0x4c: {  	_ =	shalt  }
0x4d: {  	_ =	shalt  }
0x4e: {  	_ =	shalt  }
0x4f: {  	_ =	shalt  }
0x50: {  	_ =	shalt  }
0x51: {  	_ =	shalt  }
0x52: {  	_ =	shalt  }
0x53: {  	_ =	shalt  }
0x54: {  	_ =	shalt  }
0x55: {  	_ =	shalt  }
0x56: {  	_ =	shalt  }
0x57: {  	_ =	shalt  }
0x58: {  	_ =	shalt  }
0x59: {  	_ =	shalt  }
0x5a: {  	_ =	shalt  }
0x5b: {  	_ =	shalt  }
0x5c: {  	_ =	shalt  }
0x5d: {  	_ =	shalt  }
0x5e: {  	_ =	shalt  }
0x5f: {  	_ =	shalt  }
0x60: {  	_ =	shalt  }
0x61: {  	_ =	shalt  }
0x62: {  	_ =	shalt  }
0x63: {  	_ =	shalt  }
0x64: {  	_ =	shalt  }
0x65: {  	_ =	shalt  }
0x66: {  	_ =	shalt  }
0x67: {  	_ =	shalt  }
0x68: {  	_ =	shalt  }
0x69: {  	_ =	shalt  }
0x6a: {  	_ =	shalt  }
0x6b: {  	_ =	shalt  }
0x6c: {  	_ =	shalt  }
0x6d: {  	_ =	shalt  }
0x6e: {  	_ =	shalt  }
0x6f: {  	_ =	shalt  }
0x70: {  	_ =	shalt  }
0x71: {  	_ =	shalt  }
0x72: {  	_ =	shalt  }
0x73: {  	_ =	shalt  }
0x74: {  	_ =	shalt  }
0x75: {  	_ =	shalt  }
0x76: {  	_ =	shalt  }
0x77: {  	_ =	shalt  }
0x78: {  	_ =	shalt  }
0x79: {  	_ =	shalt  }
0x7a: {  	_ =	shalt  }
0x7b: {  	_ =	shalt  }
0x7c: {  	_ =	shalt  }
0x7d: {  	_ =	shalt  }
0x7e: {  	_ =	shalt  }
0x7f: {  	_ =	shalt  }
0x80: {  	_ =	shalt  }
0x81: {  	_ =	shalt  }
0x82: {  	_ =	shalt  }
0x83: {  	_ =	shalt  }
0x84: {  	_ =	shalt  }
0x85: {  	_ =	shalt  }
0x86: {  	_ =	shalt  }
0x87: {  	_ =	shalt  }
.Lfunc_end0:
.L_simem_size_0:
called_computation_lowered:
.L_overlay_start_0:
0x88: {  	s2 =	sld [smem:$0x3FD9]  }
0x89: {  	s3 =	sld [smem:$0x3FFE];
	_ =	sdelay $0x1  }
0x8a: {  	s1 =	srdreg.scid  }
0x8b: {  	s0 =	sand.u32 $0x1, s1  }
0x8c: {  	s14 =	sshll.u32 s0, $0xA;
	s2 =	sadd.s32 s3, s2  }
0x8d: {  	s2 =	sadd.s32 s2, s14  }
0x8e: {  	[smem:$0x3FC2] =	sst s2  }
0x8f: {  	_ = 	snop  }
0x90: {  	s2 =	sld [smem:$0x3FD0];
	_ =	sdelay $0x2  }
0x91: {  	s15 =	simm.s32 $0xA;
	s4 =	simm.s32 $0x10  }
0x92: {  	[smem:s4], [sflag:s15] =	dma.local [hbm:s2], $0x1  }
0x93: {  	_ =	swait.eq [sflag:s15], $0x1  }
0x94: {  	s16 =	sld [smem:$0x11];
	[sflag:s15] =	ssyncset.done $0x0  }
0x95: {  	s17 =	sld [smem:$0x12];
	[sflag:s15] =	ssyncadd.s32 $0xFFFFFFFF  }
0x96: {  	s18 =	sld [smem:$0x13];
	(tm) =	ssettm $0x1  }
0x97: {  	s5 =	sld [smem:$0x3FFB];
	_ =	sdelay $0x3  }
0x98: {  	_ =	strace s5  }
0x99: {  	s5 =	sld [smem:$0x3FFC];
	_ =	sdelay $0x3  }
0x9a: {  	_ =	strace s5  }
0x9b: {  	s5 =	sld [smem:$0x3FFD];
	_ =	sdelay $0x3  }
0x9c: {  	_ =	strace s5  }
0x9d: {  	_ =	strace $0x8FFFFFFF  }
0x9e: {  	s19 =	sld [smem:$0x3FDB];
	_ =	sdelay $0x1  }
0x9f: {  	s6 =	simm.s32 $_scs_section_size  }
0xa0: {  	s7 =	simm.s32 $_size__tile_overlayer_lowered;
	s8 =	simm.s32 $_tile_overlayer_lowered  }
0xa1: {  	s22 =	simm.s32 $0x1BFF;
	s21 =	sshll.u32 s8, $0x1;
	s5 =	sadd.s32 s6, s19  }
0xa2: {  	s9 =	simm.s32 $0x0;
	s20 =	sshll.u32 s7, $0x1;
	s7 =	sadd.s32 s21, s5  }
0xa3: {  	[timem:s9], [sflag:s22] =	dma.local [hbm:s7], s20  }
0xa4: {  	_ =	swait.ge [sflag:s22], s20  }
0xa5: {  	s6 =	ssub.s32 $0x0, s20;
	[sflag:s22] =	ssyncset.done $0x0  }
0xa6: {  	[sflag:s22] =	ssyncadd.s32 s6;
	_ =	sdelay $0x1  }
0xa7: {  	s23 =	simm.s32 $0x1B8B  }
0xa8: {  	_ =	swait.ge [sflag:s23], $0x1  }
0xa9: {  	[sflag:s23] =	ssyncset.done $0x0  }
0xaa: {  	s25 =	simm.s32 $0x1B8E;
	s24 =	sld [smem:$0x3FFE];
	[sflag:s23] =	ssyncadd.s32 $0xFFFFFFFF  }
0xab: {  	s26 =	simm.s32 $execute0_lowered;
	[smem:$0x3FD2] =	sst s25  }
0xac: {  	s7 =	sshll.u32 s26, $0x1;
	_ =	strace $0x80000046;
	[dreg:$0x1] =	wrdreg $0xFFFFFFFF  }
0xad: {  	s28 =	simm.s32 $_size_execute0_lowered;
	s5 =	sadd.s32 s5, s7;
	[dreg:$0x0] =	wrdreg $0x0  }
0xae: {  	s7 =	sshll.u32 s28, $0x1;
	[dreg:$0x2] =	wrdreg s5  }
0xaf: {  	[dreg:$0x3] =	wrdreg s7  }
0xb0: {  	[dreg:$0x4] =	wrdreg $0xC0  }
0xb1: {  	_ =	task [dreg:s9], $0x5FFFF  }
0xb2: {  	[dreg:$0x1] =	wrdreg $0xFFFFFFFF  }
0xb3: {  	[dreg:$0x0] =	wrdreg $0x60  }
0xb4: {  	[dreg:$0x2] =	wrdreg s24  }
0xb5: {  	[dreg:$0x3] =	wrdreg s17  }
0xb6: {  	[dreg:$0x4] =	wrdreg s16  }
0xb7: {  	[dreg:$0x5] =	wrdreg s18  }
0xb8: {  	[dreg:$0x6] =	wrdreg $0x0  }
0xb9: {  	[dreg:$0x7] =	wrdreg $0x9  }
0xba: {  	_ =	task.clear_ibuf [dreg:s9], $0x8FFFF;
	_ =	strace $0x90000046  }
0xbb: {  	s29 =	simm.s32 $0x9;
	_ =	strace $0x80000048  }
0xbc: {  	_ =	swait.ge [sflag:s29], $0x1  }
0xbd: {  	[sflag:s29] =	ssyncadd.s32 $0xFFFFFFFF  }
0xbe: {  	_ =	strace $0x90000048  }
0xbf: {  	_ =	sfence  }
0xc0: {  	s30 =	sld [smem:$0x0];
	_ =	sdelay $0x2  }
0xc1: {  	s31 =	sshll.u32 s1, $0xD;
	s1 =	sshrl.u32 s1, $0x2  }
0xc2: {  	s3 =	sand.u32 $0x4000, s31;
	s1 =	sadd.s32 s1, s30  }
0xc3: {  	s0 =	sor.u32 s3, s0;
	s1 =	sshll.u32 s1, $0x11  }
0xc4: {  	s0 =	sor.u32 s1, s0  }
0xc5: {  	s0 =	sadd.s32 $0x8F2B, s0  }
0xc6: {  	[sflag:s0] =	ssyncadd.remote.s32 $0x1  }
0xc7: {  	_ =	sfence.sel $0xFFFF  }
0xc8: {  	[dreg:$0x0] =	wrdreg $0xFFFFFFFF;
	(pc) =	sbr.abs _section_cstart, $3  }
0xc9: {  	[dreg:$0x1] =	wrdreg $0xFFFFFFFF  }
0xca: {  	_ =	task.clear_ibuf [dreg:s9], $0x2FFFF;
	_ =	strace $0x9FFFFFFF  }
0xcb: {  	(tm) =	ssettm $0x7FFFFFFF  }
tec
execute0_lowered:
.L_overlay_start_1:
0x0: {  	(tag) =	ssettag $0x1  }
0x1: {  	s0 =	rddreg [dreg:$0x0]  }
0x2: {  	s1 =	rddreg [dreg:$0x3]  }
0x3: {  	s3 =	rddreg [dreg:$0x4]  }
0x4: {  	s2 =	srdreg.scid;
	s8 =	stileid.u32;
	s5 =	simm.s32 $0x0  }
0x5: {  	s12 =	simm.s32 $0x580;
	s13 =	simm.s32 $0x680;
	[smem:$0x7FF] =	sst s5  }
0x6: {  	s14 =	simm.s32 $0x780;
	_ =	strace $0x80000047;
	[dreg:$0x7] =	wrdreg s12  }
0x7: {  	s15 =	simm.s32 $0x880;
	s17 =	simm.s32 $0x980;
	[dreg:$0x8] =	wrdreg s13  }
0x8: {  	s18 =	simm.s32 $0xA80;
	s19 =	simm.s32 $0xB80;
	[dreg:$0x9] =	wrdreg s14  }
0x9: {  	s20 =	simm.s32 $0xC80;
	s21 =	simm.s32 $0x600;
	[dreg:$0xa] =	wrdreg s15  }
0xa: {  	s22 =	simm.s32 $0x700;
	s23 =	simm.s32 $0x800;
	[dreg:$0xb] =	wrdreg s17  }
0xb: {  	s24 =	simm.s32 $0x900;
	s25 =	simm.s32 $0xA00;
	[dreg:$0xc] =	wrdreg s18  }
0xc: {  	s26 =	simm.s32 $0xB00;
	s28 =	simm.s32 $0xD;
	[dreg:$0xd] =	wrdreg s19  }
0xd: {  	s29 =	simm.s32 $0xE;
	s30 =	simm.s32 $0xF;
	[dreg:$0xe] =	wrdreg s20  }
0xe: {  	s2 =	sand.u32 $0x1, s2;
	s7 =	smul.u32 $0xA00, s8;
	[dreg:$0xf] =	wrdreg s21  }
0xf: {  	s31 =	simm.s32 $0x10;
	s4 =	smul.u32 $0xA000, s2;
	[dreg:$0x10] =	wrdreg s22  }
0x10: {  	s6 =	ssub.s32 $0x2, s2;
	s2 =	sshll.u32 s2, $0x4;
	[dreg:$0x11] =	wrdreg s23  }
0x11: {  	s12 =	simm.s32 $0x1;
	s13 =	simm.s32 $0x80;
	[dreg:$0x12] =	wrdreg s24  }
0x12: {  	s14 =	simm.s32 $0x2;
	s15 =	simm.s32 $0x3;
	[dreg:$0x13] =	wrdreg s25  }
0x13: {  	s17 =	simm.s32 $0x5;
	s18 =	simm.s32 $0x6;
	[dreg:$0x14] =	wrdreg s26  }
0x14: {  	s19 =	simm.s32 $0x7;
	s20 =	simm.s32 $0xC00;
	s21 =	simm.s32 $0x8  }
0x15: {  	s22 =	simm.s32 $0xD00;
	s23 =	simm.s32 $0x9;
	s24 =	simm.s32 $0xA  }
0x16: {  	s25 =	simm.s32 $0xB;
	s26 =	simm.s32 $0xC;
	s10 =	sshrl.u32 s6, $0x1  }
0x17: {  	s11 =	sshrl.u32 s7, $0x2;
	s2 =	sor.u32 s8, s2;
	s0 =	sadd.s32 s4, s0  }
0x18: {  	s4 =	ssub.s32 s6, s10;
	s2 =	smul.u32 $0x50, s2;
	s6 =	sadd.s32 s11, s3  }
0x19: {  	s10 =	simm.s32 $0x11;
	s0 =	sadd.s32 s7, s0;
	s16 =	smax.u32 s4, $0x1  }
0x1a: {  	s11 =	simm.s32 $0x500;
	s0 =	sadd.s32 $0x1E00, s0;
	[dreg:$0x16] =	wrdreg s16  }
0x1b: {  	s1 =	sadd.s32 s1, s2;
	s2 =	simm.s32 $0x280;
	[dreg:$0x6] =	wrdreg s0  }
0x1c: {  	s16 =	simm.s32 $0x4;
	[dreg:$0x15] =	wrdreg s1;
	s0 =	simm.s32 $0x0  }
.LBB2_1:
0x1d: {  	s1 =	rddreg [dreg:$0x1]  }
0x1e: {  	[tilespmem:s2], [sflag:$0x11] =	stream.linear.gather [hbm4b:s1+s5], $0x280, $0x38;
	[tilespmem:$0xD80] =	vst v63  }
0x1f: {  	_ =	swait.ge [sflag:s10], $0x280  }
0x20: {  	[sflag:s10] =	ssyncset.done $0x0  }
0x21: {  	[sflag:s10] =	ssyncadd.s32 $0xFFFFFD80  }
0x22: {  	[spmem:s6] =	stream.linear.scatter [tilespmem:s2], [sflag:$0x11], $0x280, $0x38;
	[tilespmem:$0xD80] =	vst v63  }
0x23: {  	_ =	swait.ge [sflag:s10], $0x280  }
0x24: {  	[sflag:s10] =	ssyncset.done $0x0  }
0x25: {  	[sflag:s10] =	ssyncadd.s32 $0xFFFFFD80  }
0x26: {  	s4 =	rddreg [dreg:$0x2]  }
0x27: {  	[tilespmem:s11], [sflag:$0x11] =	stream.linear.gather [hbm4b:s4+s5], $0x80, $0x38;
	[tilespmem:$0xD80] =	vst v63  }
0x28: {  	_ =	swait.ge [sflag:s10], $0x80  }
0x29: {  	[sflag:s10] =	ssyncset.done $0x0  }
0x2a: {  	[sflag:s10] =	ssyncadd.s32 $0xFFFFFF80  }
0x2b: {  	[bflag:$0x0] =	sbarrier.arrive $0xFFFF  }
0x2c: {  	s9 =	smov.u32 s6;
	s6 =	rddreg [dreg:$0x6]  }
0x2d: {  	s7 =	rddreg [dreg:$0x7];
	s1 =	sadd.s32 $0x0, s6  }
0x2e: {  	[tilespmem:s7], [sflag:$0x1] =	stream.linear.gather [hbm4b:s1+s5], $0x100, $0x38;
	[tilespmem:$0xD80] =	vst v63  }
0x2f: {  	s4 =	rddreg [dreg:$0x8];
	s8 =	sadd.s32 $0x20, s1  }
0x30: {  	[tilespmem:s4], [sflag:$0x2] =	stream.linear.gather [hbm4b:s8+s5], $0x100, $0x38;
	[tilespmem:$0xD80] =	vst v63  }
0x31: {  	s7 =	rddreg [dreg:$0x9];
	s4 =	sadd.s32 $0x40, s1  }
0x32: {  	[tilespmem:s7], [sflag:$0x3] =	stream.linear.gather [hbm4b:s4+s5], $0x100, $0x38;
	[tilespmem:$0xD80] =	vst v63  }
0x33: {  	s6 =	rddreg [dreg:$0xa];
	s7 =	sadd.s32 $0x60, s1  }
0x34: {  	[tilespmem:s6], [sflag:$0x4] =	stream.linear.gather [hbm4b:s7+s5], $0x100, $0x38;
	[tilespmem:$0xD80] =	vst v63  }
0x35: {  	s8 =	rddreg [dreg:$0xb];
	s4 =	sadd.s32 $0x80, s1  }
0x36: {  	[tilespmem:s8], [sflag:$0x5] =	stream.linear.gather [hbm4b:s4+s5], $0x100, $0x38;
	[tilespmem:$0xD80] =	vst v63  }
0x37: {  	s6 =	rddreg [dreg:$0xc];
	s7 =	sadd.s32 $0xA0, s1  }
0x38: {  	[tilespmem:s6], [sflag:$0x6] =	stream.linear.gather [hbm4b:s7+s5], $0x100, $0x38;
	[tilespmem:$0xD80] =	vst v63  }
0x39: {  	s8 =	rddreg [dreg:$0xd];
	s4 =	sadd.s32 $0xC0, s1  }
0x3a: {  	[tilespmem:s8], [sflag:$0x7] =	stream.linear.gather [hbm4b:s4+s5], $0x100, $0x38;
	[tilespmem:$0xD80] =	vst v63  }
0x3b: {  	s1 =	sadd.s32 $0xE0, s1;
	s6 =	rddreg [dreg:$0xe]  }
0x3c: {  	[tilespmem:s6], [sflag:$0x8] =	stream.linear.gather [hbm4b:s1+s5], $0x100, $0x38;
	[tilespmem:$0xD80] =	vst v63  }
0x3d: {  	_ =	swait.ge [sflag:s12], $0x100  }
0x3e: {  	[sflag:s12] =	ssyncset.done $0x0  }
0x3f: {  	s8 =	rddreg [dreg:$0xf];
	[sflag:s12] =	ssyncadd.s32 $0xFFFFFF00  }
0x40: {  	[spmem:s3] =	stream.indirect.scatter.add.f32 [tilespmem:s11], [sflag:$0x9], $0x1, s8, s13, $0xb8;
	[tilespmem:$0xD80] =	vst v63  }
0x41: {  	_ =	swait.ge [sflag:s14], $0x100  }
0x42: {  	[sflag:s14] =	ssyncset.done $0x0  }
0x43: {  	s2 =	rddreg [dreg:$0x10];
	[sflag:s14] =	ssyncadd.s32 $0xFFFFFF00  }
0x44: {  	[spmem:s3] =	stream.indirect.scatter.add.f32 [tilespmem:s11], [sflag:$0xA], $0x1, s2, s13, $0xb8;
	[tilespmem:$0xD80] =	vst v63  }
0x45: {  	_ =	swait.ge [sflag:s15], $0x100  }
0x46: {  	[sflag:s15] =	ssyncset.done $0x0  }
0x47: {  	s4 =	rddreg [dreg:$0x11];
	[sflag:s15] =	ssyncadd.s32 $0xFFFFFF00  }
0x48: {  	[spmem:s3] =	stream.indirect.scatter.add.f32 [tilespmem:s11], [sflag:$0xB], $0x1, s4, s13, $0xb8;
	[tilespmem:$0xD80] =	vst v63  }
0x49: {  	_ =	swait.ge [sflag:s16], $0x100  }
0x4a: {  	[sflag:s16] =	ssyncset.done $0x0  }
0x4b: {  	s6 =	rddreg [dreg:$0x12];
	[sflag:s16] =	ssyncadd.s32 $0xFFFFFF00  }
0x4c: {  	[spmem:s3] =	stream.indirect.scatter.add.f32 [tilespmem:s11], [sflag:$0xC], $0x1, s6, s13, $0xb8;
	[tilespmem:$0xD80] =	vst v63  }
0x4d: {  	_ =	swait.ge [sflag:s17], $0x100  }
0x4e: {  	[sflag:s17] =	ssyncset.done $0x0  }
0x4f: {  	s7 =	rddreg [dreg:$0x13];
	[sflag:s17] =	ssyncadd.s32 $0xFFFFFF00  }
0x50: {  	[spmem:s3] =	stream.indirect.scatter.add.f32 [tilespmem:s11], [sflag:$0xD], $0x1, s7, s13, $0xb8;
	[tilespmem:$0xD80] =	vst v63  }
0x51: {  	_ =	swait.ge [sflag:s18], $0x100  }
0x52: {  	[sflag:s18] =	ssyncset.done $0x0  }
0x53: {  	s8 =	rddreg [dreg:$0x14];
	[sflag:s18] =	ssyncadd.s32 $0xFFFFFF00  }
0x54: {  	[spmem:s3] =	stream.indirect.scatter.add.f32 [tilespmem:s11], [sflag:$0xE], $0x1, s8, s13, $0xb8;
	[tilespmem:$0xD80] =	vst v63  }
0x55: {  	_ =	swait.ge [sflag:s19], $0x100  }
0x56: {  	[sflag:s19] =	ssyncset.done $0x0  }
0x57: {  	[sflag:s19] =	ssyncadd.s32 $0xFFFFFF00  }
0x58: {  	[spmem:s3] =	stream.indirect.scatter.add.f32 [tilespmem:s11], [sflag:$0xF], $0x1, s20, s13, $0xb8;
	[tilespmem:$0xD80] =	vst v63  }
0x59: {  	_ =	swait.ge [sflag:s21], $0x100  }
0x5a: {  	[sflag:s21] =	ssyncset.done $0x0  }
0x5b: {  	[sflag:s21] =	ssyncadd.s32 $0xFFFFFF00  }
0x5c: {  	[spmem:s3] =	stream.indirect.scatter.add.f32 [tilespmem:s11], [sflag:$0x10], $0x1, s22, s13, $0xb8;
	[tilespmem:$0xD80] =	vst v63  }
0x5d: {  	_ =	swait.ge [sflag:s23], $0x80  }
0x5e: {  	[sflag:s23] =	ssyncset.done $0x0  }
0x5f: {  	[sflag:s23] =	ssyncadd.s32 $0xFFFFFF80  }
0x60: {  	_ =	swait.ge [sflag:s24], $0x80  }
0x61: {  	[sflag:s24] =	ssyncset.done $0x0  }
0x62: {  	[sflag:s24] =	ssyncadd.s32 $0xFFFFFF80  }
0x63: {  	_ =	swait.ge [sflag:s25], $0x80  }
0x64: {  	[sflag:s25] =	ssyncset.done $0x0  }
0x65: {  	[sflag:s25] =	ssyncadd.s32 $0xFFFFFF80  }
0x66: {  	_ =	swait.ge [sflag:s26], $0x80  }
0x67: {  	[sflag:s26] =	ssyncset.done $0x0  }
0x68: {  	[sflag:s26] =	ssyncadd.s32 $0xFFFFFF80  }
0x69: {  	_ =	swait.ge [sflag:s28], $0x80  }
0x6a: {  	[sflag:s28] =	ssyncset.done $0x0  }
0x6b: {  	[sflag:s28] =	ssyncadd.s32 $0xFFFFFF80  }
0x6c: {  	_ =	swait.ge [sflag:s29], $0x80  }
0x6d: {  	[sflag:s29] =	ssyncset.done $0x0  }
0x6e: {  	[sflag:s29] =	ssyncadd.s32 $0xFFFFFF80  }
0x6f: {  	_ =	swait.ge [sflag:s30], $0x80  }
0x70: {  	[sflag:s30] =	ssyncset.done $0x0  }
0x71: {  	[sflag:s30] =	ssyncadd.s32 $0xFFFFFF80  }
0x72: {  	s1 =	simm.s32 $0x200;
	_ =	swait.ge [sflag:s31], $0x80  }
0x73: {  	s4 =	simm.s32 $0x100;
	s2 =	rddreg [dreg:$0x6];
	[sflag:s31] =	ssyncset.done $0x0  }
.LBB2_2:
0x74: {  	s7 =	rddreg [dreg:$0x7];
	[sflag:s31] =	ssyncadd.s32 $0xFFFFFF80;
	s2 =	sadd.s32 s4, s2  }
0x75: {  	[tilespmem:s7], [sflag:$0x1] =	stream.linear.gather [hbm4b:s2+s5], $0x100, $0x38;
	[tilespmem:$0xD80] =	vst v63  }
0x76: {  	s8 =	smov.u32 s1;
	s6 =	rddreg [dreg:$0x8];
	s7 =	sadd.s32 $0x20, s2  }
0x77: {  	[tilespmem:s6], [sflag:$0x2] =	stream.linear.gather [hbm4b:s7+s5], $0x100, $0x38;
	[tilespmem:$0xD80] =	vst v63  }
0x78: {  	s4 =	smov.u32 s8;
	s8 =	rddreg [dreg:$0x9];
	s6 =	sadd.s32 $0x40, s2  }
0x79: {  	[tilespmem:s8], [sflag:$0x3] =	stream.linear.gather [hbm4b:s6+s5], $0x100, $0x38;
	[tilespmem:$0xD80] =	vst v63  }
0x7a: {  	s7 =	rddreg [dreg:$0xa];
	s6 =	sadd.s32 $0x60, s2  }
0x7b: {  	[tilespmem:s7], [sflag:$0x4] =	stream.linear.gather [hbm4b:s6+s5], $0x100, $0x38;
	[tilespmem:$0xD80] =	vst v63  }
0x7c: {  	s8 =	rddreg [dreg:$0xb];
	s6 =	sadd.s32 $0x80, s2  }
0x7d: {  	[tilespmem:s8], [sflag:$0x5] =	stream.linear.gather [hbm4b:s6+s5], $0x100, $0x38;
	[tilespmem:$0xD80] =	vst v63  }
0x7e: {  	s7 =	rddreg [dreg:$0xc];
	s6 =	sadd.s32 $0xA0, s2  }
0x7f: {  	[tilespmem:s7], [sflag:$0x6] =	stream.linear.gather [hbm4b:s6+s5], $0x100, $0x38;
	[tilespmem:$0xD80] =	vst v63  }
0x80: {  	s8 =	rddreg [dreg:$0xd];
	s6 =	sadd.s32 $0xC0, s2  }
0x81: {  	[tilespmem:s8], [sflag:$0x7] =	stream.linear.gather [hbm4b:s6+s5], $0x100, $0x38;
	[tilespmem:$0xD80] =	vst v63  }
0x82: {  	s7 =	rddreg [dreg:$0xe];
	s2 =	sadd.s32 $0xE0, s2  }
0x83: {  	[tilespmem:s7], [sflag:$0x8] =	stream.linear.gather [hbm4b:s2+s5], $0x100, $0x38;
	[tilespmem:$0xD80] =	vst v63  }
0x84: {  	_ =	swait.ge [sflag:s12], $0x100  }
0x85: {  	[sflag:s12] =	ssyncset.done $0x0  }
0x86: {  	s6 =	rddreg [dreg:$0xf];
	[sflag:s12] =	ssyncadd.s32 $0xFFFFFF00  }
0x87: {  	[spmem:s3] =	stream.indirect.scatter.add.f32 [tilespmem:s11], [sflag:$0x9], $0x1, s6, s13, $0xb8;
	[tilespmem:$0xD80] =	vst v63  }
0x88: {  	_ =	swait.ge [sflag:s14], $0x100  }
0x89: {  	[sflag:s14] =	ssyncset.done $0x0  }
0x8a: {  	s7 =	rddreg [dreg:$0x10];
	[sflag:s14] =	ssyncadd.s32 $0xFFFFFF00  }
0x8b: {  	[spmem:s3] =	stream.indirect.scatter.add.f32 [tilespmem:s11], [sflag:$0xA], $0x1, s7, s13, $0xb8;
	[tilespmem:$0xD80] =	vst v63  }
0x8c: {  	_ =	swait.ge [sflag:s15], $0x100  }
0x8d: {  	[sflag:s15] =	ssyncset.done $0x0  }
0x8e: {  	s8 =	rddreg [dreg:$0x11];
	[sflag:s15] =	ssyncadd.s32 $0xFFFFFF00  }
0x8f: {  	[spmem:s3] =	stream.indirect.scatter.add.f32 [tilespmem:s11], [sflag:$0xB], $0x1, s8, s13, $0xb8;
	[tilespmem:$0xD80] =	vst v63  }
0x90: {  	_ =	swait.ge [sflag:s16], $0x100  }
0x91: {  	[sflag:s16] =	ssyncset.done $0x0  }
0x92: {  	s6 =	rddreg [dreg:$0x12];
	[sflag:s16] =	ssyncadd.s32 $0xFFFFFF00  }
0x93: {  	[spmem:s3] =	stream.indirect.scatter.add.f32 [tilespmem:s11], [sflag:$0xC], $0x1, s6, s13, $0xb8;
	[tilespmem:$0xD80] =	vst v63  }
0x94: {  	_ =	swait.ge [sflag:s17], $0x100  }
0x95: {  	[sflag:s17] =	ssyncset.done $0x0  }
0x96: {  	s7 =	rddreg [dreg:$0x13];
	[sflag:s17] =	ssyncadd.s32 $0xFFFFFF00  }
0x97: {  	[spmem:s3] =	stream.indirect.scatter.add.f32 [tilespmem:s11], [sflag:$0xD], $0x1, s7, s13, $0xb8;
	[tilespmem:$0xD80] =	vst v63  }
0x98: {  	_ =	swait.ge [sflag:s18], $0x100  }
0x99: {  	[sflag:s18] =	ssyncset.done $0x0  }
0x9a: {  	s8 =	rddreg [dreg:$0x14];
	[sflag:s18] =	ssyncadd.s32 $0xFFFFFF00  }
0x9b: {  	[spmem:s3] =	stream.indirect.scatter.add.f32 [tilespmem:s11], [sflag:$0xE], $0x1, s8, s13, $0xb8;
	[tilespmem:$0xD80] =	vst v63  }
0x9c: {  	_ =	swait.ge [sflag:s19], $0x100  }
0x9d: {  	[sflag:s19] =	ssyncset.done $0x0  }
0x9e: {  	[sflag:s19] =	ssyncadd.s32 $0xFFFFFF00  }
0x9f: {  	[spmem:s3] =	stream.indirect.scatter.add.f32 [tilespmem:s11], [sflag:$0xF], $0x1, s20, s13, $0xb8;
	[tilespmem:$0xD80] =	vst v63  }
0xa0: {  	_ =	swait.ge [sflag:s21], $0x100  }
0xa1: {  	[sflag:s21] =	ssyncset.done $0x0  }
0xa2: {  	[sflag:s21] =	ssyncadd.s32 $0xFFFFFF00  }
0xa3: {  	[spmem:s3] =	stream.indirect.scatter.add.f32 [tilespmem:s11], [sflag:$0x10], $0x1, s22, s13, $0xb8;
	[tilespmem:$0xD80] =	vst v63  }
0xa4: {  	_ =	swait.ge [sflag:s23], $0x80  }
0xa5: {  	[sflag:s23] =	ssyncset.done $0x0  }
0xa6: {  	[sflag:s23] =	ssyncadd.s32 $0xFFFFFF80  }
0xa7: {  	_ =	swait.ge [sflag:s24], $0x80  }
0xa8: {  	[sflag:s24] =	ssyncset.done $0x0  }
0xa9: {  	[sflag:s24] =	ssyncadd.s32 $0xFFFFFF80  }
0xaa: {  	_ =	swait.ge [sflag:s25], $0x80  }
0xab: {  	[sflag:s25] =	ssyncset.done $0x0  }
0xac: {  	[sflag:s25] =	ssyncadd.s32 $0xFFFFFF80  }
0xad: {  	_ =	swait.ge [sflag:s26], $0x80  }
0xae: {  	[sflag:s26] =	ssyncset.done $0x0  }
0xaf: {  	[sflag:s26] =	ssyncadd.s32 $0xFFFFFF80  }
0xb0: {  	_ =	swait.ge [sflag:s28], $0x80  }
0xb1: {  	[sflag:s28] =	ssyncset.done $0x0  }
0xb2: {  	[sflag:s28] =	ssyncadd.s32 $0xFFFFFF80  }
0xb3: {  	_ =	swait.ge [sflag:s29], $0x80  }
0xb4: {  	[sflag:s29] =	ssyncset.done $0x0  }
0xb5: {  	p0 =	sne.s32 s1, $0x900;
	[sflag:s29] =	ssyncadd.s32 $0xFFFFFF80  }
.Ltmp0:
0xb6: {  	_ =	swait.ge [sflag:s30], $0x80;
	(pc) =	sbr.rel @p0 .LBB2_2-.Ltmp0, $4  }
0xb7: {  	[sflag:s30] =	ssyncset.done $0x0  }
0xb8: {  	[sflag:s30] =	ssyncadd.s32 $0xFFFFFF80  }
0xb9: {  	_ =	swait.ge [sflag:s31], $0x80  }
0xba: {  	s1 =	sadd.s32 $0x100, s1;
	s2 =	rddreg [dreg:$0x6];
	[sflag:s31] =	ssyncset.done $0x0  }
0xbb: {  	s1 =	rddreg [dreg:$0x7];
	[sflag:s31] =	ssyncadd.s32 $0xFFFFFF80;
	s2 =	sadd.s32 s4, s2  }
0xbc: {  	[tilespmem:s1], [sflag:$0x1] =	stream.linear.gather [hbm4b:s2+s5], $0x100, $0x38;
	[tilespmem:$0xD80] =	vst v63  }
0xbd: {  	s8 =	rddreg [dreg:$0x8];
	s7 =	sadd.s32 $0x20, s2  }
0xbe: {  	[tilespmem:s8], [sflag:$0x2] =	stream.linear.gather [hbm4b:s7+s5], $0x100, $0x38;
	[tilespmem:$0xD80] =	vst v63  }
0xbf: {  	s6 =	rddreg [dreg:$0x9];
	s8 =	sadd.s32 $0x40, s2  }
0xc0: {  	[tilespmem:s6], [sflag:$0x3] =	stream.linear.gather [hbm4b:s8+s5], $0x100, $0x38;
	[tilespmem:$0xD80] =	vst v63  }
0xc1: {  	s4 =	rddreg [dreg:$0xa];
	s7 =	sadd.s32 $0x60, s2  }
0xc2: {  	[tilespmem:s4], [sflag:$0x4] =	stream.linear.gather [hbm4b:s7+s5], $0x100, $0x38;
	[tilespmem:$0xD80] =	vst v63  }
0xc3: {  	s8 =	rddreg [dreg:$0xb];
	s4 =	sadd.s32 $0x80, s2  }
0xc4: {  	[tilespmem:s8], [sflag:$0x5] =	stream.linear.gather [hbm4b:s4+s5], $0x100, $0x38;
	[tilespmem:$0xD80] =	vst v63  }
0xc5: {  	s7 =	rddreg [dreg:$0xc];
	s8 =	sadd.s32 $0xA0, s2  }
0xc6: {  	[tilespmem:s7], [sflag:$0x6] =	stream.linear.gather [hbm4b:s8+s5], $0x100, $0x38;
	[tilespmem:$0xD80] =	vst v63  }
0xc7: {  	s6 =	rddreg [dreg:$0xd];
	s7 =	sadd.s32 $0xC0, s2  }
0xc8: {  	[tilespmem:s6], [sflag:$0x7] =	stream.linear.gather [hbm4b:s7+s5], $0x100, $0x38;
	[tilespmem:$0xD80] =	vst v63  }
0xc9: {  	s8 =	rddreg [dreg:$0xe];
	s6 =	sadd.s32 $0xE0, s2  }
0xca: {  	[tilespmem:s8], [sflag:$0x8] =	stream.linear.gather [hbm4b:s6+s5], $0x100, $0x38;
	[tilespmem:$0xD80] =	vst v63  }
0xcb: {  	_ =	swait.ge [sflag:s12], $0x100  }
0xcc: {  	[sflag:s12] =	ssyncset.done $0x0  }
0xcd: {  	s7 =	rddreg [dreg:$0xf];
	[sflag:s12] =	ssyncadd.s32 $0xFFFFFF00  }
0xce: {  	[spmem:s3] =	stream.indirect.scatter.add.f32 [tilespmem:s11], [sflag:$0x9], $0x1, s7, s13, $0xb8;
	[tilespmem:$0xD80] =	vst v63  }
0xcf: {  	_ =	swait.ge [sflag:s14], $0x100  }
0xd0: {  	[sflag:s14] =	ssyncset.done $0x0  }
0xd1: {  	s8 =	rddreg [dreg:$0x10];
	[sflag:s14] =	ssyncadd.s32 $0xFFFFFF00  }
0xd2: {  	[spmem:s3] =	stream.indirect.scatter.add.f32 [tilespmem:s11], [sflag:$0xA], $0x1, s8, s13, $0xb8;
	[tilespmem:$0xD80] =	vst v63  }
0xd3: {  	_ =	swait.ge [sflag:s15], $0x100  }
0xd4: {  	[sflag:s15] =	ssyncset.done $0x0  }
0xd5: {  	s2 =	rddreg [dreg:$0x11];
	[sflag:s15] =	ssyncadd.s32 $0xFFFFFF00  }
0xd6: {  	[spmem:s3] =	stream.indirect.scatter.add.f32 [tilespmem:s11], [sflag:$0xB], $0x1, s2, s13, $0xb8;
	[tilespmem:$0xD80] =	vst v63  }
0xd7: {  	_ =	swait.ge [sflag:s16], $0x100  }
0xd8: {  	[sflag:s16] =	ssyncset.done $0x0  }
0xd9: {  	s4 =	rddreg [dreg:$0x12];
	[sflag:s16] =	ssyncadd.s32 $0xFFFFFF00  }
0xda: {  	[spmem:s3] =	stream.indirect.scatter.add.f32 [tilespmem:s11], [sflag:$0xC], $0x1, s4, s13, $0xb8;
	[tilespmem:$0xD80] =	vst v63  }
0xdb: {  	_ =	swait.ge [sflag:s17], $0x100  }
0xdc: {  	[sflag:s17] =	ssyncset.done $0x0  }
0xdd: {  	s6 =	rddreg [dreg:$0x13];
	[sflag:s17] =	ssyncadd.s32 $0xFFFFFF00  }
0xde: {  	[spmem:s3] =	stream.indirect.scatter.add.f32 [tilespmem:s11], [sflag:$0xD], $0x1, s6, s13, $0xb8;
	[tilespmem:$0xD80] =	vst v63  }
0xdf: {  	_ =	swait.ge [sflag:s18], $0x100  }
0xe0: {  	[sflag:s18] =	ssyncset.done $0x0  }
0xe1: {  	s7 =	rddreg [dreg:$0x14];
	[sflag:s18] =	ssyncadd.s32 $0xFFFFFF00  }
0xe2: {  	[spmem:s3] =	stream.indirect.scatter.add.f32 [tilespmem:s11], [sflag:$0xE], $0x1, s7, s13, $0xb8;
	[tilespmem:$0xD80] =	vst v63  }
0xe3: {  	_ =	swait.ge [sflag:s19], $0x100  }
0xe4: {  	[sflag:s19] =	ssyncset.done $0x0  }
0xe5: {  	[sflag:s19] =	ssyncadd.s32 $0xFFFFFF00  }
0xe6: {  	[spmem:s3] =	stream.indirect.scatter.add.f32 [tilespmem:s11], [sflag:$0xF], $0x1, s20, s13, $0xb8;
	[tilespmem:$0xD80] =	vst v63  }
0xe7: {  	_ =	swait.ge [sflag:s21], $0x100  }
0xe8: {  	[sflag:s21] =	ssyncset.done $0x0  }
0xe9: {  	[sflag:s21] =	ssyncadd.s32 $0xFFFFFF00  }
0xea: {  	[spmem:s3] =	stream.indirect.scatter.add.f32 [tilespmem:s11], [sflag:$0x10], $0x1, s22, s13, $0xb8;
	[tilespmem:$0xD80] =	vst v63  }
0xeb: {  	_ =	swait.ge [sflag:s23], $0x80  }
0xec: {  	[sflag:s23] =	ssyncset.done $0x0  }
0xed: {  	[sflag:s23] =	ssyncadd.s32 $0xFFFFFF80  }
0xee: {  	_ =	swait.ge [sflag:s24], $0x80  }
0xef: {  	[sflag:s24] =	ssyncset.done $0x0  }
0xf0: {  	[sflag:s24] =	ssyncadd.s32 $0xFFFFFF80  }
0xf1: {  	_ =	swait.ge [sflag:s25], $0x80  }
0xf2: {  	[sflag:s25] =	ssyncset.done $0x0  }
0xf3: {  	[sflag:s25] =	ssyncadd.s32 $0xFFFFFF80  }
0xf4: {  	_ =	swait.ge [sflag:s26], $0x80  }
0xf5: {  	[sflag:s26] =	ssyncset.done $0x0  }
0xf6: {  	[sflag:s26] =	ssyncadd.s32 $0xFFFFFF80  }
0xf7: {  	_ =	swait.ge [sflag:s28], $0x80  }
0xf8: {  	[sflag:s28] =	ssyncset.done $0x0  }
0xf9: {  	[sflag:s28] =	ssyncadd.s32 $0xFFFFFF80  }
0xfa: {  	_ =	swait.ge [sflag:s29], $0x80  }
0xfb: {  	[sflag:s29] =	ssyncset.done $0x0  }
0xfc: {  	[sflag:s29] =	ssyncadd.s32 $0xFFFFFF80  }
0xfd: {  	_ =	swait.ge [sflag:s30], $0x80  }
0xfe: {  	[sflag:s30] =	ssyncset.done $0x0  }
0xff: {  	[sflag:s30] =	ssyncadd.s32 $0xFFFFFF80  }
0x100: {  	_ =	swait.ge [sflag:s31], $0x80  }
0x101: {  	[sflag:s31] =	ssyncset.done $0x0  }
0x102: {  	[sflag:s31] =	ssyncadd.s32 $0xFFFFFF80  }
0x103: {  	s2 =	simm.s32 $0x280;
	[bflag:$0x0] =	sbarrier.arrive $0xFFFF  }
0x104: {  	[tilespmem:s2], [sflag:$0x11] =	stream.linear.gather [spmem:s9], $0x280, $0x38;
	[tilespmem:$0xD80] =	vst v63  }
0x105: {  	_ =	swait.ge [sflag:s10], $0x280  }
0x106: {  	[sflag:s10] =	ssyncset.done $0x0  }
0x107: {  	s8 =	rddreg [dreg:$0x15];
	[sflag:s10] =	ssyncadd.s32 $0xFFFFFD80  }
0x108: {  	[hbm4b:s8+s5] =	stream.linear.scatter [tilespmem:s2], [sflag:$0x11], $0x280, $0x38;
	[tilespmem:$0xD80] =	vst v63  }
0x109: {  	_ =	swait.ge [sflag:s10], $0x280  }
0x10a: {  	s0 =	sadd.s32 $0x1, s0;
	s6 =	smov.u32 s9;
	s9 =	rddreg [dreg:$0x16]  }
0x10b: {  	p0 =	sne.s32 s0, s9  }
.Ltmp1:
0x10c: {  	_ = 	snop;
	(pc) =	sbr.rel @p0 .LBB2_1-.Ltmp1, $3  }
0x10d: {  	_ =	sdelay $0x1  }
0x10e: {  	[sflag:s10] =	ssyncset.done $0x0  }
0x10f: {  	[sflag:s10] =	ssyncadd.s32 $0xFFFFFD80  }
0x110: {  	_ =	sfence.sel $0x180000  }
0x111: {  	[bflag:$0x0] =	sbarrier.arrive $0xFFFF  }
0x112: {  	_ =	strace $0x90000047  }
0x113: {  	s0 =	stileid.u32;
	[bflag:$0x2] =	sbarrier.arrive $0xFFFF  }
0x114: {  	p0 =	sne.s32 s0, $0x0;
	s0 =	rddreg [dreg:$0x5]  }
0x115: {  	s0 =	sadd.s32 @!p0 $0x100000, s0  }
0x116: {  	[sflag:s0] =	ssyncadd.tile.s32 @!p0 $0x1;
	_ =	shalt  }
.Lfunc_end2:
_tile_overlayer_lowered:
.L_overlay_start_2:
0x117: {  	(tag) =	ssettag $0x2  }
0x118: {  	s0 =	rddreg [dreg:$0x0];
	s2 =	stileid.u32  }
0x119: {  	s1 =	rddreg [dreg:$0x1];
	p0 =	sne.s32 s2, $0x0  }
0x11a: {  	s3 =	rddreg [dreg:$0x2];
	[bflag:$0x3] =	sbarrier.arrive $0xFFFF;
	s2 =	simm.s32 @!p0 $0x1C11  }
0x11b: {  	[timem:s3], [sflag:s2] =	dma.local @!p0 [hbm:s0], s1  }
0x11c: {  	s0 =	simm.s32 @!p0 $0x11  }
0x11d: {  	_ =	swait.ge @!p0 [sflag:s0], s1  }
0x11e: {  	s1 =	ssub.s32 @!p0 $0x0, s1;
	[sflag:s0] =	ssyncset.done @!p0 $0x0  }
0x11f: {  	[sflag:s0] =	ssyncadd.s32 @!p0 s1  }
0x120: {  	[bflag:$0x3] =	sbarrier.arrive $0xFFFF  }
0x121: {  	_ =	shalt  }

</sc_bundles>
